<compile_context>
chip_gen: v7x
topology: tpu7x:2x2x1
jax: 0.10.2.dev20260603
libtpu: 0.0.44.dev20260713+nightly
codegen_flags: <defaults>
</compile_context>

<pallas_src>
import functools

import jax
import jax.numpy as jnp
from jax import lax
from jax.experimental import pallas as pl
from jax.experimental.pallas import tpu as pltpu
from jax.experimental.pallas import tpu_sc as plsc

B = 1024
H = 200
D = 64
V = 100000

NC, NS = 2, 16
NW = NC * NS
RPW = B // NW
HCH = 100
NCH = H // HCH
NCHUNK = RPW * NCH


RING = 8
RPG = RING // NCH


def _pool_body(notes_hbm, table_hbm, out_hbm, idx_v, buf_v, acc_v, sems):
    wid = lax.axis_index("s") * NC + lax.axis_index("c")
    pltpu.sync_copy(notes_hbm.at[wid], idx_v)

    for s in range(RING):
        pltpu.async_copy(table_hbm.at[idx_v.at[s]], buf_v.at[s], sems.at[s])

    UNR = 10

    def reduce_chunk(bslot, accs):
        def jbody(j0, accs):
            a0, a1, a2, a3 = accs
            for u in range(UNR):
                j = j0 * UNR + u
                a0 = a0 + buf_v[bslot, j, pl.ds(0, 16)]
                a1 = a1 + buf_v[bslot, j, pl.ds(16, 16)]
                a2 = a2 + buf_v[bslot, j, pl.ds(32, 16)]
                a3 = a3 + buf_v[bslot, j, pl.ds(48, 16)]
            return (a0, a1, a2, a3)
        return lax.fori_loop(0, HCH // UNR, jbody, accs)

    def group_body(g, _):
        for r in range(RPG):
            z = jnp.zeros((16,), jnp.float32)
            accs = (z, z, z, z)
            for h in range(NCH):
                slot = r * NCH + h
                c = g * RING + slot
                pltpu.make_async_copy(
                    table_hbm.at[idx_v.at[c]], buf_v.at[slot],
                    sems.at[slot]).wait()
                accs = reduce_chunk(slot, accs)
                nxt = jnp.minimum(c + RING, NCHUNK - 1)
                pltpu.async_copy(
                    table_hbm.at[idx_v.at[nxt]], buf_v.at[slot], sems.at[slot])
            row = g * RPG + r
            for d in range(D // 16):
                acc_v[row, pl.ds(d * 16, 16)] = accs[d] * (1.0 / H)
        return 0

    lax.fori_loop(0, NCHUNK // RING, group_body, 0)
    for s in range(RING):
        pltpu.make_async_copy(
            table_hbm.at[idx_v.at[NCHUNK - 1]], buf_v.at[s], sems.at[s]).wait()
    pltpu.sync_copy(acc_v, out_hbm.at[pl.ds(wid * RPW, RPW), :])


@functools.cache
def _pool_call():
    return pl.kernel(
        _pool_body,
        out_type=jax.ShapeDtypeStruct((B, D), jnp.float32),
        mesh=plsc.VectorSubcoreMesh(core_axis_name="c", subcore_axis_name="s"),
        scratch_types=[
            pltpu.VMEM((NCHUNK, HCH), jnp.int32),
            pltpu.VMEM((RING, HCH, D), jnp.float32),
            pltpu.VMEM((RPW, D), jnp.float32),
            pltpu.SemaphoreType.DMA((RING,)),
        ],
        compiler_params=pltpu.CompilerParams(use_tc_tiling_on_sc=False),
    )


BT = 32
GB = B // BT


def _softmax_body(pooled_ref, w_ref, b_ref, out_ref, buf0, buf1, sems):
    i = pl.program_id(0)

    def run(buf, slot):
        @pl.when(i >= 2)
        def _():
            pltpu.make_async_copy(
                buf, out_ref.at[pl.ds((i - 2) * BT, BT), :],
                sems.at[slot]).wait()
        logits = lax.dot_general(
            pooled_ref[:], w_ref[:], (((1,), (0,)), ((), ())),
            preferred_element_type=jnp.float32)
        e = jnp.exp(logits + b_ref[:])
        s = jnp.sum(e, axis=1, keepdims=True)
        buf[:] = e * (1.0 / s)
        pltpu.async_copy(
            buf, out_ref.at[pl.ds(i * BT, BT), :], sems.at[slot])

    @pl.when(i % 2 == 0)
    def _():
        run(buf0, 0)

    @pl.when(i % 2 == 1)
    def _():
        run(buf1, 1)

    @pl.when(i == GB - 1)
    def _():
        pltpu.make_async_copy(
            buf0, out_ref.at[pl.ds((GB - 2) * BT, BT), :], sems.at[0]).wait()
        pltpu.make_async_copy(
            buf1, out_ref.at[pl.ds((GB - 1) * BT, BT), :], sems.at[1]).wait()


_softmax_call = pl.pallas_call(
    _softmax_body,
    grid=(GB,),
    in_specs=[
        pl.BlockSpec((BT, D), lambda i: (i, 0)),
        pl.BlockSpec((D, V), lambda i: (0, 0)),
        pl.BlockSpec((1, V), lambda i: (0, 0)),
    ],
    out_specs=pl.BlockSpec(memory_space=pltpu.HBM),
    out_shape=jax.ShapeDtypeStruct((B, V), jnp.float32),
    scratch_shapes=[
        pltpu.VMEM((BT, V), jnp.float32),
        pltpu.VMEM((BT, V), jnp.float32),
        pltpu.SemaphoreType.DMA((2,)),
    ],
    compiler_params=pltpu.CompilerParams(vmem_limit_bytes=100 * 1024 * 1024),
)


def kernel(notes, style, embed_table, W, b):
    del style
    notes_r = notes.astype(jnp.int32).reshape(NW, NCHUNK, HCH)
    pooled = _pool_call()(notes_r, embed_table)
    pooled_bf = pooled.astype(jnp.bfloat16)
    w_bf = W.T.astype(jnp.bfloat16)
    b2 = b.reshape(1, V)
    return _softmax_call(pooled_bf, w_bf, b2)

# --- scband reference (transcript-rebuilt; emitter-appended) ---
"""Pipeline reference for scband-music-composer-29841432773467 (READ-ONLY COPY).

The authoritative reference and input builder live on the scoring server;
editing this copy changes nothing except your own understanding.
"""

import jax, jax.numpy as jnp
import numpy as np

NUM_NOTES = 100000
EMBED_DIM = 64
BATCH = 1024
HIST = 200

def setup_inputs(seed: int = 0) -> dict:
    key = jax.random.key(seed)
    k1, k2, k3, k4, k5 = jax.random.split(key, 5)
    notes = jax.random.randint(k1, (BATCH, HIST), 0, NUM_NOTES, dtype=jnp.int64)
    style = jax.random.normal(k2, (BATCH, 16), dtype=jnp.float32)
    embed_table = jax.random.normal(k3, (NUM_NOTES, EMBED_DIM), dtype=jnp.float32) * 0.02
    W = jax.random.normal(k4, (NUM_NOTES, EMBED_DIM), dtype=jnp.float32) * 0.02
    b = jax.random.normal(k5, (NUM_NOTES,), dtype=jnp.float32) * 0.01
    return {"notes": notes, "style": style, "embed_table": embed_table, "W": W, "b": b}

def reference(notes, style, embed_table, W, b):
    # embedding lookup (gather) -> mean over sequence dim
    embedded = jnp.take(embed_table, notes, axis=0)  # [B, L, D]
    embedded = embedded.mean(axis=1)  # [B, D]
    # output projection: Linear(embed_dim, num_notes)
    logits = embedded @ W.T + b  # [B, num_notes]
    next_note_probs = jax.nn.softmax(logits, axis=-1)
    return next_note_probs

if __name__ == "__main__":
    import jax
    _d = setup_inputs()
    print(jax.jit(kernel)(*tuple(_d.values())))

</pallas_src>

<mosaic_0001>
#map = affine_map<(d0, d1) -> (0, 0, 0)>
#map1 = affine_map<(d0, d1) -> (0, 0)>
module attributes {stable_mosaic.version = 14 : i64} {
  func.func @_pool_body(%arg0: i32, %arg1: i32, %arg2: memref<32x64x100xi32, #tpu.memory_space<hbm>>, %arg3: memref<100000x64xf32, #tpu.memory_space<hbm>>, %arg4: memref<1024x64xf32, #tpu.memory_space<hbm>>, %arg5: memref<64x100xi32, #tpu.memory_space<vmem>>, %arg6: memref<8x100x64xf32, #tpu.memory_space<vmem>>, %arg7: memref<32x64xf32, #tpu.memory_space<vmem>>, %arg8: memref<8x!tpu.dma_semaphore, #tpu.memory_space<semaphore_mem>>) attributes {dimension_semantics = [#tpu.dimension_semantics<core_parallel>, #tpu.dimension_semantics<subcore_parallel>], iteration_bounds = array<i64: 2, 16>, scalar_prefetch = 0 : i64, scratch_operands = 4 : i64, tpu.core_type = #tpu.core_type<sc_vector_subcore>, window_params = [{transform_indices = #map}, {transform_indices = #map1}, {transform_indices = #map1}]} {
    %mul3A = arith.constant 2 : i32
    %mul3A_0 = arith.muli %arg1, %mul3A : i32
    %add3A = arith.addi %mul3A_0, %arg0 : i32
    "tpu.region"() ({
      %run_scoped3A = tpu.sem_alloc : memref<!tpu.dma_semaphore, #tpu.memory_space<semaphore_mem>>
      %dma_start3A_247 = arith.constant 0 : i32
      %dma_start3A_248 = arith.constant 0 : i32
      %dma_start3A_249 = tpu.memref_slice %arg2[%add3A, %dma_start3A_247, %dma_start3A_248] : memref<32x64x100xi32, #tpu.memory_space<hbm>> -> memref<1x64x100xi32, #tpu.memory_space<hbm>>
      %dma_start3A_250 = tpu.memref_squeeze %dma_start3A_249 : memref<1x64x100xi32, #tpu.memory_space<hbm>> -> memref<64x100xi32, #tpu.memory_space<hbm>>
      %dma_start3A_251 = arith.constant 0 : i32
      %dma_start3A_252 = arith.constant 0 : i32
      %dma_start3A_253 = tpu.memref_slice %arg2[%add3A, %dma_start3A_251, %dma_start3A_252] : memref<32x64x100xi32, #tpu.memory_space<hbm>> -> memref<1x64x100xi32, #tpu.memory_space<hbm>>
      %dma_start3A_254 = tpu.memref_squeeze %dma_start3A_253 : memref<1x64x100xi32, #tpu.memory_space<hbm>> -> memref<64x100xi32, #tpu.memory_space<hbm>>
      tpu.enqueue_dma source(%dma_start3A_254 : memref<64x100xi32, #tpu.memory_space<hbm>>) target(%arg5 : memref<64x100xi32, #tpu.memory_space<vmem>>) target_semaphore(%run_scoped3A : memref<!tpu.dma_semaphore, #tpu.memory_space<semaphore_mem>>)
      %dma_wait3A_255 = arith.constant 0 : i32
      %dma_wait3A_256 = arith.constant 0 : i32
      %dma_wait3A_257 = tpu.memref_slice %arg2[%add3A, %dma_wait3A_255, %dma_wait3A_256] : memref<32x64x100xi32, #tpu.memory_space<hbm>> -> memref<1x64x100xi32, #tpu.memory_space<hbm>>
      %dma_wait3A_258 = tpu.memref_squeeze %dma_wait3A_257 : memref<1x64x100xi32, #tpu.memory_space<hbm>> -> memref<64x100xi32, #tpu.memory_space<hbm>>
      %dma_wait3A_259 = arith.constant 0 : i32
      %dma_wait3A_260 = arith.constant 0 : i32
      %dma_wait3A_261 = tpu.memref_slice %arg2[%add3A, %dma_wait3A_259, %dma_wait3A_260] : memref<32x64x100xi32, #tpu.memory_space<hbm>> -> memref<1x64x100xi32, #tpu.memory_space<hbm>>
      %dma_wait3A_262 = tpu.memref_squeeze %dma_wait3A_261 : memref<1x64x100xi32, #tpu.memory_space<hbm>> -> memref<64x100xi32, #tpu.memory_space<hbm>>
      tpu.wait_dma2 semaphore(%run_scoped3A : memref<!tpu.dma_semaphore, #tpu.memory_space<semaphore_mem>>) src(%dma_wait3A_262 : memref<64x100xi32, #tpu.memory_space<hbm>>) dst(%arg5 : memref<64x100xi32, #tpu.memory_space<vmem>>)
      tpu.yield
    }) : () -> ()
    %dma_start3A = arith.constant 0 : i32
    %dma_start3A_1 = arith.constant 0 : i32
    %dma_start3A_2 = arith.constant 0 : i32
    %dma_start3A_3 = arith.constant 0 : i32
    %dma_start3A_4 = arith.constant 0 : i32
    %dma_start3A_5 = tpu.memref_slice %arg6[%dma_start3A_1, %dma_start3A_3, %dma_start3A_4] : memref<8x100x64xf32, #tpu.memory_space<vmem>> -> memref<1x100x64xf32, #tpu.memory_space<vmem>>
    %dma_start3A_6 = tpu.memref_squeeze %dma_start3A_5 : memref<1x100x64xf32, #tpu.memory_space<vmem>> -> memref<100x64xf32, #tpu.memory_space<vmem>>
    %dma_start3A_7 = arith.constant 0 : i32
    %dma_start3A_8 = tpu.memref_slice %arg5[%dma_start3A, %dma_start3A_7] : memref<64x100xi32, #tpu.memory_space<vmem>> -> memref<1x100xi32, #tpu.memory_space<vmem>>
    %dma_start3A_9 = tpu.memref_squeeze %dma_start3A_8 : memref<1x100xi32, #tpu.memory_space<vmem>> -> memref<100xi32, #tpu.memory_space<vmem>>
    %dma_start3A_10 = arith.constant 0 : i32
    %dma_start3A_11 = arith.constant 0 : i32
    %dma_start3A_12 = tpu.memref_slice %arg3[%dma_start3A_10, %dma_start3A_11] : memref<100000x64xf32, #tpu.memory_space<hbm>> -> memref<100000x64xf32, #tpu.memory_space<hbm>>
    %dma_start3A_13 = tpu.memref_slice %arg8[%dma_start3A_2] : memref<8x!tpu.dma_semaphore, #tpu.memory_space<semaphore_mem>> -> memref<1x!tpu.dma_semaphore, #tpu.memory_space<semaphore_mem>>
    %dma_start3A_14 = tpu.memref_squeeze %dma_start3A_13 : memref<1x!tpu.dma_semaphore, #tpu.memory_space<semaphore_mem>> -> memref<!tpu.dma_semaphore, #tpu.memory_space<semaphore_mem>>
    tpu.enqueue_indirect_dma source(%dma_start3A_12 : memref<100000x64xf32, #tpu.memory_space<hbm>>) target(%dma_start3A_6 : memref<100x64xf32, #tpu.memory_space<vmem>>) offsets(%dma_start3A_9 : memref<100xi32, #tpu.memory_space<vmem>>) semaphore(%dma_start3A_14 : memref<!tpu.dma_semaphore, #tpu.memory_space<semaphore_mem>>)
    %dma_start3A_15 = arith.constant 1 : i32
    %dma_start3A_16 = arith.constant 1 : i32
    %dma_start3A_17 = arith.constant 1 : i32
    %dma_start3A_18 = arith.constant 0 : i32
    %dma_start3A_19 = arith.constant 0 : i32
    %dma_start3A_20 = tpu.memref_slice %arg6[%dma_start3A_16, %dma_start3A_18, %dma_start3A_19] : memref<8x100x64xf32, #tpu.memory_space<vmem>> -> memref<1x100x64xf32, #tpu.memory_space<vmem>>
    %dma_start3A_21 = tpu.memref_squeeze %dma_start3A_20 : memref<1x100x64xf32, #tpu.memory_space<vmem>> -> memref<100x64xf32, #tpu.memory_space<vmem>>
    %dma_start3A_22 = arith.constant 0 : i32
    %dma_start3A_23 = tpu.memref_slice %arg5[%dma_start3A_15, %dma_start3A_22] : memref<64x100xi32, #tpu.memory_space<vmem>> -> memref<1x100xi32, #tpu.memory_space<vmem>>
    %dma_start3A_24 = tpu.memref_squeeze %dma_start3A_23 : memref<1x100xi32, #tpu.memory_space<vmem>> -> memref<100xi32, #tpu.memory_space<vmem>>
    %dma_start3A_25 = arith.constant 0 : i32
    %dma_start3A_26 = arith.constant 0 : i32
    %dma_start3A_27 = tpu.memref_slice %arg3[%dma_start3A_25, %dma_start3A_26] : memref<100000x64xf32, #tpu.memory_space<hbm>> -> memref<100000x64xf32, #tpu.memory_space<hbm>>
    %dma_start3A_28 = tpu.memref_slice %arg8[%dma_start3A_17] : memref<8x!tpu.dma_semaphore, #tpu.memory_space<semaphore_mem>> -> memref<1x!tpu.dma_semaphore, #tpu.memory_space<semaphore_mem>>
    %dma_start3A_29 = tpu.memref_squeeze %dma_start3A_28 : memref<1x!tpu.dma_semaphore, #tpu.memory_space<semaphore_mem>> -> memref<!tpu.dma_semaphore, #tpu.memory_space<semaphore_mem>>
    tpu.enqueue_indirect_dma source(%dma_start3A_27 : memref<100000x64xf32, #tpu.memory_space<hbm>>) target(%dma_start3A_21 : memref<100x64xf32, #tpu.memory_space<vmem>>) offsets(%dma_start3A_24 : memref<100xi32, #tpu.memory_space<vmem>>) semaphore(%dma_start3A_29 : memref<!tpu.dma_semaphore, #tpu.memory_space<semaphore_mem>>)
    %dma_start3A_30 = arith.constant 2 : i32
    %dma_start3A_31 = arith.constant 2 : i32
    %dma_start3A_32 = arith.constant 2 : i32
    %dma_start3A_33 = arith.constant 0 : i32
    %dma_start3A_34 = arith.constant 0 : i32
    %dma_start3A_35 = tpu.memref_slice %arg6[%dma_start3A_31, %dma_start3A_33, %dma_start3A_34] : memref<8x100x64xf32, #tpu.memory_space<vmem>> -> memref<1x100x64xf32, #tpu.memory_space<vmem>>
    %dma_start3A_36 = tpu.memref_squeeze %dma_start3A_35 : memref<1x100x64xf32, #tpu.memory_space<vmem>> -> memref<100x64xf32, #tpu.memory_space<vmem>>
    %dma_start3A_37 = arith.constant 0 : i32
    %dma_start3A_38 = tpu.memref_slice %arg5[%dma_start3A_30, %dma_start3A_37] : memref<64x100xi32, #tpu.memory_space<vmem>> -> memref<1x100xi32, #tpu.memory_space<vmem>>
    %dma_start3A_39 = tpu.memref_squeeze %dma_start3A_38 : memref<1x100xi32, #tpu.memory_space<vmem>> -> memref<100xi32, #tpu.memory_space<vmem>>
    %dma_start3A_40 = arith.constant 0 : i32
    %dma_start3A_41 = arith.constant 0 : i32
    %dma_start3A_42 = tpu.memref_slice %arg3[%dma_start3A_40, %dma_start3A_41] : memref<100000x64xf32, #tpu.memory_space<hbm>> -> memref<100000x64xf32, #tpu.memory_space<hbm>>
    %dma_start3A_43 = tpu.memref_slice %arg8[%dma_start3A_32] : memref<8x!tpu.dma_semaphore, #tpu.memory_space<semaphore_mem>> -> memref<1x!tpu.dma_semaphore, #tpu.memory_space<semaphore_mem>>
    %dma_start3A_44 = tpu.memref_squeeze %dma_start3A_43 : memref<1x!tpu.dma_semaphore, #tpu.memory_space<semaphore_mem>> -> memref<!tpu.dma_semaphore, #tpu.memory_space<semaphore_mem>>
    tpu.enqueue_indirect_dma source(%dma_start3A_42 : memref<100000x64xf32, #tpu.memory_space<hbm>>) target(%dma_start3A_36 : memref<100x64xf32, #tpu.memory_space<vmem>>) offsets(%dma_start3A_39 : memref<100xi32, #tpu.memory_space<vmem>>) semaphore(%dma_start3A_44 : memref<!tpu.dma_semaphore, #tpu.memory_space<semaphore_mem>>)
    %dma_start3A_45 = arith.constant 3 : i32
    %dma_start3A_46 = arith.constant 3 : i32
    %dma_start3A_47 = arith.constant 3 : i32
    %dma_start3A_48 = arith.constant 0 : i32
    %dma_start3A_49 = arith.constant 0 : i32
    %dma_start3A_50 = tpu.memref_slice %arg6[%dma_start3A_46, %dma_start3A_48, %dma_start3A_49] : memref<8x100x64xf32, #tpu.memory_space<vmem>> -> memref<1x100x64xf32, #tpu.memory_space<vmem>>
    %dma_start3A_51 = tpu.memref_squeeze %dma_start3A_50 : memref<1x100x64xf32, #tpu.memory_space<vmem>> -> memref<100x64xf32, #tpu.memory_space<vmem>>
    %dma_start3A_52 = arith.constant 0 : i32
    %dma_start3A_53 = tpu.memref_slice %arg5[%dma_start3A_45, %dma_start3A_52] : memref<64x100xi32, #tpu.memory_space<vmem>> -> memref<1x100xi32, #tpu.memory_space<vmem>>
    %dma_start3A_54 = tpu.memref_squeeze %dma_start3A_53 : memref<1x100xi32, #tpu.memory_space<vmem>> -> memref<100xi32, #tpu.memory_space<vmem>>
    %dma_start3A_55 = arith.constant 0 : i32
    %dma_start3A_56 = arith.constant 0 : i32
    %dma_start3A_57 = tpu.memref_slice %arg3[%dma_start3A_55, %dma_start3A_56] : memref<100000x64xf32, #tpu.memory_space<hbm>> -> memref<100000x64xf32, #tpu.memory_space<hbm>>
    %dma_start3A_58 = tpu.memref_slice %arg8[%dma_start3A_47] : memref<8x!tpu.dma_semaphore, #tpu.memory_space<semaphore_mem>> -> memref<1x!tpu.dma_semaphore, #tpu.memory_space<semaphore_mem>>
    %dma_start3A_59 = tpu.memref_squeeze %dma_start3A_58 : memref<1x!tpu.dma_semaphore, #tpu.memory_space<semaphore_mem>> -> memref<!tpu.dma_semaphore, #tpu.memory_space<semaphore_mem>>
    tpu.enqueue_indirect_dma source(%dma_start3A_57 : memref<100000x64xf32, #tpu.memory_space<hbm>>) target(%dma_start3A_51 : memref<100x64xf32, #tpu.memory_space<vmem>>) offsets(%dma_start3A_54 : memref<100xi32, #tpu.memory_space<vmem>>) semaphore(%dma_start3A_59 : memref<!tpu.dma_semaphore, #tpu.memory_space<semaphore_mem>>)
    %dma_start3A_60 = arith.constant 4 : i32
    %dma_start3A_61 = arith.constant 4 : i32
    %dma_start3A_62 = arith.constant 4 : i32
    %dma_start3A_63 = arith.constant 0 : i32
    %dma_start3A_64 = arith.constant 0 : i32
    %dma_start3A_65 = tpu.memref_slice %arg6[%dma_start3A_61, %dma_start3A_63, %dma_start3A_64] : memref<8x100x64xf32, #tpu.memory_space<vmem>> -> memref<1x100x64xf32, #tpu.memory_space<vmem>>
    %dma_start3A_66 = tpu.memref_squeeze %dma_start3A_65 : memref<1x100x64xf32, #tpu.memory_space<vmem>> -> memref<100x64xf32, #tpu.memory_space<vmem>>
    %dma_start3A_67 = arith.constant 0 : i32
    %dma_start3A_68 = tpu.memref_slice %arg5[%dma_start3A_60, %dma_start3A_67] : memref<64x100xi32, #tpu.memory_space<vmem>> -> memref<1x100xi32, #tpu.memory_space<vmem>>
    %dma_start3A_69 = tpu.memref_squeeze %dma_start3A_68 : memref<1x100xi32, #tpu.memory_space<vmem>> -> memref<100xi32, #tpu.memory_space<vmem>>
    %dma_start3A_70 = arith.constant 0 : i32
    %dma_start3A_71 = arith.constant 0 : i32
    %dma_start3A_72 = tpu.memref_slice %arg3[%dma_start3A_70, %dma_start3A_71] : memref<100000x64xf32, #tpu.memory_space<hbm>> -> memref<100000x64xf32, #tpu.memory_space<hbm>>
    %dma_start3A_73 = tpu.memref_slice %arg8[%dma_start3A_62] : memref<8x!tpu.dma_semaphore, #tpu.memory_space<semaphore_mem>> -> memref<1x!tpu.dma_semaphore, #tpu.memory_space<semaphore_mem>>
    %dma_start3A_74 = tpu.memref_squeeze %dma_start3A_73 : memref<1x!tpu.dma_semaphore, #tpu.memory_space<semaphore_mem>> -> memref<!tpu.dma_semaphore, #tpu.memory_space<semaphore_mem>>
    tpu.enqueue_indirect_dma source(%dma_start3A_72 : memref<100000x64xf32, #tpu.memory_space<hbm>>) target(%dma_start3A_66 : memref<100x64xf32, #tpu.memory_space<vmem>>) offsets(%dma_start3A_69 : memref<100xi32, #tpu.memory_space<vmem>>) semaphore(%dma_start3A_74 : memref<!tpu.dma_semaphore, #tpu.memory_space<semaphore_mem>>)
    %dma_start3A_75 = arith.constant 5 : i32
    %dma_start3A_76 = arith.constant 5 : i32
    %dma_start3A_77 = arith.constant 5 : i32
    %dma_start3A_78 = arith.constant 0 : i32
    %dma_start3A_79 = arith.constant 0 : i32
    %dma_start3A_80 = tpu.memref_slice %arg6[%dma_start3A_76, %dma_start3A_78, %dma_start3A_79] : memref<8x100x64xf32, #tpu.memory_space<vmem>> -> memref<1x100x64xf32, #tpu.memory_space<vmem>>
    %dma_start3A_81 = tpu.memref_squeeze %dma_start3A_80 : memref<1x100x64xf32, #tpu.memory_space<vmem>> -> memref<100x64xf32, #tpu.memory_space<vmem>>
    %dma_start3A_82 = arith.constant 0 : i32
    %dma_start3A_83 = tpu.memref_slice %arg5[%dma_start3A_75, %dma_start3A_82] : memref<64x100xi32, #tpu.memory_space<vmem>> -> memref<1x100xi32, #tpu.memory_space<vmem>>
    %dma_start3A_84 = tpu.memref_squeeze %dma_start3A_83 : memref<1x100xi32, #tpu.memory_space<vmem>> -> memref<100xi32, #tpu.memory_space<vmem>>
    %dma_start3A_85 = arith.constant 0 : i32
    %dma_start3A_86 = arith.constant 0 : i32
    %dma_start3A_87 = tpu.memref_slice %arg3[%dma_start3A_85, %dma_start3A_86] : memref<100000x64xf32, #tpu.memory_space<hbm>> -> memref<100000x64xf32, #tpu.memory_space<hbm>>
    %dma_start3A_88 = tpu.memref_slice %arg8[%dma_start3A_77] : memref<8x!tpu.dma_semaphore, #tpu.memory_space<semaphore_mem>> -> memref<1x!tpu.dma_semaphore, #tpu.memory_space<semaphore_mem>>
    %dma_start3A_89 = tpu.memref_squeeze %dma_start3A_88 : memref<1x!tpu.dma_semaphore, #tpu.memory_space<semaphore_mem>> -> memref<!tpu.dma_semaphore, #tpu.memory_space<semaphore_mem>>
    tpu.enqueue_indirect_dma source(%dma_start3A_87 : memref<100000x64xf32, #tpu.memory_space<hbm>>) target(%dma_start3A_81 : memref<100x64xf32, #tpu.memory_space<vmem>>) offsets(%dma_start3A_84 : memref<100xi32, #tpu.memory_space<vmem>>) semaphore(%dma_start3A_89 : memref<!tpu.dma_semaphore, #tpu.memory_space<semaphore_mem>>)
    %dma_start3A_90 = arith.constant 6 : i32
    %dma_start3A_91 = arith.constant 6 : i32
    %dma_start3A_92 = arith.constant 6 : i32
    %dma_start3A_93 = arith.constant 0 : i32
    %dma_start3A_94 = arith.constant 0 : i32
    %dma_start3A_95 = tpu.memref_slice %arg6[%dma_start3A_91, %dma_start3A_93, %dma_start3A_94] : memref<8x100x64xf32, #tpu.memory_space<vmem>> -> memref<1x100x64xf32, #tpu.memory_space<vmem>>
    %dma_start3A_96 = tpu.memref_squeeze %dma_start3A_95 : memref<1x100x64xf32, #tpu.memory_space<vmem>> -> memref<100x64xf32, #tpu.memory_space<vmem>>
    %dma_start3A_97 = arith.constant 0 : i32
    %dma_start3A_98 = tpu.memref_slice %arg5[%dma_start3A_90, %dma_start3A_97] : memref<64x100xi32, #tpu.memory_space<vmem>> -> memref<1x100xi32, #tpu.memory_space<vmem>>
    %dma_start3A_99 = tpu.memref_squeeze %dma_start3A_98 : memref<1x100xi32, #tpu.memory_space<vmem>> -> memref<100xi32, #tpu.memory_space<vmem>>
    %dma_start3A_100 = arith.constant 0 : i32
    %dma_start3A_101 = arith.constant 0 : i32
    %dma_start3A_102 = tpu.memref_slice %arg3[%dma_start3A_100, %dma_start3A_101] : memref<100000x64xf32, #tpu.memory_space<hbm>> -> memref<100000x64xf32, #tpu.memory_space<hbm>>
    %dma_start3A_103 = tpu.memref_slice %arg8[%dma_start3A_92] : memref<8x!tpu.dma_semaphore, #tpu.memory_space<semaphore_mem>> -> memref<1x!tpu.dma_semaphore, #tpu.memory_space<semaphore_mem>>
    %dma_start3A_104 = tpu.memref_squeeze %dma_start3A_103 : memref<1x!tpu.dma_semaphore, #tpu.memory_space<semaphore_mem>> -> memref<!tpu.dma_semaphore, #tpu.memory_space<semaphore_mem>>
    tpu.enqueue_indirect_dma source(%dma_start3A_102 : memref<100000x64xf32, #tpu.memory_space<hbm>>) target(%dma_start3A_96 : memref<100x64xf32, #tpu.memory_space<vmem>>) offsets(%dma_start3A_99 : memref<100xi32, #tpu.memory_space<vmem>>) semaphore(%dma_start3A_104 : memref<!tpu.dma_semaphore, #tpu.memory_space<semaphore_mem>>)
    %dma_start3A_105 = arith.constant 7 : i32
    %dma_start3A_106 = arith.constant 7 : i32
    %dma_start3A_107 = arith.constant 7 : i32
    %dma_start3A_108 = arith.constant 0 : i32
    %dma_start3A_109 = arith.constant 0 : i32
    %dma_start3A_110 = tpu.memref_slice %arg6[%dma_start3A_106, %dma_start3A_108, %dma_start3A_109] : memref<8x100x64xf32, #tpu.memory_space<vmem>> -> memref<1x100x64xf32, #tpu.memory_space<vmem>>
    %dma_start3A_111 = tpu.memref_squeeze %dma_start3A_110 : memref<1x100x64xf32, #tpu.memory_space<vmem>> -> memref<100x64xf32, #tpu.memory_space<vmem>>
    %dma_start3A_112 = arith.constant 0 : i32
    %dma_start3A_113 = tpu.memref_slice %arg5[%dma_start3A_105, %dma_start3A_112] : memref<64x100xi32, #tpu.memory_space<vmem>> -> memref<1x100xi32, #tpu.memory_space<vmem>>
    %dma_start3A_114 = tpu.memref_squeeze %dma_start3A_113 : memref<1x100xi32, #tpu.memory_space<vmem>> -> memref<100xi32, #tpu.memory_space<vmem>>
    %dma_start3A_115 = arith.constant 0 : i32
    %dma_start3A_116 = arith.constant 0 : i32
    %dma_start3A_117 = tpu.memref_slice %arg3[%dma_start3A_115, %dma_start3A_116] : memref<100000x64xf32, #tpu.memory_space<hbm>> -> memref<100000x64xf32, #tpu.memory_space<hbm>>
    %dma_start3A_118 = tpu.memref_slice %arg8[%dma_start3A_107] : memref<8x!tpu.dma_semaphore, #tpu.memory_space<semaphore_mem>> -> memref<1x!tpu.dma_semaphore, #tpu.memory_space<semaphore_mem>>
    %dma_start3A_119 = tpu.memref_squeeze %dma_start3A_118 : memref<1x!tpu.dma_semaphore, #tpu.memory_space<semaphore_mem>> -> memref<!tpu.dma_semaphore, #tpu.memory_space<semaphore_mem>>
    tpu.enqueue_indirect_dma source(%dma_start3A_117 : memref<100000x64xf32, #tpu.memory_space<hbm>>) target(%dma_start3A_111 : memref<100x64xf32, #tpu.memory_space<vmem>>) offsets(%dma_start3A_114 : memref<100xi32, #tpu.memory_space<vmem>>) semaphore(%dma_start3A_119 : memref<!tpu.dma_semaphore, #tpu.memory_space<semaphore_mem>>)
    %scan3A = arith.constant 0 : i32
    %scan3A_120 = arith.constant 0 : i32
    %scan3A_121 = arith.constant 8 : i32
    %scan3A_122 = arith.addi %scan3A_120, %scan3A_121 : i32
    %scan3A_123 = arith.constant 1 : i32
    %scan3A_124 = scf.for %scan3A_247 = %scan3A_120 to %scan3A_122 step %scan3A_123 iter_args(%scan3A_248 = %scan3A) -> (i32)  : i32 {
      %broadcast_in_dim3A = arith.constant 0.000000e+00 : f32
      %broadcast_in_dim3A_249 = vector.broadcast %broadcast_in_dim3A : f32 to vector<16xf32>
      %mul3A_250 = arith.constant 8 : i32
      %mul3A_251 = arith.muli %scan3A_247, %mul3A_250 : i32
      %add3A_252 = arith.constant 0 : i32
      %add3A_253 = arith.addi %mul3A_251, %add3A_252 : i32
      %dma_wait3A_254 = arith.constant 0 : i32
      %dma_wait3A_255 = arith.constant 0 : i32
      %dma_wait3A_256 = arith.constant 0 : i32
      %dma_wait3A_257 = arith.constant 0 : i32
      %dma_wait3A_258 = tpu.memref_slice %arg6[%dma_wait3A_254, %dma_wait3A_256, %dma_wait3A_257] : memref<8x100x64xf32, #tpu.memory_space<vmem>> -> memref<1x100x64xf32, #tpu.memory_space<vmem>>
      %dma_wait3A_259 = tpu.memref_squeeze %dma_wait3A_258 : memref<1x100x64xf32, #tpu.memory_space<vmem>> -> memref<100x64xf32, #tpu.memory_space<vmem>>
      %dma_wait3A_260 = arith.constant 0 : i32
      %dma_wait3A_261 = tpu.memref_slice %arg5[%add3A_253, %dma_wait3A_260] : memref<64x100xi32, #tpu.memory_space<vmem>> -> memref<1x100xi32, #tpu.memory_space<vmem>>
      %dma_wait3A_262 = tpu.memref_squeeze %dma_wait3A_261 : memref<1x100xi32, #tpu.memory_space<vmem>> -> memref<100xi32, #tpu.memory_space<vmem>>
      %dma_wait3A_263 = arith.constant 0 : i32
      %dma_wait3A_264 = arith.constant 0 : i32
      %dma_wait3A_265 = tpu.memref_slice %arg3[%dma_wait3A_263, %dma_wait3A_264] : memref<100000x64xf32, #tpu.memory_space<hbm>> -> memref<100000x64xf32, #tpu.memory_space<hbm>>
      %dma_wait3A_266 = tpu.memref_slice %arg8[%dma_wait3A_255] : memref<8x!tpu.dma_semaphore, #tpu.memory_space<semaphore_mem>> -> memref<1x!tpu.dma_semaphore, #tpu.memory_space<semaphore_mem>>
      %dma_wait3A_267 = tpu.memref_squeeze %dma_wait3A_266 : memref<1x!tpu.dma_semaphore, #tpu.memory_space<semaphore_mem>> -> memref<!tpu.dma_semaphore, #tpu.memory_space<semaphore_mem>>
      tpu.wait_indirect_dma semaphore(%dma_wait3A_267 : memref<!tpu.dma_semaphore, #tpu.memory_space<semaphore_mem>>) src(%dma_wait3A_265 : memref<100000x64xf32, #tpu.memory_space<hbm>>) dst(%dma_wait3A_259 : memref<100x64xf32, #tpu.memory_space<vmem>>)
      %scan3A_268 = arith.constant 0 : i32
      %scan3A_269 = arith.constant 10 : i32
      %scan3A_270 = arith.addi %scan3A_268, %scan3A_269 : i32
      %scan3A_271 = arith.constant 1 : i32
      %scan3A_272:4 = scf.for %scan3A_735 = %scan3A_268 to %scan3A_270 step %scan3A_271 iter_args(%scan3A_736 = %broadcast_in_dim3A_249, %scan3A_737 = %broadcast_in_dim3A_249, %scan3A_738 = %broadcast_in_dim3A_249, %scan3A_739 = %broadcast_in_dim3A_249) -> (vector<16xf32>, vector<16xf32>, vector<16xf32>, vector<16xf32>)  : i32 {
        %mul3A_740 = arith.constant 10 : i32
        %mul3A_741 = arith.muli %scan3A_735, %mul3A_740 : i32
        %add3A_742 = arith.constant 0 : i32
        %add3A_743 = arith.addi %mul3A_741, %add3A_742 : i32
        %get3A = arith.constant 0 : i32
        %get3A_744 = arith.index_cast %get3A : i32 to index
        %get3A_745 = arith.index_cast %add3A_743 : i32 to index
        %get3A_746 = arith.constant 0 : index
        %get3A_747 = tpu.vector_load %arg6[%get3A_744, %get3A_745, %get3A_746] {strides = array<i32>} : memref<8x100x64xf32, #tpu.memory_space<vmem>>, vector<1x1x16xf32>,
        %get3A_748 = vector.shape_cast %get3A_747 : vector<1x1x16xf32> to vector<16xf32>
        %add3A_749 = arith.addf %scan3A_736, %get3A_748 : vector<16xf32>
        %get3A_750 = arith.constant 0 : i32
        %get3A_751 = arith.index_cast %get3A_750 : i32 to index
        %get3A_752 = arith.index_cast %add3A_743 : i32 to index
        %get3A_753 = arith.constant 16 : index
        %get3A_754 = tpu.vector_load %arg6[%get3A_751, %get3A_752, %get3A_753] {strides = array<i32>} : memref<8x100x64xf32, #tpu.memory_space<vmem>>, vector<1x1x16xf32>,
        %get3A_755 = vector.shape_cast %get3A_754 : vector<1x1x16xf32> to vector<16xf32>
        %add3A_756 = arith.addf %scan3A_737, %get3A_755 : vector<16xf32>
        %get3A_757 = arith.constant 0 : i32
        %get3A_758 = arith.index_cast %get3A_757 : i32 to index
        %get3A_759 = arith.index_cast %add3A_743 : i32 to index
        %get3A_760 = arith.constant 32 : index
        %get3A_761 = tpu.vector_load %arg6[%get3A_758, %get3A_759, %get3A_760] {strides = array<i32>} : memref<8x100x64xf32, #tpu.memory_space<vmem>>, vector<1x1x16xf32>,
        %get3A_762 = vector.shape_cast %get3A_761 : vector<1x1x16xf32> to vector<16xf32>
        %add3A_763 = arith.addf %scan3A_738, %get3A_762 : vector<16xf32>
        %get3A_764 = arith.constant 0 : i32
        %get3A_765 = arith.index_cast %get3A_764 : i32 to index
        %get3A_766 = arith.index_cast %add3A_743 : i32 to index
        %get3A_767 = arith.constant 48 : index
        %get3A_768 = tpu.vector_load %arg6[%get3A_765, %get3A_766, %get3A_767] {strides = array<i32>} : memref<8x100x64xf32, #tpu.memory_space<vmem>>, vector<1x1x16xf32>,
        %get3A_769 = vector.shape_cast %get3A_768 : vector<1x1x16xf32> to vector<16xf32>
        %add3A_770 = arith.addf %scan3A_739, %get3A_769 : vector<16xf32>
        %mul3A_771 = arith.constant 10 : i32
        %mul3A_772 = arith.muli %scan3A_735, %mul3A_771 : i32
        %add3A_773 = arith.constant 1 : i32
        %add3A_774 = arith.addi %mul3A_772, %add3A_773 : i32
        %get3A_775 = arith.constant 0 : i32
        %get3A_776 = arith.index_cast %get3A_775 : i32 to index
        %get3A_777 = arith.index_cast %add3A_774 : i32 to index
        %get3A_778 = arith.constant 0 : index
        %get3A_779 = tpu.vector_load %arg6[%get3A_776, %get3A_777, %get3A_778] {strides = array<i32>} : memref<8x100x64xf32, #tpu.memory_space<vmem>>, vector<1x1x16xf32>,
        %get3A_780 = vector.shape_cast %get3A_779 : vector<1x1x16xf32> to vector<16xf32>
        %add3A_781 = arith.addf %add3A_749, %get3A_780 : vector<16xf32>
        %get3A_782 = arith.constant 0 : i32
        %get3A_783 = arith.index_cast %get3A_782 : i32 to index
        %get3A_784 = arith.index_cast %add3A_774 : i32 to index
        %get3A_785 = arith.constant 16 : index
        %get3A_786 = tpu.vector_load %arg6[%get3A_783, %get3A_784, %get3A_785] {strides = array<i32>} : memref<8x100x64xf32, #tpu.memory_space<vmem>>, vector<1x1x16xf32>,
        %get3A_787 = vector.shape_cast %get3A_786 : vector<1x1x16xf32> to vector<16xf32>
        %add3A_788 = arith.addf %add3A_756, %get3A_787 : vector<16xf32>
        %get3A_789 = arith.constant 0 : i32
        %get3A_790 = arith.index_cast %get3A_789 : i32 to index
        %get3A_791 = arith.index_cast %add3A_774 : i32 to index
        %get3A_792 = arith.constant 32 : index
        %get3A_793 = tpu.vector_load %arg6[%get3A_790, %get3A_791, %get3A_792] {strides = array<i32>} : memref<8x100x64xf32, #tpu.memory_space<vmem>>, vector<1x1x16xf32>,
        %get3A_794 = vector.shape_cast %get3A_793 : vector<1x1x16xf32> to vector<16xf32>
        %add3A_795 = arith.addf %add3A_763, %get3A_794 : vector<16xf32>
        %get3A_796 = arith.constant 0 : i32
        %get3A_797 = arith.index_cast %get3A_796 : i32 to index
        %get3A_798 = arith.index_cast %add3A_774 : i32 to index
        %get3A_799 = arith.constant 48 : index
        %get3A_800 = tpu.vector_load %arg6[%get3A_797, %get3A_798, %get3A_799] {strides = array<i32>} : memref<8x100x64xf32, #tpu.memory_space<vmem>>, vector<1x1x16xf32>,
        %get3A_801 = vector.shape_cast %get3A_800 : vector<1x1x16xf32> to vector<16xf32>
        %add3A_802 = arith.addf %add3A_770, %get3A_801 : vector<16xf32>
        %mul3A_803 = arith.constant 10 : i32
        %mul3A_804 = arith.muli %scan3A_735, %mul3A_803 : i32
        %add3A_805 = arith.constant 2 : i32
        %add3A_806 = arith.addi %mul3A_804, %add3A_805 : i32
        %get3A_807 = arith.constant 0 : i32
        %get3A_808 = arith.index_cast %get3A_807 : i32 to index
        %get3A_809 = arith.index_cast %add3A_806 : i32 to index
        %get3A_810 = arith.constant 0 : index
        %get3A_811 = tpu.vector_load %arg6[%get3A_808, %get3A_809, %get3A_810] {strides = array<i32>} : memref<8x100x64xf32, #tpu.memory_space<vmem>>, vector<1x1x16xf32>,
        %get3A_812 = vector.shape_cast %get3A_811 : vector<1x1x16xf32> to vector<16xf32>
        %add3A_813 = arith.addf %add3A_781, %get3A_812 : vector<16xf32>
        %get3A_814 = arith.constant 0 : i32
        %get3A_815 = arith.index_cast %get3A_814 : i32 to index
        %get3A_816 = arith.index_cast %add3A_806 : i32 to index
        %get3A_817 = arith.constant 16 : index
        %get3A_818 = tpu.vector_load %arg6[%get3A_815, %get3A_816, %get3A_817] {strides = array<i32>} : memref<8x100x64xf32, #tpu.memory_space<vmem>>, vector<1x1x16xf32>,
        %get3A_819 = vector.shape_cast %get3A_818 : vector<1x1x16xf32> to vector<16xf32>
        %add3A_820 = arith.addf %add3A_788, %get3A_819 : vector<16xf32>
        %get3A_821 = arith.constant 0 : i32
        %get3A_822 = arith.index_cast %get3A_821 : i32 to index
        %get3A_823 = arith.index_cast %add3A_806 : i32 to index
        %get3A_824 = arith.constant 32 : index
        %get3A_825 = tpu.vector_load %arg6[%get3A_822, %get3A_823, %get3A_824] {strides = array<i32>} : memref<8x100x64xf32, #tpu.memory_space<vmem>>, vector<1x1x16xf32>,
        %get3A_826 = vector.shape_cast %get3A_825 : vector<1x1x16xf32> to vector<16xf32>
        %add3A_827 = arith.addf %add3A_795, %get3A_826 : vector<16xf32>
        %get3A_828 = arith.constant 0 : i32
        %get3A_829 = arith.index_cast %get3A_828 : i32 to index
        %get3A_830 = arith.index_cast %add3A_806 : i32 to index
        %get3A_831 = arith.constant 48 : index
        %get3A_832 = tpu.vector_load %arg6[%get3A_829, %get3A_830, %get3A_831] {strides = array<i32>} : memref<8x100x64xf32, #tpu.memory_space<vmem>>, vector<1x1x16xf32>,
        %get3A_833 = vector.shape_cast %get3A_832 : vector<1x1x16xf32> to vector<16xf32>
        %add3A_834 = arith.addf %add3A_802, %get3A_833 : vector<16xf32>
        %mul3A_835 = arith.constant 10 : i32
        %mul3A_836 = arith.muli %scan3A_735, %mul3A_835 : i32
        %add3A_837 = arith.constant 3 : i32
        %add3A_838 = arith.addi %mul3A_836, %add3A_837 : i32
        %get3A_839 = arith.constant 0 : i32
        %get3A_840 = arith.index_cast %get3A_839 : i32 to index
        %get3A_841 = arith.index_cast %add3A_838 : i32 to index
        %get3A_842 = arith.constant 0 : index
        %get3A_843 = tpu.vector_load %arg6[%get3A_840, %get3A_841, %get3A_842] {strides = array<i32>} : memref<8x100x64xf32, #tpu.memory_space<vmem>>, vector<1x1x16xf32>,
        %get3A_844 = vector.shape_cast %get3A_843 : vector<1x1x16xf32> to vector<16xf32>
        %add3A_845 = arith.addf %add3A_813, %get3A_844 : vector<16xf32>
        %get3A_846 = arith.constant 0 : i32
        %get3A_847 = arith.index_cast %get3A_846 : i32 to index
        %get3A_848 = arith.index_cast %add3A_838 : i32 to index
        %get3A_849 = arith.constant 16 : index
        %get3A_850 = tpu.vector_load %arg6[%get3A_847, %get3A_848, %get3A_849] {strides = array<i32>} : memref<8x100x64xf32, #tpu.memory_space<vmem>>, vector<1x1x16xf32>,
        %get3A_851 = vector.shape_cast %get3A_850 : vector<1x1x16xf32> to vector<16xf32>
        %add3A_852 = arith.addf %add3A_820, %get3A_851 : vector<16xf32>
        %get3A_853 = arith.constant 0 : i32
        %get3A_854 = arith.index_cast %get3A_853 : i32 to index
        %get3A_855 = arith.index_cast %add3A_838 : i32 to index
        %get3A_856 = arith.constant 32 : index
        %get3A_857 = tpu.vector_load %arg6[%get3A_854, %get3A_855, %get3A_856] {strides = array<i32>} : memref<8x100x64xf32, #tpu.memory_space<vmem>>, vector<1x1x16xf32>,
        %get3A_858 = vector.shape_cast %get3A_857 : vector<1x1x16xf32> to vector<16xf32>
        %add3A_859 = arith.addf %add3A_827, %get3A_858 : vector<16xf32>
        %get3A_860 = arith.constant 0 : i32
        %get3A_861 = arith.index_cast %get3A_860 : i32 to index
        %get3A_862 = arith.index_cast %add3A_838 : i32 to index
        %get3A_863 = arith.constant 48 : index
        %get3A_864 = tpu.vector_load %arg6[%get3A_861, %get3A_862, %get3A_863] {strides = array<i32>} : memref<8x100x64xf32, #tpu.memory_space<vmem>>, vector<1x1x16xf32>,
        %get3A_865 = vector.shape_cast %get3A_864 : vector<1x1x16xf32> to vector<16xf32>
        %add3A_866 = arith.addf %add3A_834, %get3A_865 : vector<16xf32>
        %mul3A_867 = arith.constant 10 : i32
        %mul3A_868 = arith.muli %scan3A_735, %mul3A_867 : i32
        %add3A_869 = arith.constant 4 : i32
        %add3A_870 = arith.addi %mul3A_868, %add3A_869 : i32
        %get3A_871 = arith.constant 0 : i32
        %get3A_872 = arith.index_cast %get3A_871 : i32 to index
        %get3A_873 = arith.index_cast %add3A_870 : i32 to index
        %get3A_874 = arith.constant 0 : index
        %get3A_875 = tpu.vector_load %arg6[%get3A_872, %get3A_873, %get3A_874] {strides = array<i32>} : memref<8x100x64xf32, #tpu.memory_space<vmem>>, vector<1x1x16xf32>,
        %get3A_876 = vector.shape_cast %get3A_875 : vector<1x1x16xf32> to vector<16xf32>
        %add3A_877 = arith.addf %add3A_845, %get3A_876 : vector<16xf32>
        %get3A_878 = arith.constant 0 : i32
        %get3A_879 = arith.index_cast %get3A_878 : i32 to index
        %get3A_880 = arith.index_cast %add3A_870 : i32 to index
        %get3A_881 = arith.constant 16 : index
        %get3A_882 = tpu.vector_load %arg6[%get3A_879, %get3A_880, %get3A_881] {strides = array<i32>} : memref<8x100x64xf32, #tpu.memory_space<vmem>>, vector<1x1x16xf32>,
        %get3A_883 = vector.shape_cast %get3A_882 : vector<1x1x16xf32> to vector<16xf32>
        %add3A_884 = arith.addf %add3A_852, %get3A_883 : vector<16xf32>
        %get3A_885 = arith.constant 0 : i32
        %get3A_886 = arith.index_cast %get3A_885 : i32 to index
        %get3A_887 = arith.index_cast %add3A_870 : i32 to index
        %get3A_888 = arith.constant 32 : index
        %get3A_889 = tpu.vector_load %arg6[%get3A_886, %get3A_887, %get3A_888] {strides = array<i32>} : memref<8x100x64xf32, #tpu.memory_space<vmem>>, vector<1x1x16xf32>,
        %get3A_890 = vector.shape_cast %get3A_889 : vector<1x1x16xf32> to vector<16xf32>
        %add3A_891 = arith.addf %add3A_859, %get3A_890 : vector<16xf32>
        %get3A_892 = arith.constant 0 : i32
        %get3A_893 = arith.index_cast %get3A_892 : i32 to index
        %get3A_894 = arith.index_cast %add3A_870 : i32 to index
        %get3A_895 = arith.constant 48 : index
        %get3A_896 = tpu.vector_load %arg6[%get3A_893, %get3A_894, %get3A_895] {strides = array<i32>} : memref<8x100x64xf32, #tpu.memory_space<vmem>>, vector<1x1x16xf32>,
        %get3A_897 = vector.shape_cast %get3A_896 : vector<1x1x16xf32> to vector<16xf32>
        %add3A_898 = arith.addf %add3A_866, %get3A_897 : vector<16xf32>
        %mul3A_899 = arith.constant 10 : i32
        %mul3A_900 = arith.muli %scan3A_735, %mul3A_899 : i32
        %add3A_901 = arith.constant 5 : i32
        %add3A_902 = arith.addi %mul3A_900, %add3A_901 : i32
        %get3A_903 = arith.constant 0 : i32
        %get3A_904 = arith.index_cast %get3A_903 : i32 to index
        %get3A_905 = arith.index_cast %add3A_902 : i32 to index
        %get3A_906 = arith.constant 0 : index
        %get3A_907 = tpu.vector_load %arg6[%get3A_904, %get3A_905, %get3A_906] {strides = array<i32>} : memref<8x100x64xf32, #tpu.memory_space<vmem>>, vector<1x1x16xf32>,
        %get3A_908 = vector.shape_cast %get3A_907 : vector<1x1x16xf32> to vector<16xf32>
        %add3A_909 = arith.addf %add3A_877, %get3A_908 : vector<16xf32>
        %get3A_910 = arith.constant 0 : i32
        %get3A_911 = arith.index_cast %get3A_910 : i32 to index
        %get3A_912 = arith.index_cast %add3A_902 : i32 to index
        %get3A_913 = arith.constant 16 : index
        %get3A_914 = tpu.vector_load %arg6[%get3A_911, %get3A_912, %get3A_913] {strides = array<i32>} : memref<8x100x64xf32, #tpu.memory_space<vmem>>, vector<1x1x16xf32>,
        %get3A_915 = vector.shape_cast %get3A_914 : vector<1x1x16xf32> to vector<16xf32>
        %add3A_916 = arith.addf %add3A_884, %get3A_915 : vector<16xf32>
        %get3A_917 = arith.constant 0 : i32
        %get3A_918 = arith.index_cast %get3A_917 : i32 to index
        %get3A_919 = arith.index_cast %add3A_902 : i32 to index
        %get3A_920 = arith.constant 32 : index
        %get3A_921 = tpu.vector_load %arg6[%get3A_918, %get3A_919, %get3A_920] {strides = array<i32>} : memref<8x100x64xf32, #tpu.memory_space<vmem>>, vector<1x1x16xf32>,
        %get3A_922 = vector.shape_cast %get3A_921 : vector<1x1x16xf32> to vector<16xf32>
        %add3A_923 = arith.addf %add3A_891, %get3A_922 : vector<16xf32>
        %get3A_924 = arith.constant 0 : i32
        %get3A_925 = arith.index_cast %get3A_924 : i32 to index
        %get3A_926 = arith.index_cast %add3A_902 : i32 to index
        %get3A_927 = arith.constant 48 : index
        %get3A_928 = tpu.vector_load %arg6[%get3A_925, %get3A_926, %get3A_927] {strides = array<i32>} : memref<8x100x64xf32, #tpu.memory_space<vmem>>, vector<1x1x16xf32>,
        %get3A_929 = vector.shape_cast %get3A_928 : vector<1x1x16xf32> to vector<16xf32>
        %add3A_930 = arith.addf %add3A_898, %get3A_929 : vector<16xf32>
        %mul3A_931 = arith.constant 10 : i32
        %mul3A_932 = arith.muli %scan3A_735, %mul3A_931 : i32
        %add3A_933 = arith.constant 6 : i32
        %add3A_934 = arith.addi %mul3A_932, %add3A_933 : i32
        %get3A_935 = arith.constant 0 : i32
        %get3A_936 = arith.index_cast %get3A_935 : i32 to index
        %get3A_937 = arith.index_cast %add3A_934 : i32 to index
        %get3A_938 = arith.constant 0 : index
        %get3A_939 = tpu.vector_load %arg6[%get3A_936, %get3A_937, %get3A_938] {strides = array<i32>} : memref<8x100x64xf32, #tpu.memory_space<vmem>>, vector<1x1x16xf32>,
        %get3A_940 = vector.shape_cast %get3A_939 : vector<1x1x16xf32> to vector<16xf32>
        %add3A_941 = arith.addf %add3A_909, %get3A_940 : vector<16xf32>
        %get3A_942 = arith.constant 0 : i32
        %get3A_943 = arith.index_cast %get3A_942 : i32 to index
        %get3A_944 = arith.index_cast %add3A_934 : i32 to index
        %get3A_945 = arith.constant 16 : index
        %get3A_946 = tpu.vector_load %arg6[%get3A_943, %get3A_944, %get3A_945] {strides = array<i32>} : memref<8x100x64xf32, #tpu.memory_space<vmem>>, vector<1x1x16xf32>,
        %get3A_947 = vector.shape_cast %get3A_946 : vector<1x1x16xf32> to vector<16xf32>
        %add3A_948 = arith.addf %add3A_916, %get3A_947 : vector<16xf32>
        %get3A_949 = arith.constant 0 : i32
        %get3A_950 = arith.index_cast %get3A_949 : i32 to index
        %get3A_951 = arith.index_cast %add3A_934 : i32 to index
        %get3A_952 = arith.constant 32 : index
        %get3A_953 = tpu.vector_load %arg6[%get3A_950, %get3A_951, %get3A_952] {strides = array<i32>} : memref<8x100x64xf32, #tpu.memory_space<vmem>>, vector<1x1x16xf32>,
        %get3A_954 = vector.shape_cast %get3A_953 : vector<1x1x16xf32> to vector<16xf32>
        %add3A_955 = arith.addf %add3A_923, %get3A_954 : vector<16xf32>
        %get3A_956 = arith.constant 0 : i32
        %get3A_957 = arith.index_cast %get3A_956 : i32 to index
        %get3A_958 = arith.index_cast %add3A_934 : i32 to index
        %get3A_959 = arith.constant 48 : index
        %get3A_960 = tpu.vector_load %arg6[%get3A_957, %get3A_958, %get3A_959] {strides = array<i32>} : memref<8x100x64xf32, #tpu.memory_space<vmem>>, vector<1x1x16xf32>,
        %get3A_961 = vector.shape_cast %get3A_960 : vector<1x1x16xf32> to vector<16xf32>
        %add3A_962 = arith.addf %add3A_930, %get3A_961 : vector<16xf32>
        %mul3A_963 = arith.constant 10 : i32
        %mul3A_964 = arith.muli %scan3A_735, %mul3A_963 : i32
        %add3A_965 = arith.constant 7 : i32
        %add3A_966 = arith.addi %mul3A_964, %add3A_965 : i32
        %get3A_967 = arith.constant 0 : i32
        %get3A_968 = arith.index_cast %get3A_967 : i32 to index
        %get3A_969 = arith.index_cast %add3A_966 : i32 to index
        %get3A_970 = arith.constant 0 : index
        %get3A_971 = tpu.vector_load %arg6[%get3A_968, %get3A_969, %get3A_970] {strides = array<i32>} : memref<8x100x64xf32, #tpu.memory_space<vmem>>, vector<1x1x16xf32>,
        %get3A_972 = vector.shape_cast %get3A_971 : vector<1x1x16xf32> to vector<16xf32>
        %add3A_973 = arith.addf %add3A_941, %get3A_972 : vector<16xf32>
        %get3A_974 = arith.constant 0 : i32
        %get3A_975 = arith.index_cast %get3A_974 : i32 to index
        %get3A_976 = arith.index_cast %add3A_966 : i32 to index
        %get3A_977 = arith.constant 16 : index
        %get3A_978 = tpu.vector_load %arg6[%get3A_975, %get3A_976, %get3A_977] {strides = array<i32>} : memref<8x100x64xf32, #tpu.memory_space<vmem>>, vector<1x1x16xf32>,
        %get3A_979 = vector.shape_cast %get3A_978 : vector<1x1x16xf32> to vector<16xf32>
        %add3A_980 = arith.addf %add3A_948, %get3A_979 : vector<16xf32>
        %get3A_981 = arith.constant 0 : i32
        %get3A_982 = arith.index_cast %get3A_981 : i32 to index
        %get3A_983 = arith.index_cast %add3A_966 : i32 to index
        %get3A_984 = arith.constant 32 : index
        %get3A_985 = tpu.vector_load %arg6[%get3A_982, %get3A_983, %get3A_984] {strides = array<i32>} : memref<8x100x64xf32, #tpu.memory_space<vmem>>, vector<1x1x16xf32>,
        %get3A_986 = vector.shape_cast %get3A_985 : vector<1x1x16xf32> to vector<16xf32>
        %add3A_987 = arith.addf %add3A_955, %get3A_986 : vector<16xf32>
        %get3A_988 = arith.constant 0 : i32
        %get3A_989 = arith.index_cast %get3A_988 : i32 to index
        %get3A_990 = arith.index_cast %add3A_966 : i32 to index
        %get3A_991 = arith.constant 48 : index
        %get3A_992 = tpu.vector_load %arg6[%get3A_989, %get3A_990, %get3A_991] {strides = array<i32>} : memref<8x100x64xf32, #tpu.memory_space<vmem>>, vector<1x1x16xf32>,
        %get3A_993 = vector.shape_cast %get3A_992 : vector<1x1x16xf32> to vector<16xf32>
        %add3A_994 = arith.addf %add3A_962, %get3A_993 : vector<16xf32>
        %mul3A_995 = arith.constant 10 : i32
        %mul3A_996 = arith.muli %scan3A_735, %mul3A_995 : i32
        %add3A_997 = arith.constant 8 : i32
        %add3A_998 = arith.addi %mul3A_996, %add3A_997 : i32
        %get3A_999 = arith.constant 0 : i32
        %get3A_1000 = arith.index_cast %get3A_999 : i32 to index
        %get3A_1001 = arith.index_cast %add3A_998 : i32 to index
        %get3A_1002 = arith.constant 0 : index
        %get3A_1003 = tpu.vector_load %arg6[%get3A_1000, %get3A_1001, %get3A_1002] {strides = array<i32>} : memref<8x100x64xf32, #tpu.memory_space<vmem>>, vector<1x1x16xf32>,
        %get3A_1004 = vector.shape_cast %get3A_1003 : vector<1x1x16xf32> to vector<16xf32>
        %add3A_1005 = arith.addf %add3A_973, %get3A_1004 : vector<16xf32>
        %get3A_1006 = arith.constant 0 : i32
        %get3A_1007 = arith.index_cast %get3A_1006 : i32 to index
        %get3A_1008 = arith.index_cast %add3A_998 : i32 to index
        %get3A_1009 = arith.constant 16 : index
        %get3A_1010 = tpu.vector_load %arg6[%get3A_1007, %get3A_1008, %get3A_1009] {strides = array<i32>} : memref<8x100x64xf32, #tpu.memory_space<vmem>>, vector<1x1x16xf32>,
        %get3A_1011 = vector.shape_cast %get3A_1010 : vector<1x1x16xf32> to vector<16xf32>
        %add3A_1012 = arith.addf %add3A_980, %get3A_1011 : vector<16xf32>
        %get3A_1013 = arith.constant 0 : i32
        %get3A_1014 = arith.index_cast %get3A_1013 : i32 to index
        %get3A_1015 = arith.index_cast %add3A_998 : i32 to index
        %get3A_1016 = arith.constant 32 : index
        %get3A_1017 = tpu.vector_load %arg6[%get3A_1014, %get3A_1015, %get3A_1016] {strides = array<i32>} : memref<8x100x64xf32, #tpu.memory_space<vmem>>, vector<1x1x16xf32>,
        %get3A_1018 = vector.shape_cast %get3A_1017 : vector<1x1x16xf32> to vector<16xf32>
        %add3A_1019 = arith.addf %add3A_987, %get3A_1018 : vector<16xf32>
        %get3A_1020 = arith.constant 0 : i32
        %get3A_1021 = arith.index_cast %get3A_1020 : i32 to index
        %get3A_1022 = arith.index_cast %add3A_998 : i32 to index
        %get3A_1023 = arith.constant 48 : index
        %get3A_1024 = tpu.vector_load %arg6[%get3A_1021, %get3A_1022, %get3A_1023] {strides = array<i32>} : memref<8x100x64xf32, #tpu.memory_space<vmem>>, vector<1x1x16xf32>,
        %get3A_1025 = vector.shape_cast %get3A_1024 : vector<1x1x16xf32> to vector<16xf32>
        %add3A_1026 = arith.addf %add3A_994, %get3A_1025 : vector<16xf32>
        %mul3A_1027 = arith.constant 10 : i32
        %mul3A_1028 = arith.muli %scan3A_735, %mul3A_1027 : i32
        %add3A_1029 = arith.constant 9 : i32
        %add3A_1030 = arith.addi %mul3A_1028, %add3A_1029 : i32
        %get3A_1031 = arith.constant 0 : i32
        %get3A_1032 = arith.index_cast %get3A_1031 : i32 to index
        %get3A_1033 = arith.index_cast %add3A_1030 : i32 to index
        %get3A_1034 = arith.constant 0 : index
        %get3A_1035 = tpu.vector_load %arg6[%get3A_1032, %get3A_1033, %get3A_1034] {strides = array<i32>} : memref<8x100x64xf32, #tpu.memory_space<vmem>>, vector<1x1x16xf32>,
        %get3A_1036 = vector.shape_cast %get3A_1035 : vector<1x1x16xf32> to vector<16xf32>
        %add3A_1037 = arith.addf %add3A_1005, %get3A_1036 : vector<16xf32>
        %get3A_1038 = arith.constant 0 : i32
        %get3A_1039 = arith.index_cast %get3A_1038 : i32 to index
        %get3A_1040 = arith.index_cast %add3A_1030 : i32 to index
        %get3A_1041 = arith.constant 16 : index
        %get3A_1042 = tpu.vector_load %arg6[%get3A_1039, %get3A_1040, %get3A_1041] {strides = array<i32>} : memref<8x100x64xf32, #tpu.memory_space<vmem>>, vector<1x1x16xf32>,
        %get3A_1043 = vector.shape_cast %get3A_1042 : vector<1x1x16xf32> to vector<16xf32>
        %add3A_1044 = arith.addf %add3A_1012, %get3A_1043 : vector<16xf32>
        %get3A_1045 = arith.constant 0 : i32
        %get3A_1046 = arith.index_cast %get3A_1045 : i32 to index
        %get3A_1047 = arith.index_cast %add3A_1030 : i32 to index
        %get3A_1048 = arith.constant 32 : index
        %get3A_1049 = tpu.vector_load %arg6[%get3A_1046, %get3A_1047, %get3A_1048] {strides = array<i32>} : memref<8x100x64xf32, #tpu.memory_space<vmem>>, vector<1x1x16xf32>,
        %get3A_1050 = vector.shape_cast %get3A_1049 : vector<1x1x16xf32> to vector<16xf32>
        %add3A_1051 = arith.addf %add3A_1019, %get3A_1050 : vector<16xf32>
        %get3A_1052 = arith.constant 0 : i32
        %get3A_1053 = arith.index_cast %get3A_1052 : i32 to index
        %get3A_1054 = arith.index_cast %add3A_1030 : i32 to index
        %get3A_1055 = arith.constant 48 : index
        %get3A_1056 = tpu.vector_load %arg6[%get3A_1053, %get3A_1054, %get3A_1055] {strides = array<i32>} : memref<8x100x64xf32, #tpu.memory_space<vmem>>, vector<1x1x16xf32>,
        %get3A_1057 = vector.shape_cast %get3A_1056 : vector<1x1x16xf32> to vector<16xf32>
        %add3A_1058 = arith.addf %add3A_1026, %get3A_1057 : vector<16xf32>
        scf.yield %add3A_1037, %add3A_1044, %add3A_1051, %add3A_1058 : vector<16xf32>, vector<16xf32>, vector<16xf32>, vector<16xf32>
      }
      %scan3A_273 = arith.constant 10 : i32
      %add3A_274 = arith.constant 8 : i32
      %add3A_275 = arith.addi %add3A_253, %add3A_274 : i32
      %min3A = arith.constant 63 : i32
      %min3A_276 = arith.minsi %add3A_275, %min3A : i32
      %dma_start3A_277 = arith.constant 0 : i32
      %dma_start3A_278 = arith.constant 0 : i32
      %dma_start3A_279 = arith.constant 0 : i32
      %dma_start3A_280 = arith.constant 0 : i32
      %dma_start3A_281 = tpu.memref_slice %arg6[%dma_start3A_277, %dma_start3A_279, %dma_start3A_280] : memref<8x100x64xf32, #tpu.memory_space<vmem>> -> memref<1x100x64xf32, #tpu.memory_space<vmem>>
      %dma_start3A_282 = tpu.memref_squeeze %dma_start3A_281 : memref<1x100x64xf32, #tpu.memory_space<vmem>> -> memref<100x64xf32, #tpu.memory_space<vmem>>
      %dma_start3A_283 = arith.constant 0 : i32
      %dma_start3A_284 = tpu.memref_slice %arg5[%min3A_276, %dma_start3A_283] : memref<64x100xi32, #tpu.memory_space<vmem>> -> memref<1x100xi32, #tpu.memory_space<vmem>>
      %dma_start3A_285 = tpu.memref_squeeze %dma_start3A_284 : memref<1x100xi32, #tpu.memory_space<vmem>> -> memref<100xi32, #tpu.memory_space<vmem>>
      %dma_start3A_286 = arith.constant 0 : i32
      %dma_start3A_287 = arith.constant 0 : i32
      %dma_start3A_288 = tpu.memref_slice %arg3[%dma_start3A_286, %dma_start3A_287] : memref<100000x64xf32, #tpu.memory_space<hbm>> -> memref<100000x64xf32, #tpu.memory_space<hbm>>
      %dma_start3A_289 = tpu.memref_slice %arg8[%dma_start3A_278] : memref<8x!tpu.dma_semaphore, #tpu.memory_space<semaphore_mem>> -> memref<1x!tpu.dma_semaphore, #tpu.memory_space<semaphore_mem>>
      %dma_start3A_290 = tpu.memref_squeeze %dma_start3A_289 : memref<1x!tpu.dma_semaphore, #tpu.memory_space<semaphore_mem>> -> memref<!tpu.dma_semaphore, #tpu.memory_space<semaphore_mem>>
      tpu.enqueue_indirect_dma source(%dma_start3A_288 : memref<100000x64xf32, #tpu.memory_space<hbm>>) target(%dma_start3A_282 : memref<100x64xf32, #tpu.memory_space<vmem>>) offsets(%dma_start3A_285 : memref<100xi32, #tpu.memory_space<vmem>>) semaphore(%dma_start3A_290 : memref<!tpu.dma_semaphore, #tpu.memory_space<semaphore_mem>>)
      %mul3A_291 = arith.constant 8 : i32
      %mul3A_292 = arith.muli %scan3A_247, %mul3A_291 : i32
      %add3A_293 = arith.constant 1 : i32
      %add3A_294 = arith.addi %mul3A_292, %add3A_293 : i32
      %dma_wait3A_295 = arith.constant 1 : i32
      %dma_wait3A_296 = arith.constant 1 : i32
      %dma_wait3A_297 = arith.constant 0 : i32
      %dma_wait3A_298 = arith.constant 0 : i32
      %dma_wait3A_299 = tpu.memref_slice %arg6[%dma_wait3A_295, %dma_wait3A_297, %dma_wait3A_298] : memref<8x100x64xf32, #tpu.memory_space<vmem>> -> memref<1x100x64xf32, #tpu.memory_space<vmem>>
      %dma_wait3A_300 = tpu.memref_squeeze %dma_wait3A_299 : memref<1x100x64xf32, #tpu.memory_space<vmem>> -> memref<100x64xf32, #tpu.memory_space<vmem>>
      %dma_wait3A_301 = arith.constant 0 : i32
      %dma_wait3A_302 = tpu.memref_slice %arg5[%add3A_294, %dma_wait3A_301] : memref<64x100xi32, #tpu.memory_space<vmem>> -> memref<1x100xi32, #tpu.memory_space<vmem>>
      %dma_wait3A_303 = tpu.memref_squeeze %dma_wait3A_302 : memref<1x100xi32, #tpu.memory_space<vmem>> -> memref<100xi32, #tpu.memory_space<vmem>>
      %dma_wait3A_304 = arith.constant 0 : i32
      %dma_wait3A_305 = arith.constant 0 : i32
      %dma_wait3A_306 = tpu.memref_slice %arg3[%dma_wait3A_304, %dma_wait3A_305] : memref<100000x64xf32, #tpu.memory_space<hbm>> -> memref<100000x64xf32, #tpu.memory_space<hbm>>
      %dma_wait3A_307 = tpu.memref_slice %arg8[%dma_wait3A_296] : memref<8x!tpu.dma_semaphore, #tpu.memory_space<semaphore_mem>> -> memref<1x!tpu.dma_semaphore, #tpu.memory_space<semaphore_mem>>
      %dma_wait3A_308 = tpu.memref_squeeze %dma_wait3A_307 : memref<1x!tpu.dma_semaphore, #tpu.memory_space<semaphore_mem>> -> memref<!tpu.dma_semaphore, #tpu.memory_space<semaphore_mem>>
      tpu.wait_indirect_dma semaphore(%dma_wait3A_308 : memref<!tpu.dma_semaphore, #tpu.memory_space<semaphore_mem>>) src(%dma_wait3A_306 : memref<100000x64xf32, #tpu.memory_space<hbm>>) dst(%dma_wait3A_300 : memref<100x64xf32, #tpu.memory_space<vmem>>)
      %scan3A_309 = arith.constant 0 : i32
      %scan3A_310 = arith.constant 10 : i32
      %scan3A_311 = arith.addi %scan3A_309, %scan3A_310 : i32
      %scan3A_312 = arith.constant 1 : i32
      %scan3A_313:4 = scf.for %scan3A_735 = %scan3A_309 to %scan3A_311 step %scan3A_312 iter_args(%scan3A_736 = %scan3A_272#0, %scan3A_737 = %scan3A_272#1, %scan3A_738 = %scan3A_272#2, %scan3A_739 = %scan3A_272#3) -> (vector<16xf32>, vector<16xf32>, vector<16xf32>, vector<16xf32>)  : i32 {
        %mul3A_740 = arith.constant 10 : i32
        %mul3A_741 = arith.muli %scan3A_735, %mul3A_740 : i32
        %add3A_742 = arith.constant 0 : i32
        %add3A_743 = arith.addi %mul3A_741, %add3A_742 : i32
        %get3A = arith.constant 1 : i32
        %get3A_744 = arith.index_cast %get3A : i32 to index
        %get3A_745 = arith.index_cast %add3A_743 : i32 to index
        %get3A_746 = arith.constant 0 : index
        %get3A_747 = tpu.vector_load %arg6[%get3A_744, %get3A_745, %get3A_746] {strides = array<i32>} : memref<8x100x64xf32, #tpu.memory_space<vmem>>, vector<1x1x16xf32>,
        %get3A_748 = vector.shape_cast %get3A_747 : vector<1x1x16xf32> to vector<16xf32>
        %add3A_749 = arith.addf %scan3A_736, %get3A_748 : vector<16xf32>
        %get3A_750 = arith.constant 1 : i32
        %get3A_751 = arith.index_cast %get3A_750 : i32 to index
        %get3A_752 = arith.index_cast %add3A_743 : i32 to index
        %get3A_753 = arith.constant 16 : index
        %get3A_754 = tpu.vector_load %arg6[%get3A_751, %get3A_752, %get3A_753] {strides = array<i32>} : memref<8x100x64xf32, #tpu.memory_space<vmem>>, vector<1x1x16xf32>,
        %get3A_755 = vector.shape_cast %get3A_754 : vector<1x1x16xf32> to vector<16xf32>
        %add3A_756 = arith.addf %scan3A_737, %get3A_755 : vector<16xf32>
        %get3A_757 = arith.constant 1 : i32
        %get3A_758 = arith.index_cast %get3A_757 : i32 to index
        %get3A_759 = arith.index_cast %add3A_743 : i32 to index
        %get3A_760 = arith.constant 32 : index
        %get3A_761 = tpu.vector_load %arg6[%get3A_758, %get3A_759, %get3A_760] {strides = array<i32>} : memref<8x100x64xf32, #tpu.memory_space<vmem>>, vector<1x1x16xf32>,
        %get3A_762 = vector.shape_cast %get3A_761 : vector<1x1x16xf32> to vector<16xf32>
        %add3A_763 = arith.addf %scan3A_738, %get3A_762 : vector<16xf32>
        %get3A_764 = arith.constant 1 : i32
        %get3A_765 = arith.index_cast %get3A_764 : i32 to index
        %get3A_766 = arith.index_cast %add3A_743 : i32 to index
        %get3A_767 = arith.constant 48 : index
        %get3A_768 = tpu.vector_load %arg6[%get3A_765, %get3A_766, %get3A_767] {strides = array<i32>} : memref<8x100x64xf32, #tpu.memory_space<vmem>>, vector<1x1x16xf32>,
        %get3A_769 = vector.shape_cast %get3A_768 : vector<1x1x16xf32> to vector<16xf32>
        %add3A_770 = arith.addf %scan3A_739, %get3A_769 : vector<16xf32>
        %mul3A_771 = arith.constant 10 : i32
        %mul3A_772 = arith.muli %scan3A_735, %mul3A_771 : i32
        %add3A_773 = arith.constant 1 : i32
        %add3A_774 = arith.addi %mul3A_772, %add3A_773 : i32
        %get3A_775 = arith.constant 1 : i32
        %get3A_776 = arith.index_cast %get3A_775 : i32 to index
        %get3A_777 = arith.index_cast %add3A_774 : i32 to index
        %get3A_778 = arith.constant 0 : index
        %get3A_779 = tpu.vector_load %arg6[%get3A_776, %get3A_777, %get3A_778] {strides = array<i32>} : memref<8x100x64xf32, #tpu.memory_space<vmem>>, vector<1x1x16xf32>,
        %get3A_780 = vector.shape_cast %get3A_779 : vector<1x1x16xf32> to vector<16xf32>
        %add3A_781 = arith.addf %add3A_749, %get3A_780 : vector<16xf32>
        %get3A_782 = arith.constant 1 : i32
        %get3A_783 = arith.index_cast %get3A_782 : i32 to index
        %get3A_784 = arith.index_cast %add3A_774 : i32 to index
        %get3A_785 = arith.constant 16 : index
        %get3A_786 = tpu.vector_load %arg6[%get3A_783, %get3A_784, %get3A_785] {strides = array<i32>} : memref<8x100x64xf32, #tpu.memory_space<vmem>>, vector<1x1x16xf32>,
        %get3A_787 = vector.shape_cast %get3A_786 : vector<1x1x16xf32> to vector<16xf32>
        %add3A_788 = arith.addf %add3A_756, %get3A_787 : vector<16xf32>
        %get3A_789 = arith.constant 1 : i32
        %get3A_790 = arith.index_cast %get3A_789 : i32 to index
        %get3A_791 = arith.index_cast %add3A_774 : i32 to index
        %get3A_792 = arith.constant 32 : index
        %get3A_793 = tpu.vector_load %arg6[%get3A_790, %get3A_791, %get3A_792] {strides = array<i32>} : memref<8x100x64xf32, #tpu.memory_space<vmem>>, vector<1x1x16xf32>,
        %get3A_794 = vector.shape_cast %get3A_793 : vector<1x1x16xf32> to vector<16xf32>
        %add3A_795 = arith.addf %add3A_763, %get3A_794 : vector<16xf32>
        %get3A_796 = arith.constant 1 : i32
        %get3A_797 = arith.index_cast %get3A_796 : i32 to index
        %get3A_798 = arith.index_cast %add3A_774 : i32 to index
        %get3A_799 = arith.constant 48 : index
        %get3A_800 = tpu.vector_load %arg6[%get3A_797, %get3A_798, %get3A_799] {strides = array<i32>} : memref<8x100x64xf32, #tpu.memory_space<vmem>>, vector<1x1x16xf32>,
        %get3A_801 = vector.shape_cast %get3A_800 : vector<1x1x16xf32> to vector<16xf32>
        %add3A_802 = arith.addf %add3A_770, %get3A_801 : vector<16xf32>
        %mul3A_803 = arith.constant 10 : i32
        %mul3A_804 = arith.muli %scan3A_735, %mul3A_803 : i32
        %add3A_805 = arith.constant 2 : i32
        %add3A_806 = arith.addi %mul3A_804, %add3A_805 : i32
        %get3A_807 = arith.constant 1 : i32
        %get3A_808 = arith.index_cast %get3A_807 : i32 to index
        %get3A_809 = arith.index_cast %add3A_806 : i32 to index
        %get3A_810 = arith.constant 0 : index
        %get3A_811 = tpu.vector_load %arg6[%get3A_808, %get3A_809, %get3A_810] {strides = array<i32>} : memref<8x100x64xf32, #tpu.memory_space<vmem>>, vector<1x1x16xf32>,
        %get3A_812 = vector.shape_cast %get3A_811 : vector<1x1x16xf32> to vector<16xf32>
        %add3A_813 = arith.addf %add3A_781, %get3A_812 : vector<16xf32>
        %get3A_814 = arith.constant 1 : i32
        %get3A_815 = arith.index_cast %get3A_814 : i32 to index
        %get3A_816 = arith.index_cast %add3A_806 : i32 to index
        %get3A_817 = arith.constant 16 : index
        %get3A_818 = tpu.vector_load %arg6[%get3A_815, %get3A_816, %get3A_817] {strides = array<i32>} : memref<8x100x64xf32, #tpu.memory_space<vmem>>, vector<1x1x16xf32>,
        %get3A_819 = vector.shape_cast %get3A_818 : vector<1x1x16xf32> to vector<16xf32>
        %add3A_820 = arith.addf %add3A_788, %get3A_819 : vector<16xf32>
        %get3A_821 = arith.constant 1 : i32
        %get3A_822 = arith.index_cast %get3A_821 : i32 to index
        %get3A_823 = arith.index_cast %add3A_806 : i32 to index
        %get3A_824 = arith.constant 32 : index
        %get3A_825 = tpu.vector_load %arg6[%get3A_822, %get3A_823, %get3A_824] {strides = array<i32>} : memref<8x100x64xf32, #tpu.memory_space<vmem>>, vector<1x1x16xf32>,
        %get3A_826 = vector.shape_cast %get3A_825 : vector<1x1x16xf32> to vector<16xf32>
        %add3A_827 = arith.addf %add3A_795, %get3A_826 : vector<16xf32>
        %get3A_828 = arith.constant 1 : i32
        %get3A_829 = arith.index_cast %get3A_828 : i32 to index
        %get3A_830 = arith.index_cast %add3A_806 : i32 to index
        %get3A_831 = arith.constant 48 : index
        %get3A_832 = tpu.vector_load %arg6[%get3A_829, %get3A_830, %get3A_831] {strides = array<i32>} : memref<8x100x64xf32, #tpu.memory_space<vmem>>, vector<1x1x16xf32>,
        %get3A_833 = vector.shape_cast %get3A_832 : vector<1x1x16xf32> to vector<16xf32>
        %add3A_834 = arith.addf %add3A_802, %get3A_833 : vector<16xf32>
        %mul3A_835 = arith.constant 10 : i32
        %mul3A_836 = arith.muli %scan3A_735, %mul3A_835 : i32
        %add3A_837 = arith.constant 3 : i32
        %add3A_838 = arith.addi %mul3A_836, %add3A_837 : i32
        %get3A_839 = arith.constant 1 : i32
        %get3A_840 = arith.index_cast %get3A_839 : i32 to index
        %get3A_841 = arith.index_cast %add3A_838 : i32 to index
        %get3A_842 = arith.constant 0 : index
        %get3A_843 = tpu.vector_load %arg6[%get3A_840, %get3A_841, %get3A_842] {strides = array<i32>} : memref<8x100x64xf32, #tpu.memory_space<vmem>>, vector<1x1x16xf32>,
        %get3A_844 = vector.shape_cast %get3A_843 : vector<1x1x16xf32> to vector<16xf32>
        %add3A_845 = arith.addf %add3A_813, %get3A_844 : vector<16xf32>
        %get3A_846 = arith.constant 1 : i32
        %get3A_847 = arith.index_cast %get3A_846 : i32 to index
        %get3A_848 = arith.index_cast %add3A_838 : i32 to index
        %get3A_849 = arith.constant 16 : index
        %get3A_850 = tpu.vector_load %arg6[%get3A_847, %get3A_848, %get3A_849] {strides = array<i32>} : memref<8x100x64xf32, #tpu.memory_space<vmem>>, vector<1x1x16xf32>,
        %get3A_851 = vector.shape_cast %get3A_850 : vector<1x1x16xf32> to vector<16xf32>
        %add3A_852 = arith.addf %add3A_820, %get3A_851 : vector<16xf32>
        %get3A_853 = arith.constant 1 : i32
        %get3A_854 = arith.index_cast %get3A_853 : i32 to index
        %get3A_855 = arith.index_cast %add3A_838 : i32 to index
        %get3A_856 = arith.constant 32 : index
        %get3A_857 = tpu.vector_load %arg6[%get3A_854, %get3A_855, %get3A_856] {strides = array<i32>} : memref<8x100x64xf32, #tpu.memory_space<vmem>>, vector<1x1x16xf32>,
        %get3A_858 = vector.shape_cast %get3A_857 : vector<1x1x16xf32> to vector<16xf32>
        %add3A_859 = arith.addf %add3A_827, %get3A_858 : vector<16xf32>
        %get3A_860 = arith.constant 1 : i32
        %get3A_861 = arith.index_cast %get3A_860 : i32 to index
        %get3A_862 = arith.index_cast %add3A_838 : i32 to index
        %get3A_863 = arith.constant 48 : index
        %get3A_864 = tpu.vector_load %arg6[%get3A_861, %get3A_862, %get3A_863] {strides = array<i32>} : memref<8x100x64xf32, #tpu.memory_space<vmem>>, vector<1x1x16xf32>,
        %get3A_865 = vector.shape_cast %get3A_864 : vector<1x1x16xf32> to vector<16xf32>
        %add3A_866 = arith.addf %add3A_834, %get3A_865 : vector<16xf32>
        %mul3A_867 = arith.constant 10 : i32
        %mul3A_868 = arith.muli %scan3A_735, %mul3A_867 : i32
        %add3A_869 = arith.constant 4 : i32
        %add3A_870 = arith.addi %mul3A_868, %add3A_869 : i32
        %get3A_871 = arith.constant 1 : i32
        %get3A_872 = arith.index_cast %get3A_871 : i32 to index
        %get3A_873 = arith.index_cast %add3A_870 : i32 to index
        %get3A_874 = arith.constant 0 : index
        %get3A_875 = tpu.vector_load %arg6[%get3A_872, %get3A_873, %get3A_874] {strides = array<i32>} : memref<8x100x64xf32, #tpu.memory_space<vmem>>, vector<1x1x16xf32>,
        %get3A_876 = vector.shape_cast %get3A_875 : vector<1x1x16xf32> to vector<16xf32>
        %add3A_877 = arith.addf %add3A_845, %get3A_876 : vector<16xf32>
        %get3A_878 = arith.constant 1 : i32
        %get3A_879 = arith.index_cast %get3A_878 : i32 to index
        %get3A_880 = arith.index_cast %add3A_870 : i32 to index
        %get3A_881 = arith.constant 16 : index
        %get3A_882 = tpu.vector_load %arg6[%get3A_879, %get3A_880, %get3A_881] {strides = array<i32>} : memref<8x100x64xf32, #tpu.memory_space<vmem>>, vector<1x1x16xf32>,
        %get3A_883 = vector.shape_cast %get3A_882 : vector<1x1x16xf32> to vector<16xf32>
        %add3A_884 = arith.addf %add3A_852, %get3A_883 : vector<16xf32>
        %get3A_885 = arith.constant 1 : i32
        %get3A_886 = arith.index_cast %get3A_885 : i32 to index
        %get3A_887 = arith.index_cast %add3A_870 : i32 to index
        %get3A_888 = arith.constant 32 : index
        %get3A_889 = tpu.vector_load %arg6[%get3A_886, %get3A_887, %get3A_888] {strides = array<i32>} : memref<8x100x64xf32, #tpu.memory_space<vmem>>, vector<1x1x16xf32>,
        %get3A_890 = vector.shape_cast %get3A_889 : vector<1x1x16xf32> to vector<16xf32>
        %add3A_891 = arith.addf %add3A_859, %get3A_890 : vector<16xf32>
        %get3A_892 = arith.constant 1 : i32
        %get3A_893 = arith.index_cast %get3A_892 : i32 to index
        %get3A_894 = arith.index_cast %add3A_870 : i32 to index
        %get3A_895 = arith.constant 48 : index
        %get3A_896 = tpu.vector_load %arg6[%get3A_893, %get3A_894, %get3A_895] {strides = array<i32>} : memref<8x100x64xf32, #tpu.memory_space<vmem>>, vector<1x1x16xf32>,
        %get3A_897 = vector.shape_cast %get3A_896 : vector<1x1x16xf32> to vector<16xf32>
        %add3A_898 = arith.addf %add3A_866, %get3A_897 : vector<16xf32>
        %mul3A_899 = arith.constant 10 : i32
        %mul3A_900 = arith.muli %scan3A_735, %mul3A_899 : i32
        %add3A_901 = arith.constant 5 : i32
        %add3A_902 = arith.addi %mul3A_900, %add3A_901 : i32
        %get3A_903 = arith.constant 1 : i32
        %get3A_904 = arith.index_cast %get3A_903 : i32 to index
        %get3A_905 = arith.index_cast %add3A_902 : i32 to index
        %get3A_906 = arith.constant 0 : index
        %get3A_907 = tpu.vector_load %arg6[%get3A_904, %get3A_905, %get3A_906] {strides = array<i32>} : memref<8x100x64xf32, #tpu.memory_space<vmem>>, vector<1x1x16xf32>,
        %get3A_908 = vector.shape_cast %get3A_907 : vector<1x1x16xf32> to vector<16xf32>
        %add3A_909 = arith.addf %add3A_877, %get3A_908 : vector<16xf32>
        %get3A_910 = arith.constant 1 : i32
        %get3A_911 = arith.index_cast %get3A_910 : i32 to index
        %get3A_912 = arith.index_cast %add3A_902 : i32 to index
        %get3A_913 = arith.constant 16 : index
        %get3A_914 = tpu.vector_load %arg6[%get3A_911, %get3A_912, %get3A_913] {strides = array<i32>} : memref<8x100x64xf32, #tpu.memory_space<vmem>>, vector<1x1x16xf32>,
        %get3A_915 = vector.shape_cast %get3A_914 : vector<1x1x16xf32> to vector<16xf32>
        %add3A_916 = arith.addf %add3A_884, %get3A_915 : vector<16xf32>
        %get3A_917 = arith.constant 1 : i32
        %get3A_918 = arith.index_cast %get3A_917 : i32 to index
        %get3A_919 = arith.index_cast %add3A_902 : i32 to index
        %get3A_920 = arith.constant 32 : index
        %get3A_921 = tpu.vector_load %arg6[%get3A_918, %get3A_919, %get3A_920] {strides = array<i32>} : memref<8x100x64xf32, #tpu.memory_space<vmem>>, vector<1x1x16xf32>,
        %get3A_922 = vector.shape_cast %get3A_921 : vector<1x1x16xf32> to vector<16xf32>
        %add3A_923 = arith.addf %add3A_891, %get3A_922 : vector<16xf32>
        %get3A_924 = arith.constant 1 : i32
        %get3A_925 = arith.index_cast %get3A_924 : i32 to index
        %get3A_926 = arith.index_cast %add3A_902 : i32 to index
        %get3A_927 = arith.constant 48 : index
        %get3A_928 = tpu.vector_load %arg6[%get3A_925, %get3A_926, %get3A_927] {strides = array<i32>} : memref<8x100x64xf32, #tpu.memory_space<vmem>>, vector<1x1x16xf32>,
        %get3A_929 = vector.shape_cast %get3A_928 : vector<1x1x16xf32> to vector<16xf32>
        %add3A_930 = arith.addf %add3A_898, %get3A_929 : vector<16xf32>
        %mul3A_931 = arith.constant 10 : i32
        %mul3A_932 = arith.muli %scan3A_735, %mul3A_931 : i32
        %add3A_933 = arith.constant 6 : i32
        %add3A_934 = arith.addi %mul3A_932, %add3A_933 : i32
        %get3A_935 = arith.constant 1 : i32
        %get3A_936 = arith.index_cast %get3A_935 : i32 to index
        %get3A_937 = arith.index_cast %add3A_934 : i32 to index
        %get3A_938 = arith.constant 0 : index
        %get3A_939 = tpu.vector_load %arg6[%get3A_936, %get3A_937, %get3A_938] {strides = array<i32>} : memref<8x100x64xf32, #tpu.memory_space<vmem>>, vector<1x1x16xf32>,
        %get3A_940 = vector.shape_cast %get3A_939 : vector<1x1x16xf32> to vector<16xf32>
        %add3A_941 = arith.addf %add3A_909, %get3A_940 : vector<16xf32>
        %get3A_942 = arith.constant 1 : i32
        %get3A_943 = arith.index_cast %get3A_942 : i32 to index
        %get3A_944 = arith.index_cast %add3A_934 : i32 to index
        %get3A_945 = arith.constant 16 : index
        %get3A_946 = tpu.vector_load %arg6[%get3A_943, %get3A_944, %get3A_945] {strides = array<i32>} : memref<8x100x64xf32, #tpu.memory_space<vmem>>, vector<1x1x16xf32>,
        %get3A_947 = vector.shape_cast %get3A_946 : vector<1x1x16xf32> to vector<16xf32>
        %add3A_948 = arith.addf %add3A_916, %get3A_947 : vector<16xf32>
        %get3A_949 = arith.constant 1 : i32
        %get3A_950 = arith.index_cast %get3A_949 : i32 to index
        %get3A_951 = arith.index_cast %add3A_934 : i32 to index
        %get3A_952 = arith.constant 32 : index
        %get3A_953 = tpu.vector_load %arg6[%get3A_950, %get3A_951, %get3A_952] {strides = array<i32>} : memref<8x100x64xf32, #tpu.memory_space<vmem>>, vector<1x1x16xf32>,
        %get3A_954 = vector.shape_cast %get3A_953 : vector<1x1x16xf32> to vector<16xf32>
        %add3A_955 = arith.addf %add3A_923, %get3A_954 : vector<16xf32>
        %get3A_956 = arith.constant 1 : i32
        %get3A_957 = arith.index_cast %get3A_956 : i32 to index
        %get3A_958 = arith.index_cast %add3A_934 : i32 to index
        %get3A_959 = arith.constant 48 : index
        %get3A_960 = tpu.vector_load %arg6[%get3A_957, %get3A_958, %get3A_959] {strides = array<i32>} : memref<8x100x64xf32, #tpu.memory_space<vmem>>, vector<1x1x16xf32>,
        %get3A_961 = vector.shape_cast %get3A_960 : vector<1x1x16xf32> to vector<16xf32>
        %add3A_962 = arith.addf %add3A_930, %get3A_961 : vector<16xf32>
        %mul3A_963 = arith.constant 10 : i32
        %mul3A_964 = arith.muli %scan3A_735, %mul3A_963 : i32
        %add3A_965 = arith.constant 7 : i32
        %add3A_966 = arith.addi %mul3A_964, %add3A_965 : i32
        %get3A_967 = arith.constant 1 : i32
        %get3A_968 = arith.index_cast %get3A_967 : i32 to index
        %get3A_969 = arith.index_cast %add3A_966 : i32 to index
        %get3A_970 = arith.constant 0 : index
        %get3A_971 = tpu.vector_load %arg6[%get3A_968, %get3A_969, %get3A_970] {strides = array<i32>} : memref<8x100x64xf32, #tpu.memory_space<vmem>>, vector<1x1x16xf32>,
        %get3A_972 = vector.shape_cast %get3A_971 : vector<1x1x16xf32> to vector<16xf32>
        %add3A_973 = arith.addf %add3A_941, %get3A_972 : vector<16xf32>
        %get3A_974 = arith.constant 1 : i32
        %get3A_975 = arith.index_cast %get3A_974 : i32 to index
        %get3A_976 = arith.index_cast %add3A_966 : i32 to index
        %get3A_977 = arith.constant 16 : index
        %get3A_978 = tpu.vector_load %arg6[%get3A_975, %get3A_976, %get3A_977] {strides = array<i32>} : memref<8x100x64xf32, #tpu.memory_space<vmem>>, vector<1x1x16xf32>,
        %get3A_979 = vector.shape_cast %get3A_978 : vector<1x1x16xf32> to vector<16xf32>
        %add3A_980 = arith.addf %add3A_948, %get3A_979 : vector<16xf32>
        %get3A_981 = arith.constant 1 : i32
        %get3A_982 = arith.index_cast %get3A_981 : i32 to index
        %get3A_983 = arith.index_cast %add3A_966 : i32 to index
        %get3A_984 = arith.constant 32 : index
        %get3A_985 = tpu.vector_load %arg6[%get3A_982, %get3A_983, %get3A_984] {strides = array<i32>} : memref<8x100x64xf32, #tpu.memory_space<vmem>>, vector<1x1x16xf32>,
        %get3A_986 = vector.shape_cast %get3A_985 : vector<1x1x16xf32> to vector<16xf32>
        %add3A_987 = arith.addf %add3A_955, %get3A_986 : vector<16xf32>
        %get3A_988 = arith.constant 1 : i32
        %get3A_989 = arith.index_cast %get3A_988 : i32 to index
        %get3A_990 = arith.index_cast %add3A_966 : i32 to index
        %get3A_991 = arith.constant 48 : index
        %get3A_992 = tpu.vector_load %arg6[%get3A_989, %get3A_990, %get3A_991] {strides = array<i32>} : memref<8x100x64xf32, #tpu.memory_space<vmem>>, vector<1x1x16xf32>,
        %get3A_993 = vector.shape_cast %get3A_992 : vector<1x1x16xf32> to vector<16xf32>
        %add3A_994 = arith.addf %add3A_962, %get3A_993 : vector<16xf32>
        %mul3A_995 = arith.constant 10 : i32
        %mul3A_996 = arith.muli %scan3A_735, %mul3A_995 : i32
        %add3A_997 = arith.constant 8 : i32
        %add3A_998 = arith.addi %mul3A_996, %add3A_997 : i32
        %get3A_999 = arith.constant 1 : i32
        %get3A_1000 = arith.index_cast %get3A_999 : i32 to index
        %get3A_1001 = arith.index_cast %add3A_998 : i32 to index
        %get3A_1002 = arith.constant 0 : index
        %get3A_1003 = tpu.vector_load %arg6[%get3A_1000, %get3A_1001, %get3A_1002] {strides = array<i32>} : memref<8x100x64xf32, #tpu.memory_space<vmem>>, vector<1x1x16xf32>,
        %get3A_1004 = vector.shape_cast %get3A_1003 : vector<1x1x16xf32> to vector<16xf32>
        %add3A_1005 = arith.addf %add3A_973, %get3A_1004 : vector<16xf32>
        %get3A_1006 = arith.constant 1 : i32
        %get3A_1007 = arith.index_cast %get3A_1006 : i32 to index
        %get3A_1008 = arith.index_cast %add3A_998 : i32 to index
        %get3A_1009 = arith.constant 16 : index
        %get3A_1010 = tpu.vector_load %arg6[%get3A_1007, %get3A_1008, %get3A_1009] {strides = array<i32>} : memref<8x100x64xf32, #tpu.memory_space<vmem>>, vector<1x1x16xf32>,
        %get3A_1011 = vector.shape_cast %get3A_1010 : vector<1x1x16xf32> to vector<16xf32>
        %add3A_1012 = arith.addf %add3A_980, %get3A_1011 : vector<16xf32>
        %get3A_1013 = arith.constant 1 : i32
        %get3A_1014 = arith.index_cast %get3A_1013 : i32 to index
        %get3A_1015 = arith.index_cast %add3A_998 : i32 to index
        %get3A_1016 = arith.constant 32 : index
        %get3A_1017 = tpu.vector_load %arg6[%get3A_1014, %get3A_1015, %get3A_1016] {strides = array<i32>} : memref<8x100x64xf32, #tpu.memory_space<vmem>>, vector<1x1x16xf32>,
        %get3A_1018 = vector.shape_cast %get3A_1017 : vector<1x1x16xf32> to vector<16xf32>
        %add3A_1019 = arith.addf %add3A_987, %get3A_1018 : vector<16xf32>
        %get3A_1020 = arith.constant 1 : i32
        %get3A_1021 = arith.index_cast %get3A_1020 : i32 to index
        %get3A_1022 = arith.index_cast %add3A_998 : i32 to index
        %get3A_1023 = arith.constant 48 : index
        %get3A_1024 = tpu.vector_load %arg6[%get3A_1021, %get3A_1022, %get3A_1023] {strides = array<i32>} : memref<8x100x64xf32, #tpu.memory_space<vmem>>, vector<1x1x16xf32>,
        %get3A_1025 = vector.shape_cast %get3A_1024 : vector<1x1x16xf32> to vector<16xf32>
        %add3A_1026 = arith.addf %add3A_994, %get3A_1025 : vector<16xf32>
        %mul3A_1027 = arith.constant 10 : i32
        %mul3A_1028 = arith.muli %scan3A_735, %mul3A_1027 : i32
        %add3A_1029 = arith.constant 9 : i32
        %add3A_1030 = arith.addi %mul3A_1028, %add3A_1029 : i32
        %get3A_1031 = arith.constant 1 : i32
        %get3A_1032 = arith.index_cast %get3A_1031 : i32 to index
        %get3A_1033 = arith.index_cast %add3A_1030 : i32 to index
        %get3A_1034 = arith.constant 0 : index
        %get3A_1035 = tpu.vector_load %arg6[%get3A_1032, %get3A_1033, %get3A_1034] {strides = array<i32>} : memref<8x100x64xf32, #tpu.memory_space<vmem>>, vector<1x1x16xf32>,
        %get3A_1036 = vector.shape_cast %get3A_1035 : vector<1x1x16xf32> to vector<16xf32>
        %add3A_1037 = arith.addf %add3A_1005, %get3A_1036 : vector<16xf32>
        %get3A_1038 = arith.constant 1 : i32
        %get3A_1039 = arith.index_cast %get3A_1038 : i32 to index
        %get3A_1040 = arith.index_cast %add3A_1030 : i32 to index
        %get3A_1041 = arith.constant 16 : index
        %get3A_1042 = tpu.vector_load %arg6[%get3A_1039, %get3A_1040, %get3A_1041] {strides = array<i32>} : memref<8x100x64xf32, #tpu.memory_space<vmem>>, vector<1x1x16xf32>,
        %get3A_1043 = vector.shape_cast %get3A_1042 : vector<1x1x16xf32> to vector<16xf32>
        %add3A_1044 = arith.addf %add3A_1012, %get3A_1043 : vector<16xf32>
        %get3A_1045 = arith.constant 1 : i32
        %get3A_1046 = arith.index_cast %get3A_1045 : i32 to index
        %get3A_1047 = arith.index_cast %add3A_1030 : i32 to index
        %get3A_1048 = arith.constant 32 : index
        %get3A_1049 = tpu.vector_load %arg6[%get3A_1046, %get3A_1047, %get3A_1048] {strides = array<i32>} : memref<8x100x64xf32, #tpu.memory_space<vmem>>, vector<1x1x16xf32>,
        %get3A_1050 = vector.shape_cast %get3A_1049 : vector<1x1x16xf32> to vector<16xf32>
        %add3A_1051 = arith.addf %add3A_1019, %get3A_1050 : vector<16xf32>
        %get3A_1052 = arith.constant 1 : i32
        %get3A_1053 = arith.index_cast %get3A_1052 : i32 to index
        %get3A_1054 = arith.index_cast %add3A_1030 : i32 to index
        %get3A_1055 = arith.constant 48 : index
        %get3A_1056 = tpu.vector_load %arg6[%get3A_1053, %get3A_1054, %get3A_1055] {strides = array<i32>} : memref<8x100x64xf32, #tpu.memory_space<vmem>>, vector<1x1x16xf32>,
        %get3A_1057 = vector.shape_cast %get3A_1056 : vector<1x1x16xf32> to vector<16xf32>
        %add3A_1058 = arith.addf %add3A_1026, %get3A_1057 : vector<16xf32>
        scf.yield %add3A_1037, %add3A_1044, %add3A_1051, %add3A_1058 : vector<16xf32>, vector<16xf32>, vector<16xf32>, vector<16xf32>
      }
      %scan3A_314 = arith.constant 10 : i32
      %add3A_315 = arith.constant 8 : i32
      %add3A_316 = arith.addi %add3A_294, %add3A_315 : i32
      %min3A_317 = arith.constant 63 : i32
      %min3A_318 = arith.minsi %add3A_316, %min3A_317 : i32
      %dma_start3A_319 = arith.constant 1 : i32
      %dma_start3A_320 = arith.constant 1 : i32
      %dma_start3A_321 = arith.constant 0 : i32
      %dma_start3A_322 = arith.constant 0 : i32
      %dma_start3A_323 = tpu.memref_slice %arg6[%dma_start3A_319, %dma_start3A_321, %dma_start3A_322] : memref<8x100x64xf32, #tpu.memory_space<vmem>> -> memref<1x100x64xf32, #tpu.memory_space<vmem>>
      %dma_start3A_324 = tpu.memref_squeeze %dma_start3A_323 : memref<1x100x64xf32, #tpu.memory_space<vmem>> -> memref<100x64xf32, #tpu.memory_space<vmem>>
      %dma_start3A_325 = arith.constant 0 : i32
      %dma_start3A_326 = tpu.memref_slice %arg5[%min3A_318, %dma_start3A_325] : memref<64x100xi32, #tpu.memory_space<vmem>> -> memref<1x100xi32, #tpu.memory_space<vmem>>
      %dma_start3A_327 = tpu.memref_squeeze %dma_start3A_326 : memref<1x100xi32, #tpu.memory_space<vmem>> -> memref<100xi32, #tpu.memory_space<vmem>>
      %dma_start3A_328 = arith.constant 0 : i32
      %dma_start3A_329 = arith.constant 0 : i32
      %dma_start3A_330 = tpu.memref_slice %arg3[%dma_start3A_328, %dma_start3A_329] : memref<100000x64xf32, #tpu.memory_space<hbm>> -> memref<100000x64xf32, #tpu.memory_space<hbm>>
      %dma_start3A_331 = tpu.memref_slice %arg8[%dma_start3A_320] : memref<8x!tpu.dma_semaphore, #tpu.memory_space<semaphore_mem>> -> memref<1x!tpu.dma_semaphore, #tpu.memory_space<semaphore_mem>>
      %dma_start3A_332 = tpu.memref_squeeze %dma_start3A_331 : memref<1x!tpu.dma_semaphore, #tpu.memory_space<semaphore_mem>> -> memref<!tpu.dma_semaphore, #tpu.memory_space<semaphore_mem>>
      tpu.enqueue_indirect_dma source(%dma_start3A_330 : memref<100000x64xf32, #tpu.memory_space<hbm>>) target(%dma_start3A_324 : memref<100x64xf32, #tpu.memory_space<vmem>>) offsets(%dma_start3A_327 : memref<100xi32, #tpu.memory_space<vmem>>) semaphore(%dma_start3A_332 : memref<!tpu.dma_semaphore, #tpu.memory_space<semaphore_mem>>)
      %mul3A_333 = arith.constant 4 : i32
      %mul3A_334 = arith.muli %scan3A_247, %mul3A_333 : i32
      %add3A_335 = arith.constant 0 : i32
      %add3A_336 = arith.addi %mul3A_334, %add3A_335 : i32
      %mul3A_337 = arith.constant 5.000000e-03 : f32
      %mul3A_338 = vector.broadcast %mul3A_337 : f32 to vector<16xf32>
      %mul3A_339 = arith.mulf %scan3A_313#0, %mul3A_338 : vector<16xf32>
      %swap3A = arith.index_cast %add3A_336 : i32 to index
      %swap3A_340 = arith.constant 0 : index
      %swap3A_341 = tpu.vector_load %arg7[%swap3A, %swap3A_340] {strides = array<i32>} : memref<32x64xf32, #tpu.memory_space<vmem>>, vector<1x16xf32>,
      %swap3A_342 = vector.shape_cast %swap3A_341 : vector<1x16xf32> to vector<16xf32>
      %swap3A_343 = vector.shape_cast %mul3A_339 : vector<16xf32> to vector<1x16xf32>
      tpu.vector_store %arg7[%swap3A, %swap3A_340], %swap3A_343 {strides = array<i32>} : memref<32x64xf32, #tpu.memory_space<vmem>>, vector<1x16xf32>,
      %mul3A_344 = arith.constant 5.000000e-03 : f32
      %mul3A_345 = vector.broadcast %mul3A_344 : f32 to vector<16xf32>
      %mul3A_346 = arith.mulf %scan3A_313#1, %mul3A_345 : vector<16xf32>
      %swap3A_347 = arith.index_cast %add3A_336 : i32 to index
      %swap3A_348 = arith.constant 16 : index
      %swap3A_349 = tpu.vector_load %arg7[%swap3A_347, %swap3A_348] {strides = array<i32>} : memref<32x64xf32, #tpu.memory_space<vmem>>, vector<1x16xf32>,
      %swap3A_350 = vector.shape_cast %swap3A_349 : vector<1x16xf32> to vector<16xf32>
      %swap3A_351 = vector.shape_cast %mul3A_346 : vector<16xf32> to vector<1x16xf32>
      tpu.vector_store %arg7[%swap3A_347, %swap3A_348], %swap3A_351 {strides = array<i32>} : memref<32x64xf32, #tpu.memory_space<vmem>>, vector<1x16xf32>,
      %mul3A_352 = arith.constant 5.000000e-03 : f32
      %mul3A_353 = vector.broadcast %mul3A_352 : f32 to vector<16xf32>
      %mul3A_354 = arith.mulf %scan3A_313#2, %mul3A_353 : vector<16xf32>
      %swap3A_355 = arith.index_cast %add3A_336 : i32 to index
      %swap3A_356 = arith.constant 32 : index
      %swap3A_357 = tpu.vector_load %arg7[%swap3A_355, %swap3A_356] {strides = array<i32>} : memref<32x64xf32, #tpu.memory_space<vmem>>, vector<1x16xf32>,
      %swap3A_358 = vector.shape_cast %swap3A_357 : vector<1x16xf32> to vector<16xf32>
      %swap3A_359 = vector.shape_cast %mul3A_354 : vector<16xf32> to vector<1x16xf32>
      tpu.vector_store %arg7[%swap3A_355, %swap3A_356], %swap3A_359 {strides = array<i32>} : memref<32x64xf32, #tpu.memory_space<vmem>>, vector<1x16xf32>,
      %mul3A_360 = arith.constant 5.000000e-03 : f32
      %mul3A_361 = vector.broadcast %mul3A_360 : f32 to vector<16xf32>
      %mul3A_362 = arith.mulf %scan3A_313#3, %mul3A_361 : vector<16xf32>
      %swap3A_363 = arith.index_cast %add3A_336 : i32 to index
      %swap3A_364 = arith.constant 48 : index
      %swap3A_365 = tpu.vector_load %arg7[%swap3A_363, %swap3A_364] {strides = array<i32>} : memref<32x64xf32, #tpu.memory_space<vmem>>, vector<1x16xf32>,
      %swap3A_366 = vector.shape_cast %swap3A_365 : vector<1x16xf32> to vector<16xf32>
      %swap3A_367 = vector.shape_cast %mul3A_362 : vector<16xf32> to vector<1x16xf32>
      tpu.vector_store %arg7[%swap3A_363, %swap3A_364], %swap3A_367 {strides = array<i32>} : memref<32x64xf32, #tpu.memory_space<vmem>>, vector<1x16xf32>,
      %broadcast_in_dim3A_368 = arith.constant 0.000000e+00 : f32
      %broadcast_in_dim3A_369 = vector.broadcast %broadcast_in_dim3A_368 : f32 to vector<16xf32>
      %mul3A_370 = arith.constant 8 : i32
      %mul3A_371 = arith.muli %scan3A_247, %mul3A_370 : i32
      %add3A_372 = arith.constant 2 : i32
      %add3A_373 = arith.addi %mul3A_371, %add3A_372 : i32
      %dma_wait3A_374 = arith.constant 2 : i32
      %dma_wait3A_375 = arith.constant 2 : i32
      %dma_wait3A_376 = arith.constant 0 : i32
      %dma_wait3A_377 = arith.constant 0 : i32
      %dma_wait3A_378 = tpu.memref_slice %arg6[%dma_wait3A_374, %dma_wait3A_376, %dma_wait3A_377] : memref<8x100x64xf32, #tpu.memory_space<vmem>> -> memref<1x100x64xf32, #tpu.memory_space<vmem>>
      %dma_wait3A_379 = tpu.memref_squeeze %dma_wait3A_378 : memref<1x100x64xf32, #tpu.memory_space<vmem>> -> memref<100x64xf32, #tpu.memory_space<vmem>>
      %dma_wait3A_380 = arith.constant 0 : i32
      %dma_wait3A_381 = tpu.memref_slice %arg5[%add3A_373, %dma_wait3A_380] : memref<64x100xi32, #tpu.memory_space<vmem>> -> memref<1x100xi32, #tpu.memory_space<vmem>>
      %dma_wait3A_382 = tpu.memref_squeeze %dma_wait3A_381 : memref<1x100xi32, #tpu.memory_space<vmem>> -> memref<100xi32, #tpu.memory_space<vmem>>
      %dma_wait3A_383 = arith.constant 0 : i32
      %dma_wait3A_384 = arith.constant 0 : i32
      %dma_wait3A_385 = tpu.memref_slice %arg3[%dma_wait3A_383, %dma_wait3A_384] : memref<100000x64xf32, #tpu.memory_space<hbm>> -> memref<100000x64xf32, #tpu.memory_space<hbm>>
      %dma_wait3A_386 = tpu.memref_slice %arg8[%dma_wait3A_375] : memref<8x!tpu.dma_semaphore, #tpu.memory_space<semaphore_mem>> -> memref<1x!tpu.dma_semaphore, #tpu.memory_space<semaphore_mem>>
      %dma_wait3A_387 = tpu.memref_squeeze %dma_wait3A_386 : memref<1x!tpu.dma_semaphore, #tpu.memory_space<semaphore_mem>> -> memref<!tpu.dma_semaphore, #tpu.memory_space<semaphore_mem>>
      tpu.wait_indirect_dma semaphore(%dma_wait3A_387 : memref<!tpu.dma_semaphore, #tpu.memory_space<semaphore_mem>>) src(%dma_wait3A_385 : memref<100000x64xf32, #tpu.memory_space<hbm>>) dst(%dma_wait3A_379 : memref<100x64xf32, #tpu.memory_space<vmem>>)
      %scan3A_388 = arith.constant 0 : i32
      %scan3A_389 = arith.constant 10 : i32
      %scan3A_390 = arith.addi %scan3A_388, %scan3A_389 : i32
      %scan3A_391 = arith.constant 1 : i32
      %scan3A_392:4 = scf.for %scan3A_735 = %scan3A_388 to %scan3A_390 step %scan3A_391 iter_args(%scan3A_736 = %broadcast_in_dim3A_369, %scan3A_737 = %broadcast_in_dim3A_369, %scan3A_738 = %broadcast_in_dim3A_369, %scan3A_739 = %broadcast_in_dim3A_369) -> (vector<16xf32>, vector<16xf32>, vector<16xf32>, vector<16xf32>)  : i32 {
        %mul3A_740 = arith.constant 10 : i32
        %mul3A_741 = arith.muli %scan3A_735, %mul3A_740 : i32
        %add3A_742 = arith.constant 0 : i32
        %add3A_743 = arith.addi %mul3A_741, %add3A_742 : i32
        %get3A = arith.constant 2 : i32
        %get3A_744 = arith.index_cast %get3A : i32 to index
        %get3A_745 = arith.index_cast %add3A_743 : i32 to index
        %get3A_746 = arith.constant 0 : index
        %get3A_747 = tpu.vector_load %arg6[%get3A_744, %get3A_745, %get3A_746] {strides = array<i32>} : memref<8x100x64xf32, #tpu.memory_space<vmem>>, vector<1x1x16xf32>,
        %get3A_748 = vector.shape_cast %get3A_747 : vector<1x1x16xf32> to vector<16xf32>
        %add3A_749 = arith.addf %scan3A_736, %get3A_748 : vector<16xf32>
        %get3A_750 = arith.constant 2 : i32
        %get3A_751 = arith.index_cast %get3A_750 : i32 to index
        %get3A_752 = arith.index_cast %add3A_743 : i32 to index
        %get3A_753 = arith.constant 16 : index
        %get3A_754 = tpu.vector_load %arg6[%get3A_751, %get3A_752, %get3A_753] {strides = array<i32>} : memref<8x100x64xf32, #tpu.memory_space<vmem>>, vector<1x1x16xf32>,
        %get3A_755 = vector.shape_cast %get3A_754 : vector<1x1x16xf32> to vector<16xf32>
        %add3A_756 = arith.addf %scan3A_737, %get3A_755 : vector<16xf32>
        %get3A_757 = arith.constant 2 : i32
        %get3A_758 = arith.index_cast %get3A_757 : i32 to index
        %get3A_759 = arith.index_cast %add3A_743 : i32 to index
        %get3A_760 = arith.constant 32 : index
        %get3A_761 = tpu.vector_load %arg6[%get3A_758, %get3A_759, %get3A_760] {strides = array<i32>} : memref<8x100x64xf32, #tpu.memory_space<vmem>>, vector<1x1x16xf32>,
        %get3A_762 = vector.shape_cast %get3A_761 : vector<1x1x16xf32> to vector<16xf32>
        %add3A_763 = arith.addf %scan3A_738, %get3A_762 : vector<16xf32>
        %get3A_764 = arith.constant 2 : i32
        %get3A_765 = arith.index_cast %get3A_764 : i32 to index
        %get3A_766 = arith.index_cast %add3A_743 : i32 to index
        %get3A_767 = arith.constant 48 : index
        %get3A_768 = tpu.vector_load %arg6[%get3A_765, %get3A_766, %get3A_767] {strides = array<i32>} : memref<8x100x64xf32, #tpu.memory_space<vmem>>, vector<1x1x16xf32>,
        %get3A_769 = vector.shape_cast %get3A_768 : vector<1x1x16xf32> to vector<16xf32>
        %add3A_770 = arith.addf %scan3A_739, %get3A_769 : vector<16xf32>
        %mul3A_771 = arith.constant 10 : i32
        %mul3A_772 = arith.muli %scan3A_735, %mul3A_771 : i32
        %add3A_773 = arith.constant 1 : i32
        %add3A_774 = arith.addi %mul3A_772, %add3A_773 : i32
        %get3A_775 = arith.constant 2 : i32
        %get3A_776 = arith.index_cast %get3A_775 : i32 to index
        %get3A_777 = arith.index_cast %add3A_774 : i32 to index
        %get3A_778 = arith.constant 0 : index
        %get3A_779 = tpu.vector_load %arg6[%get3A_776, %get3A_777, %get3A_778] {strides = array<i32>} : memref<8x100x64xf32, #tpu.memory_space<vmem>>, vector<1x1x16xf32>,
        %get3A_780 = vector.shape_cast %get3A_779 : vector<1x1x16xf32> to vector<16xf32>
        %add3A_781 = arith.addf %add3A_749, %get3A_780 : vector<16xf32>
        %get3A_782 = arith.constant 2 : i32
        %get3A_783 = arith.index_cast %get3A_782 : i32 to index
        %get3A_784 = arith.index_cast %add3A_774 : i32 to index
        %get3A_785 = arith.constant 16 : index
        %get3A_786 = tpu.vector_load %arg6[%get3A_783, %get3A_784, %get3A_785] {strides = array<i32>} : memref<8x100x64xf32, #tpu.memory_space<vmem>>, vector<1x1x16xf32>,
        %get3A_787 = vector.shape_cast %get3A_786 : vector<1x1x16xf32> to vector<16xf32>
        %add3A_788 = arith.addf %add3A_756, %get3A_787 : vector<16xf32>
        %get3A_789 = arith.constant 2 : i32
        %get3A_790 = arith.index_cast %get3A_789 : i32 to index
        %get3A_791 = arith.index_cast %add3A_774 : i32 to index
        %get3A_792 = arith.constant 32 : index
        %get3A_793 = tpu.vector_load %arg6[%get3A_790, %get3A_791, %get3A_792] {strides = array<i32>} : memref<8x100x64xf32, #tpu.memory_space<vmem>>, vector<1x1x16xf32>,
        %get3A_794 = vector.shape_cast %get3A_793 : vector<1x1x16xf32> to vector<16xf32>
        %add3A_795 = arith.addf %add3A_763, %get3A_794 : vector<16xf32>
        %get3A_796 = arith.constant 2 : i32
        %get3A_797 = arith.index_cast %get3A_796 : i32 to index
        %get3A_798 = arith.index_cast %add3A_774 : i32 to index
        %get3A_799 = arith.constant 48 : index
        %get3A_800 = tpu.vector_load %arg6[%get3A_797, %get3A_798, %get3A_799] {strides = array<i32>} : memref<8x100x64xf32, #tpu.memory_space<vmem>>, vector<1x1x16xf32>,
        %get3A_801 = vector.shape_cast %get3A_800 : vector<1x1x16xf32> to vector<16xf32>
        %add3A_802 = arith.addf %add3A_770, %get3A_801 : vector<16xf32>
        %mul3A_803 = arith.constant 10 : i32
        %mul3A_804 = arith.muli %scan3A_735, %mul3A_803 : i32
        %add3A_805 = arith.constant 2 : i32
        %add3A_806 = arith.addi %mul3A_804, %add3A_805 : i32
        %get3A_807 = arith.constant 2 : i32
        %get3A_808 = arith.index_cast %get3A_807 : i32 to index
        %get3A_809 = arith.index_cast %add3A_806 : i32 to index
        %get3A_810 = arith.constant 0 : index
        %get3A_811 = tpu.vector_load %arg6[%get3A_808, %get3A_809, %get3A_810] {strides = array<i32>} : memref<8x100x64xf32, #tpu.memory_space<vmem>>, vector<1x1x16xf32>,
        %get3A_812 = vector.shape_cast %get3A_811 : vector<1x1x16xf32> to vector<16xf32>
        %add3A_813 = arith.addf %add3A_781, %get3A_812 : vector<16xf32>
        %get3A_814 = arith.constant 2 : i32
        %get3A_815 = arith.index_cast %get3A_814 : i32 to index
        %get3A_816 = arith.index_cast %add3A_806 : i32 to index
        %get3A_817 = arith.constant 16 : index
        %get3A_818 = tpu.vector_load %arg6[%get3A_815, %get3A_816, %get3A_817] {strides = array<i32>} : memref<8x100x64xf32, #tpu.memory_space<vmem>>, vector<1x1x16xf32>,
        %get3A_819 = vector.shape_cast %get3A_818 : vector<1x1x16xf32> to vector<16xf32>
        %add3A_820 = arith.addf %add3A_788, %get3A_819 : vector<16xf32>
        %get3A_821 = arith.constant 2 : i32
        %get3A_822 = arith.index_cast %get3A_821 : i32 to index
        %get3A_823 = arith.index_cast %add3A_806 : i32 to index
        %get3A_824 = arith.constant 32 : index
        %get3A_825 = tpu.vector_load %arg6[%get3A_822, %get3A_823, %get3A_824] {strides = array<i32>} : memref<8x100x64xf32, #tpu.memory_space<vmem>>, vector<1x1x16xf32>,
        %get3A_826 = vector.shape_cast %get3A_825 : vector<1x1x16xf32> to vector<16xf32>
        %add3A_827 = arith.addf %add3A_795, %get3A_826 : vector<16xf32>
        %get3A_828 = arith.constant 2 : i32
        %get3A_829 = arith.index_cast %get3A_828 : i32 to index
        %get3A_830 = arith.index_cast %add3A_806 : i32 to index
        %get3A_831 = arith.constant 48 : index
        %get3A_832 = tpu.vector_load %arg6[%get3A_829, %get3A_830, %get3A_831] {strides = array<i32>} : memref<8x100x64xf32, #tpu.memory_space<vmem>>, vector<1x1x16xf32>,
        %get3A_833 = vector.shape_cast %get3A_832 : vector<1x1x16xf32> to vector<16xf32>
        %add3A_834 = arith.addf %add3A_802, %get3A_833 : vector<16xf32>
        %mul3A_835 = arith.constant 10 : i32
        %mul3A_836 = arith.muli %scan3A_735, %mul3A_835 : i32
        %add3A_837 = arith.constant 3 : i32
        %add3A_838 = arith.addi %mul3A_836, %add3A_837 : i32
        %get3A_839 = arith.constant 2 : i32
        %get3A_840 = arith.index_cast %get3A_839 : i32 to index
        %get3A_841 = arith.index_cast %add3A_838 : i32 to index
        %get3A_842 = arith.constant 0 : index
        %get3A_843 = tpu.vector_load %arg6[%get3A_840, %get3A_841, %get3A_842] {strides = array<i32>} : memref<8x100x64xf32, #tpu.memory_space<vmem>>, vector<1x1x16xf32>,
        %get3A_844 = vector.shape_cast %get3A_843 : vector<1x1x16xf32> to vector<16xf32>
        %add3A_845 = arith.addf %add3A_813, %get3A_844 : vector<16xf32>
        %get3A_846 = arith.constant 2 : i32
        %get3A_847 = arith.index_cast %get3A_846 : i32 to index
        %get3A_848 = arith.index_cast %add3A_838 : i32 to index
        %get3A_849 = arith.constant 16 : index
        %get3A_850 = tpu.vector_load %arg6[%get3A_847, %get3A_848, %get3A_849] {strides = array<i32>} : memref<8x100x64xf32, #tpu.memory_space<vmem>>, vector<1x1x16xf32>,
        %get3A_851 = vector.shape_cast %get3A_850 : vector<1x1x16xf32> to vector<16xf32>
        %add3A_852 = arith.addf %add3A_820, %get3A_851 : vector<16xf32>
        %get3A_853 = arith.constant 2 : i32
        %get3A_854 = arith.index_cast %get3A_853 : i32 to index
        %get3A_855 = arith.index_cast %add3A_838 : i32 to index
        %get3A_856 = arith.constant 32 : index
        %get3A_857 = tpu.vector_load %arg6[%get3A_854, %get3A_855, %get3A_856] {strides = array<i32>} : memref<8x100x64xf32, #tpu.memory_space<vmem>>, vector<1x1x16xf32>,
        %get3A_858 = vector.shape_cast %get3A_857 : vector<1x1x16xf32> to vector<16xf32>
        %add3A_859 = arith.addf %add3A_827, %get3A_858 : vector<16xf32>
        %get3A_860 = arith.constant 2 : i32
        %get3A_861 = arith.index_cast %get3A_860 : i32 to index
        %get3A_862 = arith.index_cast %add3A_838 : i32 to index
        %get3A_863 = arith.constant 48 : index
        %get3A_864 = tpu.vector_load %arg6[%get3A_861, %get3A_862, %get3A_863] {strides = array<i32>} : memref<8x100x64xf32, #tpu.memory_space<vmem>>, vector<1x1x16xf32>,
        %get3A_865 = vector.shape_cast %get3A_864 : vector<1x1x16xf32> to vector<16xf32>
        %add3A_866 = arith.addf %add3A_834, %get3A_865 : vector<16xf32>
        %mul3A_867 = arith.constant 10 : i32
        %mul3A_868 = arith.muli %scan3A_735, %mul3A_867 : i32
        %add3A_869 = arith.constant 4 : i32
        %add3A_870 = arith.addi %mul3A_868, %add3A_869 : i32
        %get3A_871 = arith.constant 2 : i32
        %get3A_872 = arith.index_cast %get3A_871 : i32 to index
        %get3A_873 = arith.index_cast %add3A_870 : i32 to index
        %get3A_874 = arith.constant 0 : index
        %get3A_875 = tpu.vector_load %arg6[%get3A_872, %get3A_873, %get3A_874] {strides = array<i32>} : memref<8x100x64xf32, #tpu.memory_space<vmem>>, vector<1x1x16xf32>,
        %get3A_876 = vector.shape_cast %get3A_875 : vector<1x1x16xf32> to vector<16xf32>
        %add3A_877 = arith.addf %add3A_845, %get3A_876 : vector<16xf32>
        %get3A_878 = arith.constant 2 : i32
        %get3A_879 = arith.index_cast %get3A_878 : i32 to index
        %get3A_880 = arith.index_cast %add3A_870 : i32 to index
        %get3A_881 = arith.constant 16 : index
        %get3A_882 = tpu.vector_load %arg6[%get3A_879, %get3A_880, %get3A_881] {strides = array<i32>} : memref<8x100x64xf32, #tpu.memory_space<vmem>>, vector<1x1x16xf32>,
        %get3A_883 = vector.shape_cast %get3A_882 : vector<1x1x16xf32> to vector<16xf32>
        %add3A_884 = arith.addf %add3A_852, %get3A_883 : vector<16xf32>
        %get3A_885 = arith.constant 2 : i32
        %get3A_886 = arith.index_cast %get3A_885 : i32 to index
        %get3A_887 = arith.index_cast %add3A_870 : i32 to index
        %get3A_888 = arith.constant 32 : index
        %get3A_889 = tpu.vector_load %arg6[%get3A_886, %get3A_887, %get3A_888] {strides = array<i32>} : memref<8x100x64xf32, #tpu.memory_space<vmem>>, vector<1x1x16xf32>,
        %get3A_890 = vector.shape_cast %get3A_889 : vector<1x1x16xf32> to vector<16xf32>
        %add3A_891 = arith.addf %add3A_859, %get3A_890 : vector<16xf32>
        %get3A_892 = arith.constant 2 : i32
        %get3A_893 = arith.index_cast %get3A_892 : i32 to index
        %get3A_894 = arith.index_cast %add3A_870 : i32 to index
        %get3A_895 = arith.constant 48 : index
        %get3A_896 = tpu.vector_load %arg6[%get3A_893, %get3A_894, %get3A_895] {strides = array<i32>} : memref<8x100x64xf32, #tpu.memory_space<vmem>>, vector<1x1x16xf32>,
        %get3A_897 = vector.shape_cast %get3A_896 : vector<1x1x16xf32> to vector<16xf32>
        %add3A_898 = arith.addf %add3A_866, %get3A_897 : vector<16xf32>
        %mul3A_899 = arith.constant 10 : i32
        %mul3A_900 = arith.muli %scan3A_735, %mul3A_899 : i32
        %add3A_901 = arith.constant 5 : i32
        %add3A_902 = arith.addi %mul3A_900, %add3A_901 : i32
        %get3A_903 = arith.constant 2 : i32
        %get3A_904 = arith.index_cast %get3A_903 : i32 to index
        %get3A_905 = arith.index_cast %add3A_902 : i32 to index
        %get3A_906 = arith.constant 0 : index
        %get3A_907 = tpu.vector_load %arg6[%get3A_904, %get3A_905, %get3A_906] {strides = array<i32>} : memref<8x100x64xf32, #tpu.memory_space<vmem>>, vector<1x1x16xf32>,
        %get3A_908 = vector.shape_cast %get3A_907 : vector<1x1x16xf32> to vector<16xf32>
        %add3A_909 = arith.addf %add3A_877, %get3A_908 : vector<16xf32>
        %get3A_910 = arith.constant 2 : i32
        %get3A_911 = arith.index_cast %get3A_910 : i32 to index
        %get3A_912 = arith.index_cast %add3A_902 : i32 to index
        %get3A_913 = arith.constant 16 : index
        %get3A_914 = tpu.vector_load %arg6[%get3A_911, %get3A_912, %get3A_913] {strides = array<i32>} : memref<8x100x64xf32, #tpu.memory_space<vmem>>, vector<1x1x16xf32>,
        %get3A_915 = vector.shape_cast %get3A_914 : vector<1x1x16xf32> to vector<16xf32>
        %add3A_916 = arith.addf %add3A_884, %get3A_915 : vector<16xf32>
        %get3A_917 = arith.constant 2 : i32
        %get3A_918 = arith.index_cast %get3A_917 : i32 to index
        %get3A_919 = arith.index_cast %add3A_902 : i32 to index
        %get3A_920 = arith.constant 32 : index
        %get3A_921 = tpu.vector_load %arg6[%get3A_918, %get3A_919, %get3A_920] {strides = array<i32>} : memref<8x100x64xf32, #tpu.memory_space<vmem>>, vector<1x1x16xf32>,
        %get3A_922 = vector.shape_cast %get3A_921 : vector<1x1x16xf32> to vector<16xf32>
        %add3A_923 = arith.addf %add3A_891, %get3A_922 : vector<16xf32>
        %get3A_924 = arith.constant 2 : i32
        %get3A_925 = arith.index_cast %get3A_924 : i32 to index
        %get3A_926 = arith.index_cast %add3A_902 : i32 to index
        %get3A_927 = arith.constant 48 : index
        %get3A_928 = tpu.vector_load %arg6[%get3A_925, %get3A_926, %get3A_927] {strides = array<i32>} : memref<8x100x64xf32, #tpu.memory_space<vmem>>, vector<1x1x16xf32>,
        %get3A_929 = vector.shape_cast %get3A_928 : vector<1x1x16xf32> to vector<16xf32>
        %add3A_930 = arith.addf %add3A_898, %get3A_929 : vector<16xf32>
        %mul3A_931 = arith.constant 10 : i32
        %mul3A_932 = arith.muli %scan3A_735, %mul3A_931 : i32
        %add3A_933 = arith.constant 6 : i32
        %add3A_934 = arith.addi %mul3A_932, %add3A_933 : i32
        %get3A_935 = arith.constant 2 : i32
        %get3A_936 = arith.index_cast %get3A_935 : i32 to index
        %get3A_937 = arith.index_cast %add3A_934 : i32 to index
        %get3A_938 = arith.constant 0 : index
        %get3A_939 = tpu.vector_load %arg6[%get3A_936, %get3A_937, %get3A_938] {strides = array<i32>} : memref<8x100x64xf32, #tpu.memory_space<vmem>>, vector<1x1x16xf32>,
        %get3A_940 = vector.shape_cast %get3A_939 : vector<1x1x16xf32> to vector<16xf32>
        %add3A_941 = arith.addf %add3A_909, %get3A_940 : vector<16xf32>
        %get3A_942 = arith.constant 2 : i32
        %get3A_943 = arith.index_cast %get3A_942 : i32 to index
        %get3A_944 = arith.index_cast %add3A_934 : i32 to index
        %get3A_945 = arith.constant 16 : index
        %get3A_946 = tpu.vector_load %arg6[%get3A_943, %get3A_944, %get3A_945] {strides = array<i32>} : memref<8x100x64xf32, #tpu.memory_space<vmem>>, vector<1x1x16xf32>,
        %get3A_947 = vector.shape_cast %get3A_946 : vector<1x1x16xf32> to vector<16xf32>
        %add3A_948 = arith.addf %add3A_916, %get3A_947 : vector<16xf32>
        %get3A_949 = arith.constant 2 : i32
        %get3A_950 = arith.index_cast %get3A_949 : i32 to index
        %get3A_951 = arith.index_cast %add3A_934 : i32 to index
        %get3A_952 = arith.constant 32 : index
        %get3A_953 = tpu.vector_load %arg6[%get3A_950, %get3A_951, %get3A_952] {strides = array<i32>} : memref<8x100x64xf32, #tpu.memory_space<vmem>>, vector<1x1x16xf32>,
        %get3A_954 = vector.shape_cast %get3A_953 : vector<1x1x16xf32> to vector<16xf32>
        %add3A_955 = arith.addf %add3A_923, %get3A_954 : vector<16xf32>
        %get3A_956 = arith.constant 2 : i32
        %get3A_957 = arith.index_cast %get3A_956 : i32 to index
        %get3A_958 = arith.index_cast %add3A_934 : i32 to index
        %get3A_959 = arith.constant 48 : index
        %get3A_960 = tpu.vector_load %arg6[%get3A_957, %get3A_958, %get3A_959] {strides = array<i32>} : memref<8x100x64xf32, #tpu.memory_space<vmem>>, vector<1x1x16xf32>,
        %get3A_961 = vector.shape_cast %get3A_960 : vector<1x1x16xf32> to vector<16xf32>
        %add3A_962 = arith.addf %add3A_930, %get3A_961 : vector<16xf32>
        %mul3A_963 = arith.constant 10 : i32
        %mul3A_964 = arith.muli %scan3A_735, %mul3A_963 : i32
        %add3A_965 = arith.constant 7 : i32
        %add3A_966 = arith.addi %mul3A_964, %add3A_965 : i32
        %get3A_967 = arith.constant 2 : i32
        %get3A_968 = arith.index_cast %get3A_967 : i32 to index
        %get3A_969 = arith.index_cast %add3A_966 : i32 to index
        %get3A_970 = arith.constant 0 : index
        %get3A_971 = tpu.vector_load %arg6[%get3A_968, %get3A_969, %get3A_970] {strides = array<i32>} : memref<8x100x64xf32, #tpu.memory_space<vmem>>, vector<1x1x16xf32>,
        %get3A_972 = vector.shape_cast %get3A_971 : vector<1x1x16xf32> to vector<16xf32>
        %add3A_973 = arith.addf %add3A_941, %get3A_972 : vector<16xf32>
        %get3A_974 = arith.constant 2 : i32
        %get3A_975 = arith.index_cast %get3A_974 : i32 to index
        %get3A_976 = arith.index_cast %add3A_966 : i32 to index
        %get3A_977 = arith.constant 16 : index
        %get3A_978 = tpu.vector_load %arg6[%get3A_975, %get3A_976, %get3A_977] {strides = array<i32>} : memref<8x100x64xf32, #tpu.memory_space<vmem>>, vector<1x1x16xf32>,
        %get3A_979 = vector.shape_cast %get3A_978 : vector<1x1x16xf32> to vector<16xf32>
        %add3A_980 = arith.addf %add3A_948, %get3A_979 : vector<16xf32>
        %get3A_981 = arith.constant 2 : i32
        %get3A_982 = arith.index_cast %get3A_981 : i32 to index
        %get3A_983 = arith.index_cast %add3A_966 : i32 to index
        %get3A_984 = arith.constant 32 : index
        %get3A_985 = tpu.vector_load %arg6[%get3A_982, %get3A_983, %get3A_984] {strides = array<i32>} : memref<8x100x64xf32, #tpu.memory_space<vmem>>, vector<1x1x16xf32>,
        %get3A_986 = vector.shape_cast %get3A_985 : vector<1x1x16xf32> to vector<16xf32>
        %add3A_987 = arith.addf %add3A_955, %get3A_986 : vector<16xf32>
        %get3A_988 = arith.constant 2 : i32
        %get3A_989 = arith.index_cast %get3A_988 : i32 to index
        %get3A_990 = arith.index_cast %add3A_966 : i32 to index
        %get3A_991 = arith.constant 48 : index
        %get3A_992 = tpu.vector_load %arg6[%get3A_989, %get3A_990, %get3A_991] {strides = array<i32>} : memref<8x100x64xf32, #tpu.memory_space<vmem>>, vector<1x1x16xf32>,
        %get3A_993 = vector.shape_cast %get3A_992 : vector<1x1x16xf32> to vector<16xf32>
        %add3A_994 = arith.addf %add3A_962, %get3A_993 : vector<16xf32>
        %mul3A_995 = arith.constant 10 : i32
        %mul3A_996 = arith.muli %scan3A_735, %mul3A_995 : i32
        %add3A_997 = arith.constant 8 : i32
        %add3A_998 = arith.addi %mul3A_996, %add3A_997 : i32
        %get3A_999 = arith.constant 2 : i32
        %get3A_1000 = arith.index_cast %get3A_999 : i32 to index
        %get3A_1001 = arith.index_cast %add3A_998 : i32 to index
        %get3A_1002 = arith.constant 0 : index
        %get3A_1003 = tpu.vector_load %arg6[%get3A_1000, %get3A_1001, %get3A_1002] {strides = array<i32>} : memref<8x100x64xf32, #tpu.memory_space<vmem>>, vector<1x1x16xf32>,
        %get3A_1004 = vector.shape_cast %get3A_1003 : vector<1x1x16xf32> to vector<16xf32>
        %add3A_1005 = arith.addf %add3A_973, %get3A_1004 : vector<16xf32>
        %get3A_1006 = arith.constant 2 : i32
        %get3A_1007 = arith.index_cast %get3A_1006 : i32 to index
        %get3A_1008 = arith.index_cast %add3A_998 : i32 to index
        %get3A_1009 = arith.constant 16 : index
        %get3A_1010 = tpu.vector_load %arg6[%get3A_1007, %get3A_1008, %get3A_1009] {strides = array<i32>} : memref<8x100x64xf32, #tpu.memory_space<vmem>>, vector<1x1x16xf32>,
        %get3A_1011 = vector.shape_cast %get3A_1010 : vector<1x1x16xf32> to vector<16xf32>
        %add3A_1012 = arith.addf %add3A_980, %get3A_1011 : vector<16xf32>
        %get3A_1013 = arith.constant 2 : i32
        %get3A_1014 = arith.index_cast %get3A_1013 : i32 to index
        %get3A_1015 = arith.index_cast %add3A_998 : i32 to index
        %get3A_1016 = arith.constant 32 : index
        %get3A_1017 = tpu.vector_load %arg6[%get3A_1014, %get3A_1015, %get3A_1016] {strides = array<i32>} : memref<8x100x64xf32, #tpu.memory_space<vmem>>, vector<1x1x16xf32>,
        %get3A_1018 = vector.shape_cast %get3A_1017 : vector<1x1x16xf32> to vector<16xf32>
        %add3A_1019 = arith.addf %add3A_987, %get3A_1018 : vector<16xf32>
        %get3A_1020 = arith.constant 2 : i32
        %get3A_1021 = arith.index_cast %get3A_1020 : i32 to index
        %get3A_1022 = arith.index_cast %add3A_998 : i32 to index
        %get3A_1023 = arith.constant 48 : index
        %get3A_1024 = tpu.vector_load %arg6[%get3A_1021, %get3A_1022, %get3A_1023] {strides = array<i32>} : memref<8x100x64xf32, #tpu.memory_space<vmem>>, vector<1x1x16xf32>,
        %get3A_1025 = vector.shape_cast %get3A_1024 : vector<1x1x16xf32> to vector<16xf32>
        %add3A_1026 = arith.addf %add3A_994, %get3A_1025 : vector<16xf32>
        %mul3A_1027 = arith.constant 10 : i32
        %mul3A_1028 = arith.muli %scan3A_735, %mul3A_1027 : i32
        %add3A_1029 = arith.constant 9 : i32
        %add3A_1030 = arith.addi %mul3A_1028, %add3A_1029 : i32
        %get3A_1031 = arith.constant 2 : i32
        %get3A_1032 = arith.index_cast %get3A_1031 : i32 to index
        %get3A_1033 = arith.index_cast %add3A_1030 : i32 to index
        %get3A_1034 = arith.constant 0 : index
        %get3A_1035 = tpu.vector_load %arg6[%get3A_1032, %get3A_1033, %get3A_1034] {strides = array<i32>} : memref<8x100x64xf32, #tpu.memory_space<vmem>>, vector<1x1x16xf32>,
        %get3A_1036 = vector.shape_cast %get3A_1035 : vector<1x1x16xf32> to vector<16xf32>
        %add3A_1037 = arith.addf %add3A_1005, %get3A_1036 : vector<16xf32>
        %get3A_1038 = arith.constant 2 : i32
        %get3A_1039 = arith.index_cast %get3A_1038 : i32 to index
        %get3A_1040 = arith.index_cast %add3A_1030 : i32 to index
        %get3A_1041 = arith.constant 16 : index
        %get3A_1042 = tpu.vector_load %arg6[%get3A_1039, %get3A_1040, %get3A_1041] {strides = array<i32>} : memref<8x100x64xf32, #tpu.memory_space<vmem>>, vector<1x1x16xf32>,
        %get3A_1043 = vector.shape_cast %get3A_1042 : vector<1x1x16xf32> to vector<16xf32>
        %add3A_1044 = arith.addf %add3A_1012, %get3A_1043 : vector<16xf32>
        %get3A_1045 = arith.constant 2 : i32
        %get3A_1046 = arith.index_cast %get3A_1045 : i32 to index
        %get3A_1047 = arith.index_cast %add3A_1030 : i32 to index
        %get3A_1048 = arith.constant 32 : index
        %get3A_1049 = tpu.vector_load %arg6[%get3A_1046, %get3A_1047, %get3A_1048] {strides = array<i32>} : memref<8x100x64xf32, #tpu.memory_space<vmem>>, vector<1x1x16xf32>,
        %get3A_1050 = vector.shape_cast %get3A_1049 : vector<1x1x16xf32> to vector<16xf32>
        %add3A_1051 = arith.addf %add3A_1019, %get3A_1050 : vector<16xf32>
        %get3A_1052 = arith.constant 2 : i32
        %get3A_1053 = arith.index_cast %get3A_1052 : i32 to index
        %get3A_1054 = arith.index_cast %add3A_1030 : i32 to index
        %get3A_1055 = arith.constant 48 : index
        %get3A_1056 = tpu.vector_load %arg6[%get3A_1053, %get3A_1054, %get3A_1055] {strides = array<i32>} : memref<8x100x64xf32, #tpu.memory_space<vmem>>, vector<1x1x16xf32>,
        %get3A_1057 = vector.shape_cast %get3A_1056 : vector<1x1x16xf32> to vector<16xf32>
        %add3A_1058 = arith.addf %add3A_1026, %get3A_1057 : vector<16xf32>
        scf.yield %add3A_1037, %add3A_1044, %add3A_1051, %add3A_1058 : vector<16xf32>, vector<16xf32>, vector<16xf32>, vector<16xf32>
      }
      %scan3A_393 = arith.constant 10 : i32
      %add3A_394 = arith.constant 8 : i32
      %add3A_395 = arith.addi %add3A_373, %add3A_394 : i32
      %min3A_396 = arith.constant 63 : i32
      %min3A_397 = arith.minsi %add3A_395, %min3A_396 : i32
      %dma_start3A_398 = arith.constant 2 : i32
      %dma_start3A_399 = arith.constant 2 : i32
      %dma_start3A_400 = arith.constant 0 : i32
      %dma_start3A_401 = arith.constant 0 : i32
      %dma_start3A_402 = tpu.memref_slice %arg6[%dma_start3A_398, %dma_start3A_400, %dma_start3A_401] : memref<8x100x64xf32, #tpu.memory_space<vmem>> -> memref<1x100x64xf32, #tpu.memory_space<vmem>>
      %dma_start3A_403 = tpu.memref_squeeze %dma_start3A_402 : memref<1x100x64xf32, #tpu.memory_space<vmem>> -> memref<100x64xf32, #tpu.memory_space<vmem>>
      %dma_start3A_404 = arith.constant 0 : i32
      %dma_start3A_405 = tpu.memref_slice %arg5[%min3A_397, %dma_start3A_404] : memref<64x100xi32, #tpu.memory_space<vmem>> -> memref<1x100xi32, #tpu.memory_space<vmem>>
      %dma_start3A_406 = tpu.memref_squeeze %dma_start3A_405 : memref<1x100xi32, #tpu.memory_space<vmem>> -> memref<100xi32, #tpu.memory_space<vmem>>
      %dma_start3A_407 = arith.constant 0 : i32
      %dma_start3A_408 = arith.constant 0 : i32
      %dma_start3A_409 = tpu.memref_slice %arg3[%dma_start3A_407, %dma_start3A_408] : memref<100000x64xf32, #tpu.memory_space<hbm>> -> memref<100000x64xf32, #tpu.memory_space<hbm>>
      %dma_start3A_410 = tpu.memref_slice %arg8[%dma_start3A_399] : memref<8x!tpu.dma_semaphore, #tpu.memory_space<semaphore_mem>> -> memref<1x!tpu.dma_semaphore, #tpu.memory_space<semaphore_mem>>
      %dma_start3A_411 = tpu.memref_squeeze %dma_start3A_410 : memref<1x!tpu.dma_semaphore, #tpu.memory_space<semaphore_mem>> -> memref<!tpu.dma_semaphore, #tpu.memory_space<semaphore_mem>>
      tpu.enqueue_indirect_dma source(%dma_start3A_409 : memref<100000x64xf32, #tpu.memory_space<hbm>>) target(%dma_start3A_403 : memref<100x64xf32, #tpu.memory_space<vmem>>) offsets(%dma_start3A_406 : memref<100xi32, #tpu.memory_space<vmem>>) semaphore(%dma_start3A_411 : memref<!tpu.dma_semaphore, #tpu.memory_space<semaphore_mem>>)
      %mul3A_412 = arith.constant 8 : i32
      %mul3A_413 = arith.muli %scan3A_247, %mul3A_412 : i32
      %add3A_414 = arith.constant 3 : i32
      %add3A_415 = arith.addi %mul3A_413, %add3A_414 : i32
      %dma_wait3A_416 = arith.constant 3 : i32
      %dma_wait3A_417 = arith.constant 3 : i32
      %dma_wait3A_418 = arith.constant 0 : i32
      %dma_wait3A_419 = arith.constant 0 : i32
      %dma_wait3A_420 = tpu.memref_slice %arg6[%dma_wait3A_416, %dma_wait3A_418, %dma_wait3A_419] : memref<8x100x64xf32, #tpu.memory_space<vmem>> -> memref<1x100x64xf32, #tpu.memory_space<vmem>>
      %dma_wait3A_421 = tpu.memref_squeeze %dma_wait3A_420 : memref<1x100x64xf32, #tpu.memory_space<vmem>> -> memref<100x64xf32, #tpu.memory_space<vmem>>
      %dma_wait3A_422 = arith.constant 0 : i32
      %dma_wait3A_423 = tpu.memref_slice %arg5[%add3A_415, %dma_wait3A_422] : memref<64x100xi32, #tpu.memory_space<vmem>> -> memref<1x100xi32, #tpu.memory_space<vmem>>
      %dma_wait3A_424 = tpu.memref_squeeze %dma_wait3A_423 : memref<1x100xi32, #tpu.memory_space<vmem>> -> memref<100xi32, #tpu.memory_space<vmem>>
      %dma_wait3A_425 = arith.constant 0 : i32
      %dma_wait3A_426 = arith.constant 0 : i32
      %dma_wait3A_427 = tpu.memref_slice %arg3[%dma_wait3A_425, %dma_wait3A_426] : memref<100000x64xf32, #tpu.memory_space<hbm>> -> memref<100000x64xf32, #tpu.memory_space<hbm>>
      %dma_wait3A_428 = tpu.memref_slice %arg8[%dma_wait3A_417] : memref<8x!tpu.dma_semaphore, #tpu.memory_space<semaphore_mem>> -> memref<1x!tpu.dma_semaphore, #tpu.memory_space<semaphore_mem>>
      %dma_wait3A_429 = tpu.memref_squeeze %dma_wait3A_428 : memref<1x!tpu.dma_semaphore, #tpu.memory_space<semaphore_mem>> -> memref<!tpu.dma_semaphore, #tpu.memory_space<semaphore_mem>>
      tpu.wait_indirect_dma semaphore(%dma_wait3A_429 : memref<!tpu.dma_semaphore, #tpu.memory_space<semaphore_mem>>) src(%dma_wait3A_427 : memref<100000x64xf32, #tpu.memory_space<hbm>>) dst(%dma_wait3A_421 : memref<100x64xf32, #tpu.memory_space<vmem>>)
      %scan3A_430 = arith.constant 0 : i32
      %scan3A_431 = arith.constant 10 : i32
      %scan3A_432 = arith.addi %scan3A_430, %scan3A_431 : i32
      %scan3A_433 = arith.constant 1 : i32
      %scan3A_434:4 = scf.for %scan3A_735 = %scan3A_430 to %scan3A_432 step %scan3A_433 iter_args(%scan3A_736 = %scan3A_392#0, %scan3A_737 = %scan3A_392#1, %scan3A_738 = %scan3A_392#2, %scan3A_739 = %scan3A_392#3) -> (vector<16xf32>, vector<16xf32>, vector<16xf32>, vector<16xf32>)  : i32 {
        %mul3A_740 = arith.constant 10 : i32
        %mul3A_741 = arith.muli %scan3A_735, %mul3A_740 : i32
        %add3A_742 = arith.constant 0 : i32
        %add3A_743 = arith.addi %mul3A_741, %add3A_742 : i32
        %get3A = arith.constant 3 : i32
        %get3A_744 = arith.index_cast %get3A : i32 to index
        %get3A_745 = arith.index_cast %add3A_743 : i32 to index
        %get3A_746 = arith.constant 0 : index
        %get3A_747 = tpu.vector_load %arg6[%get3A_744, %get3A_745, %get3A_746] {strides = array<i32>} : memref<8x100x64xf32, #tpu.memory_space<vmem>>, vector<1x1x16xf32>,
        %get3A_748 = vector.shape_cast %get3A_747 : vector<1x1x16xf32> to vector<16xf32>
        %add3A_749 = arith.addf %scan3A_736, %get3A_748 : vector<16xf32>
        %get3A_750 = arith.constant 3 : i32
        %get3A_751 = arith.index_cast %get3A_750 : i32 to index
        %get3A_752 = arith.index_cast %add3A_743 : i32 to index
        %get3A_753 = arith.constant 16 : index
        %get3A_754 = tpu.vector_load %arg6[%get3A_751, %get3A_752, %get3A_753] {strides = array<i32>} : memref<8x100x64xf32, #tpu.memory_space<vmem>>, vector<1x1x16xf32>,
        %get3A_755 = vector.shape_cast %get3A_754 : vector<1x1x16xf32> to vector<16xf32>
        %add3A_756 = arith.addf %scan3A_737, %get3A_755 : vector<16xf32>
        %get3A_757 = arith.constant 3 : i32
        %get3A_758 = arith.index_cast %get3A_757 : i32 to index
        %get3A_759 = arith.index_cast %add3A_743 : i32 to index
        %get3A_760 = arith.constant 32 : index
        %get3A_761 = tpu.vector_load %arg6[%get3A_758, %get3A_759, %get3A_760] {strides = array<i32>} : memref<8x100x64xf32, #tpu.memory_space<vmem>>, vector<1x1x16xf32>,
        %get3A_762 = vector.shape_cast %get3A_761 : vector<1x1x16xf32> to vector<16xf32>
        %add3A_763 = arith.addf %scan3A_738, %get3A_762 : vector<16xf32>
        %get3A_764 = arith.constant 3 : i32
        %get3A_765 = arith.index_cast %get3A_764 : i32 to index
        %get3A_766 = arith.index_cast %add3A_743 : i32 to index
        %get3A_767 = arith.constant 48 : index
        %get3A_768 = tpu.vector_load %arg6[%get3A_765, %get3A_766, %get3A_767] {strides = array<i32>} : memref<8x100x64xf32, #tpu.memory_space<vmem>>, vector<1x1x16xf32>,
        %get3A_769 = vector.shape_cast %get3A_768 : vector<1x1x16xf32> to vector<16xf32>
        %add3A_770 = arith.addf %scan3A_739, %get3A_769 : vector<16xf32>
        %mul3A_771 = arith.constant 10 : i32
        %mul3A_772 = arith.muli %scan3A_735, %mul3A_771 : i32
        %add3A_773 = arith.constant 1 : i32
        %add3A_774 = arith.addi %mul3A_772, %add3A_773 : i32
        %get3A_775 = arith.constant 3 : i32
        %get3A_776 = arith.index_cast %get3A_775 : i32 to index
        %get3A_777 = arith.index_cast %add3A_774 : i32 to index
        %get3A_778 = arith.constant 0 : index
        %get3A_779 = tpu.vector_load %arg6[%get3A_776, %get3A_777, %get3A_778] {strides = array<i32>} : memref<8x100x64xf32, #tpu.memory_space<vmem>>, vector<1x1x16xf32>,
        %get3A_780 = vector.shape_cast %get3A_779 : vector<1x1x16xf32> to vector<16xf32>
        %add3A_781 = arith.addf %add3A_749, %get3A_780 : vector<16xf32>
        %get3A_782 = arith.constant 3 : i32
        %get3A_783 = arith.index_cast %get3A_782 : i32 to index
        %get3A_784 = arith.index_cast %add3A_774 : i32 to index
        %get3A_785 = arith.constant 16 : index
        %get3A_786 = tpu.vector_load %arg6[%get3A_783, %get3A_784, %get3A_785] {strides = array<i32>} : memref<8x100x64xf32, #tpu.memory_space<vmem>>, vector<1x1x16xf32>,
        %get3A_787 = vector.shape_cast %get3A_786 : vector<1x1x16xf32> to vector<16xf32>
        %add3A_788 = arith.addf %add3A_756, %get3A_787 : vector<16xf32>
        %get3A_789 = arith.constant 3 : i32
        %get3A_790 = arith.index_cast %get3A_789 : i32 to index
        %get3A_791 = arith.index_cast %add3A_774 : i32 to index
        %get3A_792 = arith.constant 32 : index
        %get3A_793 = tpu.vector_load %arg6[%get3A_790, %get3A_791, %get3A_792] {strides = array<i32>} : memref<8x100x64xf32, #tpu.memory_space<vmem>>, vector<1x1x16xf32>,
        %get3A_794 = vector.shape_cast %get3A_793 : vector<1x1x16xf32> to vector<16xf32>
        %add3A_795 = arith.addf %add3A_763, %get3A_794 : vector<16xf32>
        %get3A_796 = arith.constant 3 : i32
        %get3A_797 = arith.index_cast %get3A_796 : i32 to index
        %get3A_798 = arith.index_cast %add3A_774 : i32 to index
        %get3A_799 = arith.constant 48 : index
        %get3A_800 = tpu.vector_load %arg6[%get3A_797, %get3A_798, %get3A_799] {strides = array<i32>} : memref<8x100x64xf32, #tpu.memory_space<vmem>>, vector<1x1x16xf32>,
        %get3A_801 = vector.shape_cast %get3A_800 : vector<1x1x16xf32> to vector<16xf32>
        %add3A_802 = arith.addf %add3A_770, %get3A_801 : vector<16xf32>
        %mul3A_803 = arith.constant 10 : i32
        %mul3A_804 = arith.muli %scan3A_735, %mul3A_803 : i32
        %add3A_805 = arith.constant 2 : i32
        %add3A_806 = arith.addi %mul3A_804, %add3A_805 : i32
        %get3A_807 = arith.constant 3 : i32
        %get3A_808 = arith.index_cast %get3A_807 : i32 to index
        %get3A_809 = arith.index_cast %add3A_806 : i32 to index
        %get3A_810 = arith.constant 0 : index
        %get3A_811 = tpu.vector_load %arg6[%get3A_808, %get3A_809, %get3A_810] {strides = array<i32>} : memref<8x100x64xf32, #tpu.memory_space<vmem>>, vector<1x1x16xf32>,
        %get3A_812 = vector.shape_cast %get3A_811 : vector<1x1x16xf32> to vector<16xf32>
        %add3A_813 = arith.addf %add3A_781, %get3A_812 : vector<16xf32>
        %get3A_814 = arith.constant 3 : i32
        %get3A_815 = arith.index_cast %get3A_814 : i32 to index
        %get3A_816 = arith.index_cast %add3A_806 : i32 to index
        %get3A_817 = arith.constant 16 : index
        %get3A_818 = tpu.vector_load %arg6[%get3A_815, %get3A_816, %get3A_817] {strides = array<i32>} : memref<8x100x64xf32, #tpu.memory_space<vmem>>, vector<1x1x16xf32>,
        %get3A_819 = vector.shape_cast %get3A_818 : vector<1x1x16xf32> to vector<16xf32>
        %add3A_820 = arith.addf %add3A_788, %get3A_819 : vector<16xf32>
        %get3A_821 = arith.constant 3 : i32
        %get3A_822 = arith.index_cast %get3A_821 : i32 to index
        %get3A_823 = arith.index_cast %add3A_806 : i32 to index
        %get3A_824 = arith.constant 32 : index
        %get3A_825 = tpu.vector_load %arg6[%get3A_822, %get3A_823, %get3A_824] {strides = array<i32>} : memref<8x100x64xf32, #tpu.memory_space<vmem>>, vector<1x1x16xf32>,
        %get3A_826 = vector.shape_cast %get3A_825 : vector<1x1x16xf32> to vector<16xf32>
        %add3A_827 = arith.addf %add3A_795, %get3A_826 : vector<16xf32>
        %get3A_828 = arith.constant 3 : i32
        %get3A_829 = arith.index_cast %get3A_828 : i32 to index
        %get3A_830 = arith.index_cast %add3A_806 : i32 to index
        %get3A_831 = arith.constant 48 : index
        %get3A_832 = tpu.vector_load %arg6[%get3A_829, %get3A_830, %get3A_831] {strides = array<i32>} : memref<8x100x64xf32, #tpu.memory_space<vmem>>, vector<1x1x16xf32>,
        %get3A_833 = vector.shape_cast %get3A_832 : vector<1x1x16xf32> to vector<16xf32>
        %add3A_834 = arith.addf %add3A_802, %get3A_833 : vector<16xf32>
        %mul3A_835 = arith.constant 10 : i32
        %mul3A_836 = arith.muli %scan3A_735, %mul3A_835 : i32
        %add3A_837 = arith.constant 3 : i32
        %add3A_838 = arith.addi %mul3A_836, %add3A_837 : i32
        %get3A_839 = arith.constant 3 : i32
        %get3A_840 = arith.index_cast %get3A_839 : i32 to index
        %get3A_841 = arith.index_cast %add3A_838 : i32 to index
        %get3A_842 = arith.constant 0 : index
        %get3A_843 = tpu.vector_load %arg6[%get3A_840, %get3A_841, %get3A_842] {strides = array<i32>} : memref<8x100x64xf32, #tpu.memory_space<vmem>>, vector<1x1x16xf32>,
        %get3A_844 = vector.shape_cast %get3A_843 : vector<1x1x16xf32> to vector<16xf32>
        %add3A_845 = arith.addf %add3A_813, %get3A_844 : vector<16xf32>
        %get3A_846 = arith.constant 3 : i32
        %get3A_847 = arith.index_cast %get3A_846 : i32 to index
        %get3A_848 = arith.index_cast %add3A_838 : i32 to index
        %get3A_849 = arith.constant 16 : index
        %get3A_850 = tpu.vector_load %arg6[%get3A_847, %get3A_848, %get3A_849] {strides = array<i32>} : memref<8x100x64xf32, #tpu.memory_space<vmem>>, vector<1x1x16xf32>,
        %get3A_851 = vector.shape_cast %get3A_850 : vector<1x1x16xf32> to vector<16xf32>
        %add3A_852 = arith.addf %add3A_820, %get3A_851 : vector<16xf32>
        %get3A_853 = arith.constant 3 : i32
        %get3A_854 = arith.index_cast %get3A_853 : i32 to index
        %get3A_855 = arith.index_cast %add3A_838 : i32 to index
        %get3A_856 = arith.constant 32 : index
        %get3A_857 = tpu.vector_load %arg6[%get3A_854, %get3A_855, %get3A_856] {strides = array<i32>} : memref<8x100x64xf32, #tpu.memory_space<vmem>>, vector<1x1x16xf32>,
        %get3A_858 = vector.shape_cast %get3A_857 : vector<1x1x16xf32> to vector<16xf32>
        %add3A_859 = arith.addf %add3A_827, %get3A_858 : vector<16xf32>
        %get3A_860 = arith.constant 3 : i32
        %get3A_861 = arith.index_cast %get3A_860 : i32 to index
        %get3A_862 = arith.index_cast %add3A_838 : i32 to index
        %get3A_863 = arith.constant 48 : index
        %get3A_864 = tpu.vector_load %arg6[%get3A_861, %get3A_862, %get3A_863] {strides = array<i32>} : memref<8x100x64xf32, #tpu.memory_space<vmem>>, vector<1x1x16xf32>,
        %get3A_865 = vector.shape_cast %get3A_864 : vector<1x1x16xf32> to vector<16xf32>
        %add3A_866 = arith.addf %add3A_834, %get3A_865 : vector<16xf32>
        %mul3A_867 = arith.constant 10 : i32
        %mul3A_868 = arith.muli %scan3A_735, %mul3A_867 : i32
        %add3A_869 = arith.constant 4 : i32
        %add3A_870 = arith.addi %mul3A_868, %add3A_869 : i32
        %get3A_871 = arith.constant 3 : i32
        %get3A_872 = arith.index_cast %get3A_871 : i32 to index
        %get3A_873 = arith.index_cast %add3A_870 : i32 to index
        %get3A_874 = arith.constant 0 : index
        %get3A_875 = tpu.vector_load %arg6[%get3A_872, %get3A_873, %get3A_874] {strides = array<i32>} : memref<8x100x64xf32, #tpu.memory_space<vmem>>, vector<1x1x16xf32>,
        %get3A_876 = vector.shape_cast %get3A_875 : vector<1x1x16xf32> to vector<16xf32>
        %add3A_877 = arith.addf %add3A_845, %get3A_876 : vector<16xf32>
        %get3A_878 = arith.constant 3 : i32
        %get3A_879 = arith.index_cast %get3A_878 : i32 to index
        %get3A_880 = arith.index_cast %add3A_870 : i32 to index
        %get3A_881 = arith.constant 16 : index
        %get3A_882 = tpu.vector_load %arg6[%get3A_879, %get3A_880, %get3A_881] {strides = array<i32>} : memref<8x100x64xf32, #tpu.memory_space<vmem>>, vector<1x1x16xf32>,
        %get3A_883 = vector.shape_cast %get3A_882 : vector<1x1x16xf32> to vector<16xf32>
        %add3A_884 = arith.addf %add3A_852, %get3A_883 : vector<16xf32>
        %get3A_885 = arith.constant 3 : i32
        %get3A_886 = arith.index_cast %get3A_885 : i32 to index
        %get3A_887 = arith.index_cast %add3A_870 : i32 to index
        %get3A_888 = arith.constant 32 : index
        %get3A_889 = tpu.vector_load %arg6[%get3A_886, %get3A_887, %get3A_888] {strides = array<i32>} : memref<8x100x64xf32, #tpu.memory_space<vmem>>, vector<1x1x16xf32>,
        %get3A_890 = vector.shape_cast %get3A_889 : vector<1x1x16xf32> to vector<16xf32>
        %add3A_891 = arith.addf %add3A_859, %get3A_890 : vector<16xf32>
        %get3A_892 = arith.constant 3 : i32
        %get3A_893 = arith.index_cast %get3A_892 : i32 to index
        %get3A_894 = arith.index_cast %add3A_870 : i32 to index
        %get3A_895 = arith.constant 48 : index
        %get3A_896 = tpu.vector_load %arg6[%get3A_893, %get3A_894, %get3A_895] {strides = array<i32>} : memref<8x100x64xf32, #tpu.memory_space<vmem>>, vector<1x1x16xf32>,
        %get3A_897 = vector.shape_cast %get3A_896 : vector<1x1x16xf32> to vector<16xf32>
        %add3A_898 = arith.addf %add3A_866, %get3A_897 : vector<16xf32>
        %mul3A_899 = arith.constant 10 : i32
        %mul3A_900 = arith.muli %scan3A_735, %mul3A_899 : i32
        %add3A_901 = arith.constant 5 : i32
        %add3A_902 = arith.addi %mul3A_900, %add3A_901 : i32
        %get3A_903 = arith.constant 3 : i32
        %get3A_904 = arith.index_cast %get3A_903 : i32 to index
        %get3A_905 = arith.index_cast %add3A_902 : i32 to index
        %get3A_906 = arith.constant 0 : index
        %get3A_907 = tpu.vector_load %arg6[%get3A_904, %get3A_905, %get3A_906] {strides = array<i32>} : memref<8x100x64xf32, #tpu.memory_space<vmem>>, vector<1x1x16xf32>,
        %get3A_908 = vector.shape_cast %get3A_907 : vector<1x1x16xf32> to vector<16xf32>
        %add3A_909 = arith.addf %add3A_877, %get3A_908 : vector<16xf32>
        %get3A_910 = arith.constant 3 : i32
        %get3A_911 = arith.index_cast %get3A_910 : i32 to index
        %get3A_912 = arith.index_cast %add3A_902 : i32 to index
        %get3A_913 = arith.constant 16 : index
        %get3A_914 = tpu.vector_load %arg6[%get3A_911, %get3A_912, %get3A_913] {strides = array<i32>} : memref<8x100x64xf32, #tpu.memory_space<vmem>>, vector<1x1x16xf32>,
        %get3A_915 = vector.shape_cast %get3A_914 : vector<1x1x16xf32> to vector<16xf32>
        %add3A_916 = arith.addf %add3A_884, %get3A_915 : vector<16xf32>
        %get3A_917 = arith.constant 3 : i32
        %get3A_918 = arith.index_cast %get3A_917 : i32 to index
        %get3A_919 = arith.index_cast %add3A_902 : i32 to index
        %get3A_920 = arith.constant 32 : index
        %get3A_921 = tpu.vector_load %arg6[%get3A_918, %get3A_919, %get3A_920] {strides = array<i32>} : memref<8x100x64xf32, #tpu.memory_space<vmem>>, vector<1x1x16xf32>,
        %get3A_922 = vector.shape_cast %get3A_921 : vector<1x1x16xf32> to vector<16xf32>
        %add3A_923 = arith.addf %add3A_891, %get3A_922 : vector<16xf32>
        %get3A_924 = arith.constant 3 : i32
        %get3A_925 = arith.index_cast %get3A_924 : i32 to index
        %get3A_926 = arith.index_cast %add3A_902 : i32 to index
        %get3A_927 = arith.constant 48 : index
        %get3A_928 = tpu.vector_load %arg6[%get3A_925, %get3A_926, %get3A_927] {strides = array<i32>} : memref<8x100x64xf32, #tpu.memory_space<vmem>>, vector<1x1x16xf32>,
        %get3A_929 = vector.shape_cast %get3A_928 : vector<1x1x16xf32> to vector<16xf32>
        %add3A_930 = arith.addf %add3A_898, %get3A_929 : vector<16xf32>
        %mul3A_931 = arith.constant 10 : i32
        %mul3A_932 = arith.muli %scan3A_735, %mul3A_931 : i32
        %add3A_933 = arith.constant 6 : i32
        %add3A_934 = arith.addi %mul3A_932, %add3A_933 : i32
        %get3A_935 = arith.constant 3 : i32
        %get3A_936 = arith.index_cast %get3A_935 : i32 to index
        %get3A_937 = arith.index_cast %add3A_934 : i32 to index
        %get3A_938 = arith.constant 0 : index
        %get3A_939 = tpu.vector_load %arg6[%get3A_936, %get3A_937, %get3A_938] {strides = array<i32>} : memref<8x100x64xf32, #tpu.memory_space<vmem>>, vector<1x1x16xf32>,
        %get3A_940 = vector.shape_cast %get3A_939 : vector<1x1x16xf32> to vector<16xf32>
        %add3A_941 = arith.addf %add3A_909, %get3A_940 : vector<16xf32>
        %get3A_942 = arith.constant 3 : i32
        %get3A_943 = arith.index_cast %get3A_942 : i32 to index
        %get3A_944 = arith.index_cast %add3A_934 : i32 to index
        %get3A_945 = arith.constant 16 : index
        %get3A_946 = tpu.vector_load %arg6[%get3A_943, %get3A_944, %get3A_945] {strides = array<i32>} : memref<8x100x64xf32, #tpu.memory_space<vmem>>, vector<1x1x16xf32>,
        %get3A_947 = vector.shape_cast %get3A_946 : vector<1x1x16xf32> to vector<16xf32>
        %add3A_948 = arith.addf %add3A_916, %get3A_947 : vector<16xf32>
        %get3A_949 = arith.constant 3 : i32
        %get3A_950 = arith.index_cast %get3A_949 : i32 to index
        %get3A_951 = arith.index_cast %add3A_934 : i32 to index
        %get3A_952 = arith.constant 32 : index
        %get3A_953 = tpu.vector_load %arg6[%get3A_950, %get3A_951, %get3A_952] {strides = array<i32>} : memref<8x100x64xf32, #tpu.memory_space<vmem>>, vector<1x1x16xf32>,
        %get3A_954 = vector.shape_cast %get3A_953 : vector<1x1x16xf32> to vector<16xf32>
        %add3A_955 = arith.addf %add3A_923, %get3A_954 : vector<16xf32>
        %get3A_956 = arith.constant 3 : i32
        %get3A_957 = arith.index_cast %get3A_956 : i32 to index
        %get3A_958 = arith.index_cast %add3A_934 : i32 to index
        %get3A_959 = arith.constant 48 : index
        %get3A_960 = tpu.vector_load %arg6[%get3A_957, %get3A_958, %get3A_959] {strides = array<i32>} : memref<8x100x64xf32, #tpu.memory_space<vmem>>, vector<1x1x16xf32>,
        %get3A_961 = vector.shape_cast %get3A_960 : vector<1x1x16xf32> to vector<16xf32>
        %add3A_962 = arith.addf %add3A_930, %get3A_961 : vector<16xf32>
        %mul3A_963 = arith.constant 10 : i32
        %mul3A_964 = arith.muli %scan3A_735, %mul3A_963 : i32
        %add3A_965 = arith.constant 7 : i32
        %add3A_966 = arith.addi %mul3A_964, %add3A_965 : i32
        %get3A_967 = arith.constant 3 : i32
        %get3A_968 = arith.index_cast %get3A_967 : i32 to index
        %get3A_969 = arith.index_cast %add3A_966 : i32 to index
        %get3A_970 = arith.constant 0 : index
        %get3A_971 = tpu.vector_load %arg6[%get3A_968, %get3A_969, %get3A_970] {strides = array<i32>} : memref<8x100x64xf32, #tpu.memory_space<vmem>>, vector<1x1x16xf32>,
        %get3A_972 = vector.shape_cast %get3A_971 : vector<1x1x16xf32> to vector<16xf32>
        %add3A_973 = arith.addf %add3A_941, %get3A_972 : vector<16xf32>
        %get3A_974 = arith.constant 3 : i32
        %get3A_975 = arith.index_cast %get3A_974 : i32 to index
        %get3A_976 = arith.index_cast %add3A_966 : i32 to index
        %get3A_977 = arith.constant 16 : index
        %get3A_978 = tpu.vector_load %arg6[%get3A_975, %get3A_976, %get3A_977] {strides = array<i32>} : memref<8x100x64xf32, #tpu.memory_space<vmem>>, vector<1x1x16xf32>,
        %get3A_979 = vector.shape_cast %get3A_978 : vector<1x1x16xf32> to vector<16xf32>
        %add3A_980 = arith.addf %add3A_948, %get3A_979 : vector<16xf32>
        %get3A_981 = arith.constant 3 : i32
        %get3A_982 = arith.index_cast %get3A_981 : i32 to index
        %get3A_983 = arith.index_cast %add3A_966 : i32 to index
        %get3A_984 = arith.constant 32 : index
        %get3A_985 = tpu.vector_load %arg6[%get3A_982, %get3A_983, %get3A_984] {strides = array<i32>} : memref<8x100x64xf32, #tpu.memory_space<vmem>>, vector<1x1x16xf32>,
        %get3A_986 = vector.shape_cast %get3A_985 : vector<1x1x16xf32> to vector<16xf32>
        %add3A_987 = arith.addf %add3A_955, %get3A_986 : vector<16xf32>
        %get3A_988 = arith.constant 3 : i32
        %get3A_989 = arith.index_cast %get3A_988 : i32 to index
        %get3A_990 = arith.index_cast %add3A_966 : i32 to index
        %get3A_991 = arith.constant 48 : index
        %get3A_992 = tpu.vector_load %arg6[%get3A_989, %get3A_990, %get3A_991] {strides = array<i32>} : memref<8x100x64xf32, #tpu.memory_space<vmem>>, vector<1x1x16xf32>,
        %get3A_993 = vector.shape_cast %get3A_992 : vector<1x1x16xf32> to vector<16xf32>
        %add3A_994 = arith.addf %add3A_962, %get3A_993 : vector<16xf32>
        %mul3A_995 = arith.constant 10 : i32
        %mul3A_996 = arith.muli %scan3A_735, %mul3A_995 : i32
        %add3A_997 = arith.constant 8 : i32
        %add3A_998 = arith.addi %mul3A_996, %add3A_997 : i32
        %get3A_999 = arith.constant 3 : i32
        %get3A_1000 = arith.index_cast %get3A_999 : i32 to index
        %get3A_1001 = arith.index_cast %add3A_998 : i32 to index
        %get3A_1002 = arith.constant 0 : index
        %get3A_1003 = tpu.vector_load %arg6[%get3A_1000, %get3A_1001, %get3A_1002] {strides = array<i32>} : memref<8x100x64xf32, #tpu.memory_space<vmem>>, vector<1x1x16xf32>,
        %get3A_1004 = vector.shape_cast %get3A_1003 : vector<1x1x16xf32> to vector<16xf32>
        %add3A_1005 = arith.addf %add3A_973, %get3A_1004 : vector<16xf32>
        %get3A_1006 = arith.constant 3 : i32
        %get3A_1007 = arith.index_cast %get3A_1006 : i32 to index
        %get3A_1008 = arith.index_cast %add3A_998 : i32 to index
        %get3A_1009 = arith.constant 16 : index
        %get3A_1010 = tpu.vector_load %arg6[%get3A_1007, %get3A_1008, %get3A_1009] {strides = array<i32>} : memref<8x100x64xf32, #tpu.memory_space<vmem>>, vector<1x1x16xf32>,
        %get3A_1011 = vector.shape_cast %get3A_1010 : vector<1x1x16xf32> to vector<16xf32>
        %add3A_1012 = arith.addf %add3A_980, %get3A_1011 : vector<16xf32>
        %get3A_1013 = arith.constant 3 : i32
        %get3A_1014 = arith.index_cast %get3A_1013 : i32 to index
        %get3A_1015 = arith.index_cast %add3A_998 : i32 to index
        %get3A_1016 = arith.constant 32 : index
        %get3A_1017 = tpu.vector_load %arg6[%get3A_1014, %get3A_1015, %get3A_1016] {strides = array<i32>} : memref<8x100x64xf32, #tpu.memory_space<vmem>>, vector<1x1x16xf32>,
        %get3A_1018 = vector.shape_cast %get3A_1017 : vector<1x1x16xf32> to vector<16xf32>
        %add3A_1019 = arith.addf %add3A_987, %get3A_1018 : vector<16xf32>
        %get3A_1020 = arith.constant 3 : i32
        %get3A_1021 = arith.index_cast %get3A_1020 : i32 to index
        %get3A_1022 = arith.index_cast %add3A_998 : i32 to index
        %get3A_1023 = arith.constant 48 : index
        %get3A_1024 = tpu.vector_load %arg6[%get3A_1021, %get3A_1022, %get3A_1023] {strides = array<i32>} : memref<8x100x64xf32, #tpu.memory_space<vmem>>, vector<1x1x16xf32>,
        %get3A_1025 = vector.shape_cast %get3A_1024 : vector<1x1x16xf32> to vector<16xf32>
        %add3A_1026 = arith.addf %add3A_994, %get3A_1025 : vector<16xf32>
        %mul3A_1027 = arith.constant 10 : i32
        %mul3A_1028 = arith.muli %scan3A_735, %mul3A_1027 : i32
        %add3A_1029 = arith.constant 9 : i32
        %add3A_1030 = arith.addi %mul3A_1028, %add3A_1029 : i32
        %get3A_1031 = arith.constant 3 : i32
        %get3A_1032 = arith.index_cast %get3A_1031 : i32 to index
        %get3A_1033 = arith.index_cast %add3A_1030 : i32 to index
        %get3A_1034 = arith.constant 0 : index
        %get3A_1035 = tpu.vector_load %arg6[%get3A_1032, %get3A_1033, %get3A_1034] {strides = array<i32>} : memref<8x100x64xf32, #tpu.memory_space<vmem>>, vector<1x1x16xf32>,
        %get3A_1036 = vector.shape_cast %get3A_1035 : vector<1x1x16xf32> to vector<16xf32>
        %add3A_1037 = arith.addf %add3A_1005, %get3A_1036 : vector<16xf32>
        %get3A_1038 = arith.constant 3 : i32
        %get3A_1039 = arith.index_cast %get3A_1038 : i32 to index
        %get3A_1040 = arith.index_cast %add3A_1030 : i32 to index
        %get3A_1041 = arith.constant 16 : index
        %get3A_1042 = tpu.vector_load %arg6[%get3A_1039, %get3A_1040, %get3A_1041] {strides = array<i32>} : memref<8x100x64xf32, #tpu.memory_space<vmem>>, vector<1x1x16xf32>,
        %get3A_1043 = vector.shape_cast %get3A_1042 : vector<1x1x16xf32> to vector<16xf32>
        %add3A_1044 = arith.addf %add3A_1012, %get3A_1043 : vector<16xf32>
        %get3A_1045 = arith.constant 3 : i32
        %get3A_1046 = arith.index_cast %get3A_1045 : i32 to index
        %get3A_1047 = arith.index_cast %add3A_1030 : i32 to index
        %get3A_1048 = arith.constant 32 : index
        %get3A_1049 = tpu.vector_load %arg6[%get3A_1046, %get3A_1047, %get3A_1048] {strides = array<i32>} : memref<8x100x64xf32, #tpu.memory_space<vmem>>, vector<1x1x16xf32>,
        %get3A_1050 = vector.shape_cast %get3A_1049 : vector<1x1x16xf32> to vector<16xf32>
        %add3A_1051 = arith.addf %add3A_1019, %get3A_1050 : vector<16xf32>
        %get3A_1052 = arith.constant 3 : i32
        %get3A_1053 = arith.index_cast %get3A_1052 : i32 to index
        %get3A_1054 = arith.index_cast %add3A_1030 : i32 to index
        %get3A_1055 = arith.constant 48 : index
        %get3A_1056 = tpu.vector_load %arg6[%get3A_1053, %get3A_1054, %get3A_1055] {strides = array<i32>} : memref<8x100x64xf32, #tpu.memory_space<vmem>>, vector<1x1x16xf32>,
        %get3A_1057 = vector.shape_cast %get3A_1056 : vector<1x1x16xf32> to vector<16xf32>
        %add3A_1058 = arith.addf %add3A_1026, %get3A_1057 : vector<16xf32>
        scf.yield %add3A_1037, %add3A_1044, %add3A_1051, %add3A_1058 : vector<16xf32>, vector<16xf32>, vector<16xf32>, vector<16xf32>
      }
      %scan3A_435 = arith.constant 10 : i32
      %add3A_436 = arith.constant 8 : i32
      %add3A_437 = arith.addi %add3A_415, %add3A_436 : i32
      %min3A_438 = arith.constant 63 : i32
      %min3A_439 = arith.minsi %add3A_437, %min3A_438 : i32
      %dma_start3A_440 = arith.constant 3 : i32
      %dma_start3A_441 = arith.constant 3 : i32
      %dma_start3A_442 = arith.constant 0 : i32
      %dma_start3A_443 = arith.constant 0 : i32
      %dma_start3A_444 = tpu.memref_slice %arg6[%dma_start3A_440, %dma_start3A_442, %dma_start3A_443] : memref<8x100x64xf32, #tpu.memory_space<vmem>> -> memref<1x100x64xf32, #tpu.memory_space<vmem>>
      %dma_start3A_445 = tpu.memref_squeeze %dma_start3A_444 : memref<1x100x64xf32, #tpu.memory_space<vmem>> -> memref<100x64xf32, #tpu.memory_space<vmem>>
      %dma_start3A_446 = arith.constant 0 : i32
      %dma_start3A_447 = tpu.memref_slice %arg5[%min3A_439, %dma_start3A_446] : memref<64x100xi32, #tpu.memory_space<vmem>> -> memref<1x100xi32, #tpu.memory_space<vmem>>
      %dma_start3A_448 = tpu.memref_squeeze %dma_start3A_447 : memref<1x100xi32, #tpu.memory_space<vmem>> -> memref<100xi32, #tpu.memory_space<vmem>>
      %dma_start3A_449 = arith.constant 0 : i32
      %dma_start3A_450 = arith.constant 0 : i32
      %dma_start3A_451 = tpu.memref_slice %arg3[%dma_start3A_449, %dma_start3A_450] : memref<100000x64xf32, #tpu.memory_space<hbm>> -> memref<100000x64xf32, #tpu.memory_space<hbm>>
      %dma_start3A_452 = tpu.memref_slice %arg8[%dma_start3A_441] : memref<8x!tpu.dma_semaphore, #tpu.memory_space<semaphore_mem>> -> memref<1x!tpu.dma_semaphore, #tpu.memory_space<semaphore_mem>>
      %dma_start3A_453 = tpu.memref_squeeze %dma_start3A_452 : memref<1x!tpu.dma_semaphore, #tpu.memory_space<semaphore_mem>> -> memref<!tpu.dma_semaphore, #tpu.memory_space<semaphore_mem>>
      tpu.enqueue_indirect_dma source(%dma_start3A_451 : memref<100000x64xf32, #tpu.memory_space<hbm>>) target(%dma_start3A_445 : memref<100x64xf32, #tpu.memory_space<vmem>>) offsets(%dma_start3A_448 : memref<100xi32, #tpu.memory_space<vmem>>) semaphore(%dma_start3A_453 : memref<!tpu.dma_semaphore, #tpu.memory_space<semaphore_mem>>)
      %mul3A_454 = arith.constant 4 : i32
      %mul3A_455 = arith.muli %scan3A_247, %mul3A_454 : i32
      %add3A_456 = arith.constant 1 : i32
      %add3A_457 = arith.addi %mul3A_455, %add3A_456 : i32
      %mul3A_458 = arith.constant 5.000000e-03 : f32
      %mul3A_459 = vector.broadcast %mul3A_458 : f32 to vector<16xf32>
      %mul3A_460 = arith.mulf %scan3A_434#0, %mul3A_459 : vector<16xf32>
      %swap3A_461 = arith.index_cast %add3A_457 : i32 to index
      %swap3A_462 = arith.constant 0 : index
      %swap3A_463 = tpu.vector_load %arg7[%swap3A_461, %swap3A_462] {strides = array<i32>} : memref<32x64xf32, #tpu.memory_space<vmem>>, vector<1x16xf32>,
      %swap3A_464 = vector.shape_cast %swap3A_463 : vector<1x16xf32> to vector<16xf32>
      %swap3A_465 = vector.shape_cast %mul3A_460 : vector<16xf32> to vector<1x16xf32>
      tpu.vector_store %arg7[%swap3A_461, %swap3A_462], %swap3A_465 {strides = array<i32>} : memref<32x64xf32, #tpu.memory_space<vmem>>, vector<1x16xf32>,
      %mul3A_466 = arith.constant 5.000000e-03 : f32
      %mul3A_467 = vector.broadcast %mul3A_466 : f32 to vector<16xf32>
      %mul3A_468 = arith.mulf %scan3A_434#1, %mul3A_467 : vector<16xf32>
      %swap3A_469 = arith.index_cast %add3A_457 : i32 to index
      %swap3A_470 = arith.constant 16 : index
      %swap3A_471 = tpu.vector_load %arg7[%swap3A_469, %swap3A_470] {strides = array<i32>} : memref<32x64xf32, #tpu.memory_space<vmem>>, vector<1x16xf32>,
      %swap3A_472 = vector.shape_cast %swap3A_471 : vector<1x16xf32> to vector<16xf32>
      %swap3A_473 = vector.shape_cast %mul3A_468 : vector<16xf32> to vector<1x16xf32>
      tpu.vector_store %arg7[%swap3A_469, %swap3A_470], %swap3A_473 {strides = array<i32>} : memref<32x64xf32, #tpu.memory_space<vmem>>, vector<1x16xf32>,
      %mul3A_474 = arith.constant 5.000000e-03 : f32
      %mul3A_475 = vector.broadcast %mul3A_474 : f32 to vector<16xf32>
      %mul3A_476 = arith.mulf %scan3A_434#2, %mul3A_475 : vector<16xf32>
      %swap3A_477 = arith.index_cast %add3A_457 : i32 to index
      %swap3A_478 = arith.constant 32 : index
      %swap3A_479 = tpu.vector_load %arg7[%swap3A_477, %swap3A_478] {strides = array<i32>} : memref<32x64xf32, #tpu.memory_space<vmem>>, vector<1x16xf32>,
      %swap3A_480 = vector.shape_cast %swap3A_479 : vector<1x16xf32> to vector<16xf32>
      %swap3A_481 = vector.shape_cast %mul3A_476 : vector<16xf32> to vector<1x16xf32>
      tpu.vector_store %arg7[%swap3A_477, %swap3A_478], %swap3A_481 {strides = array<i32>} : memref<32x64xf32, #tpu.memory_space<vmem>>, vector<1x16xf32>,
      %mul3A_482 = arith.constant 5.000000e-03 : f32
      %mul3A_483 = vector.broadcast %mul3A_482 : f32 to vector<16xf32>
      %mul3A_484 = arith.mulf %scan3A_434#3, %mul3A_483 : vector<16xf32>
      %swap3A_485 = arith.index_cast %add3A_457 : i32 to index
      %swap3A_486 = arith.constant 48 : index
      %swap3A_487 = tpu.vector_load %arg7[%swap3A_485, %swap3A_486] {strides = array<i32>} : memref<32x64xf32, #tpu.memory_space<vmem>>, vector<1x16xf32>,
      %swap3A_488 = vector.shape_cast %swap3A_487 : vector<1x16xf32> to vector<16xf32>
      %swap3A_489 = vector.shape_cast %mul3A_484 : vector<16xf32> to vector<1x16xf32>
      tpu.vector_store %arg7[%swap3A_485, %swap3A_486], %swap3A_489 {strides = array<i32>} : memref<32x64xf32, #tpu.memory_space<vmem>>, vector<1x16xf32>,
      %broadcast_in_dim3A_490 = arith.constant 0.000000e+00 : f32
      %broadcast_in_dim3A_491 = vector.broadcast %broadcast_in_dim3A_490 : f32 to vector<16xf32>
      %mul3A_492 = arith.constant 8 : i32
      %mul3A_493 = arith.muli %scan3A_247, %mul3A_492 : i32
      %add3A_494 = arith.constant 4 : i32
      %add3A_495 = arith.addi %mul3A_493, %add3A_494 : i32
      %dma_wait3A_496 = arith.constant 4 : i32
      %dma_wait3A_497 = arith.constant 4 : i32
      %dma_wait3A_498 = arith.constant 0 : i32
      %dma_wait3A_499 = arith.constant 0 : i32
      %dma_wait3A_500 = tpu.memref_slice %arg6[%dma_wait3A_496, %dma_wait3A_498, %dma_wait3A_499] : memref<8x100x64xf32, #tpu.memory_space<vmem>> -> memref<1x100x64xf32, #tpu.memory_space<vmem>>
      %dma_wait3A_501 = tpu.memref_squeeze %dma_wait3A_500 : memref<1x100x64xf32, #tpu.memory_space<vmem>> -> memref<100x64xf32, #tpu.memory_space<vmem>>
      %dma_wait3A_502 = arith.constant 0 : i32
      %dma_wait3A_503 = tpu.memref_slice %arg5[%add3A_495, %dma_wait3A_502] : memref<64x100xi32, #tpu.memory_space<vmem>> -> memref<1x100xi32, #tpu.memory_space<vmem>>
      %dma_wait3A_504 = tpu.memref_squeeze %dma_wait3A_503 : memref<1x100xi32, #tpu.memory_space<vmem>> -> memref<100xi32, #tpu.memory_space<vmem>>
      %dma_wait3A_505 = arith.constant 0 : i32
      %dma_wait3A_506 = arith.constant 0 : i32
      %dma_wait3A_507 = tpu.memref_slice %arg3[%dma_wait3A_505, %dma_wait3A_506] : memref<100000x64xf32, #tpu.memory_space<hbm>> -> memref<100000x64xf32, #tpu.memory_space<hbm>>
      %dma_wait3A_508 = tpu.memref_slice %arg8[%dma_wait3A_497] : memref<8x!tpu.dma_semaphore, #tpu.memory_space<semaphore_mem>> -> memref<1x!tpu.dma_semaphore, #tpu.memory_space<semaphore_mem>>
      %dma_wait3A_509 = tpu.memref_squeeze %dma_wait3A_508 : memref<1x!tpu.dma_semaphore, #tpu.memory_space<semaphore_mem>> -> memref<!tpu.dma_semaphore, #tpu.memory_space<semaphore_mem>>
      tpu.wait_indirect_dma semaphore(%dma_wait3A_509 : memref<!tpu.dma_semaphore, #tpu.memory_space<semaphore_mem>>) src(%dma_wait3A_507 : memref<100000x64xf32, #tpu.memory_space<hbm>>) dst(%dma_wait3A_501 : memref<100x64xf32, #tpu.memory_space<vmem>>)
      %scan3A_510 = arith.constant 0 : i32
      %scan3A_511 = arith.constant 10 : i32
      %scan3A_512 = arith.addi %scan3A_510, %scan3A_511 : i32
      %scan3A_513 = arith.constant 1 : i32
      %scan3A_514:4 = scf.for %scan3A_735 = %scan3A_510 to %scan3A_512 step %scan3A_513 iter_args(%scan3A_736 = %broadcast_in_dim3A_491, %scan3A_737 = %broadcast_in_dim3A_491, %scan3A_738 = %broadcast_in_dim3A_491, %scan3A_739 = %broadcast_in_dim3A_491) -> (vector<16xf32>, vector<16xf32>, vector<16xf32>, vector<16xf32>)  : i32 {
        %mul3A_740 = arith.constant 10 : i32
        %mul3A_741 = arith.muli %scan3A_735, %mul3A_740 : i32
        %add3A_742 = arith.constant 0 : i32
        %add3A_743 = arith.addi %mul3A_741, %add3A_742 : i32
        %get3A = arith.constant 4 : i32
        %get3A_744 = arith.index_cast %get3A : i32 to index
        %get3A_745 = arith.index_cast %add3A_743 : i32 to index
        %get3A_746 = arith.constant 0 : index
        %get3A_747 = tpu.vector_load %arg6[%get3A_744, %get3A_745, %get3A_746] {strides = array<i32>} : memref<8x100x64xf32, #tpu.memory_space<vmem>>, vector<1x1x16xf32>,
        %get3A_748 = vector.shape_cast %get3A_747 : vector<1x1x16xf32> to vector<16xf32>
        %add3A_749 = arith.addf %scan3A_736, %get3A_748 : vector<16xf32>
        %get3A_750 = arith.constant 4 : i32
        %get3A_751 = arith.index_cast %get3A_750 : i32 to index
        %get3A_752 = arith.index_cast %add3A_743 : i32 to index
        %get3A_753 = arith.constant 16 : index
        %get3A_754 = tpu.vector_load %arg6[%get3A_751, %get3A_752, %get3A_753] {strides = array<i32>} : memref<8x100x64xf32, #tpu.memory_space<vmem>>, vector<1x1x16xf32>,
        %get3A_755 = vector.shape_cast %get3A_754 : vector<1x1x16xf32> to vector<16xf32>
        %add3A_756 = arith.addf %scan3A_737, %get3A_755 : vector<16xf32>
        %get3A_757 = arith.constant 4 : i32
        %get3A_758 = arith.index_cast %get3A_757 : i32 to index
        %get3A_759 = arith.index_cast %add3A_743 : i32 to index
        %get3A_760 = arith.constant 32 : index
        %get3A_761 = tpu.vector_load %arg6[%get3A_758, %get3A_759, %get3A_760] {strides = array<i32>} : memref<8x100x64xf32, #tpu.memory_space<vmem>>, vector<1x1x16xf32>,
        %get3A_762 = vector.shape_cast %get3A_761 : vector<1x1x16xf32> to vector<16xf32>
        %add3A_763 = arith.addf %scan3A_738, %get3A_762 : vector<16xf32>
        %get3A_764 = arith.constant 4 : i32
        %get3A_765 = arith.index_cast %get3A_764 : i32 to index
        %get3A_766 = arith.index_cast %add3A_743 : i32 to index
        %get3A_767 = arith.constant 48 : index
        %get3A_768 = tpu.vector_load %arg6[%get3A_765, %get3A_766, %get3A_767] {strides = array<i32>} : memref<8x100x64xf32, #tpu.memory_space<vmem>>, vector<1x1x16xf32>,
        %get3A_769 = vector.shape_cast %get3A_768 : vector<1x1x16xf32> to vector<16xf32>
        %add3A_770 = arith.addf %scan3A_739, %get3A_769 : vector<16xf32>
        %mul3A_771 = arith.constant 10 : i32
        %mul3A_772 = arith.muli %scan3A_735, %mul3A_771 : i32
        %add3A_773 = arith.constant 1 : i32
        %add3A_774 = arith.addi %mul3A_772, %add3A_773 : i32
        %get3A_775 = arith.constant 4 : i32
        %get3A_776 = arith.index_cast %get3A_775 : i32 to index
        %get3A_777 = arith.index_cast %add3A_774 : i32 to index
        %get3A_778 = arith.constant 0 : index
        %get3A_779 = tpu.vector_load %arg6[%get3A_776, %get3A_777, %get3A_778] {strides = array<i32>} : memref<8x100x64xf32, #tpu.memory_space<vmem>>, vector<1x1x16xf32>,
        %get3A_780 = vector.shape_cast %get3A_779 : vector<1x1x16xf32> to vector<16xf32>
        %add3A_781 = arith.addf %add3A_749, %get3A_780 : vector<16xf32>
        %get3A_782 = arith.constant 4 : i32
        %get3A_783 = arith.index_cast %get3A_782 : i32 to index
        %get3A_784 = arith.index_cast %add3A_774 : i32 to index
        %get3A_785 = arith.constant 16 : index
        %get3A_786 = tpu.vector_load %arg6[%get3A_783, %get3A_784, %get3A_785] {strides = array<i32>} : memref<8x100x64xf32, #tpu.memory_space<vmem>>, vector<1x1x16xf32>,
        %get3A_787 = vector.shape_cast %get3A_786 : vector<1x1x16xf32> to vector<16xf32>
        %add3A_788 = arith.addf %add3A_756, %get3A_787 : vector<16xf32>
        %get3A_789 = arith.constant 4 : i32
        %get3A_790 = arith.index_cast %get3A_789 : i32 to index
        %get3A_791 = arith.index_cast %add3A_774 : i32 to index
        %get3A_792 = arith.constant 32 : index
        %get3A_793 = tpu.vector_load %arg6[%get3A_790, %get3A_791, %get3A_792] {strides = array<i32>} : memref<8x100x64xf32, #tpu.memory_space<vmem>>, vector<1x1x16xf32>,
        %get3A_794 = vector.shape_cast %get3A_793 : vector<1x1x16xf32> to vector<16xf32>
        %add3A_795 = arith.addf %add3A_763, %get3A_794 : vector<16xf32>
        %get3A_796 = arith.constant 4 : i32
        %get3A_797 = arith.index_cast %get3A_796 : i32 to index
        %get3A_798 = arith.index_cast %add3A_774 : i32 to index
        %get3A_799 = arith.constant 48 : index
        %get3A_800 = tpu.vector_load %arg6[%get3A_797, %get3A_798, %get3A_799] {strides = array<i32>} : memref<8x100x64xf32, #tpu.memory_space<vmem>>, vector<1x1x16xf32>,
        %get3A_801 = vector.shape_cast %get3A_800 : vector<1x1x16xf32> to vector<16xf32>
        %add3A_802 = arith.addf %add3A_770, %get3A_801 : vector<16xf32>
        %mul3A_803 = arith.constant 10 : i32
        %mul3A_804 = arith.muli %scan3A_735, %mul3A_803 : i32
        %add3A_805 = arith.constant 2 : i32
        %add3A_806 = arith.addi %mul3A_804, %add3A_805 : i32
        %get3A_807 = arith.constant 4 : i32
        %get3A_808 = arith.index_cast %get3A_807 : i32 to index
        %get3A_809 = arith.index_cast %add3A_806 : i32 to index
        %get3A_810 = arith.constant 0 : index
        %get3A_811 = tpu.vector_load %arg6[%get3A_808, %get3A_809, %get3A_810] {strides = array<i32>} : memref<8x100x64xf32, #tpu.memory_space<vmem>>, vector<1x1x16xf32>,
        %get3A_812 = vector.shape_cast %get3A_811 : vector<1x1x16xf32> to vector<16xf32>
        %add3A_813 = arith.addf %add3A_781, %get3A_812 : vector<16xf32>
        %get3A_814 = arith.constant 4 : i32
        %get3A_815 = arith.index_cast %get3A_814 : i32 to index
        %get3A_816 = arith.index_cast %add3A_806 : i32 to index
        %get3A_817 = arith.constant 16 : index
        %get3A_818 = tpu.vector_load %arg6[%get3A_815, %get3A_816, %get3A_817] {strides = array<i32>} : memref<8x100x64xf32, #tpu.memory_space<vmem>>, vector<1x1x16xf32>,
        %get3A_819 = vector.shape_cast %get3A_818 : vector<1x1x16xf32> to vector<16xf32>
        %add3A_820 = arith.addf %add3A_788, %get3A_819 : vector<16xf32>
        %get3A_821 = arith.constant 4 : i32
        %get3A_822 = arith.index_cast %get3A_821 : i32 to index
        %get3A_823 = arith.index_cast %add3A_806 : i32 to index
        %get3A_824 = arith.constant 32 : index
        %get3A_825 = tpu.vector_load %arg6[%get3A_822, %get3A_823, %get3A_824] {strides = array<i32>} : memref<8x100x64xf32, #tpu.memory_space<vmem>>, vector<1x1x16xf32>,
        %get3A_826 = vector.shape_cast %get3A_825 : vector<1x1x16xf32> to vector<16xf32>
        %add3A_827 = arith.addf %add3A_795, %get3A_826 : vector<16xf32>
        %get3A_828 = arith.constant 4 : i32
        %get3A_829 = arith.index_cast %get3A_828 : i32 to index
        %get3A_830 = arith.index_cast %add3A_806 : i32 to index
        %get3A_831 = arith.constant 48 : index
        %get3A_832 = tpu.vector_load %arg6[%get3A_829, %get3A_830, %get3A_831] {strides = array<i32>} : memref<8x100x64xf32, #tpu.memory_space<vmem>>, vector<1x1x16xf32>,
        %get3A_833 = vector.shape_cast %get3A_832 : vector<1x1x16xf32> to vector<16xf32>
        %add3A_834 = arith.addf %add3A_802, %get3A_833 : vector<16xf32>
        %mul3A_835 = arith.constant 10 : i32
        %mul3A_836 = arith.muli %scan3A_735, %mul3A_835 : i32
        %add3A_837 = arith.constant 3 : i32
        %add3A_838 = arith.addi %mul3A_836, %add3A_837 : i32
        %get3A_839 = arith.constant 4 : i32
        %get3A_840 = arith.index_cast %get3A_839 : i32 to index
        %get3A_841 = arith.index_cast %add3A_838 : i32 to index
        %get3A_842 = arith.constant 0 : index
        %get3A_843 = tpu.vector_load %arg6[%get3A_840, %get3A_841, %get3A_842] {strides = array<i32>} : memref<8x100x64xf32, #tpu.memory_space<vmem>>, vector<1x1x16xf32>,
        %get3A_844 = vector.shape_cast %get3A_843 : vector<1x1x16xf32> to vector<16xf32>
        %add3A_845 = arith.addf %add3A_813, %get3A_844 : vector<16xf32>
        %get3A_846 = arith.constant 4 : i32
        %get3A_847 = arith.index_cast %get3A_846 : i32 to index
        %get3A_848 = arith.index_cast %add3A_838 : i32 to index
        %get3A_849 = arith.constant 16 : index
        %get3A_850 = tpu.vector_load %arg6[%get3A_847, %get3A_848, %get3A_849] {strides = array<i32>} : memref<8x100x64xf32, #tpu.memory_space<vmem>>, vector<1x1x16xf32>,
        %get3A_851 = vector.shape_cast %get3A_850 : vector<1x1x16xf32> to vector<16xf32>
        %add3A_852 = arith.addf %add3A_820, %get3A_851 : vector<16xf32>
        %get3A_853 = arith.constant 4 : i32
        %get3A_854 = arith.index_cast %get3A_853 : i32 to index
        %get3A_855 = arith.index_cast %add3A_838 : i32 to index
        %get3A_856 = arith.constant 32 : index
        %get3A_857 = tpu.vector_load %arg6[%get3A_854, %get3A_855, %get3A_856] {strides = array<i32>} : memref<8x100x64xf32, #tpu.memory_space<vmem>>, vector<1x1x16xf32>,
        %get3A_858 = vector.shape_cast %get3A_857 : vector<1x1x16xf32> to vector<16xf32>
        %add3A_859 = arith.addf %add3A_827, %get3A_858 : vector<16xf32>
        %get3A_860 = arith.constant 4 : i32
        %get3A_861 = arith.index_cast %get3A_860 : i32 to index
        %get3A_862 = arith.index_cast %add3A_838 : i32 to index
        %get3A_863 = arith.constant 48 : index
        %get3A_864 = tpu.vector_load %arg6[%get3A_861, %get3A_862, %get3A_863] {strides = array<i32>} : memref<8x100x64xf32, #tpu.memory_space<vmem>>, vector<1x1x16xf32>,
        %get3A_865 = vector.shape_cast %get3A_864 : vector<1x1x16xf32> to vector<16xf32>
        %add3A_866 = arith.addf %add3A_834, %get3A_865 : vector<16xf32>
        %mul3A_867 = arith.constant 10 : i32
        %mul3A_868 = arith.muli %scan3A_735, %mul3A_867 : i32
        %add3A_869 = arith.constant 4 : i32
        %add3A_870 = arith.addi %mul3A_868, %add3A_869 : i32
        %get3A_871 = arith.constant 4 : i32
        %get3A_872 = arith.index_cast %get3A_871 : i32 to index
        %get3A_873 = arith.index_cast %add3A_870 : i32 to index
        %get3A_874 = arith.constant 0 : index
        %get3A_875 = tpu.vector_load %arg6[%get3A_872, %get3A_873, %get3A_874] {strides = array<i32>} : memref<8x100x64xf32, #tpu.memory_space<vmem>>, vector<1x1x16xf32>,
        %get3A_876 = vector.shape_cast %get3A_875 : vector<1x1x16xf32> to vector<16xf32>
        %add3A_877 = arith.addf %add3A_845, %get3A_876 : vector<16xf32>
        %get3A_878 = arith.constant 4 : i32
        %get3A_879 = arith.index_cast %get3A_878 : i32 to index
        %get3A_880 = arith.index_cast %add3A_870 : i32 to index
        %get3A_881 = arith.constant 16 : index
        %get3A_882 = tpu.vector_load %arg6[%get3A_879, %get3A_880, %get3A_881] {strides = array<i32>} : memref<8x100x64xf32, #tpu.memory_space<vmem>>, vector<1x1x16xf32>,
        %get3A_883 = vector.shape_cast %get3A_882 : vector<1x1x16xf32> to vector<16xf32>
        %add3A_884 = arith.addf %add3A_852, %get3A_883 : vector<16xf32>
        %get3A_885 = arith.constant 4 : i32
        %get3A_886 = arith.index_cast %get3A_885 : i32 to index
        %get3A_887 = arith.index_cast %add3A_870 : i32 to index
        %get3A_888 = arith.constant 32 : index
        %get3A_889 = tpu.vector_load %arg6[%get3A_886, %get3A_887, %get3A_888] {strides = array<i32>} : memref<8x100x64xf32, #tpu.memory_space<vmem>>, vector<1x1x16xf32>,
        %get3A_890 = vector.shape_cast %get3A_889 : vector<1x1x16xf32> to vector<16xf32>
        %add3A_891 = arith.addf %add3A_859, %get3A_890 : vector<16xf32>
        %get3A_892 = arith.constant 4 : i32
        %get3A_893 = arith.index_cast %get3A_892 : i32 to index
        %get3A_894 = arith.index_cast %add3A_870 : i32 to index
        %get3A_895 = arith.constant 48 : index
        %get3A_896 = tpu.vector_load %arg6[%get3A_893, %get3A_894, %get3A_895] {strides = array<i32>} : memref<8x100x64xf32, #tpu.memory_space<vmem>>, vector<1x1x16xf32>,
        %get3A_897 = vector.shape_cast %get3A_896 : vector<1x1x16xf32> to vector<16xf32>
        %add3A_898 = arith.addf %add3A_866, %get3A_897 : vector<16xf32>
        %mul3A_899 = arith.constant 10 : i32
        %mul3A_900 = arith.muli %scan3A_735, %mul3A_899 : i32
        %add3A_901 = arith.constant 5 : i32
        %add3A_902 = arith.addi %mul3A_900, %add3A_901 : i32
        %get3A_903 = arith.constant 4 : i32
        %get3A_904 = arith.index_cast %get3A_903 : i32 to index
        %get3A_905 = arith.index_cast %add3A_902 : i32 to index
        %get3A_906 = arith.constant 0 : index
        %get3A_907 = tpu.vector_load %arg6[%get3A_904, %get3A_905, %get3A_906] {strides = array<i32>} : memref<8x100x64xf32, #tpu.memory_space<vmem>>, vector<1x1x16xf32>,
        %get3A_908 = vector.shape_cast %get3A_907 : vector<1x1x16xf32> to vector<16xf32>
        %add3A_909 = arith.addf %add3A_877, %get3A_908 : vector<16xf32>
        %get3A_910 = arith.constant 4 : i32
        %get3A_911 = arith.index_cast %get3A_910 : i32 to index
        %get3A_912 = arith.index_cast %add3A_902 : i32 to index
        %get3A_913 = arith.constant 16 : index
        %get3A_914 = tpu.vector_load %arg6[%get3A_911, %get3A_912, %get3A_913] {strides = array<i32>} : memref<8x100x64xf32, #tpu.memory_space<vmem>>, vector<1x1x16xf32>,
        %get3A_915 = vector.shape_cast %get3A_914 : vector<1x1x16xf32> to vector<16xf32>
        %add3A_916 = arith.addf %add3A_884, %get3A_915 : vector<16xf32>
        %get3A_917 = arith.constant 4 : i32
        %get3A_918 = arith.index_cast %get3A_917 : i32 to index
        %get3A_919 = arith.index_cast %add3A_902 : i32 to index
        %get3A_920 = arith.constant 32 : index
        %get3A_921 = tpu.vector_load %arg6[%get3A_918, %get3A_919, %get3A_920] {strides = array<i32>} : memref<8x100x64xf32, #tpu.memory_space<vmem>>, vector<1x1x16xf32>,
        %get3A_922 = vector.shape_cast %get3A_921 : vector<1x1x16xf32> to vector<16xf32>
        %add3A_923 = arith.addf %add3A_891, %get3A_922 : vector<16xf32>
        %get3A_924 = arith.constant 4 : i32
        %get3A_925 = arith.index_cast %get3A_924 : i32 to index
        %get3A_926 = arith.index_cast %add3A_902 : i32 to index
        %get3A_927 = arith.constant 48 : index
        %get3A_928 = tpu.vector_load %arg6[%get3A_925, %get3A_926, %get3A_927] {strides = array<i32>} : memref<8x100x64xf32, #tpu.memory_space<vmem>>, vector<1x1x16xf32>,
        %get3A_929 = vector.shape_cast %get3A_928 : vector<1x1x16xf32> to vector<16xf32>
        %add3A_930 = arith.addf %add3A_898, %get3A_929 : vector<16xf32>
        %mul3A_931 = arith.constant 10 : i32
        %mul3A_932 = arith.muli %scan3A_735, %mul3A_931 : i32
        %add3A_933 = arith.constant 6 : i32
        %add3A_934 = arith.addi %mul3A_932, %add3A_933 : i32
        %get3A_935 = arith.constant 4 : i32
        %get3A_936 = arith.index_cast %get3A_935 : i32 to index
        %get3A_937 = arith.index_cast %add3A_934 : i32 to index
        %get3A_938 = arith.constant 0 : index
        %get3A_939 = tpu.vector_load %arg6[%get3A_936, %get3A_937, %get3A_938] {strides = array<i32>} : memref<8x100x64xf32, #tpu.memory_space<vmem>>, vector<1x1x16xf32>,
        %get3A_940 = vector.shape_cast %get3A_939 : vector<1x1x16xf32> to vector<16xf32>
        %add3A_941 = arith.addf %add3A_909, %get3A_940 : vector<16xf32>
        %get3A_942 = arith.constant 4 : i32
        %get3A_943 = arith.index_cast %get3A_942 : i32 to index
        %get3A_944 = arith.index_cast %add3A_934 : i32 to index
        %get3A_945 = arith.constant 16 : index
        %get3A_946 = tpu.vector_load %arg6[%get3A_943, %get3A_944, %get3A_945] {strides = array<i32>} : memref<8x100x64xf32, #tpu.memory_space<vmem>>, vector<1x1x16xf32>,
        %get3A_947 = vector.shape_cast %get3A_946 : vector<1x1x16xf32> to vector<16xf32>
        %add3A_948 = arith.addf %add3A_916, %get3A_947 : vector<16xf32>
        %get3A_949 = arith.constant 4 : i32
        %get3A_950 = arith.index_cast %get3A_949 : i32 to index
        %get3A_951 = arith.index_cast %add3A_934 : i32 to index
        %get3A_952 = arith.constant 32 : index
        %get3A_953 = tpu.vector_load %arg6[%get3A_950, %get3A_951, %get3A_952] {strides = array<i32>} : memref<8x100x64xf32, #tpu.memory_space<vmem>>, vector<1x1x16xf32>,
        %get3A_954 = vector.shape_cast %get3A_953 : vector<1x1x16xf32> to vector<16xf32>
        %add3A_955 = arith.addf %add3A_923, %get3A_954 : vector<16xf32>
        %get3A_956 = arith.constant 4 : i32
        %get3A_957 = arith.index_cast %get3A_956 : i32 to index
        %get3A_958 = arith.index_cast %add3A_934 : i32 to index
        %get3A_959 = arith.constant 48 : index
        %get3A_960 = tpu.vector_load %arg6[%get3A_957, %get3A_958, %get3A_959] {strides = array<i32>} : memref<8x100x64xf32, #tpu.memory_space<vmem>>, vector<1x1x16xf32>,
        %get3A_961 = vector.shape_cast %get3A_960 : vector<1x1x16xf32> to vector<16xf32>
        %add3A_962 = arith.addf %add3A_930, %get3A_961 : vector<16xf32>
        %mul3A_963 = arith.constant 10 : i32
        %mul3A_964 = arith.muli %scan3A_735, %mul3A_963 : i32
        %add3A_965 = arith.constant 7 : i32
        %add3A_966 = arith.addi %mul3A_964, %add3A_965 : i32
        %get3A_967 = arith.constant 4 : i32
        %get3A_968 = arith.index_cast %get3A_967 : i32 to index
        %get3A_969 = arith.index_cast %add3A_966 : i32 to index
        %get3A_970 = arith.constant 0 : index
        %get3A_971 = tpu.vector_load %arg6[%get3A_968, %get3A_969, %get3A_970] {strides = array<i32>} : memref<8x100x64xf32, #tpu.memory_space<vmem>>, vector<1x1x16xf32>,
        %get3A_972 = vector.shape_cast %get3A_971 : vector<1x1x16xf32> to vector<16xf32>
        %add3A_973 = arith.addf %add3A_941, %get3A_972 : vector<16xf32>
        %get3A_974 = arith.constant 4 : i32
        %get3A_975 = arith.index_cast %get3A_974 : i32 to index
        %get3A_976 = arith.index_cast %add3A_966 : i32 to index
        %get3A_977 = arith.constant 16 : index
        %get3A_978 = tpu.vector_load %arg6[%get3A_975, %get3A_976, %get3A_977] {strides = array<i32>} : memref<8x100x64xf32, #tpu.memory_space<vmem>>, vector<1x1x16xf32>,
        %get3A_979 = vector.shape_cast %get3A_978 : vector<1x1x16xf32> to vector<16xf32>
        %add3A_980 = arith.addf %add3A_948, %get3A_979 : vector<16xf32>
        %get3A_981 = arith.constant 4 : i32
        %get3A_982 = arith.index_cast %get3A_981 : i32 to index
        %get3A_983 = arith.index_cast %add3A_966 : i32 to index
        %get3A_984 = arith.constant 32 : index
        %get3A_985 = tpu.vector_load %arg6[%get3A_982, %get3A_983, %get3A_984] {strides = array<i32>} : memref<8x100x64xf32, #tpu.memory_space<vmem>>, vector<1x1x16xf32>,
        %get3A_986 = vector.shape_cast %get3A_985 : vector<1x1x16xf32> to vector<16xf32>
        %add3A_987 = arith.addf %add3A_955, %get3A_986 : vector<16xf32>
        %get3A_988 = arith.constant 4 : i32
        %get3A_989 = arith.index_cast %get3A_988 : i32 to index
        %get3A_990 = arith.index_cast %add3A_966 : i32 to index
        %get3A_991 = arith.constant 48 : index
        %get3A_992 = tpu.vector_load %arg6[%get3A_989, %get3A_990, %get3A_991] {strides = array<i32>} : memref<8x100x64xf32, #tpu.memory_space<vmem>>, vector<1x1x16xf32>,
        %get3A_993 = vector.shape_cast %get3A_992 : vector<1x1x16xf32> to vector<16xf32>
        %add3A_994 = arith.addf %add3A_962, %get3A_993 : vector<16xf32>
        %mul3A_995 = arith.constant 10 : i32
        %mul3A_996 = arith.muli %scan3A_735, %mul3A_995 : i32
        %add3A_997 = arith.constant 8 : i32
        %add3A_998 = arith.addi %mul3A_996, %add3A_997 : i32
        %get3A_999 = arith.constant 4 : i32
        %get3A_1000 = arith.index_cast %get3A_999 : i32 to index
        %get3A_1001 = arith.index_cast %add3A_998 : i32 to index
        %get3A_1002 = arith.constant 0 : index
        %get3A_1003 = tpu.vector_load %arg6[%get3A_1000, %get3A_1001, %get3A_1002] {strides = array<i32>} : memref<8x100x64xf32, #tpu.memory_space<vmem>>, vector<1x1x16xf32>,
        %get3A_1004 = vector.shape_cast %get3A_1003 : vector<1x1x16xf32> to vector<16xf32>
        %add3A_1005 = arith.addf %add3A_973, %get3A_1004 : vector<16xf32>
        %get3A_1006 = arith.constant 4 : i32
        %get3A_1007 = arith.index_cast %get3A_1006 : i32 to index
        %get3A_1008 = arith.index_cast %add3A_998 : i32 to index
        %get3A_1009 = arith.constant 16 : index
        %get3A_1010 = tpu.vector_load %arg6[%get3A_1007, %get3A_1008, %get3A_1009] {strides = array<i32>} : memref<8x100x64xf32, #tpu.memory_space<vmem>>, vector<1x1x16xf32>,
        %get3A_1011 = vector.shape_cast %get3A_1010 : vector<1x1x16xf32> to vector<16xf32>
        %add3A_1012 = arith.addf %add3A_980, %get3A_1011 : vector<16xf32>
        %get3A_1013 = arith.constant 4 : i32
        %get3A_1014 = arith.index_cast %get3A_1013 : i32 to index
        %get3A_1015 = arith.index_cast %add3A_998 : i32 to index
        %get3A_1016 = arith.constant 32 : index
        %get3A_1017 = tpu.vector_load %arg6[%get3A_1014, %get3A_1015, %get3A_1016] {strides = array<i32>} : memref<8x100x64xf32, #tpu.memory_space<vmem>>, vector<1x1x16xf32>,
        %get3A_1018 = vector.shape_cast %get3A_1017 : vector<1x1x16xf32> to vector<16xf32>
        %add3A_1019 = arith.addf %add3A_987, %get3A_1018 : vector<16xf32>
        %get3A_1020 = arith.constant 4 : i32
        %get3A_1021 = arith.index_cast %get3A_1020 : i32 to index
        %get3A_1022 = arith.index_cast %add3A_998 : i32 to index
        %get3A_1023 = arith.constant 48 : index
        %get3A_1024 = tpu.vector_load %arg6[%get3A_1021, %get3A_1022, %get3A_1023] {strides = array<i32>} : memref<8x100x64xf32, #tpu.memory_space<vmem>>, vector<1x1x16xf32>,
        %get3A_1025 = vector.shape_cast %get3A_1024 : vector<1x1x16xf32> to vector<16xf32>
        %add3A_1026 = arith.addf %add3A_994, %get3A_1025 : vector<16xf32>
        %mul3A_1027 = arith.constant 10 : i32
        %mul3A_1028 = arith.muli %scan3A_735, %mul3A_1027 : i32
        %add3A_1029 = arith.constant 9 : i32
        %add3A_1030 = arith.addi %mul3A_1028, %add3A_1029 : i32
        %get3A_1031 = arith.constant 4 : i32
        %get3A_1032 = arith.index_cast %get3A_1031 : i32 to index
        %get3A_1033 = arith.index_cast %add3A_1030 : i32 to index
        %get3A_1034 = arith.constant 0 : index
        %get3A_1035 = tpu.vector_load %arg6[%get3A_1032, %get3A_1033, %get3A_1034] {strides = array<i32>} : memref<8x100x64xf32, #tpu.memory_space<vmem>>, vector<1x1x16xf32>,
        %get3A_1036 = vector.shape_cast %get3A_1035 : vector<1x1x16xf32> to vector<16xf32>
        %add3A_1037 = arith.addf %add3A_1005, %get3A_1036 : vector<16xf32>
        %get3A_1038 = arith.constant 4 : i32
        %get3A_1039 = arith.index_cast %get3A_1038 : i32 to index
        %get3A_1040 = arith.index_cast %add3A_1030 : i32 to index
        %get3A_1041 = arith.constant 16 : index
        %get3A_1042 = tpu.vector_load %arg6[%get3A_1039, %get3A_1040, %get3A_1041] {strides = array<i32>} : memref<8x100x64xf32, #tpu.memory_space<vmem>>, vector<1x1x16xf32>,
        %get3A_1043 = vector.shape_cast %get3A_1042 : vector<1x1x16xf32> to vector<16xf32>
        %add3A_1044 = arith.addf %add3A_1012, %get3A_1043 : vector<16xf32>
        %get3A_1045 = arith.constant 4 : i32
        %get3A_1046 = arith.index_cast %get3A_1045 : i32 to index
        %get3A_1047 = arith.index_cast %add3A_1030 : i32 to index
        %get3A_1048 = arith.constant 32 : index
        %get3A_1049 = tpu.vector_load %arg6[%get3A_1046, %get3A_1047, %get3A_1048] {strides = array<i32>} : memref<8x100x64xf32, #tpu.memory_space<vmem>>, vector<1x1x16xf32>,
        %get3A_1050 = vector.shape_cast %get3A_1049 : vector<1x1x16xf32> to vector<16xf32>
        %add3A_1051 = arith.addf %add3A_1019, %get3A_1050 : vector<16xf32>
        %get3A_1052 = arith.constant 4 : i32
        %get3A_1053 = arith.index_cast %get3A_1052 : i32 to index
        %get3A_1054 = arith.index_cast %add3A_1030 : i32 to index
        %get3A_1055 = arith.constant 48 : index
        %get3A_1056 = tpu.vector_load %arg6[%get3A_1053, %get3A_1054, %get3A_1055] {strides = array<i32>} : memref<8x100x64xf32, #tpu.memory_space<vmem>>, vector<1x1x16xf32>,
        %get3A_1057 = vector.shape_cast %get3A_1056 : vector<1x1x16xf32> to vector<16xf32>
        %add3A_1058 = arith.addf %add3A_1026, %get3A_1057 : vector<16xf32>
        scf.yield %add3A_1037, %add3A_1044, %add3A_1051, %add3A_1058 : vector<16xf32>, vector<16xf32>, vector<16xf32>, vector<16xf32>
      }
      %scan3A_515 = arith.constant 10 : i32
      %add3A_516 = arith.constant 8 : i32
      %add3A_517 = arith.addi %add3A_495, %add3A_516 : i32
      %min3A_518 = arith.constant 63 : i32
      %min3A_519 = arith.minsi %add3A_517, %min3A_518 : i32
      %dma_start3A_520 = arith.constant 4 : i32
      %dma_start3A_521 = arith.constant 4 : i32
      %dma_start3A_522 = arith.constant 0 : i32
      %dma_start3A_523 = arith.constant 0 : i32
      %dma_start3A_524 = tpu.memref_slice %arg6[%dma_start3A_520, %dma_start3A_522, %dma_start3A_523] : memref<8x100x64xf32, #tpu.memory_space<vmem>> -> memref<1x100x64xf32, #tpu.memory_space<vmem>>
      %dma_start3A_525 = tpu.memref_squeeze %dma_start3A_524 : memref<1x100x64xf32, #tpu.memory_space<vmem>> -> memref<100x64xf32, #tpu.memory_space<vmem>>
      %dma_start3A_526 = arith.constant 0 : i32
      %dma_start3A_527 = tpu.memref_slice %arg5[%min3A_519, %dma_start3A_526] : memref<64x100xi32, #tpu.memory_space<vmem>> -> memref<1x100xi32, #tpu.memory_space<vmem>>
      %dma_start3A_528 = tpu.memref_squeeze %dma_start3A_527 : memref<1x100xi32, #tpu.memory_space<vmem>> -> memref<100xi32, #tpu.memory_space<vmem>>
      %dma_start3A_529 = arith.constant 0 : i32
      %dma_start3A_530 = arith.constant 0 : i32
      %dma_start3A_531 = tpu.memref_slice %arg3[%dma_start3A_529, %dma_start3A_530] : memref<100000x64xf32, #tpu.memory_space<hbm>> -> memref<100000x64xf32, #tpu.memory_space<hbm>>
      %dma_start3A_532 = tpu.memref_slice %arg8[%dma_start3A_521] : memref<8x!tpu.dma_semaphore, #tpu.memory_space<semaphore_mem>> -> memref<1x!tpu.dma_semaphore, #tpu.memory_space<semaphore_mem>>
      %dma_start3A_533 = tpu.memref_squeeze %dma_start3A_532 : memref<1x!tpu.dma_semaphore, #tpu.memory_space<semaphore_mem>> -> memref<!tpu.dma_semaphore, #tpu.memory_space<semaphore_mem>>
      tpu.enqueue_indirect_dma source(%dma_start3A_531 : memref<100000x64xf32, #tpu.memory_space<hbm>>) target(%dma_start3A_525 : memref<100x64xf32, #tpu.memory_space<vmem>>) offsets(%dma_start3A_528 : memref<100xi32, #tpu.memory_space<vmem>>) semaphore(%dma_start3A_533 : memref<!tpu.dma_semaphore, #tpu.memory_space<semaphore_mem>>)
      %mul3A_534 = arith.constant 8 : i32
      %mul3A_535 = arith.muli %scan3A_247, %mul3A_534 : i32
      %add3A_536 = arith.constant 5 : i32
      %add3A_537 = arith.addi %mul3A_535, %add3A_536 : i32
      %dma_wait3A_538 = arith.constant 5 : i32
      %dma_wait3A_539 = arith.constant 5 : i32
      %dma_wait3A_540 = arith.constant 0 : i32
      %dma_wait3A_541 = arith.constant 0 : i32
      %dma_wait3A_542 = tpu.memref_slice %arg6[%dma_wait3A_538, %dma_wait3A_540, %dma_wait3A_541] : memref<8x100x64xf32, #tpu.memory_space<vmem>> -> memref<1x100x64xf32, #tpu.memory_space<vmem>>
      %dma_wait3A_543 = tpu.memref_squeeze %dma_wait3A_542 : memref<1x100x64xf32, #tpu.memory_space<vmem>> -> memref<100x64xf32, #tpu.memory_space<vmem>>
      %dma_wait3A_544 = arith.constant 0 : i32
      %dma_wait3A_545 = tpu.memref_slice %arg5[%add3A_537, %dma_wait3A_544] : memref<64x100xi32, #tpu.memory_space<vmem>> -> memref<1x100xi32, #tpu.memory_space<vmem>>
      %dma_wait3A_546 = tpu.memref_squeeze %dma_wait3A_545 : memref<1x100xi32, #tpu.memory_space<vmem>> -> memref<100xi32, #tpu.memory_space<vmem>>
      %dma_wait3A_547 = arith.constant 0 : i32
      %dma_wait3A_548 = arith.constant 0 : i32
      %dma_wait3A_549 = tpu.memref_slice %arg3[%dma_wait3A_547, %dma_wait3A_548] : memref<100000x64xf32, #tpu.memory_space<hbm>> -> memref<100000x64xf32, #tpu.memory_space<hbm>>
      %dma_wait3A_550 = tpu.memref_slice %arg8[%dma_wait3A_539] : memref<8x!tpu.dma_semaphore, #tpu.memory_space<semaphore_mem>> -> memref<1x!tpu.dma_semaphore, #tpu.memory_space<semaphore_mem>>
      %dma_wait3A_551 = tpu.memref_squeeze %dma_wait3A_550 : memref<1x!tpu.dma_semaphore, #tpu.memory_space<semaphore_mem>> -> memref<!tpu.dma_semaphore, #tpu.memory_space<semaphore_mem>>
      tpu.wait_indirect_dma semaphore(%dma_wait3A_551 : memref<!tpu.dma_semaphore, #tpu.memory_space<semaphore_mem>>) src(%dma_wait3A_549 : memref<100000x64xf32, #tpu.memory_space<hbm>>) dst(%dma_wait3A_543 : memref<100x64xf32, #tpu.memory_space<vmem>>)
      %scan3A_552 = arith.constant 0 : i32
      %scan3A_553 = arith.constant 10 : i32
      %scan3A_554 = arith.addi %scan3A_552, %scan3A_553 : i32
      %scan3A_555 = arith.constant 1 : i32
      %scan3A_556:4 = scf.for %scan3A_735 = %scan3A_552 to %scan3A_554 step %scan3A_555 iter_args(%scan3A_736 = %scan3A_514#0, %scan3A_737 = %scan3A_514#1, %scan3A_738 = %scan3A_514#2, %scan3A_739 = %scan3A_514#3) -> (vector<16xf32>, vector<16xf32>, vector<16xf32>, vector<16xf32>)  : i32 {
        %mul3A_740 = arith.constant 10 : i32
        %mul3A_741 = arith.muli %scan3A_735, %mul3A_740 : i32
        %add3A_742 = arith.constant 0 : i32
        %add3A_743 = arith.addi %mul3A_741, %add3A_742 : i32
        %get3A = arith.constant 5 : i32
        %get3A_744 = arith.index_cast %get3A : i32 to index
        %get3A_745 = arith.index_cast %add3A_743 : i32 to index
        %get3A_746 = arith.constant 0 : index
        %get3A_747 = tpu.vector_load %arg6[%get3A_744, %get3A_745, %get3A_746] {strides = array<i32>} : memref<8x100x64xf32, #tpu.memory_space<vmem>>, vector<1x1x16xf32>,
        %get3A_748 = vector.shape_cast %get3A_747 : vector<1x1x16xf32> to vector<16xf32>
        %add3A_749 = arith.addf %scan3A_736, %get3A_748 : vector<16xf32>
        %get3A_750 = arith.constant 5 : i32
        %get3A_751 = arith.index_cast %get3A_750 : i32 to index
        %get3A_752 = arith.index_cast %add3A_743 : i32 to index
        %get3A_753 = arith.constant 16 : index
        %get3A_754 = tpu.vector_load %arg6[%get3A_751, %get3A_752, %get3A_753] {strides = array<i32>} : memref<8x100x64xf32, #tpu.memory_space<vmem>>, vector<1x1x16xf32>,
        %get3A_755 = vector.shape_cast %get3A_754 : vector<1x1x16xf32> to vector<16xf32>
        %add3A_756 = arith.addf %scan3A_737, %get3A_755 : vector<16xf32>
        %get3A_757 = arith.constant 5 : i32
        %get3A_758 = arith.index_cast %get3A_757 : i32 to index
        %get3A_759 = arith.index_cast %add3A_743 : i32 to index
        %get3A_760 = arith.constant 32 : index
        %get3A_761 = tpu.vector_load %arg6[%get3A_758, %get3A_759, %get3A_760] {strides = array<i32>} : memref<8x100x64xf32, #tpu.memory_space<vmem>>, vector<1x1x16xf32>,
        %get3A_762 = vector.shape_cast %get3A_761 : vector<1x1x16xf32> to vector<16xf32>
        %add3A_763 = arith.addf %scan3A_738, %get3A_762 : vector<16xf32>
        %get3A_764 = arith.constant 5 : i32
        %get3A_765 = arith.index_cast %get3A_764 : i32 to index
        %get3A_766 = arith.index_cast %add3A_743 : i32 to index
        %get3A_767 = arith.constant 48 : index
        %get3A_768 = tpu.vector_load %arg6[%get3A_765, %get3A_766, %get3A_767] {strides = array<i32>} : memref<8x100x64xf32, #tpu.memory_space<vmem>>, vector<1x1x16xf32>,
        %get3A_769 = vector.shape_cast %get3A_768 : vector<1x1x16xf32> to vector<16xf32>
        %add3A_770 = arith.addf %scan3A_739, %get3A_769 : vector<16xf32>
        %mul3A_771 = arith.constant 10 : i32
        %mul3A_772 = arith.muli %scan3A_735, %mul3A_771 : i32
        %add3A_773 = arith.constant 1 : i32
        %add3A_774 = arith.addi %mul3A_772, %add3A_773 : i32
        %get3A_775 = arith.constant 5 : i32
        %get3A_776 = arith.index_cast %get3A_775 : i32 to index
        %get3A_777 = arith.index_cast %add3A_774 : i32 to index
        %get3A_778 = arith.constant 0 : index
        %get3A_779 = tpu.vector_load %arg6[%get3A_776, %get3A_777, %get3A_778] {strides = array<i32>} : memref<8x100x64xf32, #tpu.memory_space<vmem>>, vector<1x1x16xf32>,
        %get3A_780 = vector.shape_cast %get3A_779 : vector<1x1x16xf32> to vector<16xf32>
        %add3A_781 = arith.addf %add3A_749, %get3A_780 : vector<16xf32>
        %get3A_782 = arith.constant 5 : i32
        %get3A_783 = arith.index_cast %get3A_782 : i32 to index
        %get3A_784 = arith.index_cast %add3A_774 : i32 to index
        %get3A_785 = arith.constant 16 : index
        %get3A_786 = tpu.vector_load %arg6[%get3A_783, %get3A_784, %get3A_785] {strides = array<i32>} : memref<8x100x64xf32, #tpu.memory_space<vmem>>, vector<1x1x16xf32>,
        %get3A_787 = vector.shape_cast %get3A_786 : vector<1x1x16xf32> to vector<16xf32>
        %add3A_788 = arith.addf %add3A_756, %get3A_787 : vector<16xf32>
        %get3A_789 = arith.constant 5 : i32
        %get3A_790 = arith.index_cast %get3A_789 : i32 to index
        %get3A_791 = arith.index_cast %add3A_774 : i32 to index
        %get3A_792 = arith.constant 32 : index
        %get3A_793 = tpu.vector_load %arg6[%get3A_790, %get3A_791, %get3A_792] {strides = array<i32>} : memref<8x100x64xf32, #tpu.memory_space<vmem>>, vector<1x1x16xf32>,
        %get3A_794 = vector.shape_cast %get3A_793 : vector<1x1x16xf32> to vector<16xf32>
        %add3A_795 = arith.addf %add3A_763, %get3A_794 : vector<16xf32>
        %get3A_796 = arith.constant 5 : i32
        %get3A_797 = arith.index_cast %get3A_796 : i32 to index
        %get3A_798 = arith.index_cast %add3A_774 : i32 to index
        %get3A_799 = arith.constant 48 : index
        %get3A_800 = tpu.vector_load %arg6[%get3A_797, %get3A_798, %get3A_799] {strides = array<i32>} : memref<8x100x64xf32, #tpu.memory_space<vmem>>, vector<1x1x16xf32>,
        %get3A_801 = vector.shape_cast %get3A_800 : vector<1x1x16xf32> to vector<16xf32>
        %add3A_802 = arith.addf %add3A_770, %get3A_801 : vector<16xf32>
        %mul3A_803 = arith.constant 10 : i32
        %mul3A_804 = arith.muli %scan3A_735, %mul3A_803 : i32
        %add3A_805 = arith.constant 2 : i32
        %add3A_806 = arith.addi %mul3A_804, %add3A_805 : i32
        %get3A_807 = arith.constant 5 : i32
        %get3A_808 = arith.index_cast %get3A_807 : i32 to index
        %get3A_809 = arith.index_cast %add3A_806 : i32 to index
        %get3A_810 = arith.constant 0 : index
        %get3A_811 = tpu.vector_load %arg6[%get3A_808, %get3A_809, %get3A_810] {strides = array<i32>} : memref<8x100x64xf32, #tpu.memory_space<vmem>>, vector<1x1x16xf32>,
        %get3A_812 = vector.shape_cast %get3A_811 : vector<1x1x16xf32> to vector<16xf32>
        %add3A_813 = arith.addf %add3A_781, %get3A_812 : vector<16xf32>
        %get3A_814 = arith.constant 5 : i32
        %get3A_815 = arith.index_cast %get3A_814 : i32 to index
        %get3A_816 = arith.index_cast %add3A_806 : i32 to index
        %get3A_817 = arith.constant 16 : index
        %get3A_818 = tpu.vector_load %arg6[%get3A_815, %get3A_816, %get3A_817] {strides = array<i32>} : memref<8x100x64xf32, #tpu.memory_space<vmem>>, vector<1x1x16xf32>,
        %get3A_819 = vector.shape_cast %get3A_818 : vector<1x1x16xf32> to vector<16xf32>
        %add3A_820 = arith.addf %add3A_788, %get3A_819 : vector<16xf32>
        %get3A_821 = arith.constant 5 : i32
        %get3A_822 = arith.index_cast %get3A_821 : i32 to index
        %get3A_823 = arith.index_cast %add3A_806 : i32 to index
        %get3A_824 = arith.constant 32 : index
        %get3A_825 = tpu.vector_load %arg6[%get3A_822, %get3A_823, %get3A_824] {strides = array<i32>} : memref<8x100x64xf32, #tpu.memory_space<vmem>>, vector<1x1x16xf32>,
        %get3A_826 = vector.shape_cast %get3A_825 : vector<1x1x16xf32> to vector<16xf32>
        %add3A_827 = arith.addf %add3A_795, %get3A_826 : vector<16xf32>
        %get3A_828 = arith.constant 5 : i32
        %get3A_829 = arith.index_cast %get3A_828 : i32 to index
        %get3A_830 = arith.index_cast %add3A_806 : i32 to index
        %get3A_831 = arith.constant 48 : index
        %get3A_832 = tpu.vector_load %arg6[%get3A_829, %get3A_830, %get3A_831] {strides = array<i32>} : memref<8x100x64xf32, #tpu.memory_space<vmem>>, vector<1x1x16xf32>,
        %get3A_833 = vector.shape_cast %get3A_832 : vector<1x1x16xf32> to vector<16xf32>
        %add3A_834 = arith.addf %add3A_802, %get3A_833 : vector<16xf32>
        %mul3A_835 = arith.constant 10 : i32
        %mul3A_836 = arith.muli %scan3A_735, %mul3A_835 : i32
        %add3A_837 = arith.constant 3 : i32
        %add3A_838 = arith.addi %mul3A_836, %add3A_837 : i32
        %get3A_839 = arith.constant 5 : i32
        %get3A_840 = arith.index_cast %get3A_839 : i32 to index
        %get3A_841 = arith.index_cast %add3A_838 : i32 to index
        %get3A_842 = arith.constant 0 : index
        %get3A_843 = tpu.vector_load %arg6[%get3A_840, %get3A_841, %get3A_842] {strides = array<i32>} : memref<8x100x64xf32, #tpu.memory_space<vmem>>, vector<1x1x16xf32>,
        %get3A_844 = vector.shape_cast %get3A_843 : vector<1x1x16xf32> to vector<16xf32>
        %add3A_845 = arith.addf %add3A_813, %get3A_844 : vector<16xf32>
        %get3A_846 = arith.constant 5 : i32
        %get3A_847 = arith.index_cast %get3A_846 : i32 to index
        %get3A_848 = arith.index_cast %add3A_838 : i32 to index
        %get3A_849 = arith.constant 16 : index
        %get3A_850 = tpu.vector_load %arg6[%get3A_847, %get3A_848, %get3A_849] {strides = array<i32>} : memref<8x100x64xf32, #tpu.memory_space<vmem>>, vector<1x1x16xf32>,
        %get3A_851 = vector.shape_cast %get3A_850 : vector<1x1x16xf32> to vector<16xf32>
        %add3A_852 = arith.addf %add3A_820, %get3A_851 : vector<16xf32>
        %get3A_853 = arith.constant 5 : i32
        %get3A_854 = arith.index_cast %get3A_853 : i32 to index
        %get3A_855 = arith.index_cast %add3A_838 : i32 to index
        %get3A_856 = arith.constant 32 : index
        %get3A_857 = tpu.vector_load %arg6[%get3A_854, %get3A_855, %get3A_856] {strides = array<i32>} : memref<8x100x64xf32, #tpu.memory_space<vmem>>, vector<1x1x16xf32>,
        %get3A_858 = vector.shape_cast %get3A_857 : vector<1x1x16xf32> to vector<16xf32>
        %add3A_859 = arith.addf %add3A_827, %get3A_858 : vector<16xf32>
        %get3A_860 = arith.constant 5 : i32
        %get3A_861 = arith.index_cast %get3A_860 : i32 to index
        %get3A_862 = arith.index_cast %add3A_838 : i32 to index
        %get3A_863 = arith.constant 48 : index
        %get3A_864 = tpu.vector_load %arg6[%get3A_861, %get3A_862, %get3A_863] {strides = array<i32>} : memref<8x100x64xf32, #tpu.memory_space<vmem>>, vector<1x1x16xf32>,
        %get3A_865 = vector.shape_cast %get3A_864 : vector<1x1x16xf32> to vector<16xf32>
        %add3A_866 = arith.addf %add3A_834, %get3A_865 : vector<16xf32>
        %mul3A_867 = arith.constant 10 : i32
        %mul3A_868 = arith.muli %scan3A_735, %mul3A_867 : i32
        %add3A_869 = arith.constant 4 : i32
        %add3A_870 = arith.addi %mul3A_868, %add3A_869 : i32
        %get3A_871 = arith.constant 5 : i32
        %get3A_872 = arith.index_cast %get3A_871 : i32 to index
        %get3A_873 = arith.index_cast %add3A_870 : i32 to index
        %get3A_874 = arith.constant 0 : index
        %get3A_875 = tpu.vector_load %arg6[%get3A_872, %get3A_873, %get3A_874] {strides = array<i32>} : memref<8x100x64xf32, #tpu.memory_space<vmem>>, vector<1x1x16xf32>,
        %get3A_876 = vector.shape_cast %get3A_875 : vector<1x1x16xf32> to vector<16xf32>
        %add3A_877 = arith.addf %add3A_845, %get3A_876 : vector<16xf32>
        %get3A_878 = arith.constant 5 : i32
        %get3A_879 = arith.index_cast %get3A_878 : i32 to index
        %get3A_880 = arith.index_cast %add3A_870 : i32 to index
        %get3A_881 = arith.constant 16 : index
        %get3A_882 = tpu.vector_load %arg6[%get3A_879, %get3A_880, %get3A_881] {strides = array<i32>} : memref<8x100x64xf32, #tpu.memory_space<vmem>>, vector<1x1x16xf32>,
        %get3A_883 = vector.shape_cast %get3A_882 : vector<1x1x16xf32> to vector<16xf32>
        %add3A_884 = arith.addf %add3A_852, %get3A_883 : vector<16xf32>
        %get3A_885 = arith.constant 5 : i32
        %get3A_886 = arith.index_cast %get3A_885 : i32 to index
        %get3A_887 = arith.index_cast %add3A_870 : i32 to index
        %get3A_888 = arith.constant 32 : index
        %get3A_889 = tpu.vector_load %arg6[%get3A_886, %get3A_887, %get3A_888] {strides = array<i32>} : memref<8x100x64xf32, #tpu.memory_space<vmem>>, vector<1x1x16xf32>,
        %get3A_890 = vector.shape_cast %get3A_889 : vector<1x1x16xf32> to vector<16xf32>
        %add3A_891 = arith.addf %add3A_859, %get3A_890 : vector<16xf32>
        %get3A_892 = arith.constant 5 : i32
        %get3A_893 = arith.index_cast %get3A_892 : i32 to index
        %get3A_894 = arith.index_cast %add3A_870 : i32 to index
        %get3A_895 = arith.constant 48 : index
        %get3A_896 = tpu.vector_load %arg6[%get3A_893, %get3A_894, %get3A_895] {strides = array<i32>} : memref<8x100x64xf32, #tpu.memory_space<vmem>>, vector<1x1x16xf32>,
        %get3A_897 = vector.shape_cast %get3A_896 : vector<1x1x16xf32> to vector<16xf32>
        %add3A_898 = arith.addf %add3A_866, %get3A_897 : vector<16xf32>
        %mul3A_899 = arith.constant 10 : i32
        %mul3A_900 = arith.muli %scan3A_735, %mul3A_899 : i32
        %add3A_901 = arith.constant 5 : i32
        %add3A_902 = arith.addi %mul3A_900, %add3A_901 : i32
        %get3A_903 = arith.constant 5 : i32
        %get3A_904 = arith.index_cast %get3A_903 : i32 to index
        %get3A_905 = arith.index_cast %add3A_902 : i32 to index
        %get3A_906 = arith.constant 0 : index
        %get3A_907 = tpu.vector_load %arg6[%get3A_904, %get3A_905, %get3A_906] {strides = array<i32>} : memref<8x100x64xf32, #tpu.memory_space<vmem>>, vector<1x1x16xf32>,
        %get3A_908 = vector.shape_cast %get3A_907 : vector<1x1x16xf32> to vector<16xf32>
        %add3A_909 = arith.addf %add3A_877, %get3A_908 : vector<16xf32>
        %get3A_910 = arith.constant 5 : i32
        %get3A_911 = arith.index_cast %get3A_910 : i32 to index
        %get3A_912 = arith.index_cast %add3A_902 : i32 to index
        %get3A_913 = arith.constant 16 : index
        %get3A_914 = tpu.vector_load %arg6[%get3A_911, %get3A_912, %get3A_913] {strides = array<i32>} : memref<8x100x64xf32, #tpu.memory_space<vmem>>, vector<1x1x16xf32>,
        %get3A_915 = vector.shape_cast %get3A_914 : vector<1x1x16xf32> to vector<16xf32>
        %add3A_916 = arith.addf %add3A_884, %get3A_915 : vector<16xf32>
        %get3A_917 = arith.constant 5 : i32
        %get3A_918 = arith.index_cast %get3A_917 : i32 to index
        %get3A_919 = arith.index_cast %add3A_902 : i32 to index
        %get3A_920 = arith.constant 32 : index
        %get3A_921 = tpu.vector_load %arg6[%get3A_918, %get3A_919, %get3A_920] {strides = array<i32>} : memref<8x100x64xf32, #tpu.memory_space<vmem>>, vector<1x1x16xf32>,
        %get3A_922 = vector.shape_cast %get3A_921 : vector<1x1x16xf32> to vector<16xf32>
        %add3A_923 = arith.addf %add3A_891, %get3A_922 : vector<16xf32>
        %get3A_924 = arith.constant 5 : i32
        %get3A_925 = arith.index_cast %get3A_924 : i32 to index
        %get3A_926 = arith.index_cast %add3A_902 : i32 to index
        %get3A_927 = arith.constant 48 : index
        %get3A_928 = tpu.vector_load %arg6[%get3A_925, %get3A_926, %get3A_927] {strides = array<i32>} : memref<8x100x64xf32, #tpu.memory_space<vmem>>, vector<1x1x16xf32>,
        %get3A_929 = vector.shape_cast %get3A_928 : vector<1x1x16xf32> to vector<16xf32>
        %add3A_930 = arith.addf %add3A_898, %get3A_929 : vector<16xf32>
        %mul3A_931 = arith.constant 10 : i32
        %mul3A_932 = arith.muli %scan3A_735, %mul3A_931 : i32
        %add3A_933 = arith.constant 6 : i32
        %add3A_934 = arith.addi %mul3A_932, %add3A_933 : i32
        %get3A_935 = arith.constant 5 : i32
        %get3A_936 = arith.index_cast %get3A_935 : i32 to index
        %get3A_937 = arith.index_cast %add3A_934 : i32 to index
        %get3A_938 = arith.constant 0 : index
        %get3A_939 = tpu.vector_load %arg6[%get3A_936, %get3A_937, %get3A_938] {strides = array<i32>} : memref<8x100x64xf32, #tpu.memory_space<vmem>>, vector<1x1x16xf32>,
        %get3A_940 = vector.shape_cast %get3A_939 : vector<1x1x16xf32> to vector<16xf32>
        %add3A_941 = arith.addf %add3A_909, %get3A_940 : vector<16xf32>
        %get3A_942 = arith.constant 5 : i32
        %get3A_943 = arith.index_cast %get3A_942 : i32 to index
        %get3A_944 = arith.index_cast %add3A_934 : i32 to index
        %get3A_945 = arith.constant 16 : index
        %get3A_946 = tpu.vector_load %arg6[%get3A_943, %get3A_944, %get3A_945] {strides = array<i32>} : memref<8x100x64xf32, #tpu.memory_space<vmem>>, vector<1x1x16xf32>,
        %get3A_947 = vector.shape_cast %get3A_946 : vector<1x1x16xf32> to vector<16xf32>
        %add3A_948 = arith.addf %add3A_916, %get3A_947 : vector<16xf32>
        %get3A_949 = arith.constant 5 : i32
        %get3A_950 = arith.index_cast %get3A_949 : i32 to index
        %get3A_951 = arith.index_cast %add3A_934 : i32 to index
        %get3A_952 = arith.constant 32 : index
        %get3A_953 = tpu.vector_load %arg6[%get3A_950, %get3A_951, %get3A_952] {strides = array<i32>} : memref<8x100x64xf32, #tpu.memory_space<vmem>>, vector<1x1x16xf32>,
        %get3A_954 = vector.shape_cast %get3A_953 : vector<1x1x16xf32> to vector<16xf32>
        %add3A_955 = arith.addf %add3A_923, %get3A_954 : vector<16xf32>
        %get3A_956 = arith.constant 5 : i32
        %get3A_957 = arith.index_cast %get3A_956 : i32 to index
        %get3A_958 = arith.index_cast %add3A_934 : i32 to index
        %get3A_959 = arith.constant 48 : index
        %get3A_960 = tpu.vector_load %arg6[%get3A_957, %get3A_958, %get3A_959] {strides = array<i32>} : memref<8x100x64xf32, #tpu.memory_space<vmem>>, vector<1x1x16xf32>,
        %get3A_961 = vector.shape_cast %get3A_960 : vector<1x1x16xf32> to vector<16xf32>
        %add3A_962 = arith.addf %add3A_930, %get3A_961 : vector<16xf32>
        %mul3A_963 = arith.constant 10 : i32
        %mul3A_964 = arith.muli %scan3A_735, %mul3A_963 : i32
        %add3A_965 = arith.constant 7 : i32
        %add3A_966 = arith.addi %mul3A_964, %add3A_965 : i32
        %get3A_967 = arith.constant 5 : i32
        %get3A_968 = arith.index_cast %get3A_967 : i32 to index
        %get3A_969 = arith.index_cast %add3A_966 : i32 to index
        %get3A_970 = arith.constant 0 : index
        %get3A_971 = tpu.vector_load %arg6[%get3A_968, %get3A_969, %get3A_970] {strides = array<i32>} : memref<8x100x64xf32, #tpu.memory_space<vmem>>, vector<1x1x16xf32>,
        %get3A_972 = vector.shape_cast %get3A_971 : vector<1x1x16xf32> to vector<16xf32>
        %add3A_973 = arith.addf %add3A_941, %get3A_972 : vector<16xf32>
        %get3A_974 = arith.constant 5 : i32
        %get3A_975 = arith.index_cast %get3A_974 : i32 to index
        %get3A_976 = arith.index_cast %add3A_966 : i32 to index
        %get3A_977 = arith.constant 16 : index
        %get3A_978 = tpu.vector_load %arg6[%get3A_975, %get3A_976, %get3A_977] {strides = array<i32>} : memref<8x100x64xf32, #tpu.memory_space<vmem>>, vector<1x1x16xf32>,
        %get3A_979 = vector.shape_cast %get3A_978 : vector<1x1x16xf32> to vector<16xf32>
        %add3A_980 = arith.addf %add3A_948, %get3A_979 : vector<16xf32>
        %get3A_981 = arith.constant 5 : i32
        %get3A_982 = arith.index_cast %get3A_981 : i32 to index
        %get3A_983 = arith.index_cast %add3A_966 : i32 to index
        %get3A_984 = arith.constant 32 : index
        %get3A_985 = tpu.vector_load %arg6[%get3A_982, %get3A_983, %get3A_984] {strides = array<i32>} : memref<8x100x64xf32, #tpu.memory_space<vmem>>, vector<1x1x16xf32>,
        %get3A_986 = vector.shape_cast %get3A_985 : vector<1x1x16xf32> to vector<16xf32>
        %add3A_987 = arith.addf %add3A_955, %get3A_986 : vector<16xf32>
        %get3A_988 = arith.constant 5 : i32
        %get3A_989 = arith.index_cast %get3A_988 : i32 to index
        %get3A_990 = arith.index_cast %add3A_966 : i32 to index
        %get3A_991 = arith.constant 48 : index
        %get3A_992 = tpu.vector_load %arg6[%get3A_989, %get3A_990, %get3A_991] {strides = array<i32>} : memref<8x100x64xf32, #tpu.memory_space<vmem>>, vector<1x1x16xf32>,
        %get3A_993 = vector.shape_cast %get3A_992 : vector<1x1x16xf32> to vector<16xf32>
        %add3A_994 = arith.addf %add3A_962, %get3A_993 : vector<16xf32>
        %mul3A_995 = arith.constant 10 : i32
        %mul3A_996 = arith.muli %scan3A_735, %mul3A_995 : i32
        %add3A_997 = arith.constant 8 : i32
        %add3A_998 = arith.addi %mul3A_996, %add3A_997 : i32
        %get3A_999 = arith.constant 5 : i32
        %get3A_1000 = arith.index_cast %get3A_999 : i32 to index
        %get3A_1001 = arith.index_cast %add3A_998 : i32 to index
        %get3A_1002 = arith.constant 0 : index
        %get3A_1003 = tpu.vector_load %arg6[%get3A_1000, %get3A_1001, %get3A_1002] {strides = array<i32>} : memref<8x100x64xf32, #tpu.memory_space<vmem>>, vector<1x1x16xf32>,
        %get3A_1004 = vector.shape_cast %get3A_1003 : vector<1x1x16xf32> to vector<16xf32>
        %add3A_1005 = arith.addf %add3A_973, %get3A_1004 : vector<16xf32>
        %get3A_1006 = arith.constant 5 : i32
        %get3A_1007 = arith.index_cast %get3A_1006 : i32 to index
        %get3A_1008 = arith.index_cast %add3A_998 : i32 to index
        %get3A_1009 = arith.constant 16 : index
        %get3A_1010 = tpu.vector_load %arg6[%get3A_1007, %get3A_1008, %get3A_1009] {strides = array<i32>} : memref<8x100x64xf32, #tpu.memory_space<vmem>>, vector<1x1x16xf32>,
        %get3A_1011 = vector.shape_cast %get3A_1010 : vector<1x1x16xf32> to vector<16xf32>
        %add3A_1012 = arith.addf %add3A_980, %get3A_1011 : vector<16xf32>
        %get3A_1013 = arith.constant 5 : i32
        %get3A_1014 = arith.index_cast %get3A_1013 : i32 to index
        %get3A_1015 = arith.index_cast %add3A_998 : i32 to index
        %get3A_1016 = arith.constant 32 : index
        %get3A_1017 = tpu.vector_load %arg6[%get3A_1014, %get3A_1015, %get3A_1016] {strides = array<i32>} : memref<8x100x64xf32, #tpu.memory_space<vmem>>, vector<1x1x16xf32>,
        %get3A_1018 = vector.shape_cast %get3A_1017 : vector<1x1x16xf32> to vector<16xf32>
        %add3A_1019 = arith.addf %add3A_987, %get3A_1018 : vector<16xf32>
        %get3A_1020 = arith.constant 5 : i32
        %get3A_1021 = arith.index_cast %get3A_1020 : i32 to index
        %get3A_1022 = arith.index_cast %add3A_998 : i32 to index
        %get3A_1023 = arith.constant 48 : index
        %get3A_1024 = tpu.vector_load %arg6[%get3A_1021, %get3A_1022, %get3A_1023] {strides = array<i32>} : memref<8x100x64xf32, #tpu.memory_space<vmem>>, vector<1x1x16xf32>,
        %get3A_1025 = vector.shape_cast %get3A_1024 : vector<1x1x16xf32> to vector<16xf32>
        %add3A_1026 = arith.addf %add3A_994, %get3A_1025 : vector<16xf32>
        %mul3A_1027 = arith.constant 10 : i32
        %mul3A_1028 = arith.muli %scan3A_735, %mul3A_1027 : i32
        %add3A_1029 = arith.constant 9 : i32
        %add3A_1030 = arith.addi %mul3A_1028, %add3A_1029 : i32
        %get3A_1031 = arith.constant 5 : i32
        %get3A_1032 = arith.index_cast %get3A_1031 : i32 to index
        %get3A_1033 = arith.index_cast %add3A_1030 : i32 to index
        %get3A_1034 = arith.constant 0 : index
        %get3A_1035 = tpu.vector_load %arg6[%get3A_1032, %get3A_1033, %get3A_1034] {strides = array<i32>} : memref<8x100x64xf32, #tpu.memory_space<vmem>>, vector<1x1x16xf32>,
        %get3A_1036 = vector.shape_cast %get3A_1035 : vector<1x1x16xf32> to vector<16xf32>
        %add3A_1037 = arith.addf %add3A_1005, %get3A_1036 : vector<16xf32>
        %get3A_1038 = arith.constant 5 : i32
        %get3A_1039 = arith.index_cast %get3A_1038 : i32 to index
        %get3A_1040 = arith.index_cast %add3A_1030 : i32 to index
        %get3A_1041 = arith.constant 16 : index
        %get3A_1042 = tpu.vector_load %arg6[%get3A_1039, %get3A_1040, %get3A_1041] {strides = array<i32>} : memref<8x100x64xf32, #tpu.memory_space<vmem>>, vector<1x1x16xf32>,
        %get3A_1043 = vector.shape_cast %get3A_1042 : vector<1x1x16xf32> to vector<16xf32>
        %add3A_1044 = arith.addf %add3A_1012, %get3A_1043 : vector<16xf32>
        %get3A_1045 = arith.constant 5 : i32
        %get3A_1046 = arith.index_cast %get3A_1045 : i32 to index
        %get3A_1047 = arith.index_cast %add3A_1030 : i32 to index
        %get3A_1048 = arith.constant 32 : index
        %get3A_1049 = tpu.vector_load %arg6[%get3A_1046, %get3A_1047, %get3A_1048] {strides = array<i32>} : memref<8x100x64xf32, #tpu.memory_space<vmem>>, vector<1x1x16xf32>,
        %get3A_1050 = vector.shape_cast %get3A_1049 : vector<1x1x16xf32> to vector<16xf32>
        %add3A_1051 = arith.addf %add3A_1019, %get3A_1050 : vector<16xf32>
        %get3A_1052 = arith.constant 5 : i32
        %get3A_1053 = arith.index_cast %get3A_1052 : i32 to index
        %get3A_1054 = arith.index_cast %add3A_1030 : i32 to index
        %get3A_1055 = arith.constant 48 : index
        %get3A_1056 = tpu.vector_load %arg6[%get3A_1053, %get3A_1054, %get3A_1055] {strides = array<i32>} : memref<8x100x64xf32, #tpu.memory_space<vmem>>, vector<1x1x16xf32>,
        %get3A_1057 = vector.shape_cast %get3A_1056 : vector<1x1x16xf32> to vector<16xf32>
        %add3A_1058 = arith.addf %add3A_1026, %get3A_1057 : vector<16xf32>
        scf.yield %add3A_1037, %add3A_1044, %add3A_1051, %add3A_1058 : vector<16xf32>, vector<16xf32>, vector<16xf32>, vector<16xf32>
      }
      %scan3A_557 = arith.constant 10 : i32
      %add3A_558 = arith.constant 8 : i32
      %add3A_559 = arith.addi %add3A_537, %add3A_558 : i32
      %min3A_560 = arith.constant 63 : i32
      %min3A_561 = arith.minsi %add3A_559, %min3A_560 : i32
      %dma_start3A_562 = arith.constant 5 : i32
      %dma_start3A_563 = arith.constant 5 : i32
      %dma_start3A_564 = arith.constant 0 : i32
      %dma_start3A_565 = arith.constant 0 : i32
      %dma_start3A_566 = tpu.memref_slice %arg6[%dma_start3A_562, %dma_start3A_564, %dma_start3A_565] : memref<8x100x64xf32, #tpu.memory_space<vmem>> -> memref<1x100x64xf32, #tpu.memory_space<vmem>>
      %dma_start3A_567 = tpu.memref_squeeze %dma_start3A_566 : memref<1x100x64xf32, #tpu.memory_space<vmem>> -> memref<100x64xf32, #tpu.memory_space<vmem>>
      %dma_start3A_568 = arith.constant 0 : i32
      %dma_start3A_569 = tpu.memref_slice %arg5[%min3A_561, %dma_start3A_568] : memref<64x100xi32, #tpu.memory_space<vmem>> -> memref<1x100xi32, #tpu.memory_space<vmem>>
      %dma_start3A_570 = tpu.memref_squeeze %dma_start3A_569 : memref<1x100xi32, #tpu.memory_space<vmem>> -> memref<100xi32, #tpu.memory_space<vmem>>
      %dma_start3A_571 = arith.constant 0 : i32
      %dma_start3A_572 = arith.constant 0 : i32
      %dma_start3A_573 = tpu.memref_slice %arg3[%dma_start3A_571, %dma_start3A_572] : memref<100000x64xf32, #tpu.memory_space<hbm>> -> memref<100000x64xf32, #tpu.memory_space<hbm>>
      %dma_start3A_574 = tpu.memref_slice %arg8[%dma_start3A_563] : memref<8x!tpu.dma_semaphore, #tpu.memory_space<semaphore_mem>> -> memref<1x!tpu.dma_semaphore, #tpu.memory_space<semaphore_mem>>
      %dma_start3A_575 = tpu.memref_squeeze %dma_start3A_574 : memref<1x!tpu.dma_semaphore, #tpu.memory_space<semaphore_mem>> -> memref<!tpu.dma_semaphore, #tpu.memory_space<semaphore_mem>>
      tpu.enqueue_indirect_dma source(%dma_start3A_573 : memref<100000x64xf32, #tpu.memory_space<hbm>>) target(%dma_start3A_567 : memref<100x64xf32, #tpu.memory_space<vmem>>) offsets(%dma_start3A_570 : memref<100xi32, #tpu.memory_space<vmem>>) semaphore(%dma_start3A_575 : memref<!tpu.dma_semaphore, #tpu.memory_space<semaphore_mem>>)
      %mul3A_576 = arith.constant 4 : i32
      %mul3A_577 = arith.muli %scan3A_247, %mul3A_576 : i32
      %add3A_578 = arith.constant 2 : i32
      %add3A_579 = arith.addi %mul3A_577, %add3A_578 : i32
      %mul3A_580 = arith.constant 5.000000e-03 : f32
      %mul3A_581 = vector.broadcast %mul3A_580 : f32 to vector<16xf32>
      %mul3A_582 = arith.mulf %scan3A_556#0, %mul3A_581 : vector<16xf32>
      %swap3A_583 = arith.index_cast %add3A_579 : i32 to index
      %swap3A_584 = arith.constant 0 : index
      %swap3A_585 = tpu.vector_load %arg7[%swap3A_583, %swap3A_584] {strides = array<i32>} : memref<32x64xf32, #tpu.memory_space<vmem>>, vector<1x16xf32>,
      %swap3A_586 = vector.shape_cast %swap3A_585 : vector<1x16xf32> to vector<16xf32>
      %swap3A_587 = vector.shape_cast %mul3A_582 : vector<16xf32> to vector<1x16xf32>
      tpu.vector_store %arg7[%swap3A_583, %swap3A_584], %swap3A_587 {strides = array<i32>} : memref<32x64xf32, #tpu.memory_space<vmem>>, vector<1x16xf32>,
      %mul3A_588 = arith.constant 5.000000e-03 : f32
      %mul3A_589 = vector.broadcast %mul3A_588 : f32 to vector<16xf32>
      %mul3A_590 = arith.mulf %scan3A_556#1, %mul3A_589 : vector<16xf32>
      %swap3A_591 = arith.index_cast %add3A_579 : i32 to index
      %swap3A_592 = arith.constant 16 : index
      %swap3A_593 = tpu.vector_load %arg7[%swap3A_591, %swap3A_592] {strides = array<i32>} : memref<32x64xf32, #tpu.memory_space<vmem>>, vector<1x16xf32>,
      %swap3A_594 = vector.shape_cast %swap3A_593 : vector<1x16xf32> to vector<16xf32>
      %swap3A_595 = vector.shape_cast %mul3A_590 : vector<16xf32> to vector<1x16xf32>
      tpu.vector_store %arg7[%swap3A_591, %swap3A_592], %swap3A_595 {strides = array<i32>} : memref<32x64xf32, #tpu.memory_space<vmem>>, vector<1x16xf32>,
      %mul3A_596 = arith.constant 5.000000e-03 : f32
      %mul3A_597 = vector.broadcast %mul3A_596 : f32 to vector<16xf32>
      %mul3A_598 = arith.mulf %scan3A_556#2, %mul3A_597 : vector<16xf32>
      %swap3A_599 = arith.index_cast %add3A_579 : i32 to index
      %swap3A_600 = arith.constant 32 : index
      %swap3A_601 = tpu.vector_load %arg7[%swap3A_599, %swap3A_600] {strides = array<i32>} : memref<32x64xf32, #tpu.memory_space<vmem>>, vector<1x16xf32>,
      %swap3A_602 = vector.shape_cast %swap3A_601 : vector<1x16xf32> to vector<16xf32>
      %swap3A_603 = vector.shape_cast %mul3A_598 : vector<16xf32> to vector<1x16xf32>
      tpu.vector_store %arg7[%swap3A_599, %swap3A_600], %swap3A_603 {strides = array<i32>} : memref<32x64xf32, #tpu.memory_space<vmem>>, vector<1x16xf32>,
      %mul3A_604 = arith.constant 5.000000e-03 : f32
      %mul3A_605 = vector.broadcast %mul3A_604 : f32 to vector<16xf32>
      %mul3A_606 = arith.mulf %scan3A_556#3, %mul3A_605 : vector<16xf32>
      %swap3A_607 = arith.index_cast %add3A_579 : i32 to index
      %swap3A_608 = arith.constant 48 : index
      %swap3A_609 = tpu.vector_load %arg7[%swap3A_607, %swap3A_608] {strides = array<i32>} : memref<32x64xf32, #tpu.memory_space<vmem>>, vector<1x16xf32>,
      %swap3A_610 = vector.shape_cast %swap3A_609 : vector<1x16xf32> to vector<16xf32>
      %swap3A_611 = vector.shape_cast %mul3A_606 : vector<16xf32> to vector<1x16xf32>
      tpu.vector_store %arg7[%swap3A_607, %swap3A_608], %swap3A_611 {strides = array<i32>} : memref<32x64xf32, #tpu.memory_space<vmem>>, vector<1x16xf32>,
      %broadcast_in_dim3A_612 = arith.constant 0.000000e+00 : f32
      %broadcast_in_dim3A_613 = vector.broadcast %broadcast_in_dim3A_612 : f32 to vector<16xf32>
      %mul3A_614 = arith.constant 8 : i32
      %mul3A_615 = arith.muli %scan3A_247, %mul3A_614 : i32
      %add3A_616 = arith.constant 6 : i32
      %add3A_617 = arith.addi %mul3A_615, %add3A_616 : i32
      %dma_wait3A_618 = arith.constant 6 : i32
      %dma_wait3A_619 = arith.constant 6 : i32
      %dma_wait3A_620 = arith.constant 0 : i32
      %dma_wait3A_621 = arith.constant 0 : i32
      %dma_wait3A_622 = tpu.memref_slice %arg6[%dma_wait3A_618, %dma_wait3A_620, %dma_wait3A_621] : memref<8x100x64xf32, #tpu.memory_space<vmem>> -> memref<1x100x64xf32, #tpu.memory_space<vmem>>
      %dma_wait3A_623 = tpu.memref_squeeze %dma_wait3A_622 : memref<1x100x64xf32, #tpu.memory_space<vmem>> -> memref<100x64xf32, #tpu.memory_space<vmem>>
      %dma_wait3A_624 = arith.constant 0 : i32
      %dma_wait3A_625 = tpu.memref_slice %arg5[%add3A_617, %dma_wait3A_624] : memref<64x100xi32, #tpu.memory_space<vmem>> -> memref<1x100xi32, #tpu.memory_space<vmem>>
      %dma_wait3A_626 = tpu.memref_squeeze %dma_wait3A_625 : memref<1x100xi32, #tpu.memory_space<vmem>> -> memref<100xi32, #tpu.memory_space<vmem>>
      %dma_wait3A_627 = arith.constant 0 : i32
      %dma_wait3A_628 = arith.constant 0 : i32
      %dma_wait3A_629 = tpu.memref_slice %arg3[%dma_wait3A_627, %dma_wait3A_628] : memref<100000x64xf32, #tpu.memory_space<hbm>> -> memref<100000x64xf32, #tpu.memory_space<hbm>>
      %dma_wait3A_630 = tpu.memref_slice %arg8[%dma_wait3A_619] : memref<8x!tpu.dma_semaphore, #tpu.memory_space<semaphore_mem>> -> memref<1x!tpu.dma_semaphore, #tpu.memory_space<semaphore_mem>>
      %dma_wait3A_631 = tpu.memref_squeeze %dma_wait3A_630 : memref<1x!tpu.dma_semaphore, #tpu.memory_space<semaphore_mem>> -> memref<!tpu.dma_semaphore, #tpu.memory_space<semaphore_mem>>
      tpu.wait_indirect_dma semaphore(%dma_wait3A_631 : memref<!tpu.dma_semaphore, #tpu.memory_space<semaphore_mem>>) src(%dma_wait3A_629 : memref<100000x64xf32, #tpu.memory_space<hbm>>) dst(%dma_wait3A_623 : memref<100x64xf32, #tpu.memory_space<vmem>>)
      %scan3A_632 = arith.constant 0 : i32
      %scan3A_633 = arith.constant 10 : i32
      %scan3A_634 = arith.addi %scan3A_632, %scan3A_633 : i32
      %scan3A_635 = arith.constant 1 : i32
      %scan3A_636:4 = scf.for %scan3A_735 = %scan3A_632 to %scan3A_634 step %scan3A_635 iter_args(%scan3A_736 = %broadcast_in_dim3A_613, %scan3A_737 = %broadcast_in_dim3A_613, %scan3A_738 = %broadcast_in_dim3A_613, %scan3A_739 = %broadcast_in_dim3A_613) -> (vector<16xf32>, vector<16xf32>, vector<16xf32>, vector<16xf32>)  : i32 {
        %mul3A_740 = arith.constant 10 : i32
        %mul3A_741 = arith.muli %scan3A_735, %mul3A_740 : i32
        %add3A_742 = arith.constant 0 : i32
        %add3A_743 = arith.addi %mul3A_741, %add3A_742 : i32
        %get3A = arith.constant 6 : i32
        %get3A_744 = arith.index_cast %get3A : i32 to index
        %get3A_745 = arith.index_cast %add3A_743 : i32 to index
        %get3A_746 = arith.constant 0 : index
        %get3A_747 = tpu.vector_load %arg6[%get3A_744, %get3A_745, %get3A_746] {strides = array<i32>} : memref<8x100x64xf32, #tpu.memory_space<vmem>>, vector<1x1x16xf32>,
        %get3A_748 = vector.shape_cast %get3A_747 : vector<1x1x16xf32> to vector<16xf32>
        %add3A_749 = arith.addf %scan3A_736, %get3A_748 : vector<16xf32>
        %get3A_750 = arith.constant 6 : i32
        %get3A_751 = arith.index_cast %get3A_750 : i32 to index
        %get3A_752 = arith.index_cast %add3A_743 : i32 to index
        %get3A_753 = arith.constant 16 : index
        %get3A_754 = tpu.vector_load %arg6[%get3A_751, %get3A_752, %get3A_753] {strides = array<i32>} : memref<8x100x64xf32, #tpu.memory_space<vmem>>, vector<1x1x16xf32>,
        %get3A_755 = vector.shape_cast %get3A_754 : vector<1x1x16xf32> to vector<16xf32>
        %add3A_756 = arith.addf %scan3A_737, %get3A_755 : vector<16xf32>
        %get3A_757 = arith.constant 6 : i32
        %get3A_758 = arith.index_cast %get3A_757 : i32 to index
        %get3A_759 = arith.index_cast %add3A_743 : i32 to index
        %get3A_760 = arith.constant 32 : index
        %get3A_761 = tpu.vector_load %arg6[%get3A_758, %get3A_759, %get3A_760] {strides = array<i32>} : memref<8x100x64xf32, #tpu.memory_space<vmem>>, vector<1x1x16xf32>,
        %get3A_762 = vector.shape_cast %get3A_761 : vector<1x1x16xf32> to vector<16xf32>
        %add3A_763 = arith.addf %scan3A_738, %get3A_762 : vector<16xf32>
        %get3A_764 = arith.constant 6 : i32
        %get3A_765 = arith.index_cast %get3A_764 : i32 to index
        %get3A_766 = arith.index_cast %add3A_743 : i32 to index
        %get3A_767 = arith.constant 48 : index
        %get3A_768 = tpu.vector_load %arg6[%get3A_765, %get3A_766, %get3A_767] {strides = array<i32>} : memref<8x100x64xf32, #tpu.memory_space<vmem>>, vector<1x1x16xf32>,
        %get3A_769 = vector.shape_cast %get3A_768 : vector<1x1x16xf32> to vector<16xf32>
        %add3A_770 = arith.addf %scan3A_739, %get3A_769 : vector<16xf32>
        %mul3A_771 = arith.constant 10 : i32
        %mul3A_772 = arith.muli %scan3A_735, %mul3A_771 : i32
        %add3A_773 = arith.constant 1 : i32
        %add3A_774 = arith.addi %mul3A_772, %add3A_773 : i32
        %get3A_775 = arith.constant 6 : i32
        %get3A_776 = arith.index_cast %get3A_775 : i32 to index
        %get3A_777 = arith.index_cast %add3A_774 : i32 to index
        %get3A_778 = arith.constant 0 : index
        %get3A_779 = tpu.vector_load %arg6[%get3A_776, %get3A_777, %get3A_778] {strides = array<i32>} : memref<8x100x64xf32, #tpu.memory_space<vmem>>, vector<1x1x16xf32>,
        %get3A_780 = vector.shape_cast %get3A_779 : vector<1x1x16xf32> to vector<16xf32>
        %add3A_781 = arith.addf %add3A_749, %get3A_780 : vector<16xf32>
        %get3A_782 = arith.constant 6 : i32
        %get3A_783 = arith.index_cast %get3A_782 : i32 to index
        %get3A_784 = arith.index_cast %add3A_774 : i32 to index
        %get3A_785 = arith.constant 16 : index
        %get3A_786 = tpu.vector_load %arg6[%get3A_783, %get3A_784, %get3A_785] {strides = array<i32>} : memref<8x100x64xf32, #tpu.memory_space<vmem>>, vector<1x1x16xf32>,
        %get3A_787 = vector.shape_cast %get3A_786 : vector<1x1x16xf32> to vector<16xf32>
        %add3A_788 = arith.addf %add3A_756, %get3A_787 : vector<16xf32>
        %get3A_789 = arith.constant 6 : i32
        %get3A_790 = arith.index_cast %get3A_789 : i32 to index
        %get3A_791 = arith.index_cast %add3A_774 : i32 to index
        %get3A_792 = arith.constant 32 : index
        %get3A_793 = tpu.vector_load %arg6[%get3A_790, %get3A_791, %get3A_792] {strides = array<i32>} : memref<8x100x64xf32, #tpu.memory_space<vmem>>, vector<1x1x16xf32>,
        %get3A_794 = vector.shape_cast %get3A_793 : vector<1x1x16xf32> to vector<16xf32>
        %add3A_795 = arith.addf %add3A_763, %get3A_794 : vector<16xf32>
        %get3A_796 = arith.constant 6 : i32
        %get3A_797 = arith.index_cast %get3A_796 : i32 to index
        %get3A_798 = arith.index_cast %add3A_774 : i32 to index
        %get3A_799 = arith.constant 48 : index
        %get3A_800 = tpu.vector_load %arg6[%get3A_797, %get3A_798, %get3A_799] {strides = array<i32>} : memref<8x100x64xf32, #tpu.memory_space<vmem>>, vector<1x1x16xf32>,
        %get3A_801 = vector.shape_cast %get3A_800 : vector<1x1x16xf32> to vector<16xf32>
        %add3A_802 = arith.addf %add3A_770, %get3A_801 : vector<16xf32>
        %mul3A_803 = arith.constant 10 : i32
        %mul3A_804 = arith.muli %scan3A_735, %mul3A_803 : i32
        %add3A_805 = arith.constant 2 : i32
        %add3A_806 = arith.addi %mul3A_804, %add3A_805 : i32
        %get3A_807 = arith.constant 6 : i32
        %get3A_808 = arith.index_cast %get3A_807 : i32 to index
        %get3A_809 = arith.index_cast %add3A_806 : i32 to index
        %get3A_810 = arith.constant 0 : index
        %get3A_811 = tpu.vector_load %arg6[%get3A_808, %get3A_809, %get3A_810] {strides = array<i32>} : memref<8x100x64xf32, #tpu.memory_space<vmem>>, vector<1x1x16xf32>,
        %get3A_812 = vector.shape_cast %get3A_811 : vector<1x1x16xf32> to vector<16xf32>
        %add3A_813 = arith.addf %add3A_781, %get3A_812 : vector<16xf32>
        %get3A_814 = arith.constant 6 : i32
        %get3A_815 = arith.index_cast %get3A_814 : i32 to index
        %get3A_816 = arith.index_cast %add3A_806 : i32 to index
        %get3A_817 = arith.constant 16 : index
        %get3A_818 = tpu.vector_load %arg6[%get3A_815, %get3A_816, %get3A_817] {strides = array<i32>} : memref<8x100x64xf32, #tpu.memory_space<vmem>>, vector<1x1x16xf32>,
        %get3A_819 = vector.shape_cast %get3A_818 : vector<1x1x16xf32> to vector<16xf32>
        %add3A_820 = arith.addf %add3A_788, %get3A_819 : vector<16xf32>
        %get3A_821 = arith.constant 6 : i32
        %get3A_822 = arith.index_cast %get3A_821 : i32 to index
        %get3A_823 = arith.index_cast %add3A_806 : i32 to index
        %get3A_824 = arith.constant 32 : index
        %get3A_825 = tpu.vector_load %arg6[%get3A_822, %get3A_823, %get3A_824] {strides = array<i32>} : memref<8x100x64xf32, #tpu.memory_space<vmem>>, vector<1x1x16xf32>,
        %get3A_826 = vector.shape_cast %get3A_825 : vector<1x1x16xf32> to vector<16xf32>
        %add3A_827 = arith.addf %add3A_795, %get3A_826 : vector<16xf32>
        %get3A_828 = arith.constant 6 : i32
        %get3A_829 = arith.index_cast %get3A_828 : i32 to index
        %get3A_830 = arith.index_cast %add3A_806 : i32 to index
        %get3A_831 = arith.constant 48 : index
        %get3A_832 = tpu.vector_load %arg6[%get3A_829, %get3A_830, %get3A_831] {strides = array<i32>} : memref<8x100x64xf32, #tpu.memory_space<vmem>>, vector<1x1x16xf32>,
        %get3A_833 = vector.shape_cast %get3A_832 : vector<1x1x16xf32> to vector<16xf32>
        %add3A_834 = arith.addf %add3A_802, %get3A_833 : vector<16xf32>
        %mul3A_835 = arith.constant 10 : i32
        %mul3A_836 = arith.muli %scan3A_735, %mul3A_835 : i32
        %add3A_837 = arith.constant 3 : i32
        %add3A_838 = arith.addi %mul3A_836, %add3A_837 : i32
        %get3A_839 = arith.constant 6 : i32
        %get3A_840 = arith.index_cast %get3A_839 : i32 to index
        %get3A_841 = arith.index_cast %add3A_838 : i32 to index
        %get3A_842 = arith.constant 0 : index
        %get3A_843 = tpu.vector_load %arg6[%get3A_840, %get3A_841, %get3A_842] {strides = array<i32>} : memref<8x100x64xf32, #tpu.memory_space<vmem>>, vector<1x1x16xf32>,
        %get3A_844 = vector.shape_cast %get3A_843 : vector<1x1x16xf32> to vector<16xf32>
        %add3A_845 = arith.addf %add3A_813, %get3A_844 : vector<16xf32>
        %get3A_846 = arith.constant 6 : i32
        %get3A_847 = arith.index_cast %get3A_846 : i32 to index
        %get3A_848 = arith.index_cast %add3A_838 : i32 to index
        %get3A_849 = arith.constant 16 : index
        %get3A_850 = tpu.vector_load %arg6[%get3A_847, %get3A_848, %get3A_849] {strides = array<i32>} : memref<8x100x64xf32, #tpu.memory_space<vmem>>, vector<1x1x16xf32>,
        %get3A_851 = vector.shape_cast %get3A_850 : vector<1x1x16xf32> to vector<16xf32>
        %add3A_852 = arith.addf %add3A_820, %get3A_851 : vector<16xf32>
        %get3A_853 = arith.constant 6 : i32
        %get3A_854 = arith.index_cast %get3A_853 : i32 to index
        %get3A_855 = arith.index_cast %add3A_838 : i32 to index
        %get3A_856 = arith.constant 32 : index
        %get3A_857 = tpu.vector_load %arg6[%get3A_854, %get3A_855, %get3A_856] {strides = array<i32>} : memref<8x100x64xf32, #tpu.memory_space<vmem>>, vector<1x1x16xf32>,
        %get3A_858 = vector.shape_cast %get3A_857 : vector<1x1x16xf32> to vector<16xf32>
        %add3A_859 = arith.addf %add3A_827, %get3A_858 : vector<16xf32>
        %get3A_860 = arith.constant 6 : i32
        %get3A_861 = arith.index_cast %get3A_860 : i32 to index
        %get3A_862 = arith.index_cast %add3A_838 : i32 to index
        %get3A_863 = arith.constant 48 : index
        %get3A_864 = tpu.vector_load %arg6[%get3A_861, %get3A_862, %get3A_863] {strides = array<i32>} : memref<8x100x64xf32, #tpu.memory_space<vmem>>, vector<1x1x16xf32>,
        %get3A_865 = vector.shape_cast %get3A_864 : vector<1x1x16xf32> to vector<16xf32>
        %add3A_866 = arith.addf %add3A_834, %get3A_865 : vector<16xf32>
        %mul3A_867 = arith.constant 10 : i32
        %mul3A_868 = arith.muli %scan3A_735, %mul3A_867 : i32
        %add3A_869 = arith.constant 4 : i32
        %add3A_870 = arith.addi %mul3A_868, %add3A_869 : i32
        %get3A_871 = arith.constant 6 : i32
        %get3A_872 = arith.index_cast %get3A_871 : i32 to index
        %get3A_873 = arith.index_cast %add3A_870 : i32 to index
        %get3A_874 = arith.constant 0 : index
        %get3A_875 = tpu.vector_load %arg6[%get3A_872, %get3A_873, %get3A_874] {strides = array<i32>} : memref<8x100x64xf32, #tpu.memory_space<vmem>>, vector<1x1x16xf32>,
        %get3A_876 = vector.shape_cast %get3A_875 : vector<1x1x16xf32> to vector<16xf32>
        %add3A_877 = arith.addf %add3A_845, %get3A_876 : vector<16xf32>
        %get3A_878 = arith.constant 6 : i32
        %get3A_879 = arith.index_cast %get3A_878 : i32 to index
        %get3A_880 = arith.index_cast %add3A_870 : i32 to index
        %get3A_881 = arith.constant 16 : index
        %get3A_882 = tpu.vector_load %arg6[%get3A_879, %get3A_880, %get3A_881] {strides = array<i32>} : memref<8x100x64xf32, #tpu.memory_space<vmem>>, vector<1x1x16xf32>,
        %get3A_883 = vector.shape_cast %get3A_882 : vector<1x1x16xf32> to vector<16xf32>
        %add3A_884 = arith.addf %add3A_852, %get3A_883 : vector<16xf32>
        %get3A_885 = arith.constant 6 : i32
        %get3A_886 = arith.index_cast %get3A_885 : i32 to index
        %get3A_887 = arith.index_cast %add3A_870 : i32 to index
        %get3A_888 = arith.constant 32 : index
        %get3A_889 = tpu.vector_load %arg6[%get3A_886, %get3A_887, %get3A_888] {strides = array<i32>} : memref<8x100x64xf32, #tpu.memory_space<vmem>>, vector<1x1x16xf32>,
        %get3A_890 = vector.shape_cast %get3A_889 : vector<1x1x16xf32> to vector<16xf32>
        %add3A_891 = arith.addf %add3A_859, %get3A_890 : vector<16xf32>
        %get3A_892 = arith.constant 6 : i32
        %get3A_893 = arith.index_cast %get3A_892 : i32 to index
        %get3A_894 = arith.index_cast %add3A_870 : i32 to index
        %get3A_895 = arith.constant 48 : index
        %get3A_896 = tpu.vector_load %arg6[%get3A_893, %get3A_894, %get3A_895] {strides = array<i32>} : memref<8x100x64xf32, #tpu.memory_space<vmem>>, vector<1x1x16xf32>,
        %get3A_897 = vector.shape_cast %get3A_896 : vector<1x1x16xf32> to vector<16xf32>
        %add3A_898 = arith.addf %add3A_866, %get3A_897 : vector<16xf32>
        %mul3A_899 = arith.constant 10 : i32
        %mul3A_900 = arith.muli %scan3A_735, %mul3A_899 : i32
        %add3A_901 = arith.constant 5 : i32
        %add3A_902 = arith.addi %mul3A_900, %add3A_901 : i32
        %get3A_903 = arith.constant 6 : i32
        %get3A_904 = arith.index_cast %get3A_903 : i32 to index
        %get3A_905 = arith.index_cast %add3A_902 : i32 to index
        %get3A_906 = arith.constant 0 : index
        %get3A_907 = tpu.vector_load %arg6[%get3A_904, %get3A_905, %get3A_906] {strides = array<i32>} : memref<8x100x64xf32, #tpu.memory_space<vmem>>, vector<1x1x16xf32>,
        %get3A_908 = vector.shape_cast %get3A_907 : vector<1x1x16xf32> to vector<16xf32>
        %add3A_909 = arith.addf %add3A_877, %get3A_908 : vector<16xf32>
        %get3A_910 = arith.constant 6 : i32
        %get3A_911 = arith.index_cast %get3A_910 : i32 to index
        %get3A_912 = arith.index_cast %add3A_902 : i32 to index
        %get3A_913 = arith.constant 16 : index
        %get3A_914 = tpu.vector_load %arg6[%get3A_911, %get3A_912, %get3A_913] {strides = array<i32>} : memref<8x100x64xf32, #tpu.memory_space<vmem>>, vector<1x1x16xf32>,
        %get3A_915 = vector.shape_cast %get3A_914 : vector<1x1x16xf32> to vector<16xf32>
        %add3A_916 = arith.addf %add3A_884, %get3A_915 : vector<16xf32>
        %get3A_917 = arith.constant 6 : i32
        %get3A_918 = arith.index_cast %get3A_917 : i32 to index
        %get3A_919 = arith.index_cast %add3A_902 : i32 to index
        %get3A_920 = arith.constant 32 : index
        %get3A_921 = tpu.vector_load %arg6[%get3A_918, %get3A_919, %get3A_920] {strides = array<i32>} : memref<8x100x64xf32, #tpu.memory_space<vmem>>, vector<1x1x16xf32>,
        %get3A_922 = vector.shape_cast %get3A_921 : vector<1x1x16xf32> to vector<16xf32>
        %add3A_923 = arith.addf %add3A_891, %get3A_922 : vector<16xf32>
        %get3A_924 = arith.constant 6 : i32
        %get3A_925 = arith.index_cast %get3A_924 : i32 to index
        %get3A_926 = arith.index_cast %add3A_902 : i32 to index
        %get3A_927 = arith.constant 48 : index
        %get3A_928 = tpu.vector_load %arg6[%get3A_925, %get3A_926, %get3A_927] {strides = array<i32>} : memref<8x100x64xf32, #tpu.memory_space<vmem>>, vector<1x1x16xf32>,
        %get3A_929 = vector.shape_cast %get3A_928 : vector<1x1x16xf32> to vector<16xf32>
        %add3A_930 = arith.addf %add3A_898, %get3A_929 : vector<16xf32>
        %mul3A_931 = arith.constant 10 : i32
        %mul3A_932 = arith.muli %scan3A_735, %mul3A_931 : i32
        %add3A_933 = arith.constant 6 : i32
        %add3A_934 = arith.addi %mul3A_932, %add3A_933 : i32
        %get3A_935 = arith.constant 6 : i32
        %get3A_936 = arith.index_cast %get3A_935 : i32 to index
        %get3A_937 = arith.index_cast %add3A_934 : i32 to index
        %get3A_938 = arith.constant 0 : index
        %get3A_939 = tpu.vector_load %arg6[%get3A_936, %get3A_937, %get3A_938] {strides = array<i32>} : memref<8x100x64xf32, #tpu.memory_space<vmem>>, vector<1x1x16xf32>,
        %get3A_940 = vector.shape_cast %get3A_939 : vector<1x1x16xf32> to vector<16xf32>
        %add3A_941 = arith.addf %add3A_909, %get3A_940 : vector<16xf32>
        %get3A_942 = arith.constant 6 : i32
        %get3A_943 = arith.index_cast %get3A_942 : i32 to index
        %get3A_944 = arith.index_cast %add3A_934 : i32 to index
        %get3A_945 = arith.constant 16 : index
        %get3A_946 = tpu.vector_load %arg6[%get3A_943, %get3A_944, %get3A_945] {strides = array<i32>} : memref<8x100x64xf32, #tpu.memory_space<vmem>>, vector<1x1x16xf32>,
        %get3A_947 = vector.shape_cast %get3A_946 : vector<1x1x16xf32> to vector<16xf32>
        %add3A_948 = arith.addf %add3A_916, %get3A_947 : vector<16xf32>
        %get3A_949 = arith.constant 6 : i32
        %get3A_950 = arith.index_cast %get3A_949 : i32 to index
        %get3A_951 = arith.index_cast %add3A_934 : i32 to index
        %get3A_952 = arith.constant 32 : index
        %get3A_953 = tpu.vector_load %arg6[%get3A_950, %get3A_951, %get3A_952] {strides = array<i32>} : memref<8x100x64xf32, #tpu.memory_space<vmem>>, vector<1x1x16xf32>,
        %get3A_954 = vector.shape_cast %get3A_953 : vector<1x1x16xf32> to vector<16xf32>
        %add3A_955 = arith.addf %add3A_923, %get3A_954 : vector<16xf32>
        %get3A_956 = arith.constant 6 : i32
        %get3A_957 = arith.index_cast %get3A_956 : i32 to index
        %get3A_958 = arith.index_cast %add3A_934 : i32 to index
        %get3A_959 = arith.constant 48 : index
        %get3A_960 = tpu.vector_load %arg6[%get3A_957, %get3A_958, %get3A_959] {strides = array<i32>} : memref<8x100x64xf32, #tpu.memory_space<vmem>>, vector<1x1x16xf32>,
        %get3A_961 = vector.shape_cast %get3A_960 : vector<1x1x16xf32> to vector<16xf32>
        %add3A_962 = arith.addf %add3A_930, %get3A_961 : vector<16xf32>
        %mul3A_963 = arith.constant 10 : i32
        %mul3A_964 = arith.muli %scan3A_735, %mul3A_963 : i32
        %add3A_965 = arith.constant 7 : i32
        %add3A_966 = arith.addi %mul3A_964, %add3A_965 : i32
        %get3A_967 = arith.constant 6 : i32
        %get3A_968 = arith.index_cast %get3A_967 : i32 to index
        %get3A_969 = arith.index_cast %add3A_966 : i32 to index
        %get3A_970 = arith.constant 0 : index
        %get3A_971 = tpu.vector_load %arg6[%get3A_968, %get3A_969, %get3A_970] {strides = array<i32>} : memref<8x100x64xf32, #tpu.memory_space<vmem>>, vector<1x1x16xf32>,
        %get3A_972 = vector.shape_cast %get3A_971 : vector<1x1x16xf32> to vector<16xf32>
        %add3A_973 = arith.addf %add3A_941, %get3A_972 : vector<16xf32>
        %get3A_974 = arith.constant 6 : i32
        %get3A_975 = arith.index_cast %get3A_974 : i32 to index
        %get3A_976 = arith.index_cast %add3A_966 : i32 to index
        %get3A_977 = arith.constant 16 : index
        %get3A_978 = tpu.vector_load %arg6[%get3A_975, %get3A_976, %get3A_977] {strides = array<i32>} : memref<8x100x64xf32, #tpu.memory_space<vmem>>, vector<1x1x16xf32>,
        %get3A_979 = vector.shape_cast %get3A_978 : vector<1x1x16xf32> to vector<16xf32>
        %add3A_980 = arith.addf %add3A_948, %get3A_979 : vector<16xf32>
        %get3A_981 = arith.constant 6 : i32
        %get3A_982 = arith.index_cast %get3A_981 : i32 to index
        %get3A_983 = arith.index_cast %add3A_966 : i32 to index
        %get3A_984 = arith.constant 32 : index
        %get3A_985 = tpu.vector_load %arg6[%get3A_982, %get3A_983, %get3A_984] {strides = array<i32>} : memref<8x100x64xf32, #tpu.memory_space<vmem>>, vector<1x1x16xf32>,
        %get3A_986 = vector.shape_cast %get3A_985 : vector<1x1x16xf32> to vector<16xf32>
        %add3A_987 = arith.addf %add3A_955, %get3A_986 : vector<16xf32>
        %get3A_988 = arith.constant 6 : i32
        %get3A_989 = arith.index_cast %get3A_988 : i32 to index
        %get3A_990 = arith.index_cast %add3A_966 : i32 to index
        %get3A_991 = arith.constant 48 : index
        %get3A_992 = tpu.vector_load %arg6[%get3A_989, %get3A_990, %get3A_991] {strides = array<i32>} : memref<8x100x64xf32, #tpu.memory_space<vmem>>, vector<1x1x16xf32>,
        %get3A_993 = vector.shape_cast %get3A_992 : vector<1x1x16xf32> to vector<16xf32>
        %add3A_994 = arith.addf %add3A_962, %get3A_993 : vector<16xf32>
        %mul3A_995 = arith.constant 10 : i32
        %mul3A_996 = arith.muli %scan3A_735, %mul3A_995 : i32
        %add3A_997 = arith.constant 8 : i32
        %add3A_998 = arith.addi %mul3A_996, %add3A_997 : i32
        %get3A_999 = arith.constant 6 : i32
        %get3A_1000 = arith.index_cast %get3A_999 : i32 to index
        %get3A_1001 = arith.index_cast %add3A_998 : i32 to index
        %get3A_1002 = arith.constant 0 : index
        %get3A_1003 = tpu.vector_load %arg6[%get3A_1000, %get3A_1001, %get3A_1002] {strides = array<i32>} : memref<8x100x64xf32, #tpu.memory_space<vmem>>, vector<1x1x16xf32>,
        %get3A_1004 = vector.shape_cast %get3A_1003 : vector<1x1x16xf32> to vector<16xf32>
        %add3A_1005 = arith.addf %add3A_973, %get3A_1004 : vector<16xf32>
        %get3A_1006 = arith.constant 6 : i32
        %get3A_1007 = arith.index_cast %get3A_1006 : i32 to index
        %get3A_1008 = arith.index_cast %add3A_998 : i32 to index
        %get3A_1009 = arith.constant 16 : index
        %get3A_1010 = tpu.vector_load %arg6[%get3A_1007, %get3A_1008, %get3A_1009] {strides = array<i32>} : memref<8x100x64xf32, #tpu.memory_space<vmem>>, vector<1x1x16xf32>,
        %get3A_1011 = vector.shape_cast %get3A_1010 : vector<1x1x16xf32> to vector<16xf32>
        %add3A_1012 = arith.addf %add3A_980, %get3A_1011 : vector<16xf32>
        %get3A_1013 = arith.constant 6 : i32
        %get3A_1014 = arith.index_cast %get3A_1013 : i32 to index
        %get3A_1015 = arith.index_cast %add3A_998 : i32 to index
        %get3A_1016 = arith.constant 32 : index
        %get3A_1017 = tpu.vector_load %arg6[%get3A_1014, %get3A_1015, %get3A_1016] {strides = array<i32>} : memref<8x100x64xf32, #tpu.memory_space<vmem>>, vector<1x1x16xf32>,
        %get3A_1018 = vector.shape_cast %get3A_1017 : vector<1x1x16xf32> to vector<16xf32>
        %add3A_1019 = arith.addf %add3A_987, %get3A_1018 : vector<16xf32>
        %get3A_1020 = arith.constant 6 : i32
        %get3A_1021 = arith.index_cast %get3A_1020 : i32 to index
        %get3A_1022 = arith.index_cast %add3A_998 : i32 to index
        %get3A_1023 = arith.constant 48 : index
        %get3A_1024 = tpu.vector_load %arg6[%get3A_1021, %get3A_1022, %get3A_1023] {strides = array<i32>} : memref<8x100x64xf32, #tpu.memory_space<vmem>>, vector<1x1x16xf32>,
        %get3A_1025 = vector.shape_cast %get3A_1024 : vector<1x1x16xf32> to vector<16xf32>
        %add3A_1026 = arith.addf %add3A_994, %get3A_1025 : vector<16xf32>
        %mul3A_1027 = arith.constant 10 : i32
        %mul3A_1028 = arith.muli %scan3A_735, %mul3A_1027 : i32
        %add3A_1029 = arith.constant 9 : i32
        %add3A_1030 = arith.addi %mul3A_1028, %add3A_1029 : i32
        %get3A_1031 = arith.constant 6 : i32
        %get3A_1032 = arith.index_cast %get3A_1031 : i32 to index
        %get3A_1033 = arith.index_cast %add3A_1030 : i32 to index
        %get3A_1034 = arith.constant 0 : index
        %get3A_1035 = tpu.vector_load %arg6[%get3A_1032, %get3A_1033, %get3A_1034] {strides = array<i32>} : memref<8x100x64xf32, #tpu.memory_space<vmem>>, vector<1x1x16xf32>,
        %get3A_1036 = vector.shape_cast %get3A_1035 : vector<1x1x16xf32> to vector<16xf32>
        %add3A_1037 = arith.addf %add3A_1005, %get3A_1036 : vector<16xf32>
        %get3A_1038 = arith.constant 6 : i32
        %get3A_1039 = arith.index_cast %get3A_1038 : i32 to index
        %get3A_1040 = arith.index_cast %add3A_1030 : i32 to index
        %get3A_1041 = arith.constant 16 : index
        %get3A_1042 = tpu.vector_load %arg6[%get3A_1039, %get3A_1040, %get3A_1041] {strides = array<i32>} : memref<8x100x64xf32, #tpu.memory_space<vmem>>, vector<1x1x16xf32>,
        %get3A_1043 = vector.shape_cast %get3A_1042 : vector<1x1x16xf32> to vector<16xf32>
        %add3A_1044 = arith.addf %add3A_1012, %get3A_1043 : vector<16xf32>
        %get3A_1045 = arith.constant 6 : i32
        %get3A_1046 = arith.index_cast %get3A_1045 : i32 to index
        %get3A_1047 = arith.index_cast %add3A_1030 : i32 to index
        %get3A_1048 = arith.constant 32 : index
        %get3A_1049 = tpu.vector_load %arg6[%get3A_1046, %get3A_1047, %get3A_1048] {strides = array<i32>} : memref<8x100x64xf32, #tpu.memory_space<vmem>>, vector<1x1x16xf32>,
        %get3A_1050 = vector.shape_cast %get3A_1049 : vector<1x1x16xf32> to vector<16xf32>
        %add3A_1051 = arith.addf %add3A_1019, %get3A_1050 : vector<16xf32>
        %get3A_1052 = arith.constant 6 : i32
        %get3A_1053 = arith.index_cast %get3A_1052 : i32 to index
        %get3A_1054 = arith.index_cast %add3A_1030 : i32 to index
        %get3A_1055 = arith.constant 48 : index
        %get3A_1056 = tpu.vector_load %arg6[%get3A_1053, %get3A_1054, %get3A_1055] {strides = array<i32>} : memref<8x100x64xf32, #tpu.memory_space<vmem>>, vector<1x1x16xf32>,
        %get3A_1057 = vector.shape_cast %get3A_1056 : vector<1x1x16xf32> to vector<16xf32>
        %add3A_1058 = arith.addf %add3A_1026, %get3A_1057 : vector<16xf32>
        scf.yield %add3A_1037, %add3A_1044, %add3A_1051, %add3A_1058 : vector<16xf32>, vector<16xf32>, vector<16xf32>, vector<16xf32>
      }
      %scan3A_637 = arith.constant 10 : i32
      %add3A_638 = arith.constant 8 : i32
      %add3A_639 = arith.addi %add3A_617, %add3A_638 : i32
      %min3A_640 = arith.constant 63 : i32
      %min3A_641 = arith.minsi %add3A_639, %min3A_640 : i32
      %dma_start3A_642 = arith.constant 6 : i32
      %dma_start3A_643 = arith.constant 6 : i32
      %dma_start3A_644 = arith.constant 0 : i32
      %dma_start3A_645 = arith.constant 0 : i32
      %dma_start3A_646 = tpu.memref_slice %arg6[%dma_start3A_642, %dma_start3A_644, %dma_start3A_645] : memref<8x100x64xf32, #tpu.memory_space<vmem>> -> memref<1x100x64xf32, #tpu.memory_space<vmem>>
      %dma_start3A_647 = tpu.memref_squeeze %dma_start3A_646 : memref<1x100x64xf32, #tpu.memory_space<vmem>> -> memref<100x64xf32, #tpu.memory_space<vmem>>
      %dma_start3A_648 = arith.constant 0 : i32
      %dma_start3A_649 = tpu.memref_slice %arg5[%min3A_641, %dma_start3A_648] : memref<64x100xi32, #tpu.memory_space<vmem>> -> memref<1x100xi32, #tpu.memory_space<vmem>>
      %dma_start3A_650 = tpu.memref_squeeze %dma_start3A_649 : memref<1x100xi32, #tpu.memory_space<vmem>> -> memref<100xi32, #tpu.memory_space<vmem>>
      %dma_start3A_651 = arith.constant 0 : i32
      %dma_start3A_652 = arith.constant 0 : i32
      %dma_start3A_653 = tpu.memref_slice %arg3[%dma_start3A_651, %dma_start3A_652] : memref<100000x64xf32, #tpu.memory_space<hbm>> -> memref<100000x64xf32, #tpu.memory_space<hbm>>
      %dma_start3A_654 = tpu.memref_slice %arg8[%dma_start3A_643] : memref<8x!tpu.dma_semaphore, #tpu.memory_space<semaphore_mem>> -> memref<1x!tpu.dma_semaphore, #tpu.memory_space<semaphore_mem>>
      %dma_start3A_655 = tpu.memref_squeeze %dma_start3A_654 : memref<1x!tpu.dma_semaphore, #tpu.memory_space<semaphore_mem>> -> memref<!tpu.dma_semaphore, #tpu.memory_space<semaphore_mem>>
      tpu.enqueue_indirect_dma source(%dma_start3A_653 : memref<100000x64xf32, #tpu.memory_space<hbm>>) target(%dma_start3A_647 : memref<100x64xf32, #tpu.memory_space<vmem>>) offsets(%dma_start3A_650 : memref<100xi32, #tpu.memory_space<vmem>>) semaphore(%dma_start3A_655 : memref<!tpu.dma_semaphore, #tpu.memory_space<semaphore_mem>>)
      %mul3A_656 = arith.constant 8 : i32
      %mul3A_657 = arith.muli %scan3A_247, %mul3A_656 : i32
      %add3A_658 = arith.constant 7 : i32
      %add3A_659 = arith.addi %mul3A_657, %add3A_658 : i32
      %dma_wait3A_660 = arith.constant 7 : i32
      %dma_wait3A_661 = arith.constant 7 : i32
      %dma_wait3A_662 = arith.constant 0 : i32
      %dma_wait3A_663 = arith.constant 0 : i32
      %dma_wait3A_664 = tpu.memref_slice %arg6[%dma_wait3A_660, %dma_wait3A_662, %dma_wait3A_663] : memref<8x100x64xf32, #tpu.memory_space<vmem>> -> memref<1x100x64xf32, #tpu.memory_space<vmem>>
      %dma_wait3A_665 = tpu.memref_squeeze %dma_wait3A_664 : memref<1x100x64xf32, #tpu.memory_space<vmem>> -> memref<100x64xf32, #tpu.memory_space<vmem>>
      %dma_wait3A_666 = arith.constant 0 : i32
      %dma_wait3A_667 = tpu.memref_slice %arg5[%add3A_659, %dma_wait3A_666] : memref<64x100xi32, #tpu.memory_space<vmem>> -> memref<1x100xi32, #tpu.memory_space<vmem>>
      %dma_wait3A_668 = tpu.memref_squeeze %dma_wait3A_667 : memref<1x100xi32, #tpu.memory_space<vmem>> -> memref<100xi32, #tpu.memory_space<vmem>>
      %dma_wait3A_669 = arith.constant 0 : i32
      %dma_wait3A_670 = arith.constant 0 : i32
      %dma_wait3A_671 = tpu.memref_slice %arg3[%dma_wait3A_669, %dma_wait3A_670] : memref<100000x64xf32, #tpu.memory_space<hbm>> -> memref<100000x64xf32, #tpu.memory_space<hbm>>
      %dma_wait3A_672 = tpu.memref_slice %arg8[%dma_wait3A_661] : memref<8x!tpu.dma_semaphore, #tpu.memory_space<semaphore_mem>> -> memref<1x!tpu.dma_semaphore, #tpu.memory_space<semaphore_mem>>
      %dma_wait3A_673 = tpu.memref_squeeze %dma_wait3A_672 : memref<1x!tpu.dma_semaphore, #tpu.memory_space<semaphore_mem>> -> memref<!tpu.dma_semaphore, #tpu.memory_space<semaphore_mem>>
      tpu.wait_indirect_dma semaphore(%dma_wait3A_673 : memref<!tpu.dma_semaphore, #tpu.memory_space<semaphore_mem>>) src(%dma_wait3A_671 : memref<100000x64xf32, #tpu.memory_space<hbm>>) dst(%dma_wait3A_665 : memref<100x64xf32, #tpu.memory_space<vmem>>)
      %scan3A_674 = arith.constant 0 : i32
      %scan3A_675 = arith.constant 10 : i32
      %scan3A_676 = arith.addi %scan3A_674, %scan3A_675 : i32
      %scan3A_677 = arith.constant 1 : i32
      %scan3A_678:4 = scf.for %scan3A_735 = %scan3A_674 to %scan3A_676 step %scan3A_677 iter_args(%scan3A_736 = %scan3A_636#0, %scan3A_737 = %scan3A_636#1, %scan3A_738 = %scan3A_636#2, %scan3A_739 = %scan3A_636#3) -> (vector<16xf32>, vector<16xf32>, vector<16xf32>, vector<16xf32>)  : i32 {
        %mul3A_740 = arith.constant 10 : i32
        %mul3A_741 = arith.muli %scan3A_735, %mul3A_740 : i32
        %add3A_742 = arith.constant 0 : i32
        %add3A_743 = arith.addi %mul3A_741, %add3A_742 : i32
        %get3A = arith.constant 7 : i32
        %get3A_744 = arith.index_cast %get3A : i32 to index
        %get3A_745 = arith.index_cast %add3A_743 : i32 to index
        %get3A_746 = arith.constant 0 : index
        %get3A_747 = tpu.vector_load %arg6[%get3A_744, %get3A_745, %get3A_746] {strides = array<i32>} : memref<8x100x64xf32, #tpu.memory_space<vmem>>, vector<1x1x16xf32>,
        %get3A_748 = vector.shape_cast %get3A_747 : vector<1x1x16xf32> to vector<16xf32>
        %add3A_749 = arith.addf %scan3A_736, %get3A_748 : vector<16xf32>
        %get3A_750 = arith.constant 7 : i32
        %get3A_751 = arith.index_cast %get3A_750 : i32 to index
        %get3A_752 = arith.index_cast %add3A_743 : i32 to index
        %get3A_753 = arith.constant 16 : index
        %get3A_754 = tpu.vector_load %arg6[%get3A_751, %get3A_752, %get3A_753] {strides = array<i32>} : memref<8x100x64xf32, #tpu.memory_space<vmem>>, vector<1x1x16xf32>,
        %get3A_755 = vector.shape_cast %get3A_754 : vector<1x1x16xf32> to vector<16xf32>
        %add3A_756 = arith.addf %scan3A_737, %get3A_755 : vector<16xf32>
        %get3A_757 = arith.constant 7 : i32
        %get3A_758 = arith.index_cast %get3A_757 : i32 to index
        %get3A_759 = arith.index_cast %add3A_743 : i32 to index
        %get3A_760 = arith.constant 32 : index
        %get3A_761 = tpu.vector_load %arg6[%get3A_758, %get3A_759, %get3A_760] {strides = array<i32>} : memref<8x100x64xf32, #tpu.memory_space<vmem>>, vector<1x1x16xf32>,
        %get3A_762 = vector.shape_cast %get3A_761 : vector<1x1x16xf32> to vector<16xf32>
        %add3A_763 = arith.addf %scan3A_738, %get3A_762 : vector<16xf32>
        %get3A_764 = arith.constant 7 : i32
        %get3A_765 = arith.index_cast %get3A_764 : i32 to index
        %get3A_766 = arith.index_cast %add3A_743 : i32 to index
        %get3A_767 = arith.constant 48 : index
        %get3A_768 = tpu.vector_load %arg6[%get3A_765, %get3A_766, %get3A_767] {strides = array<i32>} : memref<8x100x64xf32, #tpu.memory_space<vmem>>, vector<1x1x16xf32>,
        %get3A_769 = vector.shape_cast %get3A_768 : vector<1x1x16xf32> to vector<16xf32>
        %add3A_770 = arith.addf %scan3A_739, %get3A_769 : vector<16xf32>
        %mul3A_771 = arith.constant 10 : i32
        %mul3A_772 = arith.muli %scan3A_735, %mul3A_771 : i32
        %add3A_773 = arith.constant 1 : i32
        %add3A_774 = arith.addi %mul3A_772, %add3A_773 : i32
        %get3A_775 = arith.constant 7 : i32
        %get3A_776 = arith.index_cast %get3A_775 : i32 to index
        %get3A_777 = arith.index_cast %add3A_774 : i32 to index
        %get3A_778 = arith.constant 0 : index
        %get3A_779 = tpu.vector_load %arg6[%get3A_776, %get3A_777, %get3A_778] {strides = array<i32>} : memref<8x100x64xf32, #tpu.memory_space<vmem>>, vector<1x1x16xf32>,
        %get3A_780 = vector.shape_cast %get3A_779 : vector<1x1x16xf32> to vector<16xf32>
        %add3A_781 = arith.addf %add3A_749, %get3A_780 : vector<16xf32>
        %get3A_782 = arith.constant 7 : i32
        %get3A_783 = arith.index_cast %get3A_782 : i32 to index
        %get3A_784 = arith.index_cast %add3A_774 : i32 to index
        %get3A_785 = arith.constant 16 : index
        %get3A_786 = tpu.vector_load %arg6[%get3A_783, %get3A_784, %get3A_785] {strides = array<i32>} : memref<8x100x64xf32, #tpu.memory_space<vmem>>, vector<1x1x16xf32>,
        %get3A_787 = vector.shape_cast %get3A_786 : vector<1x1x16xf32> to vector<16xf32>
        %add3A_788 = arith.addf %add3A_756, %get3A_787 : vector<16xf32>
        %get3A_789 = arith.constant 7 : i32
        %get3A_790 = arith.index_cast %get3A_789 : i32 to index
        %get3A_791 = arith.index_cast %add3A_774 : i32 to index
        %get3A_792 = arith.constant 32 : index
        %get3A_793 = tpu.vector_load %arg6[%get3A_790, %get3A_791, %get3A_792] {strides = array<i32>} : memref<8x100x64xf32, #tpu.memory_space<vmem>>, vector<1x1x16xf32>,
        %get3A_794 = vector.shape_cast %get3A_793 : vector<1x1x16xf32> to vector<16xf32>
        %add3A_795 = arith.addf %add3A_763, %get3A_794 : vector<16xf32>
        %get3A_796 = arith.constant 7 : i32
        %get3A_797 = arith.index_cast %get3A_796 : i32 to index
        %get3A_798 = arith.index_cast %add3A_774 : i32 to index
        %get3A_799 = arith.constant 48 : index
        %get3A_800 = tpu.vector_load %arg6[%get3A_797, %get3A_798, %get3A_799] {strides = array<i32>} : memref<8x100x64xf32, #tpu.memory_space<vmem>>, vector<1x1x16xf32>,
        %get3A_801 = vector.shape_cast %get3A_800 : vector<1x1x16xf32> to vector<16xf32>
        %add3A_802 = arith.addf %add3A_770, %get3A_801 : vector<16xf32>
        %mul3A_803 = arith.constant 10 : i32
        %mul3A_804 = arith.muli %scan3A_735, %mul3A_803 : i32
        %add3A_805 = arith.constant 2 : i32
        %add3A_806 = arith.addi %mul3A_804, %add3A_805 : i32
        %get3A_807 = arith.constant 7 : i32
        %get3A_808 = arith.index_cast %get3A_807 : i32 to index
        %get3A_809 = arith.index_cast %add3A_806 : i32 to index
        %get3A_810 = arith.constant 0 : index
        %get3A_811 = tpu.vector_load %arg6[%get3A_808, %get3A_809, %get3A_810] {strides = array<i32>} : memref<8x100x64xf32, #tpu.memory_space<vmem>>, vector<1x1x16xf32>,
        %get3A_812 = vector.shape_cast %get3A_811 : vector<1x1x16xf32> to vector<16xf32>
        %add3A_813 = arith.addf %add3A_781, %get3A_812 : vector<16xf32>
        %get3A_814 = arith.constant 7 : i32
        %get3A_815 = arith.index_cast %get3A_814 : i32 to index
        %get3A_816 = arith.index_cast %add3A_806 : i32 to index
        %get3A_817 = arith.constant 16 : index
        %get3A_818 = tpu.vector_load %arg6[%get3A_815, %get3A_816, %get3A_817] {strides = array<i32>} : memref<8x100x64xf32, #tpu.memory_space<vmem>>, vector<1x1x16xf32>,
        %get3A_819 = vector.shape_cast %get3A_818 : vector<1x1x16xf32> to vector<16xf32>
        %add3A_820 = arith.addf %add3A_788, %get3A_819 : vector<16xf32>
        %get3A_821 = arith.constant 7 : i32
        %get3A_822 = arith.index_cast %get3A_821 : i32 to index
        %get3A_823 = arith.index_cast %add3A_806 : i32 to index
        %get3A_824 = arith.constant 32 : index
        %get3A_825 = tpu.vector_load %arg6[%get3A_822, %get3A_823, %get3A_824] {strides = array<i32>} : memref<8x100x64xf32, #tpu.memory_space<vmem>>, vector<1x1x16xf32>,
        %get3A_826 = vector.shape_cast %get3A_825 : vector<1x1x16xf32> to vector<16xf32>
        %add3A_827 = arith.addf %add3A_795, %get3A_826 : vector<16xf32>
        %get3A_828 = arith.constant 7 : i32
        %get3A_829 = arith.index_cast %get3A_828 : i32 to index
        %get3A_830 = arith.index_cast %add3A_806 : i32 to index
        %get3A_831 = arith.constant 48 : index
        %get3A_832 = tpu.vector_load %arg6[%get3A_829, %get3A_830, %get3A_831] {strides = array<i32>} : memref<8x100x64xf32, #tpu.memory_space<vmem>>, vector<1x1x16xf32>,
        %get3A_833 = vector.shape_cast %get3A_832 : vector<1x1x16xf32> to vector<16xf32>
        %add3A_834 = arith.addf %add3A_802, %get3A_833 : vector<16xf32>
        %mul3A_835 = arith.constant 10 : i32
        %mul3A_836 = arith.muli %scan3A_735, %mul3A_835 : i32
        %add3A_837 = arith.constant 3 : i32
        %add3A_838 = arith.addi %mul3A_836, %add3A_837 : i32
        %get3A_839 = arith.constant 7 : i32
        %get3A_840 = arith.index_cast %get3A_839 : i32 to index
        %get3A_841 = arith.index_cast %add3A_838 : i32 to index
        %get3A_842 = arith.constant 0 : index
        %get3A_843 = tpu.vector_load %arg6[%get3A_840, %get3A_841, %get3A_842] {strides = array<i32>} : memref<8x100x64xf32, #tpu.memory_space<vmem>>, vector<1x1x16xf32>,
        %get3A_844 = vector.shape_cast %get3A_843 : vector<1x1x16xf32> to vector<16xf32>
        %add3A_845 = arith.addf %add3A_813, %get3A_844 : vector<16xf32>
        %get3A_846 = arith.constant 7 : i32
        %get3A_847 = arith.index_cast %get3A_846 : i32 to index
        %get3A_848 = arith.index_cast %add3A_838 : i32 to index
        %get3A_849 = arith.constant 16 : index
        %get3A_850 = tpu.vector_load %arg6[%get3A_847, %get3A_848, %get3A_849] {strides = array<i32>} : memref<8x100x64xf32, #tpu.memory_space<vmem>>, vector<1x1x16xf32>,
        %get3A_851 = vector.shape_cast %get3A_850 : vector<1x1x16xf32> to vector<16xf32>
        %add3A_852 = arith.addf %add3A_820, %get3A_851 : vector<16xf32>
        %get3A_853 = arith.constant 7 : i32
        %get3A_854 = arith.index_cast %get3A_853 : i32 to index
        %get3A_855 = arith.index_cast %add3A_838 : i32 to index
        %get3A_856 = arith.constant 32 : index
        %get3A_857 = tpu.vector_load %arg6[%get3A_854, %get3A_855, %get3A_856] {strides = array<i32>} : memref<8x100x64xf32, #tpu.memory_space<vmem>>, vector<1x1x16xf32>,
        %get3A_858 = vector.shape_cast %get3A_857 : vector<1x1x16xf32> to vector<16xf32>
        %add3A_859 = arith.addf %add3A_827, %get3A_858 : vector<16xf32>
        %get3A_860 = arith.constant 7 : i32
        %get3A_861 = arith.index_cast %get3A_860 : i32 to index
        %get3A_862 = arith.index_cast %add3A_838 : i32 to index
        %get3A_863 = arith.constant 48 : index
        %get3A_864 = tpu.vector_load %arg6[%get3A_861, %get3A_862, %get3A_863] {strides = array<i32>} : memref<8x100x64xf32, #tpu.memory_space<vmem>>, vector<1x1x16xf32>,
        %get3A_865 = vector.shape_cast %get3A_864 : vector<1x1x16xf32> to vector<16xf32>
        %add3A_866 = arith.addf %add3A_834, %get3A_865 : vector<16xf32>
        %mul3A_867 = arith.constant 10 : i32
        %mul3A_868 = arith.muli %scan3A_735, %mul3A_867 : i32
        %add3A_869 = arith.constant 4 : i32
        %add3A_870 = arith.addi %mul3A_868, %add3A_869 : i32
        %get3A_871 = arith.constant 7 : i32
        %get3A_872 = arith.index_cast %get3A_871 : i32 to index
        %get3A_873 = arith.index_cast %add3A_870 : i32 to index
        %get3A_874 = arith.constant 0 : index
        %get3A_875 = tpu.vector_load %arg6[%get3A_872, %get3A_873, %get3A_874] {strides = array<i32>} : memref<8x100x64xf32, #tpu.memory_space<vmem>>, vector<1x1x16xf32>,
        %get3A_876 = vector.shape_cast %get3A_875 : vector<1x1x16xf32> to vector<16xf32>
        %add3A_877 = arith.addf %add3A_845, %get3A_876 : vector<16xf32>
        %get3A_878 = arith.constant 7 : i32
        %get3A_879 = arith.index_cast %get3A_878 : i32 to index
        %get3A_880 = arith.index_cast %add3A_870 : i32 to index
        %get3A_881 = arith.constant 16 : index
        %get3A_882 = tpu.vector_load %arg6[%get3A_879, %get3A_880, %get3A_881] {strides = array<i32>} : memref<8x100x64xf32, #tpu.memory_space<vmem>>, vector<1x1x16xf32>,
        %get3A_883 = vector.shape_cast %get3A_882 : vector<1x1x16xf32> to vector<16xf32>
        %add3A_884 = arith.addf %add3A_852, %get3A_883 : vector<16xf32>
        %get3A_885 = arith.constant 7 : i32
        %get3A_886 = arith.index_cast %get3A_885 : i32 to index
        %get3A_887 = arith.index_cast %add3A_870 : i32 to index
        %get3A_888 = arith.constant 32 : index
        %get3A_889 = tpu.vector_load %arg6[%get3A_886, %get3A_887, %get3A_888] {strides = array<i32>} : memref<8x100x64xf32, #tpu.memory_space<vmem>>, vector<1x1x16xf32>,
        %get3A_890 = vector.shape_cast %get3A_889 : vector<1x1x16xf32> to vector<16xf32>
        %add3A_891 = arith.addf %add3A_859, %get3A_890 : vector<16xf32>
        %get3A_892 = arith.constant 7 : i32
        %get3A_893 = arith.index_cast %get3A_892 : i32 to index
        %get3A_894 = arith.index_cast %add3A_870 : i32 to index
        %get3A_895 = arith.constant 48 : index
        %get3A_896 = tpu.vector_load %arg6[%get3A_893, %get3A_894, %get3A_895] {strides = array<i32>} : memref<8x100x64xf32, #tpu.memory_space<vmem>>, vector<1x1x16xf32>,
        %get3A_897 = vector.shape_cast %get3A_896 : vector<1x1x16xf32> to vector<16xf32>
        %add3A_898 = arith.addf %add3A_866, %get3A_897 : vector<16xf32>
        %mul3A_899 = arith.constant 10 : i32
        %mul3A_900 = arith.muli %scan3A_735, %mul3A_899 : i32
        %add3A_901 = arith.constant 5 : i32
        %add3A_902 = arith.addi %mul3A_900, %add3A_901 : i32
        %get3A_903 = arith.constant 7 : i32
        %get3A_904 = arith.index_cast %get3A_903 : i32 to index
        %get3A_905 = arith.index_cast %add3A_902 : i32 to index
        %get3A_906 = arith.constant 0 : index
        %get3A_907 = tpu.vector_load %arg6[%get3A_904, %get3A_905, %get3A_906] {strides = array<i32>} : memref<8x100x64xf32, #tpu.memory_space<vmem>>, vector<1x1x16xf32>,
        %get3A_908 = vector.shape_cast %get3A_907 : vector<1x1x16xf32> to vector<16xf32>
        %add3A_909 = arith.addf %add3A_877, %get3A_908 : vector<16xf32>
        %get3A_910 = arith.constant 7 : i32
        %get3A_911 = arith.index_cast %get3A_910 : i32 to index
        %get3A_912 = arith.index_cast %add3A_902 : i32 to index
        %get3A_913 = arith.constant 16 : index
        %get3A_914 = tpu.vector_load %arg6[%get3A_911, %get3A_912, %get3A_913] {strides = array<i32>} : memref<8x100x64xf32, #tpu.memory_space<vmem>>, vector<1x1x16xf32>,
        %get3A_915 = vector.shape_cast %get3A_914 : vector<1x1x16xf32> to vector<16xf32>
        %add3A_916 = arith.addf %add3A_884, %get3A_915 : vector<16xf32>
        %get3A_917 = arith.constant 7 : i32
        %get3A_918 = arith.index_cast %get3A_917 : i32 to index
        %get3A_919 = arith.index_cast %add3A_902 : i32 to index
        %get3A_920 = arith.constant 32 : index
        %get3A_921 = tpu.vector_load %arg6[%get3A_918, %get3A_919, %get3A_920] {strides = array<i32>} : memref<8x100x64xf32, #tpu.memory_space<vmem>>, vector<1x1x16xf32>,
        %get3A_922 = vector.shape_cast %get3A_921 : vector<1x1x16xf32> to vector<16xf32>
        %add3A_923 = arith.addf %add3A_891, %get3A_922 : vector<16xf32>
        %get3A_924 = arith.constant 7 : i32
        %get3A_925 = arith.index_cast %get3A_924 : i32 to index
        %get3A_926 = arith.index_cast %add3A_902 : i32 to index
        %get3A_927 = arith.constant 48 : index
        %get3A_928 = tpu.vector_load %arg6[%get3A_925, %get3A_926, %get3A_927] {strides = array<i32>} : memref<8x100x64xf32, #tpu.memory_space<vmem>>, vector<1x1x16xf32>,
        %get3A_929 = vector.shape_cast %get3A_928 : vector<1x1x16xf32> to vector<16xf32>
        %add3A_930 = arith.addf %add3A_898, %get3A_929 : vector<16xf32>
        %mul3A_931 = arith.constant 10 : i32
        %mul3A_932 = arith.muli %scan3A_735, %mul3A_931 : i32
        %add3A_933 = arith.constant 6 : i32
        %add3A_934 = arith.addi %mul3A_932, %add3A_933 : i32
        %get3A_935 = arith.constant 7 : i32
        %get3A_936 = arith.index_cast %get3A_935 : i32 to index
        %get3A_937 = arith.index_cast %add3A_934 : i32 to index
        %get3A_938 = arith.constant 0 : index
        %get3A_939 = tpu.vector_load %arg6[%get3A_936, %get3A_937, %get3A_938] {strides = array<i32>} : memref<8x100x64xf32, #tpu.memory_space<vmem>>, vector<1x1x16xf32>,
        %get3A_940 = vector.shape_cast %get3A_939 : vector<1x1x16xf32> to vector<16xf32>
        %add3A_941 = arith.addf %add3A_909, %get3A_940 : vector<16xf32>
        %get3A_942 = arith.constant 7 : i32
        %get3A_943 = arith.index_cast %get3A_942 : i32 to index
        %get3A_944 = arith.index_cast %add3A_934 : i32 to index
        %get3A_945 = arith.constant 16 : index
        %get3A_946 = tpu.vector_load %arg6[%get3A_943, %get3A_944, %get3A_945] {strides = array<i32>} : memref<8x100x64xf32, #tpu.memory_space<vmem>>, vector<1x1x16xf32>,
        %get3A_947 = vector.shape_cast %get3A_946 : vector<1x1x16xf32> to vector<16xf32>
        %add3A_948 = arith.addf %add3A_916, %get3A_947 : vector<16xf32>
        %get3A_949 = arith.constant 7 : i32
        %get3A_950 = arith.index_cast %get3A_949 : i32 to index
        %get3A_951 = arith.index_cast %add3A_934 : i32 to index
        %get3A_952 = arith.constant 32 : index
        %get3A_953 = tpu.vector_load %arg6[%get3A_950, %get3A_951, %get3A_952] {strides = array<i32>} : memref<8x100x64xf32, #tpu.memory_space<vmem>>, vector<1x1x16xf32>,
        %get3A_954 = vector.shape_cast %get3A_953 : vector<1x1x16xf32> to vector<16xf32>
        %add3A_955 = arith.addf %add3A_923, %get3A_954 : vector<16xf32>
        %get3A_956 = arith.constant 7 : i32
        %get3A_957 = arith.index_cast %get3A_956 : i32 to index
        %get3A_958 = arith.index_cast %add3A_934 : i32 to index
        %get3A_959 = arith.constant 48 : index
        %get3A_960 = tpu.vector_load %arg6[%get3A_957, %get3A_958, %get3A_959] {strides = array<i32>} : memref<8x100x64xf32, #tpu.memory_space<vmem>>, vector<1x1x16xf32>,
        %get3A_961 = vector.shape_cast %get3A_960 : vector<1x1x16xf32> to vector<16xf32>
        %add3A_962 = arith.addf %add3A_930, %get3A_961 : vector<16xf32>
        %mul3A_963 = arith.constant 10 : i32
        %mul3A_964 = arith.muli %scan3A_735, %mul3A_963 : i32
        %add3A_965 = arith.constant 7 : i32
        %add3A_966 = arith.addi %mul3A_964, %add3A_965 : i32
        %get3A_967 = arith.constant 7 : i32
        %get3A_968 = arith.index_cast %get3A_967 : i32 to index
        %get3A_969 = arith.index_cast %add3A_966 : i32 to index
        %get3A_970 = arith.constant 0 : index
        %get3A_971 = tpu.vector_load %arg6[%get3A_968, %get3A_969, %get3A_970] {strides = array<i32>} : memref<8x100x64xf32, #tpu.memory_space<vmem>>, vector<1x1x16xf32>,
        %get3A_972 = vector.shape_cast %get3A_971 : vector<1x1x16xf32> to vector<16xf32>
        %add3A_973 = arith.addf %add3A_941, %get3A_972 : vector<16xf32>
        %get3A_974 = arith.constant 7 : i32
        %get3A_975 = arith.index_cast %get3A_974 : i32 to index
        %get3A_976 = arith.index_cast %add3A_966 : i32 to index
        %get3A_977 = arith.constant 16 : index
        %get3A_978 = tpu.vector_load %arg6[%get3A_975, %get3A_976, %get3A_977] {strides = array<i32>} : memref<8x100x64xf32, #tpu.memory_space<vmem>>, vector<1x1x16xf32>,
        %get3A_979 = vector.shape_cast %get3A_978 : vector<1x1x16xf32> to vector<16xf32>
        %add3A_980 = arith.addf %add3A_948, %get3A_979 : vector<16xf32>
        %get3A_981 = arith.constant 7 : i32
        %get3A_982 = arith.index_cast %get3A_981 : i32 to index
        %get3A_983 = arith.index_cast %add3A_966 : i32 to index
        %get3A_984 = arith.constant 32 : index
        %get3A_985 = tpu.vector_load %arg6[%get3A_982, %get3A_983, %get3A_984] {strides = array<i32>} : memref<8x100x64xf32, #tpu.memory_space<vmem>>, vector<1x1x16xf32>,
        %get3A_986 = vector.shape_cast %get3A_985 : vector<1x1x16xf32> to vector<16xf32>
        %add3A_987 = arith.addf %add3A_955, %get3A_986 : vector<16xf32>
        %get3A_988 = arith.constant 7 : i32
        %get3A_989 = arith.index_cast %get3A_988 : i32 to index
        %get3A_990 = arith.index_cast %add3A_966 : i32 to index
        %get3A_991 = arith.constant 48 : index
        %get3A_992 = tpu.vector_load %arg6[%get3A_989, %get3A_990, %get3A_991] {strides = array<i32>} : memref<8x100x64xf32, #tpu.memory_space<vmem>>, vector<1x1x16xf32>,
        %get3A_993 = vector.shape_cast %get3A_992 : vector<1x1x16xf32> to vector<16xf32>
        %add3A_994 = arith.addf %add3A_962, %get3A_993 : vector<16xf32>
        %mul3A_995 = arith.constant 10 : i32
        %mul3A_996 = arith.muli %scan3A_735, %mul3A_995 : i32
        %add3A_997 = arith.constant 8 : i32
        %add3A_998 = arith.addi %mul3A_996, %add3A_997 : i32
        %get3A_999 = arith.constant 7 : i32
        %get3A_1000 = arith.index_cast %get3A_999 : i32 to index
        %get3A_1001 = arith.index_cast %add3A_998 : i32 to index
        %get3A_1002 = arith.constant 0 : index
        %get3A_1003 = tpu.vector_load %arg6[%get3A_1000, %get3A_1001, %get3A_1002] {strides = array<i32>} : memref<8x100x64xf32, #tpu.memory_space<vmem>>, vector<1x1x16xf32>,
        %get3A_1004 = vector.shape_cast %get3A_1003 : vector<1x1x16xf32> to vector<16xf32>
        %add3A_1005 = arith.addf %add3A_973, %get3A_1004 : vector<16xf32>
        %get3A_1006 = arith.constant 7 : i32
        %get3A_1007 = arith.index_cast %get3A_1006 : i32 to index
        %get3A_1008 = arith.index_cast %add3A_998 : i32 to index
        %get3A_1009 = arith.constant 16 : index
        %get3A_1010 = tpu.vector_load %arg6[%get3A_1007, %get3A_1008, %get3A_1009] {strides = array<i32>} : memref<8x100x64xf32, #tpu.memory_space<vmem>>, vector<1x1x16xf32>,
        %get3A_1011 = vector.shape_cast %get3A_1010 : vector<1x1x16xf32> to vector<16xf32>
        %add3A_1012 = arith.addf %add3A_980, %get3A_1011 : vector<16xf32>
        %get3A_1013 = arith.constant 7 : i32
        %get3A_1014 = arith.index_cast %get3A_1013 : i32 to index
        %get3A_1015 = arith.index_cast %add3A_998 : i32 to index
        %get3A_1016 = arith.constant 32 : index
        %get3A_1017 = tpu.vector_load %arg6[%get3A_1014, %get3A_1015, %get3A_1016] {strides = array<i32>} : memref<8x100x64xf32, #tpu.memory_space<vmem>>, vector<1x1x16xf32>,
        %get3A_1018 = vector.shape_cast %get3A_1017 : vector<1x1x16xf32> to vector<16xf32>
        %add3A_1019 = arith.addf %add3A_987, %get3A_1018 : vector<16xf32>
        %get3A_1020 = arith.constant 7 : i32
        %get3A_1021 = arith.index_cast %get3A_1020 : i32 to index
        %get3A_1022 = arith.index_cast %add3A_998 : i32 to index
        %get3A_1023 = arith.constant 48 : index
        %get3A_1024 = tpu.vector_load %arg6[%get3A_1021, %get3A_1022, %get3A_1023] {strides = array<i32>} : memref<8x100x64xf32, #tpu.memory_space<vmem>>, vector<1x1x16xf32>,
        %get3A_1025 = vector.shape_cast %get3A_1024 : vector<1x1x16xf32> to vector<16xf32>
        %add3A_1026 = arith.addf %add3A_994, %get3A_1025 : vector<16xf32>
        %mul3A_1027 = arith.constant 10 : i32
        %mul3A_1028 = arith.muli %scan3A_735, %mul3A_1027 : i32
        %add3A_1029 = arith.constant 9 : i32
        %add3A_1030 = arith.addi %mul3A_1028, %add3A_1029 : i32
        %get3A_1031 = arith.constant 7 : i32
        %get3A_1032 = arith.index_cast %get3A_1031 : i32 to index
        %get3A_1033 = arith.index_cast %add3A_1030 : i32 to index
        %get3A_1034 = arith.constant 0 : index
        %get3A_1035 = tpu.vector_load %arg6[%get3A_1032, %get3A_1033, %get3A_1034] {strides = array<i32>} : memref<8x100x64xf32, #tpu.memory_space<vmem>>, vector<1x1x16xf32>,
        %get3A_1036 = vector.shape_cast %get3A_1035 : vector<1x1x16xf32> to vector<16xf32>
        %add3A_1037 = arith.addf %add3A_1005, %get3A_1036 : vector<16xf32>
        %get3A_1038 = arith.constant 7 : i32
        %get3A_1039 = arith.index_cast %get3A_1038 : i32 to index
        %get3A_1040 = arith.index_cast %add3A_1030 : i32 to index
        %get3A_1041 = arith.constant 16 : index
        %get3A_1042 = tpu.vector_load %arg6[%get3A_1039, %get3A_1040, %get3A_1041] {strides = array<i32>} : memref<8x100x64xf32, #tpu.memory_space<vmem>>, vector<1x1x16xf32>,
        %get3A_1043 = vector.shape_cast %get3A_1042 : vector<1x1x16xf32> to vector<16xf32>
        %add3A_1044 = arith.addf %add3A_1012, %get3A_1043 : vector<16xf32>
        %get3A_1045 = arith.constant 7 : i32
        %get3A_1046 = arith.index_cast %get3A_1045 : i32 to index
        %get3A_1047 = arith.index_cast %add3A_1030 : i32 to index
        %get3A_1048 = arith.constant 32 : index
        %get3A_1049 = tpu.vector_load %arg6[%get3A_1046, %get3A_1047, %get3A_1048] {strides = array<i32>} : memref<8x100x64xf32, #tpu.memory_space<vmem>>, vector<1x1x16xf32>,
        %get3A_1050 = vector.shape_cast %get3A_1049 : vector<1x1x16xf32> to vector<16xf32>
        %add3A_1051 = arith.addf %add3A_1019, %get3A_1050 : vector<16xf32>
        %get3A_1052 = arith.constant 7 : i32
        %get3A_1053 = arith.index_cast %get3A_1052 : i32 to index
        %get3A_1054 = arith.index_cast %add3A_1030 : i32 to index
        %get3A_1055 = arith.constant 48 : index
        %get3A_1056 = tpu.vector_load %arg6[%get3A_1053, %get3A_1054, %get3A_1055] {strides = array<i32>} : memref<8x100x64xf32, #tpu.memory_space<vmem>>, vector<1x1x16xf32>,
        %get3A_1057 = vector.shape_cast %get3A_1056 : vector<1x1x16xf32> to vector<16xf32>
        %add3A_1058 = arith.addf %add3A_1026, %get3A_1057 : vector<16xf32>
        scf.yield %add3A_1037, %add3A_1044, %add3A_1051, %add3A_1058 : vector<16xf32>, vector<16xf32>, vector<16xf32>, vector<16xf32>
      }
      %scan3A_679 = arith.constant 10 : i32
      %add3A_680 = arith.constant 8 : i32
      %add3A_681 = arith.addi %add3A_659, %add3A_680 : i32
      %min3A_682 = arith.constant 63 : i32
      %min3A_683 = arith.minsi %add3A_681, %min3A_682 : i32
      %dma_start3A_684 = arith.constant 7 : i32
      %dma_start3A_685 = arith.constant 7 : i32
      %dma_start3A_686 = arith.constant 0 : i32
      %dma_start3A_687 = arith.constant 0 : i32
      %dma_start3A_688 = tpu.memref_slice %arg6[%dma_start3A_684, %dma_start3A_686, %dma_start3A_687] : memref<8x100x64xf32, #tpu.memory_space<vmem>> -> memref<1x100x64xf32, #tpu.memory_space<vmem>>
      %dma_start3A_689 = tpu.memref_squeeze %dma_start3A_688 : memref<1x100x64xf32, #tpu.memory_space<vmem>> -> memref<100x64xf32, #tpu.memory_space<vmem>>
      %dma_start3A_690 = arith.constant 0 : i32
      %dma_start3A_691 = tpu.memref_slice %arg5[%min3A_683, %dma_start3A_690] : memref<64x100xi32, #tpu.memory_space<vmem>> -> memref<1x100xi32, #tpu.memory_space<vmem>>
      %dma_start3A_692 = tpu.memref_squeeze %dma_start3A_691 : memref<1x100xi32, #tpu.memory_space<vmem>> -> memref<100xi32, #tpu.memory_space<vmem>>
      %dma_start3A_693 = arith.constant 0 : i32
      %dma_start3A_694 = arith.constant 0 : i32
      %dma_start3A_695 = tpu.memref_slice %arg3[%dma_start3A_693, %dma_start3A_694] : memref<100000x64xf32, #tpu.memory_space<hbm>> -> memref<100000x64xf32, #tpu.memory_space<hbm>>
      %dma_start3A_696 = tpu.memref_slice %arg8[%dma_start3A_685] : memref<8x!tpu.dma_semaphore, #tpu.memory_space<semaphore_mem>> -> memref<1x!tpu.dma_semaphore, #tpu.memory_space<semaphore_mem>>
      %dma_start3A_697 = tpu.memref_squeeze %dma_start3A_696 : memref<1x!tpu.dma_semaphore, #tpu.memory_space<semaphore_mem>> -> memref<!tpu.dma_semaphore, #tpu.memory_space<semaphore_mem>>
      tpu.enqueue_indirect_dma source(%dma_start3A_695 : memref<100000x64xf32, #tpu.memory_space<hbm>>) target(%dma_start3A_689 : memref<100x64xf32, #tpu.memory_space<vmem>>) offsets(%dma_start3A_692 : memref<100xi32, #tpu.memory_space<vmem>>) semaphore(%dma_start3A_697 : memref<!tpu.dma_semaphore, #tpu.memory_space<semaphore_mem>>)
      %mul3A_698 = arith.constant 4 : i32
      %mul3A_699 = arith.muli %scan3A_247, %mul3A_698 : i32
      %add3A_700 = arith.constant 3 : i32
      %add3A_701 = arith.addi %mul3A_699, %add3A_700 : i32
      %mul3A_702 = arith.constant 5.000000e-03 : f32
      %mul3A_703 = vector.broadcast %mul3A_702 : f32 to vector<16xf32>
      %mul3A_704 = arith.mulf %scan3A_678#0, %mul3A_703 : vector<16xf32>
      %swap3A_705 = arith.index_cast %add3A_701 : i32 to index
      %swap3A_706 = arith.constant 0 : index
      %swap3A_707 = tpu.vector_load %arg7[%swap3A_705, %swap3A_706] {strides = array<i32>} : memref<32x64xf32, #tpu.memory_space<vmem>>, vector<1x16xf32>,
      %swap3A_708 = vector.shape_cast %swap3A_707 : vector<1x16xf32> to vector<16xf32>
      %swap3A_709 = vector.shape_cast %mul3A_704 : vector<16xf32> to vector<1x16xf32>
      tpu.vector_store %arg7[%swap3A_705, %swap3A_706], %swap3A_709 {strides = array<i32>} : memref<32x64xf32, #tpu.memory_space<vmem>>, vector<1x16xf32>,
      %mul3A_710 = arith.constant 5.000000e-03 : f32
      %mul3A_711 = vector.broadcast %mul3A_710 : f32 to vector<16xf32>
      %mul3A_712 = arith.mulf %scan3A_678#1, %mul3A_711 : vector<16xf32>
      %swap3A_713 = arith.index_cast %add3A_701 : i32 to index
      %swap3A_714 = arith.constant 16 : index
      %swap3A_715 = tpu.vector_load %arg7[%swap3A_713, %swap3A_714] {strides = array<i32>} : memref<32x64xf32, #tpu.memory_space<vmem>>, vector<1x16xf32>,
      %swap3A_716 = vector.shape_cast %swap3A_715 : vector<1x16xf32> to vector<16xf32>
      %swap3A_717 = vector.shape_cast %mul3A_712 : vector<16xf32> to vector<1x16xf32>
      tpu.vector_store %arg7[%swap3A_713, %swap3A_714], %swap3A_717 {strides = array<i32>} : memref<32x64xf32, #tpu.memory_space<vmem>>, vector<1x16xf32>,
      %mul3A_718 = arith.constant 5.000000e-03 : f32
      %mul3A_719 = vector.broadcast %mul3A_718 : f32 to vector<16xf32>
      %mul3A_720 = arith.mulf %scan3A_678#2, %mul3A_719 : vector<16xf32>
      %swap3A_721 = arith.index_cast %add3A_701 : i32 to index
      %swap3A_722 = arith.constant 32 : index
      %swap3A_723 = tpu.vector_load %arg7[%swap3A_721, %swap3A_722] {strides = array<i32>} : memref<32x64xf32, #tpu.memory_space<vmem>>, vector<1x16xf32>,
      %swap3A_724 = vector.shape_cast %swap3A_723 : vector<1x16xf32> to vector<16xf32>
      %swap3A_725 = vector.shape_cast %mul3A_720 : vector<16xf32> to vector<1x16xf32>
      tpu.vector_store %arg7[%swap3A_721, %swap3A_722], %swap3A_725 {strides = array<i32>} : memref<32x64xf32, #tpu.memory_space<vmem>>, vector<1x16xf32>,
      %mul3A_726 = arith.constant 5.000000e-03 : f32
      %mul3A_727 = vector.broadcast %mul3A_726 : f32 to vector<16xf32>
      %mul3A_728 = arith.mulf %scan3A_678#3, %mul3A_727 : vector<16xf32>
      %swap3A_729 = arith.index_cast %add3A_701 : i32 to index
      %swap3A_730 = arith.constant 48 : index
      %swap3A_731 = tpu.vector_load %arg7[%swap3A_729, %swap3A_730] {strides = array<i32>} : memref<32x64xf32, #tpu.memory_space<vmem>>, vector<1x16xf32>,
      %swap3A_732 = vector.shape_cast %swap3A_731 : vector<1x16xf32> to vector<16xf32>
      %swap3A_733 = vector.shape_cast %mul3A_728 : vector<16xf32> to vector<1x16xf32>
      tpu.vector_store %arg7[%swap3A_729, %swap3A_730], %swap3A_733 {strides = array<i32>} : memref<32x64xf32, #tpu.memory_space<vmem>>, vector<1x16xf32>,
      %scan3A_734 = arith.constant 0 : i32
      scf.yield %scan3A_734 : i32
    }
    %scan3A_125 = arith.constant 8 : i32
    %dma_wait3A = arith.constant 63 : i32
    %dma_wait3A_126 = arith.constant 0 : i32
    %dma_wait3A_127 = arith.constant 0 : i32
    %dma_wait3A_128 = arith.constant 0 : i32
    %dma_wait3A_129 = arith.constant 0 : i32
    %dma_wait3A_130 = tpu.memref_slice %arg6[%dma_wait3A_126, %dma_wait3A_128, %dma_wait3A_129] : memref<8x100x64xf32, #tpu.memory_space<vmem>> -> memref<1x100x64xf32, #tpu.memory_space<vmem>>
    %dma_wait3A_131 = tpu.memref_squeeze %dma_wait3A_130 : memref<1x100x64xf32, #tpu.memory_space<vmem>> -> memref<100x64xf32, #tpu.memory_space<vmem>>
    %dma_wait3A_132 = arith.constant 0 : i32
    %dma_wait3A_133 = tpu.memref_slice %arg5[%dma_wait3A, %dma_wait3A_132] : memref<64x100xi32, #tpu.memory_space<vmem>> -> memref<1x100xi32, #tpu.memory_space<vmem>>
    %dma_wait3A_134 = tpu.memref_squeeze %dma_wait3A_133 : memref<1x100xi32, #tpu.memory_space<vmem>> -> memref<100xi32, #tpu.memory_space<vmem>>
    %dma_wait3A_135 = arith.constant 0 : i32
    %dma_wait3A_136 = arith.constant 0 : i32
    %dma_wait3A_137 = tpu.memref_slice %arg3[%dma_wait3A_135, %dma_wait3A_136] : memref<100000x64xf32, #tpu.memory_space<hbm>> -> memref<100000x64xf32, #tpu.memory_space<hbm>>
    %dma_wait3A_138 = tpu.memref_slice %arg8[%dma_wait3A_127] : memref<8x!tpu.dma_semaphore, #tpu.memory_space<semaphore_mem>> -> memref<1x!tpu.dma_semaphore, #tpu.memory_space<semaphore_mem>>
    %dma_wait3A_139 = tpu.memref_squeeze %dma_wait3A_138 : memref<1x!tpu.dma_semaphore, #tpu.memory_space<semaphore_mem>> -> memref<!tpu.dma_semaphore, #tpu.memory_space<semaphore_mem>>
    tpu.wait_indirect_dma semaphore(%dma_wait3A_139 : memref<!tpu.dma_semaphore, #tpu.memory_space<semaphore_mem>>) src(%dma_wait3A_137 : memref<100000x64xf32, #tpu.memory_space<hbm>>) dst(%dma_wait3A_131 : memref<100x64xf32, #tpu.memory_space<vmem>>)
    %dma_wait3A_140 = arith.constant 63 : i32
    %dma_wait3A_141 = arith.constant 1 : i32
    %dma_wait3A_142 = arith.constant 1 : i32
    %dma_wait3A_143 = arith.constant 0 : i32
    %dma_wait3A_144 = arith.constant 0 : i32
    %dma_wait3A_145 = tpu.memref_slice %arg6[%dma_wait3A_141, %dma_wait3A_143, %dma_wait3A_144] : memref<8x100x64xf32, #tpu.memory_space<vmem>> -> memref<1x100x64xf32, #tpu.memory_space<vmem>>
    %dma_wait3A_146 = tpu.memref_squeeze %dma_wait3A_145 : memref<1x100x64xf32, #tpu.memory_space<vmem>> -> memref<100x64xf32, #tpu.memory_space<vmem>>
    %dma_wait3A_147 = arith.constant 0 : i32
    %dma_wait3A_148 = tpu.memref_slice %arg5[%dma_wait3A_140, %dma_wait3A_147] : memref<64x100xi32, #tpu.memory_space<vmem>> -> memref<1x100xi32, #tpu.memory_space<vmem>>
    %dma_wait3A_149 = tpu.memref_squeeze %dma_wait3A_148 : memref<1x100xi32, #tpu.memory_space<vmem>> -> memref<100xi32, #tpu.memory_space<vmem>>
    %dma_wait3A_150 = arith.constant 0 : i32
    %dma_wait3A_151 = arith.constant 0 : i32
    %dma_wait3A_152 = tpu.memref_slice %arg3[%dma_wait3A_150, %dma_wait3A_151] : memref<100000x64xf32, #tpu.memory_space<hbm>> -> memref<100000x64xf32, #tpu.memory_space<hbm>>
    %dma_wait3A_153 = tpu.memref_slice %arg8[%dma_wait3A_142] : memref<8x!tpu.dma_semaphore, #tpu.memory_space<semaphore_mem>> -> memref<1x!tpu.dma_semaphore, #tpu.memory_space<semaphore_mem>>
    %dma_wait3A_154 = tpu.memref_squeeze %dma_wait3A_153 : memref<1x!tpu.dma_semaphore, #tpu.memory_space<semaphore_mem>> -> memref<!tpu.dma_semaphore, #tpu.memory_space<semaphore_mem>>
    tpu.wait_indirect_dma semaphore(%dma_wait3A_154 : memref<!tpu.dma_semaphore, #tpu.memory_space<semaphore_mem>>) src(%dma_wait3A_152 : memref<100000x64xf32, #tpu.memory_space<hbm>>) dst(%dma_wait3A_146 : memref<100x64xf32, #tpu.memory_space<vmem>>)
    %dma_wait3A_155 = arith.constant 63 : i32
    %dma_wait3A_156 = arith.constant 2 : i32
    %dma_wait3A_157 = arith.constant 2 : i32
    %dma_wait3A_158 = arith.constant 0 : i32
    %dma_wait3A_159 = arith.constant 0 : i32
    %dma_wait3A_160 = tpu.memref_slice %arg6[%dma_wait3A_156, %dma_wait3A_158, %dma_wait3A_159] : memref<8x100x64xf32, #tpu.memory_space<vmem>> -> memref<1x100x64xf32, #tpu.memory_space<vmem>>
    %dma_wait3A_161 = tpu.memref_squeeze %dma_wait3A_160 : memref<1x100x64xf32, #tpu.memory_space<vmem>> -> memref<100x64xf32, #tpu.memory_space<vmem>>
    %dma_wait3A_162 = arith.constant 0 : i32
    %dma_wait3A_163 = tpu.memref_slice %arg5[%dma_wait3A_155, %dma_wait3A_162] : memref<64x100xi32, #tpu.memory_space<vmem>> -> memref<1x100xi32, #tpu.memory_space<vmem>>
    %dma_wait3A_164 = tpu.memref_squeeze %dma_wait3A_163 : memref<1x100xi32, #tpu.memory_space<vmem>> -> memref<100xi32, #tpu.memory_space<vmem>>
    %dma_wait3A_165 = arith.constant 0 : i32
    %dma_wait3A_166 = arith.constant 0 : i32
    %dma_wait3A_167 = tpu.memref_slice %arg3[%dma_wait3A_165, %dma_wait3A_166] : memref<100000x64xf32, #tpu.memory_space<hbm>> -> memref<100000x64xf32, #tpu.memory_space<hbm>>
    %dma_wait3A_168 = tpu.memref_slice %arg8[%dma_wait3A_157] : memref<8x!tpu.dma_semaphore, #tpu.memory_space<semaphore_mem>> -> memref<1x!tpu.dma_semaphore, #tpu.memory_space<semaphore_mem>>
    %dma_wait3A_169 = tpu.memref_squeeze %dma_wait3A_168 : memref<1x!tpu.dma_semaphore, #tpu.memory_space<semaphore_mem>> -> memref<!tpu.dma_semaphore, #tpu.memory_space<semaphore_mem>>
    tpu.wait_indirect_dma semaphore(%dma_wait3A_169 : memref<!tpu.dma_semaphore, #tpu.memory_space<semaphore_mem>>) src(%dma_wait3A_167 : memref<100000x64xf32, #tpu.memory_space<hbm>>) dst(%dma_wait3A_161 : memref<100x64xf32, #tpu.memory_space<vmem>>)
    %dma_wait3A_170 = arith.constant 63 : i32
    %dma_wait3A_171 = arith.constant 3 : i32
    %dma_wait3A_172 = arith.constant 3 : i32
    %dma_wait3A_173 = arith.constant 0 : i32
    %dma_wait3A_174 = arith.constant 0 : i32
    %dma_wait3A_175 = tpu.memref_slice %arg6[%dma_wait3A_171, %dma_wait3A_173, %dma_wait3A_174] : memref<8x100x64xf32, #tpu.memory_space<vmem>> -> memref<1x100x64xf32, #tpu.memory_space<vmem>>
    %dma_wait3A_176 = tpu.memref_squeeze %dma_wait3A_175 : memref<1x100x64xf32, #tpu.memory_space<vmem>> -> memref<100x64xf32, #tpu.memory_space<vmem>>
    %dma_wait3A_177 = arith.constant 0 : i32
    %dma_wait3A_178 = tpu.memref_slice %arg5[%dma_wait3A_170, %dma_wait3A_177] : memref<64x100xi32, #tpu.memory_space<vmem>> -> memref<1x100xi32, #tpu.memory_space<vmem>>
    %dma_wait3A_179 = tpu.memref_squeeze %dma_wait3A_178 : memref<1x100xi32, #tpu.memory_space<vmem>> -> memref<100xi32, #tpu.memory_space<vmem>>
    %dma_wait3A_180 = arith.constant 0 : i32
    %dma_wait3A_181 = arith.constant 0 : i32
    %dma_wait3A_182 = tpu.memref_slice %arg3[%dma_wait3A_180, %dma_wait3A_181] : memref<100000x64xf32, #tpu.memory_space<hbm>> -> memref<100000x64xf32, #tpu.memory_space<hbm>>
    %dma_wait3A_183 = tpu.memref_slice %arg8[%dma_wait3A_172] : memref<8x!tpu.dma_semaphore, #tpu.memory_space<semaphore_mem>> -> memref<1x!tpu.dma_semaphore, #tpu.memory_space<semaphore_mem>>
    %dma_wait3A_184 = tpu.memref_squeeze %dma_wait3A_183 : memref<1x!tpu.dma_semaphore, #tpu.memory_space<semaphore_mem>> -> memref<!tpu.dma_semaphore, #tpu.memory_space<semaphore_mem>>
    tpu.wait_indirect_dma semaphore(%dma_wait3A_184 : memref<!tpu.dma_semaphore, #tpu.memory_space<semaphore_mem>>) src(%dma_wait3A_182 : memref<100000x64xf32, #tpu.memory_space<hbm>>) dst(%dma_wait3A_176 : memref<100x64xf32, #tpu.memory_space<vmem>>)
    %dma_wait3A_185 = arith.constant 63 : i32
    %dma_wait3A_186 = arith.constant 4 : i32
    %dma_wait3A_187 = arith.constant 4 : i32
    %dma_wait3A_188 = arith.constant 0 : i32
    %dma_wait3A_189 = arith.constant 0 : i32
    %dma_wait3A_190 = tpu.memref_slice %arg6[%dma_wait3A_186, %dma_wait3A_188, %dma_wait3A_189] : memref<8x100x64xf32, #tpu.memory_space<vmem>> -> memref<1x100x64xf32, #tpu.memory_space<vmem>>
    %dma_wait3A_191 = tpu.memref_squeeze %dma_wait3A_190 : memref<1x100x64xf32, #tpu.memory_space<vmem>> -> memref<100x64xf32, #tpu.memory_space<vmem>>
    %dma_wait3A_192 = arith.constant 0 : i32
    %dma_wait3A_193 = tpu.memref_slice %arg5[%dma_wait3A_185, %dma_wait3A_192] : memref<64x100xi32, #tpu.memory_space<vmem>> -> memref<1x100xi32, #tpu.memory_space<vmem>>
    %dma_wait3A_194 = tpu.memref_squeeze %dma_wait3A_193 : memref<1x100xi32, #tpu.memory_space<vmem>> -> memref<100xi32, #tpu.memory_space<vmem>>
    %dma_wait3A_195 = arith.constant 0 : i32
    %dma_wait3A_196 = arith.constant 0 : i32
    %dma_wait3A_197 = tpu.memref_slice %arg3[%dma_wait3A_195, %dma_wait3A_196] : memref<100000x64xf32, #tpu.memory_space<hbm>> -> memref<100000x64xf32, #tpu.memory_space<hbm>>
    %dma_wait3A_198 = tpu.memref_slice %arg8[%dma_wait3A_187] : memref<8x!tpu.dma_semaphore, #tpu.memory_space<semaphore_mem>> -> memref<1x!tpu.dma_semaphore, #tpu.memory_space<semaphore_mem>>
    %dma_wait3A_199 = tpu.memref_squeeze %dma_wait3A_198 : memref<1x!tpu.dma_semaphore, #tpu.memory_space<semaphore_mem>> -> memref<!tpu.dma_semaphore, #tpu.memory_space<semaphore_mem>>
    tpu.wait_indirect_dma semaphore(%dma_wait3A_199 : memref<!tpu.dma_semaphore, #tpu.memory_space<semaphore_mem>>) src(%dma_wait3A_197 : memref<100000x64xf32, #tpu.memory_space<hbm>>) dst(%dma_wait3A_191 : memref<100x64xf32, #tpu.memory_space<vmem>>)
    %dma_wait3A_200 = arith.constant 63 : i32
    %dma_wait3A_201 = arith.constant 5 : i32
    %dma_wait3A_202 = arith.constant 5 : i32
    %dma_wait3A_203 = arith.constant 0 : i32
    %dma_wait3A_204 = arith.constant 0 : i32
    %dma_wait3A_205 = tpu.memref_slice %arg6[%dma_wait3A_201, %dma_wait3A_203, %dma_wait3A_204] : memref<8x100x64xf32, #tpu.memory_space<vmem>> -> memref<1x100x64xf32, #tpu.memory_space<vmem>>
    %dma_wait3A_206 = tpu.memref_squeeze %dma_wait3A_205 : memref<1x100x64xf32, #tpu.memory_space<vmem>> -> memref<100x64xf32, #tpu.memory_space<vmem>>
    %dma_wait3A_207 = arith.constant 0 : i32
    %dma_wait3A_208 = tpu.memref_slice %arg5[%dma_wait3A_200, %dma_wait3A_207] : memref<64x100xi32, #tpu.memory_space<vmem>> -> memref<1x100xi32, #tpu.memory_space<vmem>>
    %dma_wait3A_209 = tpu.memref_squeeze %dma_wait3A_208 : memref<1x100xi32, #tpu.memory_space<vmem>> -> memref<100xi32, #tpu.memory_space<vmem>>
    %dma_wait3A_210 = arith.constant 0 : i32
    %dma_wait3A_211 = arith.constant 0 : i32
    %dma_wait3A_212 = tpu.memref_slice %arg3[%dma_wait3A_210, %dma_wait3A_211] : memref<100000x64xf32, #tpu.memory_space<hbm>> -> memref<100000x64xf32, #tpu.memory_space<hbm>>
    %dma_wait3A_213 = tpu.memref_slice %arg8[%dma_wait3A_202] : memref<8x!tpu.dma_semaphore, #tpu.memory_space<semaphore_mem>> -> memref<1x!tpu.dma_semaphore, #tpu.memory_space<semaphore_mem>>
    %dma_wait3A_214 = tpu.memref_squeeze %dma_wait3A_213 : memref<1x!tpu.dma_semaphore, #tpu.memory_space<semaphore_mem>> -> memref<!tpu.dma_semaphore, #tpu.memory_space<semaphore_mem>>
    tpu.wait_indirect_dma semaphore(%dma_wait3A_214 : memref<!tpu.dma_semaphore, #tpu.memory_space<semaphore_mem>>) src(%dma_wait3A_212 : memref<100000x64xf32, #tpu.memory_space<hbm>>) dst(%dma_wait3A_206 : memref<100x64xf32, #tpu.memory_space<vmem>>)
    %dma_wait3A_215 = arith.constant 63 : i32
    %dma_wait3A_216 = arith.constant 6 : i32
    %dma_wait3A_217 = arith.constant 6 : i32
    %dma_wait3A_218 = arith.constant 0 : i32
    %dma_wait3A_219 = arith.constant 0 : i32
    %dma_wait3A_220 = tpu.memref_slice %arg6[%dma_wait3A_216, %dma_wait3A_218, %dma_wait3A_219] : memref<8x100x64xf32, #tpu.memory_space<vmem>> -> memref<1x100x64xf32, #tpu.memory_space<vmem>>
    %dma_wait3A_221 = tpu.memref_squeeze %dma_wait3A_220 : memref<1x100x64xf32, #tpu.memory_space<vmem>> -> memref<100x64xf32, #tpu.memory_space<vmem>>
    %dma_wait3A_222 = arith.constant 0 : i32
    %dma_wait3A_223 = tpu.memref_slice %arg5[%dma_wait3A_215, %dma_wait3A_222] : memref<64x100xi32, #tpu.memory_space<vmem>> -> memref<1x100xi32, #tpu.memory_space<vmem>>
    %dma_wait3A_224 = tpu.memref_squeeze %dma_wait3A_223 : memref<1x100xi32, #tpu.memory_space<vmem>> -> memref<100xi32, #tpu.memory_space<vmem>>
    %dma_wait3A_225 = arith.constant 0 : i32
    %dma_wait3A_226 = arith.constant 0 : i32
    %dma_wait3A_227 = tpu.memref_slice %arg3[%dma_wait3A_225, %dma_wait3A_226] : memref<100000x64xf32, #tpu.memory_space<hbm>> -> memref<100000x64xf32, #tpu.memory_space<hbm>>
    %dma_wait3A_228 = tpu.memref_slice %arg8[%dma_wait3A_217] : memref<8x!tpu.dma_semaphore, #tpu.memory_space<semaphore_mem>> -> memref<1x!tpu.dma_semaphore, #tpu.memory_space<semaphore_mem>>
    %dma_wait3A_229 = tpu.memref_squeeze %dma_wait3A_228 : memref<1x!tpu.dma_semaphore, #tpu.memory_space<semaphore_mem>> -> memref<!tpu.dma_semaphore, #tpu.memory_space<semaphore_mem>>
    tpu.wait_indirect_dma semaphore(%dma_wait3A_229 : memref<!tpu.dma_semaphore, #tpu.memory_space<semaphore_mem>>) src(%dma_wait3A_227 : memref<100000x64xf32, #tpu.memory_space<hbm>>) dst(%dma_wait3A_221 : memref<100x64xf32, #tpu.memory_space<vmem>>)
    %dma_wait3A_230 = arith.constant 63 : i32
    %dma_wait3A_231 = arith.constant 7 : i32
    %dma_wait3A_232 = arith.constant 7 : i32
    %dma_wait3A_233 = arith.constant 0 : i32
    %dma_wait3A_234 = arith.constant 0 : i32
    %dma_wait3A_235 = tpu.memref_slice %arg6[%dma_wait3A_231, %dma_wait3A_233, %dma_wait3A_234] : memref<8x100x64xf32, #tpu.memory_space<vmem>> -> memref<1x100x64xf32, #tpu.memory_space<vmem>>
    %dma_wait3A_236 = tpu.memref_squeeze %dma_wait3A_235 : memref<1x100x64xf32, #tpu.memory_space<vmem>> -> memref<100x64xf32, #tpu.memory_space<vmem>>
    %dma_wait3A_237 = arith.constant 0 : i32
    %dma_wait3A_238 = tpu.memref_slice %arg5[%dma_wait3A_230, %dma_wait3A_237] : memref<64x100xi32, #tpu.memory_space<vmem>> -> memref<1x100xi32, #tpu.memory_space<vmem>>
    %dma_wait3A_239 = tpu.memref_squeeze %dma_wait3A_238 : memref<1x100xi32, #tpu.memory_space<vmem>> -> memref<100xi32, #tpu.memory_space<vmem>>
    %dma_wait3A_240 = arith.constant 0 : i32
    %dma_wait3A_241 = arith.constant 0 : i32
    %dma_wait3A_242 = tpu.memref_slice %arg3[%dma_wait3A_240, %dma_wait3A_241] : memref<100000x64xf32, #tpu.memory_space<hbm>> -> memref<100000x64xf32, #tpu.memory_space<hbm>>
    %dma_wait3A_243 = tpu.memref_slice %arg8[%dma_wait3A_232] : memref<8x!tpu.dma_semaphore, #tpu.memory_space<semaphore_mem>> -> memref<1x!tpu.dma_semaphore, #tpu.memory_space<semaphore_mem>>
    %dma_wait3A_244 = tpu.memref_squeeze %dma_wait3A_243 : memref<1x!tpu.dma_semaphore, #tpu.memory_space<semaphore_mem>> -> memref<!tpu.dma_semaphore, #tpu.memory_space<semaphore_mem>>
    tpu.wait_indirect_dma semaphore(%dma_wait3A_244 : memref<!tpu.dma_semaphore, #tpu.memory_space<semaphore_mem>>) src(%dma_wait3A_242 : memref<100000x64xf32, #tpu.memory_space<hbm>>) dst(%dma_wait3A_236 : memref<100x64xf32, #tpu.memory_space<vmem>>)
    %mul3A_245 = arith.constant 32 : i32
    %mul3A_246 = arith.muli %add3A, %mul3A_245 : i32
    "tpu.region"() ({
      %run_scoped3A = tpu.sem_alloc : memref<!tpu.dma_semaphore, #tpu.memory_space<semaphore_mem>>
      %dma_start3A_247 = arith.constant 0 : i32
      %dma_start3A_248 = tpu.memref_slice %arg4[%mul3A_246, %dma_start3A_247] : memref<1024x64xf32, #tpu.memory_space<hbm>> -> memref<32x64xf32, #tpu.memory_space<hbm>>
      %dma_start3A_249 = arith.constant 0 : i32
      %dma_start3A_250 = tpu.memref_slice %arg4[%mul3A_246, %dma_start3A_249] : memref<1024x64xf32, #tpu.memory_space<hbm>> -> memref<32x64xf32, #tpu.memory_space<hbm>>
      tpu.enqueue_dma source(%arg7 : memref<32x64xf32, #tpu.memory_space<vmem>>) target(%dma_start3A_250 : memref<32x64xf32, #tpu.memory_space<hbm>>) target_semaphore(%run_scoped3A : memref<!tpu.dma_semaphore, #tpu.memory_space<semaphore_mem>>)
      %dma_wait3A_251 = arith.constant 0 : i32
      %dma_wait3A_252 = tpu.memref_slice %arg4[%mul3A_246, %dma_wait3A_251] : memref<1024x64xf32, #tpu.memory_space<hbm>> -> memref<32x64xf32, #tpu.memory_space<hbm>>
      %dma_wait3A_253 = arith.constant 0 : i32
      %dma_wait3A_254 = tpu.memref_slice %arg4[%mul3A_246, %dma_wait3A_253] : memref<1024x64xf32, #tpu.memory_space<hbm>> -> memref<32x64xf32, #tpu.memory_space<hbm>>
      tpu.wait_dma2 semaphore(%run_scoped3A : memref<!tpu.dma_semaphore, #tpu.memory_space<semaphore_mem>>) src(%arg7 : memref<32x64xf32, #tpu.memory_space<vmem>>) dst(%dma_wait3A_254 : memref<32x64xf32, #tpu.memory_space<hbm>>)
      tpu.yield
    }) : () -> ()
    return
  }
}

module attributes {stable_mosaic.version = 14 : i64} {
  func.func @_softmax_body(%arg0: i32, %arg1: memref<32x64xbf16, #tpu.memory_space<vmem>>, %arg2: memref<64x100000xbf16, #tpu.memory_space<vmem>>, %arg3: memref<1x100000xf32, #tpu.memory_space<vmem>>, %arg4: memref<1024x100000xf32, #tpu.memory_space<hbm>>, %arg5: memref<32x100000xf32, #tpu.memory_space<vmem>>, %arg6: memref<32x100000xf32, #tpu.memory_space<vmem>>, %arg7: memref<2x!tpu.dma_semaphore, #tpu.memory_space<semaphore_mem>>) attributes {dimension_semantics = [#tpu.dimension_semantics<arbitrary>], iteration_bounds = array<i64: 32>, scalar_prefetch = 0 : i64, scratch_operands = 3 : i64, tpu.core_type = #tpu.core_type<tc>, window_params = [{transform_indices = @transform_0, window_bounds = array<i64: 32, 64>}, {pipeline_mode = #tpu.pipeline_mode<synchronous>, transform_indices = @transform_1, window_bounds = array<i64: 64, 100000>}, {pipeline_mode = #tpu.pipeline_mode<synchronous>, transform_indices = @transform_2, window_bounds = array<i64: 1, 100000>}, {}]} {
    %jit3A = arith.constant 2 : i32
    %eq3A = arith.constant 0 : i32
    %eq3A_0 = arith.cmpi eq, %jit3A, %eq3A : i32
    %jit3A_1 = arith.constant 1 : i32
    %select_n3A = arith.select %eq3A_0, %jit3A_1, %jit3A : i32
    %rem3A = arith.remsi %arg0, %select_n3A : i32
    %ne3A = arith.constant 0 : i32
    %ne3A_2 = arith.cmpi ne, %rem3A, %ne3A : i32
    %lt3A = arith.constant 0 : i32
    %lt3A_3 = arith.cmpi slt, %rem3A, %lt3A : i32
    %lt3A_4 = arith.constant 0 : i32
    %lt3A_5 = arith.cmpi slt, %select_n3A, %lt3A_4 : i32
    %ne3A_6 = arith.xori %lt3A_3, %lt3A_5 : i1
    %and3A = arith.andi %ne3A_6, %ne3A_2 : i1
    %add3A = arith.addi %rem3A, %select_n3A : i32
    %select_n3A_7 = arith.select %and3A, %add3A, %rem3A : i32
    %eq3A_8 = arith.constant 0 : i32
    %eq3A_9 = arith.cmpi eq, %select_n3A_7, %eq3A_8 : i32
    %convert_element_type3A = arith.extui %eq3A_9 : i1 to i32
    %cond3A = arith.constant 0 : i32
    %cond3A_10 = arith.cmpi ne, %convert_element_type3A, %cond3A : i32
    scf.if %cond3A_10 {
      %ge3A = arith.constant 2 : i32
      %ge3A_37 = arith.cmpi sge, %arg0, %ge3A : i32
      %convert_element_type3A_38 = arith.extui %ge3A_37 : i1 to i32
      %cond3A_39 = arith.constant 0 : i32
      %cond3A_40 = arith.cmpi ne, %convert_element_type3A_38, %cond3A_39 : i32
      scf.if %cond3A_40 {
        %sub3A = arith.constant 2 : i32
        %sub3A_64 = arith.subi %arg0, %sub3A : i32
        %mul3A_65 = arith.constant 32 : i32
        %mul3A_66 = arith.muli %sub3A_64, %mul3A_65 : i32
        %dma_wait3A = arith.constant 0 : i32
        %dma_wait3A_67 = tpu.memref_slice %arg7[%dma_wait3A] : memref<2x!tpu.dma_semaphore, #tpu.memory_space<semaphore_mem>> -> memref<1x!tpu.dma_semaphore, #tpu.memory_space<semaphore_mem>>
        %dma_wait3A_68 = tpu.memref_squeeze %dma_wait3A_67 : memref<1x!tpu.dma_semaphore, #tpu.memory_space<semaphore_mem>> -> memref<!tpu.dma_semaphore, #tpu.memory_space<semaphore_mem>>
        %dma_wait3A_69 = arith.constant 0 : i32
        %dma_wait3A_70 = tpu.memref_slice %arg4[%mul3A_66, %dma_wait3A_69] : memref<1024x100000xf32, #tpu.memory_space<hbm>> -> memref<32x100000xf32, #tpu.memory_space<hbm>>
        tpu.wait_dma2 semaphore(%dma_wait3A_68 : memref<!tpu.dma_semaphore, #tpu.memory_space<semaphore_mem>>) src(%arg5 : memref<32x100000xf32, #tpu.memory_space<vmem>>) dst(%dma_wait3A_70 : memref<32x100000xf32, #tpu.memory_space<hbm>>)
      } else {
      }
      %get3A = arith.constant 0 : index
      %get3A_41 = arith.constant 0 : index
      %get3A_42 = vector.load %arg1[%get3A, %get3A_41] : memref<32x64xbf16, #tpu.memory_space<vmem>>, vector<32x64xbf16>
      %get3A_43 = arith.constant 0 : index
      %get3A_44 = arith.constant 0 : index
      %get3A_45 = vector.load %arg2[%get3A_43, %get3A_44] : memref<64x100000xbf16, #tpu.memory_space<vmem>>, vector<64x100000xbf16>
      %dot_general3A = arith.constant dense<0.000000e+00> : vector<32x100000xf32>
      %dot_general3A_46 = tpu.matmul %get3A_42, %get3A_45, %dot_general3A {dimension_numbers = #tpu.dot_dimension_numbers<[1], [0], [0], [1], [0, 0, 1, 1], [], []>, transpose_lhs_hint = false} : vector<32x64xbf16>, vector<64x100000xbf16>, vector<32x100000xf32> -> vector<32x100000xf32>
      %get3A_47 = arith.constant 0 : index
      %get3A_48 = arith.constant 0 : index
      %get3A_49 = vector.load %arg3[%get3A_47, %get3A_48] : memref<1x100000xf32, #tpu.memory_space<vmem>>, vector<1x100000xf32>
      %add3A_50 = vector.broadcast %get3A_49 : vector<1x100000xf32> to vector<32x100000xf32>
      %add3A_51 = arith.addf %dot_general3A_46, %add3A_50 : vector<32x100000xf32>
      %exp3A = math.exp %add3A_51 : vector<32x100000xf32>
      %reduce_sum3A = arith.constant dense<0.000000e+00> : vector<32xf32>
      %reduce_sum3A_52 = vector.multi_reduction <add>, %exp3A, %reduce_sum3A [1] : vector<32x100000xf32> to vector<32xf32>
      %broadcast_in_dim3A = vector.shape_cast %reduce_sum3A_52 : vector<32xf32> to vector<32x1xf32>
      %div3A = arith.constant 1.000000e+00 : f32
      %div3A_53 = vector.broadcast %div3A : f32 to vector<32x1xf32>
      %div3A_54 = arith.divf %div3A_53, %broadcast_in_dim3A : vector<32x1xf32>
      %mul3A = vector.broadcast %div3A_54 : vector<32x1xf32> to vector<32x100000xf32>
      %mul3A_55 = arith.mulf %exp3A, %mul3A : vector<32x100000xf32>
      %swap3A = arith.constant 0 : index
      %swap3A_56 = arith.constant 0 : index
      %swap3A_57 = vector.load %arg5[%swap3A, %swap3A_56] : memref<32x100000xf32, #tpu.memory_space<vmem>>, vector<32x100000xf32>
      tpu.vector_store %arg5[%swap3A, %swap3A_56], %mul3A_55 {strides = array<i32>} : memref<32x100000xf32, #tpu.memory_space<vmem>>, vector<32x100000xf32>,
      %mul3A_58 = arith.constant 32 : i32
      %mul3A_59 = arith.muli %arg0, %mul3A_58 : i32
      %dma_start3A = arith.constant 0 : i32
      %dma_start3A_60 = tpu.memref_slice %arg7[%dma_start3A] : memref<2x!tpu.dma_semaphore, #tpu.memory_space<semaphore_mem>> -> memref<1x!tpu.dma_semaphore, #tpu.memory_space<semaphore_mem>>
      %dma_start3A_61 = tpu.memref_squeeze %dma_start3A_60 : memref<1x!tpu.dma_semaphore, #tpu.memory_space<semaphore_mem>> -> memref<!tpu.dma_semaphore, #tpu.memory_space<semaphore_mem>>
      %dma_start3A_62 = arith.constant 0 : i32
      %dma_start3A_63 = tpu.memref_slice %arg4[%mul3A_59, %dma_start3A_62] : memref<1024x100000xf32, #tpu.memory_space<hbm>> -> memref<32x100000xf32, #tpu.memory_space<hbm>>
      tpu.enqueue_dma source(%arg5 : memref<32x100000xf32, #tpu.memory_space<vmem>>) target(%dma_start3A_63 : memref<32x100000xf32, #tpu.memory_space<hbm>>) target_semaphore(%dma_start3A_61 : memref<!tpu.dma_semaphore, #tpu.memory_space<semaphore_mem>>)
    } else {
    }
    %jit3A_11 = arith.constant 2 : i32
    %eq3A_12 = arith.constant 0 : i32
    %eq3A_13 = arith.cmpi eq, %jit3A_11, %eq3A_12 : i32
    %jit3A_14 = arith.constant 1 : i32
    %select_n3A_15 = arith.select %eq3A_13, %jit3A_14, %jit3A_11 : i32
    %rem3A_16 = arith.remsi %arg0, %select_n3A_15 : i32
    %ne3A_17 = arith.constant 0 : i32
    %ne3A_18 = arith.cmpi ne, %rem3A_16, %ne3A_17 : i32
    %lt3A_19 = arith.constant 0 : i32
    %lt3A_20 = arith.cmpi slt, %rem3A_16, %lt3A_19 : i32
    %lt3A_21 = arith.constant 0 : i32
    %lt3A_22 = arith.cmpi slt, %select_n3A_15, %lt3A_21 : i32
    %ne3A_23 = arith.xori %lt3A_20, %lt3A_22 : i1
    %and3A_24 = arith.andi %ne3A_23, %ne3A_18 : i1
    %add3A_25 = arith.addi %rem3A_16, %select_n3A_15 : i32
    %select_n3A_26 = arith.select %and3A_24, %add3A_25, %rem3A_16 : i32
    %eq3A_27 = arith.constant 1 : i32
    %eq3A_28 = arith.cmpi eq, %select_n3A_26, %eq3A_27 : i32
    %convert_element_type3A_29 = arith.extui %eq3A_28 : i1 to i32
    %cond3A_30 = arith.constant 0 : i32
    %cond3A_31 = arith.cmpi ne, %convert_element_type3A_29, %cond3A_30 : i32
    scf.if %cond3A_31 {
      %ge3A = arith.constant 2 : i32
      %ge3A_37 = arith.cmpi sge, %arg0, %ge3A : i32
      %convert_element_type3A_38 = arith.extui %ge3A_37 : i1 to i32
      %cond3A_39 = arith.constant 0 : i32
      %cond3A_40 = arith.cmpi ne, %convert_element_type3A_38, %cond3A_39 : i32
      scf.if %cond3A_40 {
        %sub3A = arith.constant 2 : i32
        %sub3A_64 = arith.subi %arg0, %sub3A : i32
        %mul3A_65 = arith.constant 32 : i32
        %mul3A_66 = arith.muli %sub3A_64, %mul3A_65 : i32
        %dma_wait3A = arith.constant 1 : i32
        %dma_wait3A_67 = tpu.memref_slice %arg7[%dma_wait3A] : memref<2x!tpu.dma_semaphore, #tpu.memory_space<semaphore_mem>> -> memref<1x!tpu.dma_semaphore, #tpu.memory_space<semaphore_mem>>
        %dma_wait3A_68 = tpu.memref_squeeze %dma_wait3A_67 : memref<1x!tpu.dma_semaphore, #tpu.memory_space<semaphore_mem>> -> memref<!tpu.dma_semaphore, #tpu.memory_space<semaphore_mem>>
        %dma_wait3A_69 = arith.constant 0 : i32
        %dma_wait3A_70 = tpu.memref_slice %arg4[%mul3A_66, %dma_wait3A_69] : memref<1024x100000xf32, #tpu.memory_space<hbm>> -> memref<32x100000xf32, #tpu.memory_space<hbm>>
        tpu.wait_dma2 semaphore(%dma_wait3A_68 : memref<!tpu.dma_semaphore, #tpu.memory_space<semaphore_mem>>) src(%arg6 : memref<32x100000xf32, #tpu.memory_space<vmem>>) dst(%dma_wait3A_70 : memref<32x100000xf32, #tpu.memory_space<hbm>>)
      } else {
      }
      %get3A = arith.constant 0 : index
      %get3A_41 = arith.constant 0 : index
      %get3A_42 = vector.load %arg1[%get3A, %get3A_41] : memref<32x64xbf16, #tpu.memory_space<vmem>>, vector<32x64xbf16>
      %get3A_43 = arith.constant 0 : index
      %get3A_44 = arith.constant 0 : index
      %get3A_45 = vector.load %arg2[%get3A_43, %get3A_44] : memref<64x100000xbf16, #tpu.memory_space<vmem>>, vector<64x100000xbf16>
      %dot_general3A = arith.constant dense<0.000000e+00> : vector<32x100000xf32>
      %dot_general3A_46 = tpu.matmul %get3A_42, %get3A_45, %dot_general3A {dimension_numbers = #tpu.dot_dimension_numbers<[1], [0], [0], [1], [0, 0, 1, 1], [], []>, transpose_lhs_hint = false} : vector<32x64xbf16>, vector<64x100000xbf16>, vector<32x100000xf32> -> vector<32x100000xf32>
      %get3A_47 = arith.constant 0 : index
      %get3A_48 = arith.constant 0 : index
      %get3A_49 = vector.load %arg3[%get3A_47, %get3A_48] : memref<1x100000xf32, #tpu.memory_space<vmem>>, vector<1x100000xf32>
      %add3A_50 = vector.broadcast %get3A_49 : vector<1x100000xf32> to vector<32x100000xf32>
      %add3A_51 = arith.addf %dot_general3A_46, %add3A_50 : vector<32x100000xf32>
      %exp3A = math.exp %add3A_51 : vector<32x100000xf32>
      %reduce_sum3A = arith.constant dense<0.000000e+00> : vector<32xf32>
      %reduce_sum3A_52 = vector.multi_reduction <add>, %exp3A, %reduce_sum3A [1] : vector<32x100000xf32> to vector<32xf32>
      %broadcast_in_dim3A = vector.shape_cast %reduce_sum3A_52 : vector<32xf32> to vector<32x1xf32>
      %div3A = arith.constant 1.000000e+00 : f32
      %div3A_53 = vector.broadcast %div3A : f32 to vector<32x1xf32>
      %div3A_54 = arith.divf %div3A_53, %broadcast_in_dim3A : vector<32x1xf32>
      %mul3A = vector.broadcast %div3A_54 : vector<32x1xf32> to vector<32x100000xf32>
      %mul3A_55 = arith.mulf %exp3A, %mul3A : vector<32x100000xf32>
      %swap3A = arith.constant 0 : index
      %swap3A_56 = arith.constant 0 : index
      %swap3A_57 = vector.load %arg6[%swap3A, %swap3A_56] : memref<32x100000xf32, #tpu.memory_space<vmem>>, vector<32x100000xf32>
      tpu.vector_store %arg6[%swap3A, %swap3A_56], %mul3A_55 {strides = array<i32>} : memref<32x100000xf32, #tpu.memory_space<vmem>>, vector<32x100000xf32>,
      %mul3A_58 = arith.constant 32 : i32
      %mul3A_59 = arith.muli %arg0, %mul3A_58 : i32
      %dma_start3A = arith.constant 1 : i32
      %dma_start3A_60 = tpu.memref_slice %arg7[%dma_start3A] : memref<2x!tpu.dma_semaphore, #tpu.memory_space<semaphore_mem>> -> memref<1x!tpu.dma_semaphore, #tpu.memory_space<semaphore_mem>>
      %dma_start3A_61 = tpu.memref_squeeze %dma_start3A_60 : memref<1x!tpu.dma_semaphore, #tpu.memory_space<semaphore_mem>> -> memref<!tpu.dma_semaphore, #tpu.memory_space<semaphore_mem>>
      %dma_start3A_62 = arith.constant 0 : i32
      %dma_start3A_63 = tpu.memref_slice %arg4[%mul3A_59, %dma_start3A_62] : memref<1024x100000xf32, #tpu.memory_space<hbm>> -> memref<32x100000xf32, #tpu.memory_space<hbm>>
      tpu.enqueue_dma source(%arg6 : memref<32x100000xf32, #tpu.memory_space<vmem>>) target(%dma_start3A_63 : memref<32x100000xf32, #tpu.memory_space<hbm>>) target_semaphore(%dma_start3A_61 : memref<!tpu.dma_semaphore, #tpu.memory_space<semaphore_mem>>)
    } else {
    }
    %eq3A_32 = arith.constant 31 : i32
    %eq3A_33 = arith.cmpi eq, %arg0, %eq3A_32 : i32
    %convert_element_type3A_34 = arith.extui %eq3A_33 : i1 to i32
    %cond3A_35 = arith.constant 0 : i32
    %cond3A_36 = arith.cmpi ne, %convert_element_type3A_34, %cond3A_35 : i32
    scf.if %cond3A_36 {
      %dma_wait3A = arith.constant 0 : i32
      %dma_wait3A_37 = tpu.memref_slice %arg7[%dma_wait3A] : memref<2x!tpu.dma_semaphore, #tpu.memory_space<semaphore_mem>> -> memref<1x!tpu.dma_semaphore, #tpu.memory_space<semaphore_mem>>
      %dma_wait3A_38 = tpu.memref_squeeze %dma_wait3A_37 : memref<1x!tpu.dma_semaphore, #tpu.memory_space<semaphore_mem>> -> memref<!tpu.dma_semaphore, #tpu.memory_space<semaphore_mem>>
      %dma_wait3A_39 = arith.constant 960 : i32
      %dma_wait3A_40 = arith.constant 0 : i32
      %dma_wait3A_41 = tpu.memref_slice %arg4[%dma_wait3A_39, %dma_wait3A_40] : memref<1024x100000xf32, #tpu.memory_space<hbm>> -> memref<32x100000xf32, #tpu.memory_space<hbm>>
      tpu.wait_dma2 semaphore(%dma_wait3A_38 : memref<!tpu.dma_semaphore, #tpu.memory_space<semaphore_mem>>) src(%arg5 : memref<32x100000xf32, #tpu.memory_space<vmem>>) dst(%dma_wait3A_41 : memref<32x100000xf32, #tpu.memory_space<hbm>>)
      %dma_wait3A_42 = arith.constant 1 : i32
      %dma_wait3A_43 = tpu.memref_slice %arg7[%dma_wait3A_42] : memref<2x!tpu.dma_semaphore, #tpu.memory_space<semaphore_mem>> -> memref<1x!tpu.dma_semaphore, #tpu.memory_space<semaphore_mem>>
      %dma_wait3A_44 = tpu.memref_squeeze %dma_wait3A_43 : memref<1x!tpu.dma_semaphore, #tpu.memory_space<semaphore_mem>> -> memref<!tpu.dma_semaphore, #tpu.memory_space<semaphore_mem>>
      %dma_wait3A_45 = arith.constant 992 : i32
      %dma_wait3A_46 = arith.constant 0 : i32
      %dma_wait3A_47 = tpu.memref_slice %arg4[%dma_wait3A_45, %dma_wait3A_46] : memref<1024x100000xf32, #tpu.memory_space<hbm>> -> memref<32x100000xf32, #tpu.memory_space<hbm>>
      tpu.wait_dma2 semaphore(%dma_wait3A_44 : memref<!tpu.dma_semaphore, #tpu.memory_space<semaphore_mem>>) src(%arg6 : memref<32x100000xf32, #tpu.memory_space<vmem>>) dst(%dma_wait3A_47 : memref<32x100000xf32, #tpu.memory_space<hbm>>)
    } else {
    }
    return
  }
  func.func @transform_0(%arg0: i32) -> (i32, i32) {
    %c0_i32 = arith.constant 0 : i32
    %c0_i32_0 = arith.constant 0 : i32
    return %arg0, %c0_i32 : i32, i32
  }
  func.func @transform_1(%arg0: i32) -> (i32, i32) {
    %c0_i32 = arith.constant 0 : i32
    %c0_i32_0 = arith.constant 0 : i32
    %c0_i32_1 = arith.constant 0 : i32
    return %c0_i32, %c0_i32_0 : i32, i32
  }
  func.func @transform_2(%arg0: i32) -> (i32, i32) {
    %c0_i32 = arith.constant 0 : i32
    %c0_i32_0 = arith.constant 0 : i32
    %c0_i32_1 = arith.constant 0 : i32
    return %c0_i32, %c0_i32_0 : i32, i32
  }
}

</mosaic_0001>

<sc_bundles>
// kernel: kernel.4.cloned.1.call-start
scs
__scs_entry_jumppad:
0x0: {  	(pc) =	sbr.rel $0x88, $3  }
0x1: {  	(tag) =	ssettag $0x0;
	lr =	simm.s32 $0x1  }
0x2: {  	[smem:$0x3F9D] =	sst lr;
	_ =	strace $0xD0000000  }
0x3: {  	_ = 	snop  }
0x4: {  	_ = 	snop  }
0x5: {  	_ = 	snop  }
0x6: {  	_ = 	snop  }
0x7: {  	_ = 	snop  }
__scs_overlays_trampoline_lowered:
0x8: {  	[smem:$0x3FAC] =	sst s0  }
0x9: {  	[smem:$0x3FAD] =	sst s1  }
0xa: {  	[smem:$0x3FAE] =	sst s2  }
0xb: {  	[smem:$0x3FAF] =	sst s3  }
0xc: {  	[smem:$0x3FB0] =	sst s4  }
0xd: {  	[smem:$0x3FB1] =	sst s5  }
0xe: {  	[smem:$0x3FB2] =	sst s6  }
0xf: {  	[smem:$0x3FB3] =	sst s7  }
0x10: {  	[smem:$0x3FB4] =	sst s8  }
0x11: {  	[smem:$0x3FB5] =	sst s9;
	s0 =	simm.s32 @!p0 $0x0  }
0x12: {  	s1 =	sld [smem:$0x3F9B];
	s0 =	simm.s32 @p0 $0x1  }
0x13: {  	[smem:$0x3FB6] =	sst s0;
	s0 =	simm.s32 @!p1 $0x0  }
0x14: {  	s2 =	sld [smem:$0x3F9A];
	s0 =	simm.s32 @p1 $0x1  }
0x15: {  	[smem:$0x3FB7] =	sst s0;
	s0 =	simm.s32 @!p2 $0x0  }
0x16: {  	s3 =	sld [smem:$0x3FDB];
	s0 =	simm.s32 @p2 $0x1  }
0x17: {  	s4 =	simm.s32 $0x1BF5;
	[smem:$0x3FB9] =	sst s0  }
0x18: {  	s0 =	sld [smem:$0x3F9C];
	_ =	swait.ge [sflag:s4], $0x0  }
0x19: {  	s7 =	sld [smem:$0x3F9D]  }
0x1a: {  	s8 =	sadd.s32 $0xFFFFE003, lr  }
0x1b: {  	s9 =	sadd.s32 $0xFFFFFEF7, lr;
	s5 =	simm.s32 $0xFFFFFFFF;
	p2 =	slt.u32 s8, $0xFFFFF086  }
0x1c: {  	p1 =	slt.u32 s9, $0xF7A;
	s5 =	simm.s32 @!p2 $0x0  }
0x1d: {  	s5 =	simm.s32 @p1 $0x1;
	p0 =	seq.s32 s7, s2  }
0x1e: {  	s7 =	smul.u32 @!p0 $0xF7A, s2;
	p2 =	seq.s32 @!p0 s5, $0x0  }
0x1f: {  	s9 =	smul.u32 $0xF7A, s1;
	s8 =	simm.s32 @!p0 $0x1BF5;
	p2 =	por !p2, p0  }
0x20: {  	[sflag:s8] =	ssyncset.s32 @!p0 $0xFFFFF086;
	s6 =	sadd.s32 @!p0 s3, s7;
	s7 =	simm.s32 @!p0 $0x108  }
0x21: {  	s3 =	sadd.s32 s3, s9;
	s6 =	sadd.s32 @!p0 $0x88, s6;
	s7 =	simm.s32 @p2 $0x1082  }
0x22: {  	[simem:s7], [sflag:s8] =	dma.local @!p0 [hbm:s6], $0xF7A  }
0x23: {  	s9 =	sor.u32 $0xD0000000, s2;
	s6 =	simm.s32 $0x108;
	_ =	swait.ge @!p0 [sflag:s8], $0x0  }
0x24: {  	s3 =	sadd.s32 $0x88, s3;
	s6 =	simm.s32 @!p1 $0x1082;
	[sflag:s4] =	ssyncset.s32 $0xFFFFF086  }
0x25: {  	[simem:s6], [sflag:s4] =	dma.local [hbm:s3], $0xF7A  }
0x26: {  	[smem:$0x3F9D] =	sst s1;
	(tag) =	ssettag s2;
	_ =	strace s9  }
0x27: {  	s1 =	sld [smem:$0x3FAD]  }
0x28: {  	s2 =	sld [smem:$0x3FAE]  }
0x29: {  	s4 =	sld [smem:$0x3FB0]  }
0x2a: {  	p0 =	seq.s32 s5, $0x0;
	s5 =	sld [smem:$0x3FB1]  }
0x2b: {  	s6 =	sld [smem:$0x3FB2]  }
0x2c: {  	s7 =	sld [smem:$0x3FB3]  }
0x2d: {  	s3 =	simm.s32 $0x108;
	s8 =	sld [smem:$0x3FB4]  }
0x2e: {  	s3 =	simm.s32 @!p0 $0x1082;
	s9 =	sld [smem:$0x3FB5]  }
0x2f: {  	lr =	sadd.s32 s0, s3;
	s0 =	sld [smem:$0x3FAC]  }
0x30: {  	s3 =	sld [smem:$0x3FAF]  }
0x31: {  	[smem:$0x3FB8] =	sst s10  }
0x32: {  	s10 =	sld [smem:$0x3FB6];
	_ =	sdelay $0x3  }
0x33: {  	p0 =	seq.s32 s10, $0x1;
	s10 =	sld [smem:$0x3FB8];
	_ =	sdelay $0x3  }
0x34: {  	[smem:$0x3FB8] =	sst s10  }
0x35: {  	s10 =	sld [smem:$0x3FB7];
	_ =	sdelay $0x3  }
0x36: {  	p1 =	seq.s32 s10, $0x1;
	s10 =	sld [smem:$0x3FB8];
	_ =	sdelay $0x3  }
0x37: {  	[smem:$0x3FB8] =	sst s10  }
0x38: {  	s10 =	sld [smem:$0x3FB9]  }
0x39: {  	_ = 	snop;
	(pc) =	sbr.ind lr, $3  }
0x3a: {  	_ = 	snop  }
0x3b: {  	_ = 	snop  }
0x3c: {  	p2 =	seq.s32 s10, $0x1;
	s10 =	sld [smem:$0x3FB8]  }
0x3d: {  	_ =	shalt  }
0x3e: {  	_ =	shalt  }
0x3f: {  	_ =	shalt  }
0x40: {  	_ =	shalt  }
0x41: {  	_ =	shalt  }
0x42: {  	_ =	shalt  }
0x43: {  	_ =	shalt  }
0x44: {  	_ =	shalt  }
0x45: {  	_ =	shalt  }
0x46: {  	_ =	shalt  }
0x47: {  	_ =	shalt  }
0x48: {  	_ =	shalt  }
0x49: {  	_ =	shalt  }
0x4a: {  	_ =	shalt  }
0x4b: {  	_ =	shalt  }
0x4c: {  	_ =	shalt  }
0x4d: {  	_ =	shalt  }
0x4e: {  	_ =	shalt  }
0x4f: {  	_ =	shalt  }
0x50: {  	_ =	shalt  }
0x51: {  	_ =	shalt  }
0x52: {  	_ =	shalt  }
0x53: {  	_ =	shalt  }
0x54: {  	_ =	shalt  }
0x55: {  	_ =	shalt  }
0x56: {  	_ =	shalt  }
0x57: {  	_ =	shalt  }
0x58: {  	_ =	shalt  }
0x59: {  	_ =	shalt  }
0x5a: {  	_ =	shalt  }
0x5b: {  	_ =	shalt  }
0x5c: {  	_ =	shalt  }
0x5d: {  	_ =	shalt  }
0x5e: {  	_ =	shalt  }
0x5f: {  	_ =	shalt  }
0x60: {  	_ =	shalt  }
0x61: {  	_ =	shalt  }
0x62: {  	_ =	shalt  }
0x63: {  	_ =	shalt  }
0x64: {  	_ =	shalt  }
0x65: {  	_ =	shalt  }
0x66: {  	_ =	shalt  }
0x67: {  	_ =	shalt  }
0x68: {  	_ =	shalt  }
0x69: {  	_ =	shalt  }
0x6a: {  	_ =	shalt  }
0x6b: {  	_ =	shalt  }
0x6c: {  	_ =	shalt  }
0x6d: {  	_ =	shalt  }
0x6e: {  	_ =	shalt  }
0x6f: {  	_ =	shalt  }
0x70: {  	_ =	shalt  }
0x71: {  	_ =	shalt  }
0x72: {  	_ =	shalt  }
0x73: {  	_ =	shalt  }
0x74: {  	_ =	shalt  }
0x75: {  	_ =	shalt  }
0x76: {  	_ =	shalt  }
0x77: {  	_ =	shalt  }
0x78: {  	_ =	shalt  }
0x79: {  	_ =	shalt  }
0x7a: {  	_ =	shalt  }
0x7b: {  	_ =	shalt  }
0x7c: {  	_ =	shalt  }
0x7d: {  	_ =	shalt  }
0x7e: {  	_ =	shalt  }
0x7f: {  	_ =	shalt  }
0x80: {  	_ =	shalt  }
0x81: {  	_ =	shalt  }
0x82: {  	_ =	shalt  }
0x83: {  	_ =	shalt  }
0x84: {  	_ =	shalt  }
0x85: {  	_ =	shalt  }
0x86: {  	_ =	shalt  }
0x87: {  	_ =	shalt  }
.Lfunc_end0:
.L_simem_size_0:
called_computation_lowered:
.L_overlay_start_0:
0x88: {  	s2 =	sld [smem:$0x3FD9]  }
0x89: {  	s3 =	sld [smem:$0x3FFE];
	_ =	sdelay $0x1  }
0x8a: {  	s1 =	srdreg.scid  }
0x8b: {  	s0 =	sand.u32 $0x1, s1  }
0x8c: {  	s16 =	sshll.u32 s0, $0xA;
	s2 =	sadd.s32 s3, s2  }
0x8d: {  	s2 =	sadd.s32 s2, s16  }
0x8e: {  	[smem:$0x3FC4] =	sst s2  }
0x8f: {  	_ = 	snop  }
0x90: {  	(tm) =	ssettm $0x1  }
0x91: {  	s17 =	sld [smem:$0x3FFB];
	_ =	sdelay $0x3  }
0x92: {  	_ =	strace s17  }
0x93: {  	s2 =	sld [smem:$0x3FFC];
	_ =	sdelay $0x3  }
0x94: {  	_ =	strace s2  }
0x95: {  	s2 =	sld [smem:$0x3FFD];
	_ =	sdelay $0x3  }
0x96: {  	_ =	strace s2  }
0x97: {  	_ =	strace $0x8FFFFFFF  }
0x98: {  	s18 =	sld [smem:$0x3FDB];
	_ =	sdelay $0x1  }
0x99: {  	s19 =	simm.s32 $_scs_section_size  }
0x9a: {  	s4 =	simm.s32 $_size__tile_overlayer_lowered;
	s5 =	simm.s32 $_tile_overlayer_lowered  }
0x9b: {  	s22 =	simm.s32 $0x1BFF;
	s21 =	sshll.u32 s5, $0x1;
	s2 =	sadd.s32 s19, s18  }
0x9c: {  	s6 =	simm.s32 $0x0;
	s20 =	sshll.u32 s4, $0x1;
	s4 =	sadd.s32 s21, s2  }
0x9d: {  	[timem:s6], [sflag:s22] =	dma.local [hbm:s4], s20  }
0x9e: {  	_ =	swait.ge [sflag:s22], s20  }
0x9f: {  	s3 =	ssub.s32 $0x0, s20;
	[sflag:s22] =	ssyncset.done $0x0  }
0xa0: {  	[sflag:s22] =	ssyncadd.s32 s3;
	_ =	sdelay $0x1  }
0xa1: {  	s23 =	simm.s32 $0x1B8B  }
0xa2: {  	_ =	swait.ge [sflag:s23], $0x1  }
0xa3: {  	[sflag:s23] =	ssyncset.done $0x0  }
0xa4: {  	s25 =	simm.s32 $0x1B8E;
	s24 =	sld [smem:$0x3FFE];
	[sflag:s23] =	ssyncadd.s32 $0xFFFFFFFF  }
0xa5: {  	s26 =	simm.s32 $execute0_lowered;
	[smem:$0x3FD2] =	sst s25  }
0xa6: {  	s4 =	sshll.u32 s26, $0x1;
	_ =	strace $0x80000046;
	[dreg:$0x1] =	wrdreg $0xFFFFFFFF  }
0xa7: {  	s28 =	simm.s32 $_size_execute0_lowered;
	s2 =	sadd.s32 s2, s4;
	[dreg:$0x0] =	wrdreg $0x0  }
0xa8: {  	s4 =	sshll.u32 s28, $0x1;
	[dreg:$0x2] =	wrdreg s2  }
0xa9: {  	[dreg:$0x3] =	wrdreg s4  }
0xaa: {  	[dreg:$0x4] =	wrdreg $0xC0  }
0xab: {  	_ =	task [dreg:s6], $0x5FFFF  }
0xac: {  	[dreg:$0x1] =	wrdreg $0xFFFFFFFF  }
0xad: {  	[dreg:$0x0] =	wrdreg $0x60  }
0xae: {  	[dreg:$0x2] =	wrdreg s24  }
0xaf: {  	[dreg:$0x3] =	wrdreg $0x9  }
0xb0: {  	_ =	task.clear_ibuf [dreg:s6], $0x4FFFF;
	_ =	strace $0x90000046  }
0xb1: {  	s29 =	simm.s32 $0x9;
	_ =	strace $0x80000048  }
0xb2: {  	_ =	swait.ge [sflag:s29], $0x1  }
0xb3: {  	[sflag:s29] =	ssyncadd.s32 $0xFFFFFFFF  }
0xb4: {  	_ =	strace $0x90000048  }
0xb5: {  	_ =	sfence  }
0xb6: {  	s30 =	sld [smem:$0x0];
	_ =	sdelay $0x2  }
0xb7: {  	s31 =	sshll.u32 s1, $0xD;
	s1 =	sshrl.u32 s1, $0x2  }
0xb8: {  	s3 =	sand.u32 $0x4000, s31;
	s1 =	sadd.s32 s1, s30  }
0xb9: {  	s0 =	sor.u32 s3, s0;
	s1 =	sshll.u32 s1, $0x11  }
0xba: {  	s0 =	sor.u32 s1, s0  }
0xbb: {  	s0 =	sadd.s32 $0x8F2B, s0  }
0xbc: {  	[sflag:s0] =	ssyncadd.remote.s32 $0x1  }
0xbd: {  	_ =	sfence.sel $0xFFFF  }
0xbe: {  	[dreg:$0x0] =	wrdreg $0xFFFFFFFF;
	(pc) =	sbr.abs _section_cstart, $3  }
0xbf: {  	[dreg:$0x1] =	wrdreg $0xFFFFFFFF  }
0xc0: {  	_ =	task.clear_ibuf [dreg:s6], $0x2FFFF;
	_ =	strace $0x9FFFFFFF  }
0xc1: {  	(tm) =	ssettm $0x7FFFFFFF  }
tec
execute0_lowered:
.L_overlay_start_1:
0x0: {  	(tag) =	ssettag $0x1  }
0x1: {  	s0 =	srdreg.scid;
	s2 =	stileid.u32  }
0x2: {  	s1 =	rddreg [dreg:$0x0];
	s7 =	simm.s32 $0x9;
	s8 =	simm.s32 $0x64  }
0x3: {  	s9 =	simm.s32 $0x1A00;
	s11 =	simm.s32 $0x3300;
	s13 =	simm.s32 $0x4C00  }
0x4: {  	s15 =	simm.s32 $0x6500;
	s17 =	simm.s32 $0x7E00;
	s19 =	simm.s32 $0x9700  }
0x5: {  	s21 =	simm.s32 $0xB000;
	s22 =	simm.s32 $0x2D8;
	s23 =	simm.s32 $0xC900  }
0x6: {  	s24 =	simm.s32 $0x1;
	s25 =	simm.s32 $0x2;
	s26 =	simm.s32 $0x3  }
0x7: {  	s28 =	simm.s32 $0x4;
	s29 =	simm.s32 $0x5;
	s30 =	simm.s32 $0x6  }
0x8: {  	s31 =	simm.s32 $0x7;
	s0 =	sand.u32 $0x1, s0;
	s3 =	sshll.u32 s2, $0x1  }
0x9: {  	s10 =	simm.s32 $0x0;
	s2 =	simm.s32 $0x0;
	s3 =	sor.u32 s0, s3  }
0xa: {  	[smem:$0x7FF] =	sst s2;
	s0 =	ssub.s32 $0x2, s0;
	s4 =	smul.u32 $0x340, s3  }
0xb: {  	_ =	strace $0x80000047;
	s5 =	sshll.u32 s3, $0x8;
	s6 =	sshrl.u32 s0, $0x1  }
0xc: {  	s3 =	sadd.s32 $0x8A00, s1;
	s0 =	ssub.s32 s0, s6;
	s4 =	sadd.s32 s4, s1  }
0xd: {  	s1 =	sadd.s32 s5, s1;
	s6 =	smax.u32 s0, $0x1;
	s0 =	simm.s32 $0xE200  }
0xe: {  	s4 =	sadd.s32 $0x2200, s4;
	s5 =	sadd.s32 $0xCC000, s1;
	s1 =	simm.s32 $0x8  }
.LBB2_1:
0xf: {  	[tilespmem:s2], [sflag:$0x9] =	stream.linear.gather [hbm4b:s4+s2], $0x1A00, $0x38;
	[tilespmem:$0xEA00] =	vst v63  }
0x10: {  	_ =	swait.ge [sflag:s7], $0x1A00  }
0x11: {  	[sflag:s7] =	ssyncset.done $0x0  }
0x12: {  	[sflag:s7] =	ssyncadd.s32 $0xFFFFE600  }
0x13: {  	[tilespmem:s9], [sflag:$0x1] =	stream.indirect.gather [hbm4b:s3+s8], $0x40, s2, s8, $0xb8;
	[tilespmem:$0xEA00] =	vst v63  }
0x14: {  	s12 =	simm.s32 $0x68  }
0x15: {  	[tilespmem:s11], [sflag:$0x2] =	stream.indirect.gather [hbm4b:s3+s8], $0x40, s12, s8, $0xb8;
	[tilespmem:$0xEA00] =	vst v63  }
0x16: {  	s20 =	simm.s32 $0xD0  }
0x17: {  	[tilespmem:s13], [sflag:$0x3] =	stream.indirect.gather [hbm4b:s3+s8], $0x40, s20, s8, $0xb8;
	[tilespmem:$0xEA00] =	vst v63  }
0x18: {  	s14 =	simm.s32 $0x138  }
0x19: {  	[tilespmem:s15], [sflag:$0x4] =	stream.indirect.gather [hbm4b:s3+s8], $0x40, s14, s8, $0xb8;
	[tilespmem:$0xEA00] =	vst v63  }
0x1a: {  	s16 =	simm.s32 $0x1A0  }
0x1b: {  	[tilespmem:s17], [sflag:$0x5] =	stream.indirect.gather [hbm4b:s3+s8], $0x40, s16, s8, $0xb8;
	[tilespmem:$0xEA00] =	vst v63  }
0x1c: {  	s18 =	simm.s32 $0x208  }
0x1d: {  	[tilespmem:s19], [sflag:$0x6] =	stream.indirect.gather [hbm4b:s3+s8], $0x40, s18, s8, $0xb8;
	[tilespmem:$0xEA00] =	vst v63  }
0x1e: {  	s20 =	simm.s32 $0x270  }
0x1f: {  	[tilespmem:s21], [sflag:$0x7] =	stream.indirect.gather [hbm4b:s3+s8], $0x40, s20, s8, $0xb8;
	[tilespmem:$0xEA00] =	vst v63  }
0x20: {  	s12 =	simm.s32 $0x0  }
0x21: {  	[tilespmem:s23], [sflag:$0x8] =	stream.indirect.gather [hbm4b:s3+s8], $0x40, s22, s8, $0xb8;
	[tilespmem:$0xEA00] =	vst v63  }
.LBB2_2:
0x22: {  	_ =	swait.ge [sflag:s24], $0x1900  }
0x23: {  	[sflag:s24] =	ssyncset.done $0x0  }
0x24: {  	s16 =	simm.s32 $0x0;
	[sflag:s24] =	ssyncadd.s32 $0xFFFFE700  }
0x25: {  	v3 =	vld [tilespmem:s16+$0x1C40]  }
0x26: {  	v5 =	vld [tilespmem:s16+$0x1C50]  }
0x27: {  	v6 =	vld [tilespmem:s16+$0x1C00]  }
0x28: {  	v7 =	vld [tilespmem:s16+$0x1C10]  }
0x29: {  	v8 =	vld [tilespmem:s16+$0x1BC0]  }
0x2a: {  	v11 =	vld [tilespmem:s16+$0x1BD0]  }
0x2b: {  	v12 =	vld [tilespmem:s16+$0x1B80]  }
0x2c: {  	v13 =	vld [tilespmem:s16+$0x1B90]  }
0x2d: {  	v16 =	vld [tilespmem:s16+$0x1B40]  }
0x2e: {  	v17 =	vld [tilespmem:s16+$0x1B50]  }
0x2f: {  	v19 =	vld [tilespmem:s16+$0x1B00]  }
0x30: {  	v20 =	vld [tilespmem:s16+$0x1B10]  }
0x31: {  	v15 =	vld [tilespmem:s16+$0x1AC0]  }
0x32: {  	v18 =	vld [tilespmem:s16+$0x1AD0]  }
0x33: {  	v10 =	vld [tilespmem:s16+$0x1A80]  }
0x34: {  	v14 =	vld [tilespmem:s16+$0x1A90]  }
0x35: {  	v21 =	vld [tilespmem:s16+$0x1A40]  }
0x36: {  	v22 =	vld [tilespmem:s16+$0x1A50]  }
0x37: {  	v23 =	vld [tilespmem:s16+$0x1A00]  }
0x38: {  	v1 =	vimm.f32 $0.0e+00;
	v25 =	vld [tilespmem:s16+$0x1A10]  }
0x39: {  	s14 =	simm.s32 $0xA00;
	v9 =	vimm.f32 $0.0e+00;
	v2 =	vimm.f32 $0.0e+00;
	v4 =	vimm.f32 $0.0e+00;
	v24 =	vld [tilespmem:s16+$0x1A20]  }
.LBB2_3:
0x3a: {  	p0 =	sne.s32 s14, $0x5A00;
	v0 =	vld [tilespmem:s16+$0x1A30]  }
0x3b: {  	v26 =	vld [tilespmem:s16+$0x1A60]  }
0x3c: {  	v27 =	vld [tilespmem:s16+$0x1A70]  }
0x3d: {  	v28 =	vld [tilespmem:s16+$0x1AA0]  }
0x3e: {  	v1 =	vadd.f32 v23, v1;
	v9 =	vadd.f32 v25, v9;
	v23 =	vld [tilespmem:s16+$0x1AB0]  }
0x3f: {  	v2 =	vadd.f32 v24, v2;
	v0 =	vadd.f32 v0, v4;
	v4 =	vld [tilespmem:s16+$0x1AE0]  }
0x40: {  	v1 =	vadd.f32 v21, v1;
	v9 =	vadd.f32 v22, v9;
	v21 =	vld [tilespmem:s16+$0x1AF0]  }
0x41: {  	v2 =	vadd.f32 v26, v2;
	v0 =	vadd.f32 v27, v0;
	v22 =	vld [tilespmem:s16+$0x1B20]  }
0x42: {  	v1 =	vadd.f32 v10, v1;
	v9 =	vadd.f32 v14, v9;
	v10 =	vld [tilespmem:s16+$0x1B30]  }
0x43: {  	v2 =	vadd.f32 v28, v2;
	v0 =	vadd.f32 v23, v0;
	v14 =	vld [tilespmem:s16+$0x1B60]  }
0x44: {  	v1 =	vadd.f32 v15, v1;
	v9 =	vadd.f32 v18, v9;
	v15 =	vld [tilespmem:s16+$0x1B70]  }
0x45: {  	v2 =	vadd.f32 v4, v2;
	v0 =	vadd.f32 v21, v0;
	v4 =	vld [tilespmem:s16+$0x1BA0]  }
0x46: {  	v1 =	vadd.f32 v19, v1;
	v9 =	vadd.f32 v20, v9;
	v18 =	vld [tilespmem:s16+$0x1BB0]  }
0x47: {  	v2 =	vadd.f32 v22, v2;
	v0 =	vadd.f32 v10, v0;
	v10 =	vld [tilespmem:s16+$0x1BE0]  }
0x48: {  	v1 =	vadd.f32 v16, v1;
	v9 =	vadd.f32 v17, v9;
	v16 =	vld [tilespmem:s16+$0x1BF0]  }
0x49: {  	v2 =	vadd.f32 v14, v2;
	v0 =	vadd.f32 v15, v0;
	v14 =	vld [tilespmem:s16+$0x1C20]  }
0x4a: {  	v1 =	vadd.f32 v12, v1;
	v9 =	vadd.f32 v13, v9;
	v12 =	vld [tilespmem:s16+$0x1C30]  }
0x4b: {  	v2 =	vadd.f32 v4, v2;
	v0 =	vadd.f32 v18, v0;
	v4 =	vld [tilespmem:s16+$0x1C60]  }
0x4c: {  	v1 =	vadd.f32 v8, v1;
	v8 =	vadd.f32 v11, v9;
	v11 =	vld [tilespmem:s16+$0x1C70];
	s16 =	sshra.s32 s14, $0x2  }
0x4d: {  	v2 =	vadd.f32 v10, v2;
	v13 =	vld [tilespmem:s16+$0x1C40];
	v0 =	vadd.f32 v16, v0  }
0x4e: {  	v1 =	vadd.f32 v6, v1;
	v8 =	vadd.f32 v7, v8;
	v10 =	vld [tilespmem:s16+$0x1C50]  }
0x4f: {  	v2 =	vadd.f32 v14, v2;
	v6 =	vld [tilespmem:s16+$0x1C00];
	v0 =	vadd.f32 v12, v0  }
0x50: {  	v1 =	vadd.f32 v3, v1;
	v9 =	vadd.f32 v5, v8;
	v7 =	vld [tilespmem:s16+$0x1C10]  }
0x51: {  	v2 =	vadd.f32 v4, v2;
	v8 =	vld [tilespmem:s16+$0x1BC0];
	v4 =	vadd.f32 v11, v0  }
0x52: {  	v11 =	vld [tilespmem:s16+$0x1BD0];
	v3 =	vmov v13  }
0x53: {  	v12 =	vld [tilespmem:s16+$0x1B80];
	v5 =	vmov v10  }
0x54: {  	v13 =	vld [tilespmem:s16+$0x1B90]  }
0x55: {  	v16 =	vld [tilespmem:s16+$0x1B40]  }
0x56: {  	v17 =	vld [tilespmem:s16+$0x1B50]  }
0x57: {  	v19 =	vld [tilespmem:s16+$0x1B00]  }
0x58: {  	v20 =	vld [tilespmem:s16+$0x1B10]  }
0x59: {  	v15 =	vld [tilespmem:s16+$0x1AC0]  }
0x5a: {  	v18 =	vld [tilespmem:s16+$0x1AD0]  }
0x5b: {  	v10 =	vld [tilespmem:s16+$0x1A80]  }
0x5c: {  	v14 =	vld [tilespmem:s16+$0x1A90]  }
.Ltmp0:
0x5d: {  	v21 =	vld [tilespmem:s16+$0x1A40];
	(pc) =	sbr.rel @p0 .LBB2_3-.Ltmp0, $4  }
0x5e: {  	v22 =	vld [tilespmem:s16+$0x1A50]  }
0x5f: {  	v23 =	vld [tilespmem:s16+$0x1A00]  }
0x60: {  	v25 =	vld [tilespmem:s16+$0x1A10]  }
0x61: {  	s14 =	sadd.s32 $0xA00, s14;
	v24 =	vld [tilespmem:s16+$0x1A20]  }
0x62: {  	v26 =	vld [tilespmem:s16+$0x1A30]  }
0x63: {  	v27 =	vld [tilespmem:s16+$0x1A60]  }
0x64: {  	v28 =	vld [tilespmem:s16+$0x1A70]  }
0x65: {  	v29 =	vld [tilespmem:s16+$0x1AA0]  }
0x66: {  	v30 =	vld [tilespmem:s16+$0x1AB0]  }
0x67: {  	v31 =	vld [tilespmem:s16+$0x1AE0]  }
0x68: {  	v32 =	vld [tilespmem:s16+$0x1AF0]  }
0x69: {  	v33 =	vld [tilespmem:s16+$0x1B20]  }
0x6a: {  	v34 =	vld [tilespmem:s16+$0x1B30]  }
0x6b: {  	v35 =	vld [tilespmem:s16+$0x1B60]  }
0x6c: {  	v36 =	vld [tilespmem:s16+$0x1B70]  }
0x6d: {  	v37 =	vld [tilespmem:s16+$0x1BA0]  }
0x6e: {  	v38 =	vld [tilespmem:s16+$0x1BB0];
	s14 =	sshll.u32 s12, $0x3  }
0x6f: {  	v39 =	vld [tilespmem:s16+$0x1BE0];
	s18 =	smin.u32 s14, $0x37  }
0x70: {  	v40 =	vld [tilespmem:s16+$0x1BF0];
	s18 =	smul.u32 $0x1A0, s18  }
0x71: {  	v41 =	vld [tilespmem:s16+$0x1C20]  }
0x72: {  	v42 =	vld [tilespmem:s16+$0x1C30];
	s18 =	sshrl.u32 s18, $0x2  }
0x73: {  	v43 =	vld [tilespmem:s16+$0x1C60];
	s20 =	sadd.s32 $0x340, s18  }
0x74: {  	v44 =	vld [tilespmem:s16+$0x1C70];
	[tilespmem:s9], [sflag:$0x1] =	stream.indirect.gather [hbm4b:s3+s8], $0x40, s20, s8, $0xb8  }
0x75: {  	_ =	swait.ge [sflag:s25], $0x1900  }
0x76: {  	[sflag:s25] =	ssyncset.done $0x0  }
0x77: {  	s16 =	simm.s32 $0x0;
	[sflag:s25] =	ssyncadd.s32 $0xFFFFE700  }
0x78: {  	v0 =	vld [tilespmem:s16+$0x3540]  }
0x79: {  	v23 =	vadd.f32 v23, v1;
	v9 =	vadd.f32 v25, v9;
	v1 =	vld [tilespmem:s16+$0x3550]  }
0x7a: {  	v24 =	vadd.f32 v24, v2;
	v25 =	vadd.f32 v26, v4;
	v2 =	vld [tilespmem:s16+$0x3500]  }
0x7b: {  	v21 =	vadd.f32 v21, v23;
	v22 =	vadd.f32 v22, v9;
	v4 =	vld [tilespmem:s16+$0x3510]  }
0x7c: {  	v23 =	vadd.f32 v27, v24;
	v24 =	vadd.f32 v28, v25;
	v9 =	vld [tilespmem:s16+$0x34C0]  }
0x7d: {  	v21 =	vadd.f32 v10, v21;
	v22 =	vadd.f32 v14, v22;
	v10 =	vld [tilespmem:s16+$0x34D0]  }
0x7e: {  	v23 =	vadd.f32 v29, v23;
	v24 =	vadd.f32 v30, v24;
	v14 =	vld [tilespmem:s16+$0x3480]  }
0x7f: {  	v21 =	vadd.f32 v15, v21;
	v22 =	vadd.f32 v18, v22;
	v15 =	vld [tilespmem:s16+$0x3490]  }
0x80: {  	v23 =	vadd.f32 v31, v23;
	v18 =	vld [tilespmem:s16+$0x3440];
	v24 =	vadd.f32 v32, v24  }
0x81: {  	v21 =	vadd.f32 v19, v21;
	v19 =	vld [tilespmem:s16+$0x3450];
	v22 =	vadd.f32 v20, v22  }
0x82: {  	v20 =	vld [tilespmem:s16+$0x3400];
	v23 =	vadd.f32 v33, v23;
	v24 =	vadd.f32 v34, v24  }
0x83: {  	v21 =	vadd.f32 v16, v21;
	v16 =	vld [tilespmem:s16+$0x3410];
	v22 =	vadd.f32 v17, v22  }
0x84: {  	v17 =	vld [tilespmem:s16+$0x33C0];
	v23 =	vadd.f32 v35, v23;
	v24 =	vadd.f32 v36, v24  }
0x85: {  	v21 =	vadd.f32 v12, v21;
	v12 =	vld [tilespmem:s16+$0x33D0];
	v22 =	vadd.f32 v13, v22  }
0x86: {  	v13 =	vld [tilespmem:s16+$0x3380];
	v23 =	vadd.f32 v37, v23;
	v24 =	vadd.f32 v38, v24  }
0x87: {  	v21 =	vadd.f32 v8, v21;
	v8 =	vld [tilespmem:s16+$0x3390];
	v22 =	vadd.f32 v11, v22  }
0x88: {  	v11 =	vld [tilespmem:s16+$0x3340];
	v23 =	vadd.f32 v39, v23;
	v24 =	vadd.f32 v40, v24  }
0x89: {  	v6 =	vadd.f32 v6, v21;
	v21 =	vld [tilespmem:s16+$0x3350];
	v25 =	vadd.f32 v7, v22  }
0x8a: {  	v22 =	vld [tilespmem:s16+$0x3300];
	v26 =	vadd.f32 v41, v23;
	v24 =	vadd.f32 v42, v24  }
0x8b: {  	v7 =	vadd.f32 v3, v6;
	v23 =	vld [tilespmem:s16+$0x3310];
	v5 =	vadd.f32 v5, v25  }
0x8c: {  	s18 =	simm.s32 $0xA00;
	v6 =	vadd.f32 v43, v26;
	v3 =	vadd.f32 v44, v24;
	v24 =	vld [tilespmem:s16+$0x3320]  }
.LBB2_5:
0x8d: {  	p0 =	sne.s32 s18, $0x5A00;
	v25 =	vld [tilespmem:s16+$0x3330]  }
0x8e: {  	v26 =	vld [tilespmem:s16+$0x3360]  }
0x8f: {  	v27 =	vld [tilespmem:s16+$0x3370]  }
0x90: {  	v28 =	vld [tilespmem:s16+$0x33A0]  }
0x91: {  	v7 =	vadd.f32 v22, v7;
	v5 =	vadd.f32 v23, v5;
	v22 =	vld [tilespmem:s16+$0x33B0]  }
0x92: {  	v6 =	vadd.f32 v24, v6;
	v3 =	vadd.f32 v25, v3;
	v23 =	vld [tilespmem:s16+$0x33E0]  }
0x93: {  	v7 =	vadd.f32 v11, v7;
	v5 =	vadd.f32 v21, v5;
	v11 =	vld [tilespmem:s16+$0x33F0]  }
0x94: {  	v6 =	vadd.f32 v26, v6;
	v3 =	vadd.f32 v27, v3;
	v21 =	vld [tilespmem:s16+$0x3420]  }
0x95: {  	v7 =	vadd.f32 v13, v7;
	v5 =	vadd.f32 v8, v5;
	v8 =	vld [tilespmem:s16+$0x3430]  }
0x96: {  	v6 =	vadd.f32 v28, v6;
	v3 =	vadd.f32 v22, v3;
	v13 =	vld [tilespmem:s16+$0x3460]  }
0x97: {  	v7 =	vadd.f32 v17, v7;
	v5 =	vadd.f32 v12, v5;
	v12 =	vld [tilespmem:s16+$0x3470]  }
0x98: {  	v6 =	vadd.f32 v23, v6;
	v3 =	vadd.f32 v11, v3;
	v11 =	vld [tilespmem:s16+$0x34A0]  }
0x99: {  	v7 =	vadd.f32 v20, v7;
	v5 =	vadd.f32 v16, v5;
	v16 =	vld [tilespmem:s16+$0x34B0]  }
0x9a: {  	v6 =	vadd.f32 v21, v6;
	v3 =	vadd.f32 v8, v3;
	v8 =	vld [tilespmem:s16+$0x34E0]  }
0x9b: {  	v7 =	vadd.f32 v18, v7;
	v5 =	vadd.f32 v19, v5;
	v17 =	vld [tilespmem:s16+$0x34F0]  }
0x9c: {  	v6 =	vadd.f32 v13, v6;
	v3 =	vadd.f32 v12, v3;
	v12 =	vld [tilespmem:s16+$0x3520]  }
0x9d: {  	v7 =	vadd.f32 v14, v7;
	v5 =	vadd.f32 v15, v5;
	v13 =	vld [tilespmem:s16+$0x3530]  }
0x9e: {  	v6 =	vadd.f32 v11, v6;
	v3 =	vadd.f32 v16, v3;
	v11 =	vld [tilespmem:s16+$0x3560]  }
0x9f: {  	v7 =	vadd.f32 v9, v7;
	v5 =	vadd.f32 v10, v5;
	v10 =	vld [tilespmem:s16+$0x3570];
	s16 =	sshra.s32 s18, $0x2  }
0xa0: {  	v6 =	vadd.f32 v8, v6;
	v14 =	vld [tilespmem:s16+$0x3540];
	v3 =	vadd.f32 v17, v3  }
0xa1: {  	v7 =	vadd.f32 v2, v7;
	v5 =	vadd.f32 v4, v5;
	v8 =	vld [tilespmem:s16+$0x3550]  }
0xa2: {  	v6 =	vadd.f32 v12, v6;
	v2 =	vld [tilespmem:s16+$0x3500];
	v3 =	vadd.f32 v13, v3  }
0xa3: {  	v7 =	vadd.f32 v0, v7;
	v5 =	vadd.f32 v1, v5;
	v4 =	vld [tilespmem:s16+$0x3510]  }
0xa4: {  	v6 =	vadd.f32 v11, v6;
	v9 =	vld [tilespmem:s16+$0x34C0];
	v3 =	vadd.f32 v10, v3  }
0xa5: {  	v10 =	vld [tilespmem:s16+$0x34D0];
	v0 =	vmov v14  }
0xa6: {  	v14 =	vld [tilespmem:s16+$0x3480];
	v1 =	vmov v8  }
0xa7: {  	v15 =	vld [tilespmem:s16+$0x3490]  }
0xa8: {  	v18 =	vld [tilespmem:s16+$0x3440]  }
0xa9: {  	v19 =	vld [tilespmem:s16+$0x3450]  }
0xaa: {  	v20 =	vld [tilespmem:s16+$0x3400]  }
0xab: {  	v16 =	vld [tilespmem:s16+$0x3410]  }
0xac: {  	v17 =	vld [tilespmem:s16+$0x33C0]  }
0xad: {  	v12 =	vld [tilespmem:s16+$0x33D0]  }
0xae: {  	v13 =	vld [tilespmem:s16+$0x3380]  }
0xaf: {  	v8 =	vld [tilespmem:s16+$0x3390]  }
.Ltmp1:
0xb0: {  	v11 =	vld [tilespmem:s16+$0x3340];
	(pc) =	sbr.rel @p0 .LBB2_5-.Ltmp1, $4  }
0xb1: {  	v21 =	vld [tilespmem:s16+$0x3350]  }
0xb2: {  	v22 =	vld [tilespmem:s16+$0x3300]  }
0xb3: {  	v23 =	vld [tilespmem:s16+$0x3310]  }
0xb4: {  	s18 =	sadd.s32 $0xA00, s18;
	v24 =	vld [tilespmem:s16+$0x3320]  }
0xb5: {  	v25 =	vld [tilespmem:s16+$0x3330]  }
0xb6: {  	v26 =	vld [tilespmem:s16+$0x3360]  }
0xb7: {  	v27 =	vld [tilespmem:s16+$0x3370];
	v7 =	vadd.f32 v22, v7  }
0xb8: {  	v22 =	vld [tilespmem:s16+$0x33A0];
	v5 =	vadd.f32 v23, v5  }
0xb9: {  	v23 =	vld [tilespmem:s16+$0x33B0];
	v6 =	vadd.f32 v24, v6;
	v7 =	vadd.f32 v11, v7  }
0xba: {  	v11 =	vld [tilespmem:s16+$0x33E0];
	v3 =	vadd.f32 v25, v3;
	v5 =	vadd.f32 v21, v5  }
0xbb: {  	v21 =	vld [tilespmem:s16+$0x33F0];
	v6 =	vadd.f32 v26, v6;
	v7 =	vadd.f32 v13, v7  }
0xbc: {  	v13 =	vld [tilespmem:s16+$0x3420];
	v3 =	vadd.f32 v27, v3;
	v5 =	vadd.f32 v8, v5  }
0xbd: {  	v8 =	vld [tilespmem:s16+$0x3430];
	v6 =	vadd.f32 v22, v6;
	v7 =	vadd.f32 v17, v7  }
0xbe: {  	v17 =	vld [tilespmem:s16+$0x3460];
	v3 =	vadd.f32 v23, v3;
	v5 =	vadd.f32 v12, v5  }
0xbf: {  	v12 =	vld [tilespmem:s16+$0x3470];
	v6 =	vadd.f32 v11, v6;
	v7 =	vadd.f32 v20, v7  }
0xc0: {  	v11 =	vld [tilespmem:s16+$0x34A0];
	v3 =	vadd.f32 v21, v3;
	v5 =	vadd.f32 v16, v5  }
0xc1: {  	v16 =	vld [tilespmem:s16+$0x34B0];
	v6 =	vadd.f32 v13, v6;
	v7 =	vadd.f32 v18, v7  }
0xc2: {  	v3 =	vadd.f32 v8, v3;
	v8 =	vld [tilespmem:s16+$0x34E0];
	v5 =	vadd.f32 v19, v5  }
0xc3: {  	v13 =	vld [tilespmem:s16+$0x34F0];
	v6 =	vadd.f32 v17, v6;
	v7 =	vadd.f32 v14, v7  }
0xc4: {  	v3 =	vadd.f32 v12, v3;
	v12 =	vld [tilespmem:s16+$0x3520];
	v5 =	vadd.f32 v15, v5  }
0xc5: {  	v14 =	vld [tilespmem:s16+$0x3530];
	v6 =	vadd.f32 v11, v6;
	v7 =	vadd.f32 v9, v7  }
0xc6: {  	s18 =	smin.u32 s14, $0x36;
	v9 =	vld [tilespmem:s16+$0x3560];
	v3 =	vadd.f32 v16, v3;
	v5 =	vadd.f32 v10, v5  }
0xc7: {  	s18 =	smul.u32 $0x1A0, s18;
	v10 =	vld [tilespmem:s16+$0x3570];
	v6 =	vadd.f32 v8, v6;
	v2 =	vadd.f32 v2, v7  }
0xc8: {  	v3 =	vadd.f32 v13, v3;
	v4 =	vadd.f32 v4, v5  }
0xc9: {  	s18 =	sshrl.u32 s18, $0x2;
	v5 =	vadd.f32 v12, v6;
	v0 =	vadd.f32 v0, v2  }
0xca: {  	s20 =	sshll.u32 s12, $0x8;
	s16 =	sadd.s32 $0x3A8, s18;
	v2 =	vadd.f32 v14, v3;
	v1 =	vadd.f32 v1, v4  }
0xcb: {  	[tilespmem:s11], [sflag:$0x2] =	stream.indirect.gather [hbm4b:s3+s8], $0x40, s16, s8, $0xb8;
	v3 =	vadd.f32 v9, v5;
	v0 =	vmul.f32 $4.999999890e-03, v0;
	[tilespmem:$0xEA00] =	vst v63  }
0xcc: {  	s16 =	sand.u32 $0x3FFFFF00, s20;
	v2 =	vadd.f32 v10, v2;
	v1 =	vmul.f32 $4.999999890e-03, v1  }
0xcd: {  	[tilespmem:s16+$0xE200] =	vst v0;
	v0 =	vmul.f32 $4.999999890e-03, v3  }
0xce: {  	[tilespmem:s16+$0xE210] =	vst v1;
	v1 =	vmul.f32 $4.999999890e-03, v2  }
0xcf: {  	[tilespmem:s16+$0xE220] =	vst v0  }
0xd0: {  	[tilespmem:s16+$0xE230] =	vst v1  }
0xd1: {  	_ =	swait.ge [sflag:s26], $0x1900  }
0xd2: {  	[sflag:s26] =	ssyncset.done $0x0  }
0xd3: {  	s18 =	simm.s32 $0x0;
	[sflag:s26] =	ssyncadd.s32 $0xFFFFE700  }
0xd4: {  	v3 =	vld [tilespmem:s18+$0x4E40]  }
0xd5: {  	v5 =	vld [tilespmem:s18+$0x4E50]  }
0xd6: {  	v6 =	vld [tilespmem:s18+$0x4E00]  }
0xd7: {  	v7 =	vld [tilespmem:s18+$0x4E10]  }
0xd8: {  	v9 =	vld [tilespmem:s18+$0x4DC0]  }
0xd9: {  	v11 =	vld [tilespmem:s18+$0x4DD0]  }
0xda: {  	v12 =	vld [tilespmem:s18+$0x4D80]  }
0xdb: {  	v13 =	vld [tilespmem:s18+$0x4D90]  }
0xdc: {  	v16 =	vld [tilespmem:s18+$0x4D40]  }
0xdd: {  	v17 =	vld [tilespmem:s18+$0x4D50]  }
0xde: {  	v19 =	vld [tilespmem:s18+$0x4D00]  }
0xdf: {  	v20 =	vld [tilespmem:s18+$0x4D10]  }
0xe0: {  	v15 =	vld [tilespmem:s18+$0x4CC0]  }
0xe1: {  	v18 =	vld [tilespmem:s18+$0x4CD0]  }
0xe2: {  	v10 =	vld [tilespmem:s18+$0x4C80]  }
0xe3: {  	v14 =	vld [tilespmem:s18+$0x4C90]  }
0xe4: {  	v21 =	vld [tilespmem:s18+$0x4C40]  }
0xe5: {  	v22 =	vld [tilespmem:s18+$0x4C50]  }
0xe6: {  	v23 =	vld [tilespmem:s18+$0x4C00]  }
0xe7: {  	v8 =	vimm.f32 $0.0e+00;
	v25 =	vld [tilespmem:s18+$0x4C10]  }
0xe8: {  	s20 =	simm.s32 $0xA00;
	v4 =	vimm.f32 $0.0e+00;
	v2 =	vimm.f32 $0.0e+00;
	v1 =	vimm.f32 $0.0e+00;
	v24 =	vld [tilespmem:s18+$0x4C20]  }
.LBB2_7:
0xe9: {  	p0 =	sne.s32 s20, $0x5A00;
	v0 =	vld [tilespmem:s18+$0x4C30]  }
0xea: {  	v26 =	vld [tilespmem:s18+$0x4C60]  }
0xeb: {  	v27 =	vld [tilespmem:s18+$0x4C70]  }
0xec: {  	v28 =	vld [tilespmem:s18+$0x4CA0]  }
0xed: {  	v1 =	vadd.f32 v23, v1;
	v8 =	vadd.f32 v25, v8;
	v23 =	vld [tilespmem:s18+$0x4CB0]  }
0xee: {  	v2 =	vadd.f32 v24, v2;
	v0 =	vadd.f32 v0, v4;
	v4 =	vld [tilespmem:s18+$0x4CE0]  }
0xef: {  	v1 =	vadd.f32 v21, v1;
	v8 =	vadd.f32 v22, v8;
	v21 =	vld [tilespmem:s18+$0x4CF0]  }
0xf0: {  	v2 =	vadd.f32 v26, v2;
	v0 =	vadd.f32 v27, v0;
	v22 =	vld [tilespmem:s18+$0x4D20]  }
0xf1: {  	v1 =	vadd.f32 v10, v1;
	v8 =	vadd.f32 v14, v8;
	v10 =	vld [tilespmem:s18+$0x4D30]  }
0xf2: {  	v2 =	vadd.f32 v28, v2;
	v0 =	vadd.f32 v23, v0;
	v14 =	vld [tilespmem:s18+$0x4D60]  }
0xf3: {  	v1 =	vadd.f32 v15, v1;
	v8 =	vadd.f32 v18, v8;
	v15 =	vld [tilespmem:s18+$0x4D70]  }
0xf4: {  	v2 =	vadd.f32 v4, v2;
	v0 =	vadd.f32 v21, v0;
	v4 =	vld [tilespmem:s18+$0x4DA0]  }
0xf5: {  	v1 =	vadd.f32 v19, v1;
	v8 =	vadd.f32 v20, v8;
	v18 =	vld [tilespmem:s18+$0x4DB0]  }
0xf6: {  	v2 =	vadd.f32 v22, v2;
	v0 =	vadd.f32 v10, v0;
	v10 =	vld [tilespmem:s18+$0x4DE0]  }
0xf7: {  	v1 =	vadd.f32 v16, v1;
	v8 =	vadd.f32 v17, v8;
	v16 =	vld [tilespmem:s18+$0x4DF0]  }
0xf8: {  	v2 =	vadd.f32 v14, v2;
	v0 =	vadd.f32 v15, v0;
	v14 =	vld [tilespmem:s18+$0x4E20]  }
0xf9: {  	v1 =	vadd.f32 v12, v1;
	v8 =	vadd.f32 v13, v8;
	v12 =	vld [tilespmem:s18+$0x4E30]  }
0xfa: {  	v2 =	vadd.f32 v4, v2;
	v0 =	vadd.f32 v18, v0;
	v4 =	vld [tilespmem:s18+$0x4E60]  }
0xfb: {  	v1 =	vadd.f32 v9, v1;
	v8 =	vadd.f32 v11, v8;
	v11 =	vld [tilespmem:s18+$0x4E70];
	s18 =	sshra.s32 s20, $0x2  }
0xfc: {  	v2 =	vadd.f32 v10, v2;
	v13 =	vld [tilespmem:s18+$0x4E40];
	v0 =	vadd.f32 v16, v0  }
0xfd: {  	v1 =	vadd.f32 v6, v1;
	v8 =	vadd.f32 v7, v8;
	v10 =	vld [tilespmem:s18+$0x4E50]  }
0xfe: {  	v2 =	vadd.f32 v14, v2;
	v6 =	vld [tilespmem:s18+$0x4E00];
	v0 =	vadd.f32 v12, v0  }
0xff: {  	v1 =	vadd.f32 v3, v1;
	v8 =	vadd.f32 v5, v8;
	v7 =	vld [tilespmem:s18+$0x4E10]  }
0x100: {  	v2 =	vadd.f32 v4, v2;
	v9 =	vld [tilespmem:s18+$0x4DC0];
	v4 =	vadd.f32 v11, v0  }
0x101: {  	v11 =	vld [tilespmem:s18+$0x4DD0];
	v3 =	vmov v13  }
0x102: {  	v12 =	vld [tilespmem:s18+$0x4D80];
	v5 =	vmov v10  }
0x103: {  	v13 =	vld [tilespmem:s18+$0x4D90]  }
0x104: {  	v16 =	vld [tilespmem:s18+$0x4D40]  }
0x105: {  	v17 =	vld [tilespmem:s18+$0x4D50]  }
0x106: {  	v19 =	vld [tilespmem:s18+$0x4D00]  }
0x107: {  	v20 =	vld [tilespmem:s18+$0x4D10]  }
0x108: {  	v15 =	vld [tilespmem:s18+$0x4CC0]  }
0x109: {  	v18 =	vld [tilespmem:s18+$0x4CD0]  }
0x10a: {  	v10 =	vld [tilespmem:s18+$0x4C80]  }
0x10b: {  	v14 =	vld [tilespmem:s18+$0x4C90]  }
.Ltmp2:
0x10c: {  	v21 =	vld [tilespmem:s18+$0x4C40];
	(pc) =	sbr.rel @p0 .LBB2_7-.Ltmp2, $4  }
0x10d: {  	v22 =	vld [tilespmem:s18+$0x4C50]  }
0x10e: {  	v23 =	vld [tilespmem:s18+$0x4C00]  }
0x10f: {  	v25 =	vld [tilespmem:s18+$0x4C10]  }
0x110: {  	s20 =	sadd.s32 $0xA00, s20;
	v24 =	vld [tilespmem:s18+$0x4C20]  }
0x111: {  	v26 =	vld [tilespmem:s18+$0x4C30]  }
0x112: {  	v27 =	vld [tilespmem:s18+$0x4C60]  }
0x113: {  	v28 =	vld [tilespmem:s18+$0x4C70]  }
0x114: {  	v29 =	vld [tilespmem:s18+$0x4CA0]  }
0x115: {  	v30 =	vld [tilespmem:s18+$0x4CB0]  }
0x116: {  	v31 =	vld [tilespmem:s18+$0x4CE0]  }
0x117: {  	v32 =	vld [tilespmem:s18+$0x4CF0]  }
0x118: {  	v33 =	vld [tilespmem:s18+$0x4D20]  }
0x119: {  	v34 =	vld [tilespmem:s18+$0x4D30]  }
0x11a: {  	v35 =	vld [tilespmem:s18+$0x4D60]  }
0x11b: {  	v36 =	vld [tilespmem:s18+$0x4D70]  }
0x11c: {  	v37 =	vld [tilespmem:s18+$0x4DA0]  }
0x11d: {  	v38 =	vld [tilespmem:s18+$0x4DB0]  }
0x11e: {  	v39 =	vld [tilespmem:s18+$0x4DE0];
	s20 =	smin.u32 s14, $0x35  }
0x11f: {  	v40 =	vld [tilespmem:s18+$0x4DF0];
	s20 =	smul.u32 $0x1A0, s20  }
0x120: {  	v41 =	vld [tilespmem:s18+$0x4E20]  }
0x121: {  	v42 =	vld [tilespmem:s18+$0x4E30];
	s20 =	sshrl.u32 s20, $0x2  }
0x122: {  	v43 =	vld [tilespmem:s18+$0x4E60];
	s20 =	sadd.s32 $0x410, s20  }
0x123: {  	v44 =	vld [tilespmem:s18+$0x4E70];
	[tilespmem:s13], [sflag:$0x3] =	stream.indirect.gather [hbm4b:s3+s8], $0x40, s20, s8, $0xb8  }
0x124: {  	_ =	swait.ge [sflag:s28], $0x1900  }
0x125: {  	[sflag:s28] =	ssyncset.done $0x0  }
0x126: {  	s18 =	simm.s32 $0x0;
	[sflag:s28] =	ssyncadd.s32 $0xFFFFE700  }
0x127: {  	v0 =	vld [tilespmem:s18+$0x6740]  }
0x128: {  	v23 =	vadd.f32 v23, v1;
	v8 =	vadd.f32 v25, v8;
	v1 =	vld [tilespmem:s18+$0x6750]  }
0x129: {  	v24 =	vadd.f32 v24, v2;
	v25 =	vadd.f32 v26, v4;
	v2 =	vld [tilespmem:s18+$0x6700]  }
0x12a: {  	v21 =	vadd.f32 v21, v23;
	v22 =	vadd.f32 v22, v8;
	v4 =	vld [tilespmem:s18+$0x6710]  }
0x12b: {  	v23 =	vadd.f32 v27, v24;
	v24 =	vadd.f32 v28, v25;
	v8 =	vld [tilespmem:s18+$0x66C0]  }
0x12c: {  	v21 =	vadd.f32 v10, v21;
	v22 =	vadd.f32 v14, v22;
	v10 =	vld [tilespmem:s18+$0x66D0]  }
0x12d: {  	v23 =	vadd.f32 v29, v23;
	v24 =	vadd.f32 v30, v24;
	v14 =	vld [tilespmem:s18+$0x6680]  }
0x12e: {  	v21 =	vadd.f32 v15, v21;
	v22 =	vadd.f32 v18, v22;
	v15 =	vld [tilespmem:s18+$0x6690]  }
0x12f: {  	v18 =	vld [tilespmem:s18+$0x6640];
	v23 =	vadd.f32 v31, v23;
	v24 =	vadd.f32 v32, v24  }
0x130: {  	v21 =	vadd.f32 v19, v21;
	v19 =	vld [tilespmem:s18+$0x6650];
	v22 =	vadd.f32 v20, v22  }
0x131: {  	v20 =	vld [tilespmem:s18+$0x6600];
	v23 =	vadd.f32 v33, v23;
	v24 =	vadd.f32 v34, v24  }
0x132: {  	v21 =	vadd.f32 v16, v21;
	v16 =	vld [tilespmem:s18+$0x6610];
	v22 =	vadd.f32 v17, v22  }
0x133: {  	v17 =	vld [tilespmem:s18+$0x65C0];
	v23 =	vadd.f32 v35, v23;
	v24 =	vadd.f32 v36, v24  }
0x134: {  	v21 =	vadd.f32 v12, v21;
	v12 =	vld [tilespmem:s18+$0x65D0];
	v22 =	vadd.f32 v13, v22  }
0x135: {  	v13 =	vld [tilespmem:s18+$0x6580];
	v23 =	vadd.f32 v37, v23;
	v24 =	vadd.f32 v38, v24  }
0x136: {  	v21 =	vadd.f32 v9, v21;
	v9 =	vld [tilespmem:s18+$0x6590];
	v22 =	vadd.f32 v11, v22  }
0x137: {  	v11 =	vld [tilespmem:s18+$0x6540];
	v23 =	vadd.f32 v39, v23;
	v24 =	vadd.f32 v40, v24  }
0x138: {  	v6 =	vadd.f32 v6, v21;
	v21 =	vld [tilespmem:s18+$0x6550];
	v25 =	vadd.f32 v7, v22  }
0x139: {  	v22 =	vld [tilespmem:s18+$0x6500];
	v26 =	vadd.f32 v41, v23;
	v24 =	vadd.f32 v42, v24  }
0x13a: {  	v7 =	vadd.f32 v3, v6;
	v23 =	vld [tilespmem:s18+$0x6510];
	v5 =	vadd.f32 v5, v25  }
0x13b: {  	s20 =	simm.s32 $0xA00;
	v6 =	vadd.f32 v43, v26;
	v3 =	vadd.f32 v44, v24;
	v24 =	vld [tilespmem:s18+$0x6520]  }
.LBB2_9:
0x13c: {  	p0 =	sne.s32 s20, $0x5A00;
	v25 =	vld [tilespmem:s18+$0x6530]  }
0x13d: {  	v26 =	vld [tilespmem:s18+$0x6560]  }
0x13e: {  	v27 =	vld [tilespmem:s18+$0x6570]  }
0x13f: {  	v28 =	vld [tilespmem:s18+$0x65A0]  }
0x140: {  	v7 =	vadd.f32 v22, v7;
	v5 =	vadd.f32 v23, v5;
	v22 =	vld [tilespmem:s18+$0x65B0]  }
0x141: {  	v6 =	vadd.f32 v24, v6;
	v3 =	vadd.f32 v25, v3;
	v23 =	vld [tilespmem:s18+$0x65E0]  }
0x142: {  	v7 =	vadd.f32 v11, v7;
	v5 =	vadd.f32 v21, v5;
	v11 =	vld [tilespmem:s18+$0x65F0]  }
0x143: {  	v6 =	vadd.f32 v26, v6;
	v3 =	vadd.f32 v27, v3;
	v21 =	vld [tilespmem:s18+$0x6620]  }
0x144: {  	v7 =	vadd.f32 v13, v7;
	v5 =	vadd.f32 v9, v5;
	v9 =	vld [tilespmem:s18+$0x6630]  }
0x145: {  	v6 =	vadd.f32 v28, v6;
	v3 =	vadd.f32 v22, v3;
	v13 =	vld [tilespmem:s18+$0x6660]  }
0x146: {  	v7 =	vadd.f32 v17, v7;
	v5 =	vadd.f32 v12, v5;
	v12 =	vld [tilespmem:s18+$0x6670]  }
0x147: {  	v6 =	vadd.f32 v23, v6;
	v3 =	vadd.f32 v11, v3;
	v11 =	vld [tilespmem:s18+$0x66A0]  }
0x148: {  	v7 =	vadd.f32 v20, v7;
	v5 =	vadd.f32 v16, v5;
	v16 =	vld [tilespmem:s18+$0x66B0]  }
0x149: {  	v6 =	vadd.f32 v21, v6;
	v3 =	vadd.f32 v9, v3;
	v9 =	vld [tilespmem:s18+$0x66E0]  }
0x14a: {  	v7 =	vadd.f32 v18, v7;
	v5 =	vadd.f32 v19, v5;
	v17 =	vld [tilespmem:s18+$0x66F0]  }
0x14b: {  	v6 =	vadd.f32 v13, v6;
	v3 =	vadd.f32 v12, v3;
	v12 =	vld [tilespmem:s18+$0x6720]  }
0x14c: {  	v7 =	vadd.f32 v14, v7;
	v5 =	vadd.f32 v15, v5;
	v13 =	vld [tilespmem:s18+$0x6730]  }
0x14d: {  	v6 =	vadd.f32 v11, v6;
	v3 =	vadd.f32 v16, v3;
	v11 =	vld [tilespmem:s18+$0x6760]  }
0x14e: {  	v7 =	vadd.f32 v8, v7;
	v5 =	vadd.f32 v10, v5;
	v10 =	vld [tilespmem:s18+$0x6770];
	s18 =	sshra.s32 s20, $0x2  }
0x14f: {  	v6 =	vadd.f32 v9, v6;
	v14 =	vld [tilespmem:s18+$0x6740];
	v3 =	vadd.f32 v17, v3  }
0x150: {  	v7 =	vadd.f32 v2, v7;
	v5 =	vadd.f32 v4, v5;
	v9 =	vld [tilespmem:s18+$0x6750]  }
0x151: {  	v6 =	vadd.f32 v12, v6;
	v2 =	vld [tilespmem:s18+$0x6700];
	v3 =	vadd.f32 v13, v3  }
0x152: {  	v7 =	vadd.f32 v0, v7;
	v5 =	vadd.f32 v1, v5;
	v4 =	vld [tilespmem:s18+$0x6710]  }
0x153: {  	v6 =	vadd.f32 v11, v6;
	v8 =	vld [tilespmem:s18+$0x66C0];
	v3 =	vadd.f32 v10, v3  }
0x154: {  	v10 =	vld [tilespmem:s18+$0x66D0];
	v0 =	vmov v14  }
0x155: {  	v14 =	vld [tilespmem:s18+$0x6680];
	v1 =	vmov v9  }
0x156: {  	v15 =	vld [tilespmem:s18+$0x6690]  }
0x157: {  	v18 =	vld [tilespmem:s18+$0x6640]  }
0x158: {  	v19 =	vld [tilespmem:s18+$0x6650]  }
0x159: {  	v20 =	vld [tilespmem:s18+$0x6600]  }
0x15a: {  	v16 =	vld [tilespmem:s18+$0x6610]  }
0x15b: {  	v17 =	vld [tilespmem:s18+$0x65C0]  }
0x15c: {  	v12 =	vld [tilespmem:s18+$0x65D0]  }
0x15d: {  	v13 =	vld [tilespmem:s18+$0x6580]  }
0x15e: {  	v9 =	vld [tilespmem:s18+$0x6590]  }
.Ltmp3:
0x15f: {  	v11 =	vld [tilespmem:s18+$0x6540];
	(pc) =	sbr.rel @p0 .LBB2_9-.Ltmp3, $4  }
0x160: {  	v21 =	vld [tilespmem:s18+$0x6550]  }
0x161: {  	v22 =	vld [tilespmem:s18+$0x6500]  }
0x162: {  	v23 =	vld [tilespmem:s18+$0x6510]  }
0x163: {  	s20 =	sadd.s32 $0xA00, s20;
	v24 =	vld [tilespmem:s18+$0x6520]  }
0x164: {  	v25 =	vld [tilespmem:s18+$0x6530]  }
0x165: {  	v26 =	vld [tilespmem:s18+$0x6560]  }
0x166: {  	v27 =	vld [tilespmem:s18+$0x6570];
	v7 =	vadd.f32 v22, v7  }
0x167: {  	v22 =	vld [tilespmem:s18+$0x65A0];
	v5 =	vadd.f32 v23, v5  }
0x168: {  	v23 =	vld [tilespmem:s18+$0x65B0];
	v6 =	vadd.f32 v24, v6;
	v7 =	vadd.f32 v11, v7  }
0x169: {  	v11 =	vld [tilespmem:s18+$0x65E0];
	v3 =	vadd.f32 v25, v3;
	v5 =	vadd.f32 v21, v5  }
0x16a: {  	v21 =	vld [tilespmem:s18+$0x65F0];
	v6 =	vadd.f32 v26, v6;
	v7 =	vadd.f32 v13, v7  }
0x16b: {  	v13 =	vld [tilespmem:s18+$0x6620];
	v3 =	vadd.f32 v27, v3;
	v5 =	vadd.f32 v9, v5  }
0x16c: {  	v9 =	vld [tilespmem:s18+$0x6630];
	v6 =	vadd.f32 v22, v6;
	v7 =	vadd.f32 v17, v7  }
0x16d: {  	v17 =	vld [tilespmem:s18+$0x6660];
	v3 =	vadd.f32 v23, v3;
	v5 =	vadd.f32 v12, v5  }
0x16e: {  	v12 =	vld [tilespmem:s18+$0x6670];
	v6 =	vadd.f32 v11, v6;
	v7 =	vadd.f32 v20, v7  }
0x16f: {  	v11 =	vld [tilespmem:s18+$0x66A0];
	v3 =	vadd.f32 v21, v3;
	v5 =	vadd.f32 v16, v5  }
0x170: {  	v16 =	vld [tilespmem:s18+$0x66B0];
	v6 =	vadd.f32 v13, v6;
	v7 =	vadd.f32 v18, v7  }
0x171: {  	v3 =	vadd.f32 v9, v3;
	v9 =	vld [tilespmem:s18+$0x66E0];
	v5 =	vadd.f32 v19, v5  }
0x172: {  	v13 =	vld [tilespmem:s18+$0x66F0];
	v6 =	vadd.f32 v17, v6;
	v7 =	vadd.f32 v14, v7  }
0x173: {  	v3 =	vadd.f32 v12, v3;
	v12 =	vld [tilespmem:s18+$0x6720];
	v5 =	vadd.f32 v15, v5  }
0x174: {  	v14 =	vld [tilespmem:s18+$0x6730];
	v6 =	vadd.f32 v11, v6;
	v7 =	vadd.f32 v8, v7  }
0x175: {  	v8 =	vld [tilespmem:s18+$0x6760];
	v3 =	vadd.f32 v16, v3;
	v5 =	vadd.f32 v10, v5  }
0x176: {  	s20 =	smin.u32 s14, $0x34;
	v10 =	vld [tilespmem:s18+$0x6770];
	v6 =	vadd.f32 v9, v6;
	v2 =	vadd.f32 v2, v7  }
0x177: {  	s18 =	smul.u32 $0x1A0, s20;
	v3 =	vadd.f32 v13, v3;
	v4 =	vadd.f32 v4, v5  }
0x178: {  	v5 =	vadd.f32 v12, v6;
	v0 =	vadd.f32 v0, v2  }
0x179: {  	s18 =	sshrl.u32 s18, $0x2;
	v2 =	vadd.f32 v14, v3;
	v1 =	vadd.f32 v1, v4  }
0x17a: {  	s18 =	sadd.s32 $0x478, s18;
	v3 =	vadd.f32 v8, v5;
	v0 =	vmul.f32 $4.999999890e-03, v0  }
0x17b: {  	[tilespmem:s15], [sflag:$0x4] =	stream.indirect.gather [hbm4b:s3+s8], $0x40, s18, s8, $0xb8;
	v2 =	vadd.f32 v10, v2;
	v1 =	vmul.f32 $4.999999890e-03, v1;
	[tilespmem:$0xEA00] =	vst v63  }
0x17c: {  	[tilespmem:s16+$0xE240] =	vst v0;
	v0 =	vmul.f32 $4.999999890e-03, v3  }
0x17d: {  	[tilespmem:s16+$0xE250] =	vst v1;
	v1 =	vmul.f32 $4.999999890e-03, v2  }
0x17e: {  	[tilespmem:s16+$0xE260] =	vst v0  }
0x17f: {  	[tilespmem:s16+$0xE270] =	vst v1  }
0x180: {  	_ =	swait.ge [sflag:s29], $0x1900  }
0x181: {  	[sflag:s29] =	ssyncset.done $0x0  }
0x182: {  	s18 =	simm.s32 $0x0;
	[sflag:s29] =	ssyncadd.s32 $0xFFFFE700  }
0x183: {  	v3 =	vld [tilespmem:s18+$0x8040]  }
0x184: {  	v5 =	vld [tilespmem:s18+$0x8050]  }
0x185: {  	v6 =	vld [tilespmem:s18+$0x8000]  }
0x186: {  	v7 =	vld [tilespmem:s18+$0x8010]  }
0x187: {  	v9 =	vld [tilespmem:s18+$0x7FC0]  }
0x188: {  	v11 =	vld [tilespmem:s18+$0x7FD0]  }
0x189: {  	v12 =	vld [tilespmem:s18+$0x7F80]  }
0x18a: {  	v13 =	vld [tilespmem:s18+$0x7F90]  }
0x18b: {  	v16 =	vld [tilespmem:s18+$0x7F40]  }
0x18c: {  	v17 =	vld [tilespmem:s18+$0x7F50]  }
0x18d: {  	v19 =	vld [tilespmem:s18+$0x7F00]  }
0x18e: {  	v20 =	vld [tilespmem:s18+$0x7F10]  }
0x18f: {  	v15 =	vld [tilespmem:s18+$0x7EC0]  }
0x190: {  	v18 =	vld [tilespmem:s18+$0x7ED0]  }
0x191: {  	v10 =	vld [tilespmem:s18+$0x7E80]  }
0x192: {  	v14 =	vld [tilespmem:s18+$0x7E90]  }
0x193: {  	v21 =	vld [tilespmem:s18+$0x7E40]  }
0x194: {  	v22 =	vld [tilespmem:s18+$0x7E50]  }
0x195: {  	v23 =	vld [tilespmem:s18+$0x7E00]  }
0x196: {  	v4 =	vimm.f32 $0.0e+00;
	v25 =	vld [tilespmem:s18+$0x7E10]  }
0x197: {  	s20 =	simm.s32 $0xA00;
	v8 =	vimm.f32 $0.0e+00;
	v2 =	vimm.f32 $0.0e+00;
	v1 =	vimm.f32 $0.0e+00;
	v24 =	vld [tilespmem:s18+$0x7E20]  }
.LBB2_11:
0x198: {  	p0 =	sne.s32 s20, $0x5A00;
	v0 =	vld [tilespmem:s18+$0x7E30]  }
0x199: {  	v26 =	vld [tilespmem:s18+$0x7E60]  }
0x19a: {  	v27 =	vld [tilespmem:s18+$0x7E70]  }
0x19b: {  	v28 =	vld [tilespmem:s18+$0x7EA0]  }
0x19c: {  	v1 =	vadd.f32 v23, v1;
	v8 =	vadd.f32 v25, v8;
	v23 =	vld [tilespmem:s18+$0x7EB0]  }
0x19d: {  	v2 =	vadd.f32 v24, v2;
	v0 =	vadd.f32 v0, v4;
	v4 =	vld [tilespmem:s18+$0x7EE0]  }
0x19e: {  	v1 =	vadd.f32 v21, v1;
	v8 =	vadd.f32 v22, v8;
	v21 =	vld [tilespmem:s18+$0x7EF0]  }
0x19f: {  	v2 =	vadd.f32 v26, v2;
	v0 =	vadd.f32 v27, v0;
	v22 =	vld [tilespmem:s18+$0x7F20]  }
0x1a0: {  	v1 =	vadd.f32 v10, v1;
	v8 =	vadd.f32 v14, v8;
	v10 =	vld [tilespmem:s18+$0x7F30]  }
0x1a1: {  	v2 =	vadd.f32 v28, v2;
	v0 =	vadd.f32 v23, v0;
	v14 =	vld [tilespmem:s18+$0x7F60]  }
0x1a2: {  	v1 =	vadd.f32 v15, v1;
	v8 =	vadd.f32 v18, v8;
	v15 =	vld [tilespmem:s18+$0x7F70]  }
0x1a3: {  	v2 =	vadd.f32 v4, v2;
	v0 =	vadd.f32 v21, v0;
	v4 =	vld [tilespmem:s18+$0x7FA0]  }
0x1a4: {  	v1 =	vadd.f32 v19, v1;
	v8 =	vadd.f32 v20, v8;
	v18 =	vld [tilespmem:s18+$0x7FB0]  }
0x1a5: {  	v2 =	vadd.f32 v22, v2;
	v0 =	vadd.f32 v10, v0;
	v10 =	vld [tilespmem:s18+$0x7FE0]  }
0x1a6: {  	v1 =	vadd.f32 v16, v1;
	v8 =	vadd.f32 v17, v8;
	v16 =	vld [tilespmem:s18+$0x7FF0]  }
0x1a7: {  	v2 =	vadd.f32 v14, v2;
	v0 =	vadd.f32 v15, v0;
	v14 =	vld [tilespmem:s18+$0x8020]  }
0x1a8: {  	v1 =	vadd.f32 v12, v1;
	v8 =	vadd.f32 v13, v8;
	v12 =	vld [tilespmem:s18+$0x8030]  }
0x1a9: {  	v2 =	vadd.f32 v4, v2;
	v0 =	vadd.f32 v18, v0;
	v4 =	vld [tilespmem:s18+$0x8060]  }
0x1aa: {  	v1 =	vadd.f32 v9, v1;
	v8 =	vadd.f32 v11, v8;
	v11 =	vld [tilespmem:s18+$0x8070];
	s18 =	sshra.s32 s20, $0x2  }
0x1ab: {  	v2 =	vadd.f32 v10, v2;
	v13 =	vld [tilespmem:s18+$0x8040];
	v0 =	vadd.f32 v16, v0  }
0x1ac: {  	v1 =	vadd.f32 v6, v1;
	v8 =	vadd.f32 v7, v8;
	v10 =	vld [tilespmem:s18+$0x8050]  }
0x1ad: {  	v2 =	vadd.f32 v14, v2;
	v6 =	vld [tilespmem:s18+$0x8000];
	v0 =	vadd.f32 v12, v0  }
0x1ae: {  	v1 =	vadd.f32 v3, v1;
	v8 =	vadd.f32 v5, v8;
	v7 =	vld [tilespmem:s18+$0x8010]  }
0x1af: {  	v2 =	vadd.f32 v4, v2;
	v9 =	vld [tilespmem:s18+$0x7FC0];
	v4 =	vadd.f32 v11, v0  }
0x1b0: {  	v11 =	vld [tilespmem:s18+$0x7FD0];
	v3 =	vmov v13  }
0x1b1: {  	v12 =	vld [tilespmem:s18+$0x7F80];
	v5 =	vmov v10  }
0x1b2: {  	v13 =	vld [tilespmem:s18+$0x7F90]  }
0x1b3: {  	v16 =	vld [tilespmem:s18+$0x7F40]  }
0x1b4: {  	v17 =	vld [tilespmem:s18+$0x7F50]  }
0x1b5: {  	v19 =	vld [tilespmem:s18+$0x7F00]  }
0x1b6: {  	v20 =	vld [tilespmem:s18+$0x7F10]  }
0x1b7: {  	v15 =	vld [tilespmem:s18+$0x7EC0]  }
0x1b8: {  	v18 =	vld [tilespmem:s18+$0x7ED0]  }
0x1b9: {  	v10 =	vld [tilespmem:s18+$0x7E80]  }
0x1ba: {  	v14 =	vld [tilespmem:s18+$0x7E90]  }
.Ltmp4:
0x1bb: {  	v21 =	vld [tilespmem:s18+$0x7E40];
	(pc) =	sbr.rel @p0 .LBB2_11-.Ltmp4, $4  }
0x1bc: {  	v22 =	vld [tilespmem:s18+$0x7E50]  }
0x1bd: {  	v23 =	vld [tilespmem:s18+$0x7E00]  }
0x1be: {  	v25 =	vld [tilespmem:s18+$0x7E10]  }
0x1bf: {  	s20 =	sadd.s32 $0xA00, s20;
	v24 =	vld [tilespmem:s18+$0x7E20]  }
0x1c0: {  	v26 =	vld [tilespmem:s18+$0x7E30]  }
0x1c1: {  	v27 =	vld [tilespmem:s18+$0x7E60]  }
0x1c2: {  	v28 =	vld [tilespmem:s18+$0x7E70]  }
0x1c3: {  	v29 =	vld [tilespmem:s18+$0x7EA0]  }
0x1c4: {  	v30 =	vld [tilespmem:s18+$0x7EB0]  }
0x1c5: {  	v31 =	vld [tilespmem:s18+$0x7EE0]  }
0x1c6: {  	v32 =	vld [tilespmem:s18+$0x7EF0]  }
0x1c7: {  	v33 =	vld [tilespmem:s18+$0x7F20]  }
0x1c8: {  	v34 =	vld [tilespmem:s18+$0x7F30]  }
0x1c9: {  	v35 =	vld [tilespmem:s18+$0x7F60]  }
0x1ca: {  	v36 =	vld [tilespmem:s18+$0x7F70]  }
0x1cb: {  	v37 =	vld [tilespmem:s18+$0x7FA0]  }
0x1cc: {  	v38 =	vld [tilespmem:s18+$0x7FB0]  }
0x1cd: {  	v39 =	vld [tilespmem:s18+$0x7FE0];
	s20 =	smin.u32 s14, $0x33  }
0x1ce: {  	v40 =	vld [tilespmem:s18+$0x7FF0];
	s20 =	smul.u32 $0x1A0, s20  }
0x1cf: {  	v41 =	vld [tilespmem:s18+$0x8020]  }
0x1d0: {  	v42 =	vld [tilespmem:s18+$0x8030];
	s20 =	sshrl.u32 s20, $0x2  }
0x1d1: {  	v43 =	vld [tilespmem:s18+$0x8060];
	s20 =	sadd.s32 $0x4E0, s20  }
0x1d2: {  	v44 =	vld [tilespmem:s18+$0x8070];
	[tilespmem:s17], [sflag:$0x5] =	stream.indirect.gather [hbm4b:s3+s8], $0x40, s20, s8, $0xb8  }
0x1d3: {  	_ =	swait.ge [sflag:s30], $0x1900  }
0x1d4: {  	[sflag:s30] =	ssyncset.done $0x0  }
0x1d5: {  	s18 =	simm.s32 $0x0;
	[sflag:s30] =	ssyncadd.s32 $0xFFFFE700  }
0x1d6: {  	v0 =	vld [tilespmem:s18+$0x9940]  }
0x1d7: {  	v23 =	vadd.f32 v23, v1;
	v8 =	vadd.f32 v25, v8;
	v1 =	vld [tilespmem:s18+$0x9950]  }
0x1d8: {  	v24 =	vadd.f32 v24, v2;
	v25 =	vadd.f32 v26, v4;
	v2 =	vld [tilespmem:s18+$0x9900]  }
0x1d9: {  	v21 =	vadd.f32 v21, v23;
	v22 =	vadd.f32 v22, v8;
	v4 =	vld [tilespmem:s18+$0x9910]  }
0x1da: {  	v23 =	vadd.f32 v27, v24;
	v24 =	vadd.f32 v28, v25;
	v8 =	vld [tilespmem:s18+$0x98C0]  }
0x1db: {  	v21 =	vadd.f32 v10, v21;
	v22 =	vadd.f32 v14, v22;
	v10 =	vld [tilespmem:s18+$0x98D0]  }
0x1dc: {  	v23 =	vadd.f32 v29, v23;
	v24 =	vadd.f32 v30, v24;
	v14 =	vld [tilespmem:s18+$0x9880]  }
0x1dd: {  	v21 =	vadd.f32 v15, v21;
	v22 =	vadd.f32 v18, v22;
	v15 =	vld [tilespmem:s18+$0x9890]  }
0x1de: {  	v18 =	vld [tilespmem:s18+$0x9840];
	v23 =	vadd.f32 v31, v23;
	v24 =	vadd.f32 v32, v24  }
0x1df: {  	v21 =	vadd.f32 v19, v21;
	v19 =	vld [tilespmem:s18+$0x9850];
	v22 =	vadd.f32 v20, v22  }
0x1e0: {  	v20 =	vld [tilespmem:s18+$0x9800];
	v23 =	vadd.f32 v33, v23;
	v24 =	vadd.f32 v34, v24  }
0x1e1: {  	v21 =	vadd.f32 v16, v21;
	v16 =	vld [tilespmem:s18+$0x9810];
	v22 =	vadd.f32 v17, v22  }
0x1e2: {  	v17 =	vld [tilespmem:s18+$0x97C0];
	v23 =	vadd.f32 v35, v23;
	v24 =	vadd.f32 v36, v24  }
0x1e3: {  	v21 =	vadd.f32 v12, v21;
	v12 =	vld [tilespmem:s18+$0x97D0];
	v22 =	vadd.f32 v13, v22  }
0x1e4: {  	v13 =	vld [tilespmem:s18+$0x9780];
	v23 =	vadd.f32 v37, v23;
	v24 =	vadd.f32 v38, v24  }
0x1e5: {  	v21 =	vadd.f32 v9, v21;
	v9 =	vld [tilespmem:s18+$0x9790];
	v22 =	vadd.f32 v11, v22  }
0x1e6: {  	v11 =	vld [tilespmem:s18+$0x9740];
	v23 =	vadd.f32 v39, v23;
	v24 =	vadd.f32 v40, v24  }
0x1e7: {  	v6 =	vadd.f32 v6, v21;
	v21 =	vld [tilespmem:s18+$0x9750];
	v25 =	vadd.f32 v7, v22  }
0x1e8: {  	v22 =	vld [tilespmem:s18+$0x9700];
	v26 =	vadd.f32 v41, v23;
	v24 =	vadd.f32 v42, v24  }
0x1e9: {  	v7 =	vadd.f32 v3, v6;
	v23 =	vld [tilespmem:s18+$0x9710];
	v5 =	vadd.f32 v5, v25  }
0x1ea: {  	s20 =	simm.s32 $0xA00;
	v6 =	vadd.f32 v43, v26;
	v3 =	vadd.f32 v44, v24;
	v24 =	vld [tilespmem:s18+$0x9720]  }
.LBB2_13:
0x1eb: {  	p0 =	sne.s32 s20, $0x5A00;
	v25 =	vld [tilespmem:s18+$0x9730]  }
0x1ec: {  	v26 =	vld [tilespmem:s18+$0x9760]  }
0x1ed: {  	v27 =	vld [tilespmem:s18+$0x9770]  }
0x1ee: {  	v28 =	vld [tilespmem:s18+$0x97A0]  }
0x1ef: {  	v7 =	vadd.f32 v22, v7;
	v5 =	vadd.f32 v23, v5;
	v22 =	vld [tilespmem:s18+$0x97B0]  }
0x1f0: {  	v6 =	vadd.f32 v24, v6;
	v3 =	vadd.f32 v25, v3;
	v23 =	vld [tilespmem:s18+$0x97E0]  }
0x1f1: {  	v7 =	vadd.f32 v11, v7;
	v5 =	vadd.f32 v21, v5;
	v11 =	vld [tilespmem:s18+$0x97F0]  }
0x1f2: {  	v6 =	vadd.f32 v26, v6;
	v3 =	vadd.f32 v27, v3;
	v21 =	vld [tilespmem:s18+$0x9820]  }
0x1f3: {  	v7 =	vadd.f32 v13, v7;
	v5 =	vadd.f32 v9, v5;
	v9 =	vld [tilespmem:s18+$0x9830]  }
0x1f4: {  	v6 =	vadd.f32 v28, v6;
	v3 =	vadd.f32 v22, v3;
	v13 =	vld [tilespmem:s18+$0x9860]  }
0x1f5: {  	v7 =	vadd.f32 v17, v7;
	v5 =	vadd.f32 v12, v5;
	v12 =	vld [tilespmem:s18+$0x9870]  }
0x1f6: {  	v6 =	vadd.f32 v23, v6;
	v3 =	vadd.f32 v11, v3;
	v11 =	vld [tilespmem:s18+$0x98A0]  }
0x1f7: {  	v7 =	vadd.f32 v20, v7;
	v5 =	vadd.f32 v16, v5;
	v16 =	vld [tilespmem:s18+$0x98B0]  }
0x1f8: {  	v6 =	vadd.f32 v21, v6;
	v3 =	vadd.f32 v9, v3;
	v9 =	vld [tilespmem:s18+$0x98E0]  }
0x1f9: {  	v7 =	vadd.f32 v18, v7;
	v5 =	vadd.f32 v19, v5;
	v17 =	vld [tilespmem:s18+$0x98F0]  }
0x1fa: {  	v6 =	vadd.f32 v13, v6;
	v3 =	vadd.f32 v12, v3;
	v12 =	vld [tilespmem:s18+$0x9920]  }
0x1fb: {  	v7 =	vadd.f32 v14, v7;
	v5 =	vadd.f32 v15, v5;
	v13 =	vld [tilespmem:s18+$0x9930]  }
0x1fc: {  	v6 =	vadd.f32 v11, v6;
	v3 =	vadd.f32 v16, v3;
	v11 =	vld [tilespmem:s18+$0x9960]  }
0x1fd: {  	v7 =	vadd.f32 v8, v7;
	v5 =	vadd.f32 v10, v5;
	v10 =	vld [tilespmem:s18+$0x9970];
	s18 =	sshra.s32 s20, $0x2  }
0x1fe: {  	v6 =	vadd.f32 v9, v6;
	v14 =	vld [tilespmem:s18+$0x9940];
	v3 =	vadd.f32 v17, v3  }
0x1ff: {  	v7 =	vadd.f32 v2, v7;
	v5 =	vadd.f32 v4, v5;
	v9 =	vld [tilespmem:s18+$0x9950]  }
0x200: {  	v6 =	vadd.f32 v12, v6;
	v2 =	vld [tilespmem:s18+$0x9900];
	v3 =	vadd.f32 v13, v3  }
0x201: {  	v7 =	vadd.f32 v0, v7;
	v5 =	vadd.f32 v1, v5;
	v4 =	vld [tilespmem:s18+$0x9910]  }
0x202: {  	v6 =	vadd.f32 v11, v6;
	v8 =	vld [tilespmem:s18+$0x98C0];
	v3 =	vadd.f32 v10, v3  }
0x203: {  	v10 =	vld [tilespmem:s18+$0x98D0];
	v0 =	vmov v14  }
0x204: {  	v14 =	vld [tilespmem:s18+$0x9880];
	v1 =	vmov v9  }
0x205: {  	v15 =	vld [tilespmem:s18+$0x9890]  }
0x206: {  	v18 =	vld [tilespmem:s18+$0x9840]  }
0x207: {  	v19 =	vld [tilespmem:s18+$0x9850]  }
0x208: {  	v20 =	vld [tilespmem:s18+$0x9800]  }
0x209: {  	v16 =	vld [tilespmem:s18+$0x9810]  }
0x20a: {  	v17 =	vld [tilespmem:s18+$0x97C0]  }
0x20b: {  	v12 =	vld [tilespmem:s18+$0x97D0]  }
0x20c: {  	v13 =	vld [tilespmem:s18+$0x9780]  }
0x20d: {  	v9 =	vld [tilespmem:s18+$0x9790]  }
.Ltmp5:
0x20e: {  	v11 =	vld [tilespmem:s18+$0x9740];
	(pc) =	sbr.rel @p0 .LBB2_13-.Ltmp5, $4  }
0x20f: {  	v21 =	vld [tilespmem:s18+$0x9750]  }
0x210: {  	v22 =	vld [tilespmem:s18+$0x9700]  }
0x211: {  	v23 =	vld [tilespmem:s18+$0x9710]  }
0x212: {  	s20 =	sadd.s32 $0xA00, s20;
	v24 =	vld [tilespmem:s18+$0x9720]  }
0x213: {  	v25 =	vld [tilespmem:s18+$0x9730]  }
0x214: {  	v26 =	vld [tilespmem:s18+$0x9760]  }
0x215: {  	v27 =	vld [tilespmem:s18+$0x9770];
	v7 =	vadd.f32 v22, v7  }
0x216: {  	v22 =	vld [tilespmem:s18+$0x97A0];
	v5 =	vadd.f32 v23, v5  }
0x217: {  	v23 =	vld [tilespmem:s18+$0x97B0];
	v6 =	vadd.f32 v24, v6;
	v7 =	vadd.f32 v11, v7  }
0x218: {  	v11 =	vld [tilespmem:s18+$0x97E0];
	v3 =	vadd.f32 v25, v3;
	v5 =	vadd.f32 v21, v5  }
0x219: {  	v21 =	vld [tilespmem:s18+$0x97F0];
	v6 =	vadd.f32 v26, v6;
	v7 =	vadd.f32 v13, v7  }
0x21a: {  	v13 =	vld [tilespmem:s18+$0x9820];
	v3 =	vadd.f32 v27, v3;
	v5 =	vadd.f32 v9, v5  }
0x21b: {  	v9 =	vld [tilespmem:s18+$0x9830];
	v6 =	vadd.f32 v22, v6;
	v7 =	vadd.f32 v17, v7  }
0x21c: {  	v17 =	vld [tilespmem:s18+$0x9860];
	v3 =	vadd.f32 v23, v3;
	v5 =	vadd.f32 v12, v5  }
0x21d: {  	v12 =	vld [tilespmem:s18+$0x9870];
	v6 =	vadd.f32 v11, v6;
	v7 =	vadd.f32 v20, v7  }
0x21e: {  	v11 =	vld [tilespmem:s18+$0x98A0];
	v3 =	vadd.f32 v21, v3;
	v5 =	vadd.f32 v16, v5  }
0x21f: {  	v16 =	vld [tilespmem:s18+$0x98B0];
	v6 =	vadd.f32 v13, v6;
	v7 =	vadd.f32 v18, v7  }
0x220: {  	v3 =	vadd.f32 v9, v3;
	v9 =	vld [tilespmem:s18+$0x98E0];
	v5 =	vadd.f32 v19, v5  }
0x221: {  	v13 =	vld [tilespmem:s18+$0x98F0];
	v6 =	vadd.f32 v17, v6;
	v7 =	vadd.f32 v14, v7  }
0x222: {  	v3 =	vadd.f32 v12, v3;
	v12 =	vld [tilespmem:s18+$0x9920];
	v5 =	vadd.f32 v15, v5  }
0x223: {  	v14 =	vld [tilespmem:s18+$0x9930];
	v6 =	vadd.f32 v11, v6;
	v7 =	vadd.f32 v8, v7  }
0x224: {  	v8 =	vld [tilespmem:s18+$0x9960];
	v3 =	vadd.f32 v16, v3;
	v5 =	vadd.f32 v10, v5  }
0x225: {  	s20 =	smin.u32 s14, $0x32;
	v10 =	vld [tilespmem:s18+$0x9970];
	v6 =	vadd.f32 v9, v6;
	v2 =	vadd.f32 v2, v7  }
0x226: {  	s18 =	smul.u32 $0x1A0, s20;
	v3 =	vadd.f32 v13, v3;
	v4 =	vadd.f32 v4, v5  }
0x227: {  	v5 =	vadd.f32 v12, v6;
	v0 =	vadd.f32 v0, v2  }
0x228: {  	s18 =	sshrl.u32 s18, $0x2;
	v2 =	vadd.f32 v14, v3;
	v1 =	vadd.f32 v1, v4  }
0x229: {  	s18 =	sadd.s32 $0x548, s18;
	v3 =	vadd.f32 v8, v5;
	v0 =	vmul.f32 $4.999999890e-03, v0  }
0x22a: {  	[tilespmem:s19], [sflag:$0x6] =	stream.indirect.gather [hbm4b:s3+s8], $0x40, s18, s8, $0xb8;
	v2 =	vadd.f32 v10, v2;
	v1 =	vmul.f32 $4.999999890e-03, v1;
	[tilespmem:$0xEA00] =	vst v63  }
0x22b: {  	[tilespmem:s16+$0xE280] =	vst v0;
	v0 =	vmul.f32 $4.999999890e-03, v3  }
0x22c: {  	[tilespmem:s16+$0xE290] =	vst v1;
	v1 =	vmul.f32 $4.999999890e-03, v2  }
0x22d: {  	[tilespmem:s16+$0xE2A0] =	vst v0  }
0x22e: {  	[tilespmem:s16+$0xE2B0] =	vst v1  }
0x22f: {  	_ =	swait.ge [sflag:s31], $0x1900  }
0x230: {  	[sflag:s31] =	ssyncset.done $0x0  }
0x231: {  	s18 =	simm.s32 $0x0;
	[sflag:s31] =	ssyncadd.s32 $0xFFFFE700  }
0x232: {  	v3 =	vld [tilespmem:s18+$0xB240]  }
0x233: {  	v5 =	vld [tilespmem:s18+$0xB250]  }
0x234: {  	v6 =	vld [tilespmem:s18+$0xB200]  }
0x235: {  	v7 =	vld [tilespmem:s18+$0xB210]  }
0x236: {  	v9 =	vld [tilespmem:s18+$0xB1C0]  }
0x237: {  	v11 =	vld [tilespmem:s18+$0xB1D0]  }
0x238: {  	v12 =	vld [tilespmem:s18+$0xB180]  }
0x239: {  	v13 =	vld [tilespmem:s18+$0xB190]  }
0x23a: {  	v16 =	vld [tilespmem:s18+$0xB140]  }
0x23b: {  	v17 =	vld [tilespmem:s18+$0xB150]  }
0x23c: {  	v19 =	vld [tilespmem:s18+$0xB100]  }
0x23d: {  	v20 =	vld [tilespmem:s18+$0xB110]  }
0x23e: {  	v15 =	vld [tilespmem:s18+$0xB0C0]  }
0x23f: {  	v18 =	vld [tilespmem:s18+$0xB0D0]  }
0x240: {  	v10 =	vld [tilespmem:s18+$0xB080]  }
0x241: {  	v14 =	vld [tilespmem:s18+$0xB090]  }
0x242: {  	v21 =	vld [tilespmem:s18+$0xB040]  }
0x243: {  	v22 =	vld [tilespmem:s18+$0xB050]  }
0x244: {  	v23 =	vld [tilespmem:s18+$0xB000]  }
0x245: {  	v4 =	vimm.f32 $0.0e+00;
	v25 =	vld [tilespmem:s18+$0xB010]  }
0x246: {  	s20 =	simm.s32 $0xA00;
	v8 =	vimm.f32 $0.0e+00;
	v2 =	vimm.f32 $0.0e+00;
	v1 =	vimm.f32 $0.0e+00;
	v24 =	vld [tilespmem:s18+$0xB020]  }
.LBB2_15:
0x247: {  	p0 =	sne.s32 s20, $0x5A00;
	v0 =	vld [tilespmem:s18+$0xB030]  }
0x248: {  	v26 =	vld [tilespmem:s18+$0xB060]  }
0x249: {  	v27 =	vld [tilespmem:s18+$0xB070]  }
0x24a: {  	v28 =	vld [tilespmem:s18+$0xB0A0]  }
0x24b: {  	v1 =	vadd.f32 v23, v1;
	v8 =	vadd.f32 v25, v8;
	v23 =	vld [tilespmem:s18+$0xB0B0]  }
0x24c: {  	v2 =	vadd.f32 v24, v2;
	v0 =	vadd.f32 v0, v4;
	v4 =	vld [tilespmem:s18+$0xB0E0]  }
0x24d: {  	v1 =	vadd.f32 v21, v1;
	v8 =	vadd.f32 v22, v8;
	v21 =	vld [tilespmem:s18+$0xB0F0]  }
0x24e: {  	v2 =	vadd.f32 v26, v2;
	v0 =	vadd.f32 v27, v0;
	v22 =	vld [tilespmem:s18+$0xB120]  }
0x24f: {  	v1 =	vadd.f32 v10, v1;
	v8 =	vadd.f32 v14, v8;
	v10 =	vld [tilespmem:s18+$0xB130]  }
0x250: {  	v2 =	vadd.f32 v28, v2;
	v0 =	vadd.f32 v23, v0;
	v14 =	vld [tilespmem:s18+$0xB160]  }
0x251: {  	v1 =	vadd.f32 v15, v1;
	v8 =	vadd.f32 v18, v8;
	v15 =	vld [tilespmem:s18+$0xB170]  }
0x252: {  	v2 =	vadd.f32 v4, v2;
	v0 =	vadd.f32 v21, v0;
	v4 =	vld [tilespmem:s18+$0xB1A0]  }
0x253: {  	v1 =	vadd.f32 v19, v1;
	v8 =	vadd.f32 v20, v8;
	v18 =	vld [tilespmem:s18+$0xB1B0]  }
0x254: {  	v2 =	vadd.f32 v22, v2;
	v0 =	vadd.f32 v10, v0;
	v10 =	vld [tilespmem:s18+$0xB1E0]  }
0x255: {  	v1 =	vadd.f32 v16, v1;
	v8 =	vadd.f32 v17, v8;
	v16 =	vld [tilespmem:s18+$0xB1F0]  }
0x256: {  	v2 =	vadd.f32 v14, v2;
	v0 =	vadd.f32 v15, v0;
	v14 =	vld [tilespmem:s18+$0xB220]  }
0x257: {  	v1 =	vadd.f32 v12, v1;
	v8 =	vadd.f32 v13, v8;
	v12 =	vld [tilespmem:s18+$0xB230]  }
0x258: {  	v2 =	vadd.f32 v4, v2;
	v0 =	vadd.f32 v18, v0;
	v4 =	vld [tilespmem:s18+$0xB260]  }
0x259: {  	v1 =	vadd.f32 v9, v1;
	v8 =	vadd.f32 v11, v8;
	v11 =	vld [tilespmem:s18+$0xB270];
	s18 =	sshra.s32 s20, $0x2  }
0x25a: {  	v2 =	vadd.f32 v10, v2;
	v13 =	vld [tilespmem:s18+$0xB240];
	v0 =	vadd.f32 v16, v0  }
0x25b: {  	v1 =	vadd.f32 v6, v1;
	v8 =	vadd.f32 v7, v8;
	v10 =	vld [tilespmem:s18+$0xB250]  }
0x25c: {  	v2 =	vadd.f32 v14, v2;
	v6 =	vld [tilespmem:s18+$0xB200];
	v0 =	vadd.f32 v12, v0  }
0x25d: {  	v1 =	vadd.f32 v3, v1;
	v8 =	vadd.f32 v5, v8;
	v7 =	vld [tilespmem:s18+$0xB210]  }
0x25e: {  	v2 =	vadd.f32 v4, v2;
	v9 =	vld [tilespmem:s18+$0xB1C0];
	v4 =	vadd.f32 v11, v0  }
0x25f: {  	v11 =	vld [tilespmem:s18+$0xB1D0];
	v3 =	vmov v13  }
0x260: {  	v12 =	vld [tilespmem:s18+$0xB180];
	v5 =	vmov v10  }
0x261: {  	v13 =	vld [tilespmem:s18+$0xB190]  }
0x262: {  	v16 =	vld [tilespmem:s18+$0xB140]  }
0x263: {  	v17 =	vld [tilespmem:s18+$0xB150]  }
0x264: {  	v19 =	vld [tilespmem:s18+$0xB100]  }
0x265: {  	v20 =	vld [tilespmem:s18+$0xB110]  }
0x266: {  	v15 =	vld [tilespmem:s18+$0xB0C0]  }
0x267: {  	v18 =	vld [tilespmem:s18+$0xB0D0]  }
0x268: {  	v10 =	vld [tilespmem:s18+$0xB080]  }
0x269: {  	v14 =	vld [tilespmem:s18+$0xB090]  }
.Ltmp6:
0x26a: {  	v21 =	vld [tilespmem:s18+$0xB040];
	(pc) =	sbr.rel @p0 .LBB2_15-.Ltmp6, $4  }
0x26b: {  	v22 =	vld [tilespmem:s18+$0xB050]  }
0x26c: {  	v23 =	vld [tilespmem:s18+$0xB000]  }
0x26d: {  	v25 =	vld [tilespmem:s18+$0xB010]  }
0x26e: {  	s20 =	sadd.s32 $0xA00, s20;
	v24 =	vld [tilespmem:s18+$0xB020]  }
0x26f: {  	v26 =	vld [tilespmem:s18+$0xB030]  }
0x270: {  	v27 =	vld [tilespmem:s18+$0xB060]  }
0x271: {  	v28 =	vld [tilespmem:s18+$0xB070]  }
0x272: {  	v29 =	vld [tilespmem:s18+$0xB0A0]  }
0x273: {  	v30 =	vld [tilespmem:s18+$0xB0B0]  }
0x274: {  	v31 =	vld [tilespmem:s18+$0xB0E0]  }
0x275: {  	v32 =	vld [tilespmem:s18+$0xB0F0]  }
0x276: {  	v33 =	vld [tilespmem:s18+$0xB120]  }
0x277: {  	v34 =	vld [tilespmem:s18+$0xB130]  }
0x278: {  	v35 =	vld [tilespmem:s18+$0xB160]  }
0x279: {  	v36 =	vld [tilespmem:s18+$0xB170]  }
0x27a: {  	v37 =	vld [tilespmem:s18+$0xB1A0]  }
0x27b: {  	v38 =	vld [tilespmem:s18+$0xB1B0]  }
0x27c: {  	v39 =	vld [tilespmem:s18+$0xB1E0];
	s20 =	smin.u32 s14, $0x31  }
0x27d: {  	v40 =	vld [tilespmem:s18+$0xB1F0];
	s20 =	smul.u32 $0x1A0, s20  }
0x27e: {  	v41 =	vld [tilespmem:s18+$0xB220]  }
0x27f: {  	v42 =	vld [tilespmem:s18+$0xB230];
	s20 =	sshrl.u32 s20, $0x2  }
0x280: {  	v43 =	vld [tilespmem:s18+$0xB260];
	s20 =	sadd.s32 $0x5B0, s20  }
0x281: {  	v44 =	vld [tilespmem:s18+$0xB270];
	[tilespmem:s21], [sflag:$0x7] =	stream.indirect.gather [hbm4b:s3+s8], $0x40, s20, s8, $0xb8  }
0x282: {  	_ =	swait.ge [sflag:s1], $0x1900  }
0x283: {  	[sflag:s1] =	ssyncset.done $0x0  }
0x284: {  	s18 =	simm.s32 $0x0;
	[sflag:s1] =	ssyncadd.s32 $0xFFFFE700  }
0x285: {  	v0 =	vld [tilespmem:s18+$0xCB40]  }
0x286: {  	v23 =	vadd.f32 v23, v1;
	v8 =	vadd.f32 v25, v8;
	v1 =	vld [tilespmem:s18+$0xCB50]  }
0x287: {  	v24 =	vadd.f32 v24, v2;
	v25 =	vadd.f32 v26, v4;
	v2 =	vld [tilespmem:s18+$0xCB00]  }
0x288: {  	v21 =	vadd.f32 v21, v23;
	v22 =	vadd.f32 v22, v8;
	v4 =	vld [tilespmem:s18+$0xCB10]  }
0x289: {  	v23 =	vadd.f32 v27, v24;
	v24 =	vadd.f32 v28, v25;
	v8 =	vld [tilespmem:s18+$0xCAC0]  }
0x28a: {  	v21 =	vadd.f32 v10, v21;
	v22 =	vadd.f32 v14, v22;
	v10 =	vld [tilespmem:s18+$0xCAD0]  }
0x28b: {  	v23 =	vadd.f32 v29, v23;
	v24 =	vadd.f32 v30, v24;
	v14 =	vld [tilespmem:s18+$0xCA80]  }
0x28c: {  	v21 =	vadd.f32 v15, v21;
	v22 =	vadd.f32 v18, v22;
	v15 =	vld [tilespmem:s18+$0xCA90]  }
0x28d: {  	v18 =	vld [tilespmem:s18+$0xCA40];
	v23 =	vadd.f32 v31, v23;
	v24 =	vadd.f32 v32, v24  }
0x28e: {  	v21 =	vadd.f32 v19, v21;
	v19 =	vld [tilespmem:s18+$0xCA50];
	v22 =	vadd.f32 v20, v22  }
0x28f: {  	v20 =	vld [tilespmem:s18+$0xCA00];
	v23 =	vadd.f32 v33, v23;
	v24 =	vadd.f32 v34, v24  }
0x290: {  	v21 =	vadd.f32 v16, v21;
	v16 =	vld [tilespmem:s18+$0xCA10];
	v22 =	vadd.f32 v17, v22  }
0x291: {  	v17 =	vld [tilespmem:s18+$0xC9C0];
	v23 =	vadd.f32 v35, v23;
	v24 =	vadd.f32 v36, v24  }
0x292: {  	v21 =	vadd.f32 v12, v21;
	v12 =	vld [tilespmem:s18+$0xC9D0];
	v22 =	vadd.f32 v13, v22  }
0x293: {  	v13 =	vld [tilespmem:s18+$0xC980];
	v23 =	vadd.f32 v37, v23;
	v24 =	vadd.f32 v38, v24  }
0x294: {  	v21 =	vadd.f32 v9, v21;
	v9 =	vld [tilespmem:s18+$0xC990];
	v22 =	vadd.f32 v11, v22  }
0x295: {  	v11 =	vld [tilespmem:s18+$0xC940];
	v23 =	vadd.f32 v39, v23;
	v24 =	vadd.f32 v40, v24  }
0x296: {  	v6 =	vadd.f32 v6, v21;
	v21 =	vld [tilespmem:s18+$0xC950];
	v25 =	vadd.f32 v7, v22  }
0x297: {  	v22 =	vld [tilespmem:s18+$0xC900];
	v26 =	vadd.f32 v41, v23;
	v24 =	vadd.f32 v42, v24  }
0x298: {  	v7 =	vadd.f32 v3, v6;
	v23 =	vld [tilespmem:s18+$0xC910];
	v5 =	vadd.f32 v5, v25  }
0x299: {  	s20 =	simm.s32 $0xA00;
	v6 =	vadd.f32 v43, v26;
	v3 =	vadd.f32 v44, v24;
	v24 =	vld [tilespmem:s18+$0xC920]  }
.LBB2_17:
0x29a: {  	p0 =	sne.s32 s20, $0x5A00;
	v25 =	vld [tilespmem:s18+$0xC930]  }
0x29b: {  	v26 =	vld [tilespmem:s18+$0xC960]  }
0x29c: {  	v27 =	vld [tilespmem:s18+$0xC970]  }
0x29d: {  	v28 =	vld [tilespmem:s18+$0xC9A0]  }
0x29e: {  	v7 =	vadd.f32 v22, v7;
	v5 =	vadd.f32 v23, v5;
	v22 =	vld [tilespmem:s18+$0xC9B0]  }
0x29f: {  	v6 =	vadd.f32 v24, v6;
	v3 =	vadd.f32 v25, v3;
	v23 =	vld [tilespmem:s18+$0xC9E0]  }
0x2a0: {  	v7 =	vadd.f32 v11, v7;
	v5 =	vadd.f32 v21, v5;
	v11 =	vld [tilespmem:s18+$0xC9F0]  }
0x2a1: {  	v6 =	vadd.f32 v26, v6;
	v3 =	vadd.f32 v27, v3;
	v21 =	vld [tilespmem:s18+$0xCA20]  }
0x2a2: {  	v7 =	vadd.f32 v13, v7;
	v5 =	vadd.f32 v9, v5;
	v9 =	vld [tilespmem:s18+$0xCA30]  }
0x2a3: {  	v6 =	vadd.f32 v28, v6;
	v3 =	vadd.f32 v22, v3;
	v13 =	vld [tilespmem:s18+$0xCA60]  }
0x2a4: {  	v7 =	vadd.f32 v17, v7;
	v5 =	vadd.f32 v12, v5;
	v12 =	vld [tilespmem:s18+$0xCA70]  }
0x2a5: {  	v6 =	vadd.f32 v23, v6;
	v3 =	vadd.f32 v11, v3;
	v11 =	vld [tilespmem:s18+$0xCAA0]  }
0x2a6: {  	v7 =	vadd.f32 v20, v7;
	v5 =	vadd.f32 v16, v5;
	v16 =	vld [tilespmem:s18+$0xCAB0]  }
0x2a7: {  	v6 =	vadd.f32 v21, v6;
	v3 =	vadd.f32 v9, v3;
	v9 =	vld [tilespmem:s18+$0xCAE0]  }
0x2a8: {  	v7 =	vadd.f32 v18, v7;
	v5 =	vadd.f32 v19, v5;
	v17 =	vld [tilespmem:s18+$0xCAF0]  }
0x2a9: {  	v6 =	vadd.f32 v13, v6;
	v3 =	vadd.f32 v12, v3;
	v12 =	vld [tilespmem:s18+$0xCB20]  }
0x2aa: {  	v7 =	vadd.f32 v14, v7;
	v5 =	vadd.f32 v15, v5;
	v13 =	vld [tilespmem:s18+$0xCB30]  }
0x2ab: {  	v6 =	vadd.f32 v11, v6;
	v3 =	vadd.f32 v16, v3;
	v11 =	vld [tilespmem:s18+$0xCB60]  }
0x2ac: {  	v7 =	vadd.f32 v8, v7;
	v5 =	vadd.f32 v10, v5;
	v10 =	vld [tilespmem:s18+$0xCB70];
	s18 =	sshra.s32 s20, $0x2  }
0x2ad: {  	v6 =	vadd.f32 v9, v6;
	v14 =	vld [tilespmem:s18+$0xCB40];
	v3 =	vadd.f32 v17, v3  }
0x2ae: {  	v7 =	vadd.f32 v2, v7;
	v5 =	vadd.f32 v4, v5;
	v9 =	vld [tilespmem:s18+$0xCB50]  }
0x2af: {  	v6 =	vadd.f32 v12, v6;
	v2 =	vld [tilespmem:s18+$0xCB00];
	v3 =	vadd.f32 v13, v3  }
0x2b0: {  	v7 =	vadd.f32 v0, v7;
	v5 =	vadd.f32 v1, v5;
	v4 =	vld [tilespmem:s18+$0xCB10]  }
0x2b1: {  	v6 =	vadd.f32 v11, v6;
	v8 =	vld [tilespmem:s18+$0xCAC0];
	v3 =	vadd.f32 v10, v3  }
0x2b2: {  	v10 =	vld [tilespmem:s18+$0xCAD0];
	v0 =	vmov v14  }
0x2b3: {  	v14 =	vld [tilespmem:s18+$0xCA80];
	v1 =	vmov v9  }
0x2b4: {  	v15 =	vld [tilespmem:s18+$0xCA90]  }
0x2b5: {  	v18 =	vld [tilespmem:s18+$0xCA40]  }
0x2b6: {  	v19 =	vld [tilespmem:s18+$0xCA50]  }
0x2b7: {  	v20 =	vld [tilespmem:s18+$0xCA00]  }
0x2b8: {  	v16 =	vld [tilespmem:s18+$0xCA10]  }
0x2b9: {  	v17 =	vld [tilespmem:s18+$0xC9C0]  }
0x2ba: {  	v12 =	vld [tilespmem:s18+$0xC9D0]  }
0x2bb: {  	v13 =	vld [tilespmem:s18+$0xC980]  }
0x2bc: {  	v9 =	vld [tilespmem:s18+$0xC990]  }
.Ltmp7:
0x2bd: {  	v11 =	vld [tilespmem:s18+$0xC940];
	(pc) =	sbr.rel @p0 .LBB2_17-.Ltmp7, $4  }
0x2be: {  	v21 =	vld [tilespmem:s18+$0xC950]  }
0x2bf: {  	v22 =	vld [tilespmem:s18+$0xC900]  }
0x2c0: {  	v23 =	vld [tilespmem:s18+$0xC910]  }
0x2c1: {  	s20 =	sadd.s32 $0xA00, s20;
	v24 =	vld [tilespmem:s18+$0xC920]  }
0x2c2: {  	v25 =	vld [tilespmem:s18+$0xC930]  }
0x2c3: {  	v26 =	vld [tilespmem:s18+$0xC960]  }
0x2c4: {  	v27 =	vld [tilespmem:s18+$0xC970];
	v7 =	vadd.f32 v22, v7  }
0x2c5: {  	v43 =	vld [tilespmem:s18+$0xC9A0];
	v5 =	vadd.f32 v23, v5  }
0x2c6: {  	v44 =	vld [tilespmem:s18+$0xC9B0];
	v6 =	vadd.f32 v24, v6;
	v7 =	vadd.f32 v11, v7  }
0x2c7: {  	v45 =	vld [tilespmem:s18+$0xC9E0];
	v3 =	vadd.f32 v25, v3;
	v5 =	vadd.f32 v21, v5  }
0x2c8: {  	v46 =	vld [tilespmem:s18+$0xC9F0];
	v6 =	vadd.f32 v26, v6;
	v7 =	vadd.f32 v13, v7  }
0x2c9: {  	v47 =	vld [tilespmem:s18+$0xCA20];
	v3 =	vadd.f32 v27, v3;
	v5 =	vadd.f32 v9, v5  }
0x2ca: {  	v48 =	vld [tilespmem:s18+$0xCA30];
	v6 =	vadd.f32 v43, v6;
	v7 =	vadd.f32 v17, v7  }
0x2cb: {  	v49 =	vld [tilespmem:s18+$0xCA60];
	v3 =	vadd.f32 v44, v3;
	v5 =	vadd.f32 v12, v5  }
0x2cc: {  	v50 =	vld [tilespmem:s18+$0xCA70];
	v6 =	vadd.f32 v45, v6;
	v7 =	vadd.f32 v20, v7  }
0x2cd: {  	v51 =	vld [tilespmem:s18+$0xCAA0];
	v3 =	vadd.f32 v46, v3;
	v5 =	vadd.f32 v16, v5  }
0x2ce: {  	v52 =	vld [tilespmem:s18+$0xCAB0];
	v6 =	vadd.f32 v47, v6;
	v7 =	vadd.f32 v18, v7  }
0x2cf: {  	v53 =	vld [tilespmem:s18+$0xCAE0];
	v3 =	vadd.f32 v48, v3;
	v5 =	vadd.f32 v19, v5  }
0x2d0: {  	v54 =	vld [tilespmem:s18+$0xCAF0];
	v6 =	vadd.f32 v49, v6;
	v7 =	vadd.f32 v14, v7  }
0x2d1: {  	v55 =	vld [tilespmem:s18+$0xCB20];
	v3 =	vadd.f32 v50, v3;
	v5 =	vadd.f32 v15, v5  }
0x2d2: {  	v56 =	vld [tilespmem:s18+$0xCB30];
	v6 =	vadd.f32 v51, v6;
	v7 =	vadd.f32 v8, v7  }
0x2d3: {  	v57 =	vld [tilespmem:s18+$0xCB60];
	s14 =	smin.u32 s14, $0x30;
	v3 =	vadd.f32 v52, v3;
	v5 =	vadd.f32 v10, v5  }
0x2d4: {  	v58 =	vld [tilespmem:s18+$0xCB70];
	s14 =	smul.u32 $0x1A0, s14;
	v6 =	vadd.f32 v53, v6;
	v2 =	vadd.f32 v2, v7  }
0x2d5: {  	v3 =	vadd.f32 v54, v3;
	v4 =	vadd.f32 v4, v5  }
0x2d6: {  	s12 =	sadd.s32 $0x1, s12;
	s14 =	sshrl.u32 s14, $0x2;
	v59 =	vadd.f32 v55, v6;
	v0 =	vadd.f32 v0, v2  }
0x2d7: {  	p0 =	sne.s32 s12, $0x8;
	s14 =	sadd.s32 $0x618, s14;
	v60 =	vadd.f32 v56, v3;
	v1 =	vadd.f32 v1, v4  }
0x2d8: {  	[tilespmem:s23], [sflag:$0x8] =	stream.indirect.gather [hbm4b:s3+s8], $0x40, s14, s8, $0xb8;
	v61 =	vadd.f32 v57, v59;
	v0 =	vmul.f32 $4.999999890e-03, v0;
	[tilespmem:$0xEA00] =	vst v63  }
.Ltmp8:
0x2d9: {  	v2 =	vadd.f32 v58, v60;
	v1 =	vmul.f32 $4.999999890e-03, v1;
	(pc) =	sbr.rel @p0 .LBB2_2-.Ltmp8, $4  }
0x2da: {  	[tilespmem:s16+$0xE2C0] =	vst v0;
	v62 =	vmul.f32 $4.999999890e-03, v61  }
0x2db: {  	[tilespmem:s16+$0xE2D0] =	vst v1;
	v63 =	vmul.f32 $4.999999890e-03, v2  }
0x2dc: {  	[tilespmem:s16+$0xE2E0] =	vst v62  }
0x2dd: {  	[tilespmem:s16+$0xE2F0] =	vst v63  }
0x2de: {  	_ =	swait.ge [sflag:s24], $0x1900  }
0x2df: {  	[sflag:s24] =	ssyncset.done $0x0  }
0x2e0: {  	[sflag:s24] =	ssyncadd.s32 $0xFFFFE700  }
0x2e1: {  	_ =	swait.ge [sflag:s25], $0x1900  }
0x2e2: {  	[sflag:s25] =	ssyncset.done $0x0  }
0x2e3: {  	[sflag:s25] =	ssyncadd.s32 $0xFFFFE700  }
0x2e4: {  	_ =	swait.ge [sflag:s26], $0x1900  }
0x2e5: {  	[sflag:s26] =	ssyncset.done $0x0  }
0x2e6: {  	[sflag:s26] =	ssyncadd.s32 $0xFFFFE700  }
0x2e7: {  	_ =	swait.ge [sflag:s28], $0x1900  }
0x2e8: {  	[sflag:s28] =	ssyncset.done $0x0  }
0x2e9: {  	[sflag:s28] =	ssyncadd.s32 $0xFFFFE700  }
0x2ea: {  	_ =	swait.ge [sflag:s29], $0x1900  }
0x2eb: {  	[sflag:s29] =	ssyncset.done $0x0  }
0x2ec: {  	[sflag:s29] =	ssyncadd.s32 $0xFFFFE700  }
0x2ed: {  	_ =	swait.ge [sflag:s30], $0x1900  }
0x2ee: {  	[sflag:s30] =	ssyncset.done $0x0  }
0x2ef: {  	[sflag:s30] =	ssyncadd.s32 $0xFFFFE700  }
0x2f0: {  	_ =	swait.ge [sflag:s31], $0x1900  }
0x2f1: {  	[sflag:s31] =	ssyncset.done $0x0  }
0x2f2: {  	[sflag:s31] =	ssyncadd.s32 $0xFFFFE700  }
0x2f3: {  	s10 =	sadd.s32 $0x1, s10;
	_ =	swait.ge [sflag:s1], $0x1900  }
0x2f4: {  	p0 =	sne.s32 s10, s6;
	[sflag:s1] =	ssyncset.done $0x0  }
.Ltmp9:
0x2f5: {  	[sflag:s1] =	ssyncadd.s32 $0xFFFFE700;
	(pc) =	sbr.rel @p0 .LBB2_1-.Ltmp9, $4  }
0x2f6: {  	[hbm4b:s5+s2] =	stream.linear.scatter [tilespmem:s0], [sflag:$0x9], $0x800, $0x38;
	[tilespmem:$0xEA00] =	vst v63  }
0x2f7: {  	_ =	swait.ge [sflag:s7], $0x800  }
0x2f8: {  	[sflag:s7] =	ssyncset.done $0x0  }
0x2f9: {  	[sflag:s7] =	ssyncadd.s32 $0xFFFFF800  }
0x2fa: {  	_ =	sfence.sel $0x180000  }
0x2fb: {  	[bflag:$0x0] =	sbarrier.arrive $0xFFFF  }
0x2fc: {  	_ =	strace $0x90000047  }
0x2fd: {  	s0 =	stileid.u32;
	[bflag:$0x2] =	sbarrier.arrive $0xFFFF  }
0x2fe: {  	p0 =	sne.s32 s0, $0x0;
	s0 =	rddreg [dreg:$0x1]  }
0x2ff: {  	s0 =	sadd.s32 @!p0 $0x100000, s0  }
0x300: {  	[sflag:s0] =	ssyncadd.tile.s32 @!p0 $0x1;
	_ =	shalt  }
.Lfunc_end2:
_tile_overlayer_lowered:
.L_overlay_start_2:
0x301: {  	(tag) =	ssettag $0x2  }
0x302: {  	s0 =	rddreg [dreg:$0x0];
	s2 =	stileid.u32  }
0x303: {  	s1 =	rddreg [dreg:$0x1];
	p0 =	sne.s32 s2, $0x0  }
0x304: {  	s3 =	rddreg [dreg:$0x2];
	[bflag:$0x3] =	sbarrier.arrive $0xFFFF;
	s2 =	simm.s32 @!p0 $0x1C09  }
0x305: {  	[timem:s3], [sflag:s2] =	dma.local @!p0 [hbm:s0], s1  }
0x306: {  	s0 =	simm.s32 @!p0 $0x9  }
0x307: {  	_ =	swait.ge @!p0 [sflag:s0], s1  }
0x308: {  	s1 =	ssub.s32 @!p0 $0x0, s1;
	[sflag:s0] =	ssyncset.done @!p0 $0x0  }
0x309: {  	[sflag:s0] =	ssyncadd.s32 @!p0 s1  }
0x30a: {  	[bflag:$0x3] =	sbarrier.arrive $0xFFFF  }
0x30b: {  	_ =	shalt  }

</sc_bundles>
